<compile_context>
chip_gen: v7x
topology: tpu7x:2x2x1
jax: 0.10.2.dev20260603
libtpu: 0.0.44.dev20260713+nightly
codegen_flags: <defaults>
</compile_context>

<pallas_src>
import functools

import jax
import jax.numpy as jnp
from jax import lax
from jax.experimental import pallas as pl
from jax.experimental.pallas import tpu as pltpu
from jax.experimental.pallas import tpu_sc as plsc

VOCAB = 1000000
D = 64
PAD = 0
BATCH = 4096
SEQ = 200
NW = 32
BB = BATCH // NW


def _emb_body(x_hbm, table_hbm, out_hbm, idx_v, rows_v, rows_t, sg0, sg1,
              ss0, ss1):
    w = lax.axis_index("s") * 2 + lax.axis_index("c")
    pltpu.sync_copy(x_hbm.at[w], idx_v)

    def gather(g, p, sem):
        pltpu.async_copy(table_hbm.at[idx_v.at[g]], rows_v.at[p], sem)

    def gather_wait(p, sem):
        pltpu.make_async_copy(table_hbm.at[pl.ds(0, BB)], rows_v.at[p],
                              sem).wait()

    def scatter(g, p, sem):
        for t in range(8):
            pltpu.async_copy(rows_t.at[p, pl.ds(t * 1024, 1024)],
                             out_hbm.at[g, t, w], sem)

    def scatter_wait(p, sem):
        for t in range(8):
            pltpu.make_async_copy(out_hbm.at[0, t, w],
                                  rows_t.at[p, pl.ds(t * 1024, 1024)],
                                  sem).wait()

    def transpose(g, p):
        lanes = lax.iota(jnp.int32, 16)
        z = jnp.zeros((16,), jnp.float32)
        dbase = [(dc * 16 + lanes) * 128 for dc in range(4)]

        def tbody(h, c):
            iv = idx_v[g, pl.ds(h * 16, 16)]
            m = iv == PAD
            npad = plsc.all_reduce_population_count(m)

            @pl.when(lax.squeeze(lax.slice(npad, (0,), (1,)), (0,)) > 0)
            def _():
                r16 = h * 16 + lanes
                for j in range(D):
                    plsc.store_scatter(
                        rows_v.at[p], [r16, jnp.full((16,), j, jnp.int32)],
                        z, mask=m)

            for u in range(16):
                bi = h * 16 + u
                for dc in range(4):
                    v = rows_v[p, bi, pl.ds(dc * 16, 16)]
                    rows_t[p, pl.ds(bi * 64 + dc * 16, 16)] = v
            return c

        lax.fori_loop(0, BB // 16, tbody, 0)

    gather(0, 0, sg0)
    gather(1, 1, sg1)

    def pair(i, carry):
        for p, sg, ss in ((0, sg0, ss0), (1, sg1, ss1)):
            g = i * 2 + p
            gather_wait(p, sg)

            @pl.when(i > 0)
            def _():
                scatter_wait(p, ss)

            transpose(g, p)

            @pl.when(i < SEQ // 2 - 1)
            def _():
                gather(g + 2, p, sg)

            scatter(g, p, ss)
        return carry

    lax.fori_loop(0, SEQ // 2, pair, 0)
    scatter_wait(0, ss0)
    scatter_wait(1, ss1)


@jax.jit
def kernel(x, table):
    xi = x.astype(jnp.int32).reshape(NW, BB, SEQ).transpose(0, 2, 1)
    k = functools.partial(
        pl.kernel,
        mesh=plsc.VectorSubcoreMesh(core_axis_name="c", subcore_axis_name="s"),
        out_type=jax.ShapeDtypeStruct((SEQ, 8, NW, 8 * BB), jnp.float32),
        scratch_types=[
            pltpu.VMEM((SEQ, BB), jnp.int32),
            pltpu.VMEM((2, BB, D), jnp.float32),
            pltpu.VMEM((2, D * BB), jnp.float32),
            pltpu.SemaphoreType.DMA,
            pltpu.SemaphoreType.DMA,
            pltpu.SemaphoreType.DMA,
            pltpu.SemaphoreType.DMA,
        ],
        compiler_params=pltpu.CompilerParams(
            needs_layout_passes=False, use_tc_tiling_on_sc=False),
    )(_emb_body)
    out4 = k(xi, table)
    out5 = out4.reshape(SEQ, 8, NW, 8, BB)
    return out5.transpose(2, 4, 0, 1, 3).reshape(BATCH, SEQ, D)

# --- scband reference (transcript-rebuilt; emitter-appended) ---
"""Pipeline reference for scband-embedding-67800353734971 (READ-ONLY COPY).

The authoritative reference and input builder live on the scoring server;
editing this copy changes nothing except your own understanding.
"""

import jax, jax.numpy as jnp
import numpy as np

VOCAB = 1000000
D_MODEL = 64
PAD = 0
BATCH = 4096
SEQ = 200

def setup_inputs(seed: int = 0) -> dict:
    key = jax.random.key(seed)
    k1, k2 = jax.random.split(key)
    # indices already padded/truncated to config.padding_size=200 (the list-padding
    # loop in the torch forward is pure preprocessing on python lists)
    x = jax.random.randint(k1, (BATCH, SEQ), 0, VOCAB, dtype=jnp.int64)
    # learned embedding table, nn.Embedding(vocab_size, d_model, padding_idx=PAD)
    table = jax.random.normal(k2, (VOCAB, D_MODEL), dtype=jnp.float32)
    return {"x": x, "table": table}

def reference(x, table):
    # padding_idx row is forced to zeros, as in nn.Embedding(padding_idx=PAD)
    t = table.at[PAD].set(0.0)
    out = jnp.take(t, x, axis=0)  # gather: [B, L, d_model]
    return out

if __name__ == "__main__":
    import jax
    _d = setup_inputs()
    print(jax.jit(kernel)(*tuple(_d.values())))

</pallas_src>

<mosaic_0001>
#map = affine_map<(d0, d1) -> (0, 0, 0)>
#map1 = affine_map<(d0, d1) -> (0, 0)>
#map2 = affine_map<(d0, d1) -> (0, 0, 0, 0)>
module attributes {stable_mosaic.version = 14 : i64} {
  func.func @_emb_body(%arg0: i32, %arg1: i32, %arg2: memref<32x200x128xi32, #tpu.memory_space<hbm>>, %arg3: memref<1000000x64xf32, #tpu.memory_space<hbm>>, %arg4: memref<200x8x32x1024xf32, #tpu.memory_space<hbm>>, %arg5: memref<200x128xi32, #tpu.memory_space<vmem>>, %arg6: memref<2x128x64xf32, #tpu.memory_space<vmem>>, %arg7: memref<2x8192xf32, #tpu.memory_space<vmem>>, %arg8: memref<!tpu.dma_semaphore, #tpu.memory_space<semaphore_mem>>, %arg9: memref<!tpu.dma_semaphore, #tpu.memory_space<semaphore_mem>>, %arg10: memref<!tpu.dma_semaphore, #tpu.memory_space<semaphore_mem>>, %arg11: memref<!tpu.dma_semaphore, #tpu.memory_space<semaphore_mem>>) attributes {dimension_semantics = [#tpu.dimension_semantics<core_parallel>, #tpu.dimension_semantics<subcore_parallel>], iteration_bounds = array<i64: 2, 16>, scalar_prefetch = 0 : i64, scratch_operands = 7 : i64, tpu.core_type = #tpu.core_type<sc_vector_subcore>, window_params = [{transform_indices = #map}, {transform_indices = #map1}, {transform_indices = #map2}]} {
    %mul3A = arith.constant 2 : i32
    %mul3A_0 = arith.muli %arg1, %mul3A : i32
    %add3A = arith.addi %mul3A_0, %arg0 : i32
    "tpu.region"() ({
      %run_scoped3A = tpu.sem_alloc : memref<!tpu.dma_semaphore, #tpu.memory_space<semaphore_mem>>
      %dma_start3A_268 = arith.constant 0 : i32
      %dma_start3A_269 = arith.constant 0 : i32
      %dma_start3A_270 = tpu.memref_slice %arg2[%add3A, %dma_start3A_268, %dma_start3A_269] : memref<32x200x128xi32, #tpu.memory_space<hbm>> -> memref<1x200x128xi32, #tpu.memory_space<hbm>>
      %dma_start3A_271 = tpu.memref_squeeze %dma_start3A_270 : memref<1x200x128xi32, #tpu.memory_space<hbm>> -> memref<200x128xi32, #tpu.memory_space<hbm>>
      %dma_start3A_272 = arith.constant 0 : i32
      %dma_start3A_273 = arith.constant 0 : i32
      %dma_start3A_274 = tpu.memref_slice %arg2[%add3A, %dma_start3A_272, %dma_start3A_273] : memref<32x200x128xi32, #tpu.memory_space<hbm>> -> memref<1x200x128xi32, #tpu.memory_space<hbm>>
      %dma_start3A_275 = tpu.memref_squeeze %dma_start3A_274 : memref<1x200x128xi32, #tpu.memory_space<hbm>> -> memref<200x128xi32, #tpu.memory_space<hbm>>
      tpu.enqueue_dma source(%dma_start3A_275 : memref<200x128xi32, #tpu.memory_space<hbm>>) target(%arg5 : memref<200x128xi32, #tpu.memory_space<vmem>>) target_semaphore(%run_scoped3A : memref<!tpu.dma_semaphore, #tpu.memory_space<semaphore_mem>>)
      %dma_wait3A_276 = arith.constant 0 : i32
      %dma_wait3A_277 = arith.constant 0 : i32
      %dma_wait3A_278 = tpu.memref_slice %arg2[%add3A, %dma_wait3A_276, %dma_wait3A_277] : memref<32x200x128xi32, #tpu.memory_space<hbm>> -> memref<1x200x128xi32, #tpu.memory_space<hbm>>
      %dma_wait3A_279 = tpu.memref_squeeze %dma_wait3A_278 : memref<1x200x128xi32, #tpu.memory_space<hbm>> -> memref<200x128xi32, #tpu.memory_space<hbm>>
      %dma_wait3A_280 = arith.constant 0 : i32
      %dma_wait3A_281 = arith.constant 0 : i32
      %dma_wait3A_282 = tpu.memref_slice %arg2[%add3A, %dma_wait3A_280, %dma_wait3A_281] : memref<32x200x128xi32, #tpu.memory_space<hbm>> -> memref<1x200x128xi32, #tpu.memory_space<hbm>>
      %dma_wait3A_283 = tpu.memref_squeeze %dma_wait3A_282 : memref<1x200x128xi32, #tpu.memory_space<hbm>> -> memref<200x128xi32, #tpu.memory_space<hbm>>
      tpu.wait_dma2 semaphore(%run_scoped3A : memref<!tpu.dma_semaphore, #tpu.memory_space<semaphore_mem>>) src(%dma_wait3A_283 : memref<200x128xi32, #tpu.memory_space<hbm>>) dst(%arg5 : memref<200x128xi32, #tpu.memory_space<vmem>>)
      tpu.yield
    }) : () -> ()
    %dma_start3A = arith.constant 0 : i32
    %dma_start3A_1 = arith.constant 0 : i32
    %dma_start3A_2 = arith.constant 0 : i32
    %dma_start3A_3 = arith.constant 0 : i32
    %dma_start3A_4 = tpu.memref_slice %arg6[%dma_start3A_1, %dma_start3A_2, %dma_start3A_3] : memref<2x128x64xf32, #tpu.memory_space<vmem>> -> memref<1x128x64xf32, #tpu.memory_space<vmem>>
    %dma_start3A_5 = tpu.memref_squeeze %dma_start3A_4 : memref<1x128x64xf32, #tpu.memory_space<vmem>> -> memref<128x64xf32, #tpu.memory_space<vmem>>
    %dma_start3A_6 = arith.constant 0 : i32
    %dma_start3A_7 = tpu.memref_slice %arg5[%dma_start3A, %dma_start3A_6] : memref<200x128xi32, #tpu.memory_space<vmem>> -> memref<1x128xi32, #tpu.memory_space<vmem>>
    %dma_start3A_8 = tpu.memref_squeeze %dma_start3A_7 : memref<1x128xi32, #tpu.memory_space<vmem>> -> memref<128xi32, #tpu.memory_space<vmem>>
    %dma_start3A_9 = arith.constant 0 : i32
    %dma_start3A_10 = arith.constant 0 : i32
    %dma_start3A_11 = tpu.memref_slice %arg3[%dma_start3A_9, %dma_start3A_10] : memref<1000000x64xf32, #tpu.memory_space<hbm>> -> memref<1000000x64xf32, #tpu.memory_space<hbm>>
    tpu.enqueue_indirect_dma source(%dma_start3A_11 : memref<1000000x64xf32, #tpu.memory_space<hbm>>) target(%dma_start3A_5 : memref<128x64xf32, #tpu.memory_space<vmem>>) offsets(%dma_start3A_8 : memref<128xi32, #tpu.memory_space<vmem>>) semaphore(%arg8 : memref<!tpu.dma_semaphore, #tpu.memory_space<semaphore_mem>>)
    %dma_start3A_12 = arith.constant 1 : i32
    %dma_start3A_13 = arith.constant 1 : i32
    %dma_start3A_14 = arith.constant 0 : i32
    %dma_start3A_15 = arith.constant 0 : i32
    %dma_start3A_16 = tpu.memref_slice %arg6[%dma_start3A_13, %dma_start3A_14, %dma_start3A_15] : memref<2x128x64xf32, #tpu.memory_space<vmem>> -> memref<1x128x64xf32, #tpu.memory_space<vmem>>
    %dma_start3A_17 = tpu.memref_squeeze %dma_start3A_16 : memref<1x128x64xf32, #tpu.memory_space<vmem>> -> memref<128x64xf32, #tpu.memory_space<vmem>>
    %dma_start3A_18 = arith.constant 0 : i32
    %dma_start3A_19 = tpu.memref_slice %arg5[%dma_start3A_12, %dma_start3A_18] : memref<200x128xi32, #tpu.memory_space<vmem>> -> memref<1x128xi32, #tpu.memory_space<vmem>>
    %dma_start3A_20 = tpu.memref_squeeze %dma_start3A_19 : memref<1x128xi32, #tpu.memory_space<vmem>> -> memref<128xi32, #tpu.memory_space<vmem>>
    %dma_start3A_21 = arith.constant 0 : i32
    %dma_start3A_22 = arith.constant 0 : i32
    %dma_start3A_23 = tpu.memref_slice %arg3[%dma_start3A_21, %dma_start3A_22] : memref<1000000x64xf32, #tpu.memory_space<hbm>> -> memref<1000000x64xf32, #tpu.memory_space<hbm>>
    tpu.enqueue_indirect_dma source(%dma_start3A_23 : memref<1000000x64xf32, #tpu.memory_space<hbm>>) target(%dma_start3A_17 : memref<128x64xf32, #tpu.memory_space<vmem>>) offsets(%dma_start3A_20 : memref<128xi32, #tpu.memory_space<vmem>>) semaphore(%arg9 : memref<!tpu.dma_semaphore, #tpu.memory_space<semaphore_mem>>)
    %scan3A = arith.constant 0 : i32
    %scan3A_24 = arith.constant 0 : i32
    %scan3A_25 = arith.constant 100 : i32
    %scan3A_26 = arith.addi %scan3A_24, %scan3A_25 : i32
    %scan3A_27 = arith.constant 1 : i32
    scf.for %scan3A_268 = %scan3A_24 to %scan3A_26 step %scan3A_27  : i32 {
      %mul3A_269 = arith.constant 2 : i32
      %mul3A_270 = arith.muli %scan3A_268, %mul3A_269 : i32
      %add3A_271 = arith.constant 0 : i32
      %add3A_272 = arith.addi %mul3A_270, %add3A_271 : i32
      %dma_wait3A_273 = arith.constant 0 : i32
      %dma_wait3A_274 = arith.constant 0 : i32
      %dma_wait3A_275 = arith.constant 0 : i32
      %dma_wait3A_276 = tpu.memref_slice %arg6[%dma_wait3A_273, %dma_wait3A_274, %dma_wait3A_275] : memref<2x128x64xf32, #tpu.memory_space<vmem>> -> memref<1x128x64xf32, #tpu.memory_space<vmem>>
      %dma_wait3A_277 = tpu.memref_squeeze %dma_wait3A_276 : memref<1x128x64xf32, #tpu.memory_space<vmem>> -> memref<128x64xf32, #tpu.memory_space<vmem>>
      %dma_wait3A_278 = arith.constant 0 : i32
      %dma_wait3A_279 = arith.constant 0 : i32
      %dma_wait3A_280 = tpu.memref_slice %arg3[%dma_wait3A_278, %dma_wait3A_279] : memref<1000000x64xf32, #tpu.memory_space<hbm>> -> memref<128x64xf32, #tpu.memory_space<hbm>>
      %dma_wait3A_281 = arith.constant 0 : i32
      %dma_wait3A_282 = arith.constant 0 : i32
      %dma_wait3A_283 = tpu.memref_slice %arg6[%dma_wait3A_273, %dma_wait3A_281, %dma_wait3A_282] : memref<2x128x64xf32, #tpu.memory_space<vmem>> -> memref<1x128x64xf32, #tpu.memory_space<vmem>>
      %dma_wait3A_284 = tpu.memref_squeeze %dma_wait3A_283 : memref<1x128x64xf32, #tpu.memory_space<vmem>> -> memref<128x64xf32, #tpu.memory_space<vmem>>
      %dma_wait3A_285 = arith.constant 0 : i32
      %dma_wait3A_286 = arith.constant 0 : i32
      %dma_wait3A_287 = tpu.memref_slice %arg3[%dma_wait3A_285, %dma_wait3A_286] : memref<1000000x64xf32, #tpu.memory_space<hbm>> -> memref<128x64xf32, #tpu.memory_space<hbm>>
      tpu.wait_dma2 semaphore(%arg8 : memref<!tpu.dma_semaphore, #tpu.memory_space<semaphore_mem>>) src(%dma_wait3A_287 : memref<128x64xf32, #tpu.memory_space<hbm>>) dst(%dma_wait3A_284 : memref<128x64xf32, #tpu.memory_space<vmem>>)
      %gt3A = arith.constant 0 : i32
      %gt3A_288 = arith.cmpi sgt, %scan3A_268, %gt3A : i32
      %convert_element_type3A = arith.extui %gt3A_288 : i1 to i32
      %cond3A = arith.constant 0 : i32
      %cond3A_289 = arith.cmpi ne, %convert_element_type3A, %cond3A : i32
      scf.if %cond3A_289 {
        %dma_wait3A_611 = arith.constant 0 : i32
        %dma_wait3A_612 = arith.constant 0 : i32
        %dma_wait3A_613 = arith.constant 0 : i32
        %dma_wait3A_614 = arith.constant 0 : i32
        %dma_wait3A_615 = tpu.memref_slice %arg7[%dma_wait3A_613, %dma_wait3A_614] : memref<2x8192xf32, #tpu.memory_space<vmem>> -> memref<1x1024xf32, #tpu.memory_space<vmem>>
        %dma_wait3A_616 = tpu.memref_squeeze %dma_wait3A_615 : memref<1x1024xf32, #tpu.memory_space<vmem>> -> memref<1024xf32, #tpu.memory_space<vmem>>
        %dma_wait3A_617 = arith.constant 0 : i32
        %dma_wait3A_618 = tpu.memref_slice %arg4[%dma_wait3A_611, %dma_wait3A_612, %add3A, %dma_wait3A_617] : memref<200x8x32x1024xf32, #tpu.memory_space<hbm>> -> memref<1x1x1x1024xf32, #tpu.memory_space<hbm>>
        %dma_wait3A_619 = tpu.memref_squeeze %dma_wait3A_618 : memref<1x1x1x1024xf32, #tpu.memory_space<hbm>> -> memref<1024xf32, #tpu.memory_space<hbm>>
        %dma_wait3A_620 = arith.constant 0 : i32
        %dma_wait3A_621 = tpu.memref_slice %arg7[%dma_wait3A_613, %dma_wait3A_620] : memref<2x8192xf32, #tpu.memory_space<vmem>> -> memref<1x1024xf32, #tpu.memory_space<vmem>>
        %dma_wait3A_622 = tpu.memref_squeeze %dma_wait3A_621 : memref<1x1024xf32, #tpu.memory_space<vmem>> -> memref<1024xf32, #tpu.memory_space<vmem>>
        %dma_wait3A_623 = arith.constant 0 : i32
        %dma_wait3A_624 = tpu.memref_slice %arg4[%dma_wait3A_611, %dma_wait3A_612, %add3A, %dma_wait3A_623] : memref<200x8x32x1024xf32, #tpu.memory_space<hbm>> -> memref<1x1x1x1024xf32, #tpu.memory_space<hbm>>
        %dma_wait3A_625 = tpu.memref_squeeze %dma_wait3A_624 : memref<1x1x1x1024xf32, #tpu.memory_space<hbm>> -> memref<1024xf32, #tpu.memory_space<hbm>>
        tpu.wait_dma2 semaphore(%arg10 : memref<!tpu.dma_semaphore, #tpu.memory_space<semaphore_mem>>) src(%dma_wait3A_625 : memref<1024xf32, #tpu.memory_space<hbm>>) dst(%dma_wait3A_622 : memref<1024xf32, #tpu.memory_space<vmem>>)
        %dma_wait3A_626 = arith.constant 0 : i32
        %dma_wait3A_627 = arith.constant 1 : i32
        %dma_wait3A_628 = arith.constant 0 : i32
        %dma_wait3A_629 = arith.constant 1024 : i32
        %dma_wait3A_630 = tpu.memref_slice %arg7[%dma_wait3A_628, %dma_wait3A_629] : memref<2x8192xf32, #tpu.memory_space<vmem>> -> memref<1x1024xf32, #tpu.memory_space<vmem>>
        %dma_wait3A_631 = tpu.memref_squeeze %dma_wait3A_630 : memref<1x1024xf32, #tpu.memory_space<vmem>> -> memref<1024xf32, #tpu.memory_space<vmem>>
        %dma_wait3A_632 = arith.constant 0 : i32
        %dma_wait3A_633 = tpu.memref_slice %arg4[%dma_wait3A_626, %dma_wait3A_627, %add3A, %dma_wait3A_632] : memref<200x8x32x1024xf32, #tpu.memory_space<hbm>> -> memref<1x1x1x1024xf32, #tpu.memory_space<hbm>>
        %dma_wait3A_634 = tpu.memref_squeeze %dma_wait3A_633 : memref<1x1x1x1024xf32, #tpu.memory_space<hbm>> -> memref<1024xf32, #tpu.memory_space<hbm>>
        %dma_wait3A_635 = arith.constant 1024 : i32
        %dma_wait3A_636 = tpu.memref_slice %arg7[%dma_wait3A_628, %dma_wait3A_635] : memref<2x8192xf32, #tpu.memory_space<vmem>> -> memref<1x1024xf32, #tpu.memory_space<vmem>>
        %dma_wait3A_637 = tpu.memref_squeeze %dma_wait3A_636 : memref<1x1024xf32, #tpu.memory_space<vmem>> -> memref<1024xf32, #tpu.memory_space<vmem>>
        %dma_wait3A_638 = arith.constant 0 : i32
        %dma_wait3A_639 = tpu.memref_slice %arg4[%dma_wait3A_626, %dma_wait3A_627, %add3A, %dma_wait3A_638] : memref<200x8x32x1024xf32, #tpu.memory_space<hbm>> -> memref<1x1x1x1024xf32, #tpu.memory_space<hbm>>
        %dma_wait3A_640 = tpu.memref_squeeze %dma_wait3A_639 : memref<1x1x1x1024xf32, #tpu.memory_space<hbm>> -> memref<1024xf32, #tpu.memory_space<hbm>>
        tpu.wait_dma2 semaphore(%arg10 : memref<!tpu.dma_semaphore, #tpu.memory_space<semaphore_mem>>) src(%dma_wait3A_640 : memref<1024xf32, #tpu.memory_space<hbm>>) dst(%dma_wait3A_637 : memref<1024xf32, #tpu.memory_space<vmem>>)
        %dma_wait3A_641 = arith.constant 0 : i32
        %dma_wait3A_642 = arith.constant 2 : i32
        %dma_wait3A_643 = arith.constant 0 : i32
        %dma_wait3A_644 = arith.constant 2048 : i32
        %dma_wait3A_645 = tpu.memref_slice %arg7[%dma_wait3A_643, %dma_wait3A_644] : memref<2x8192xf32, #tpu.memory_space<vmem>> -> memref<1x1024xf32, #tpu.memory_space<vmem>>
        %dma_wait3A_646 = tpu.memref_squeeze %dma_wait3A_645 : memref<1x1024xf32, #tpu.memory_space<vmem>> -> memref<1024xf32, #tpu.memory_space<vmem>>
        %dma_wait3A_647 = arith.constant 0 : i32
        %dma_wait3A_648 = tpu.memref_slice %arg4[%dma_wait3A_641, %dma_wait3A_642, %add3A, %dma_wait3A_647] : memref<200x8x32x1024xf32, #tpu.memory_space<hbm>> -> memref<1x1x1x1024xf32, #tpu.memory_space<hbm>>
        %dma_wait3A_649 = tpu.memref_squeeze %dma_wait3A_648 : memref<1x1x1x1024xf32, #tpu.memory_space<hbm>> -> memref<1024xf32, #tpu.memory_space<hbm>>
        %dma_wait3A_650 = arith.constant 2048 : i32
        %dma_wait3A_651 = tpu.memref_slice %arg7[%dma_wait3A_643, %dma_wait3A_650] : memref<2x8192xf32, #tpu.memory_space<vmem>> -> memref<1x1024xf32, #tpu.memory_space<vmem>>
        %dma_wait3A_652 = tpu.memref_squeeze %dma_wait3A_651 : memref<1x1024xf32, #tpu.memory_space<vmem>> -> memref<1024xf32, #tpu.memory_space<vmem>>
        %dma_wait3A_653 = arith.constant 0 : i32
        %dma_wait3A_654 = tpu.memref_slice %arg4[%dma_wait3A_641, %dma_wait3A_642, %add3A, %dma_wait3A_653] : memref<200x8x32x1024xf32, #tpu.memory_space<hbm>> -> memref<1x1x1x1024xf32, #tpu.memory_space<hbm>>
        %dma_wait3A_655 = tpu.memref_squeeze %dma_wait3A_654 : memref<1x1x1x1024xf32, #tpu.memory_space<hbm>> -> memref<1024xf32, #tpu.memory_space<hbm>>
        tpu.wait_dma2 semaphore(%arg10 : memref<!tpu.dma_semaphore, #tpu.memory_space<semaphore_mem>>) src(%dma_wait3A_655 : memref<1024xf32, #tpu.memory_space<hbm>>) dst(%dma_wait3A_652 : memref<1024xf32, #tpu.memory_space<vmem>>)
        %dma_wait3A_656 = arith.constant 0 : i32
        %dma_wait3A_657 = arith.constant 3 : i32
        %dma_wait3A_658 = arith.constant 0 : i32
        %dma_wait3A_659 = arith.constant 3072 : i32
        %dma_wait3A_660 = tpu.memref_slice %arg7[%dma_wait3A_658, %dma_wait3A_659] : memref<2x8192xf32, #tpu.memory_space<vmem>> -> memref<1x1024xf32, #tpu.memory_space<vmem>>
        %dma_wait3A_661 = tpu.memref_squeeze %dma_wait3A_660 : memref<1x1024xf32, #tpu.memory_space<vmem>> -> memref<1024xf32, #tpu.memory_space<vmem>>
        %dma_wait3A_662 = arith.constant 0 : i32
        %dma_wait3A_663 = tpu.memref_slice %arg4[%dma_wait3A_656, %dma_wait3A_657, %add3A, %dma_wait3A_662] : memref<200x8x32x1024xf32, #tpu.memory_space<hbm>> -> memref<1x1x1x1024xf32, #tpu.memory_space<hbm>>
        %dma_wait3A_664 = tpu.memref_squeeze %dma_wait3A_663 : memref<1x1x1x1024xf32, #tpu.memory_space<hbm>> -> memref<1024xf32, #tpu.memory_space<hbm>>
        %dma_wait3A_665 = arith.constant 3072 : i32
        %dma_wait3A_666 = tpu.memref_slice %arg7[%dma_wait3A_658, %dma_wait3A_665] : memref<2x8192xf32, #tpu.memory_space<vmem>> -> memref<1x1024xf32, #tpu.memory_space<vmem>>
        %dma_wait3A_667 = tpu.memref_squeeze %dma_wait3A_666 : memref<1x1024xf32, #tpu.memory_space<vmem>> -> memref<1024xf32, #tpu.memory_space<vmem>>
        %dma_wait3A_668 = arith.constant 0 : i32
        %dma_wait3A_669 = tpu.memref_slice %arg4[%dma_wait3A_656, %dma_wait3A_657, %add3A, %dma_wait3A_668] : memref<200x8x32x1024xf32, #tpu.memory_space<hbm>> -> memref<1x1x1x1024xf32, #tpu.memory_space<hbm>>
        %dma_wait3A_670 = tpu.memref_squeeze %dma_wait3A_669 : memref<1x1x1x1024xf32, #tpu.memory_space<hbm>> -> memref<1024xf32, #tpu.memory_space<hbm>>
        tpu.wait_dma2 semaphore(%arg10 : memref<!tpu.dma_semaphore, #tpu.memory_space<semaphore_mem>>) src(%dma_wait3A_670 : memref<1024xf32, #tpu.memory_space<hbm>>) dst(%dma_wait3A_667 : memref<1024xf32, #tpu.memory_space<vmem>>)
        %dma_wait3A_671 = arith.constant 0 : i32
        %dma_wait3A_672 = arith.constant 4 : i32
        %dma_wait3A_673 = arith.constant 0 : i32
        %dma_wait3A_674 = arith.constant 4096 : i32
        %dma_wait3A_675 = tpu.memref_slice %arg7[%dma_wait3A_673, %dma_wait3A_674] : memref<2x8192xf32, #tpu.memory_space<vmem>> -> memref<1x1024xf32, #tpu.memory_space<vmem>>
        %dma_wait3A_676 = tpu.memref_squeeze %dma_wait3A_675 : memref<1x1024xf32, #tpu.memory_space<vmem>> -> memref<1024xf32, #tpu.memory_space<vmem>>
        %dma_wait3A_677 = arith.constant 0 : i32
        %dma_wait3A_678 = tpu.memref_slice %arg4[%dma_wait3A_671, %dma_wait3A_672, %add3A, %dma_wait3A_677] : memref<200x8x32x1024xf32, #tpu.memory_space<hbm>> -> memref<1x1x1x1024xf32, #tpu.memory_space<hbm>>
        %dma_wait3A_679 = tpu.memref_squeeze %dma_wait3A_678 : memref<1x1x1x1024xf32, #tpu.memory_space<hbm>> -> memref<1024xf32, #tpu.memory_space<hbm>>
        %dma_wait3A_680 = arith.constant 4096 : i32
        %dma_wait3A_681 = tpu.memref_slice %arg7[%dma_wait3A_673, %dma_wait3A_680] : memref<2x8192xf32, #tpu.memory_space<vmem>> -> memref<1x1024xf32, #tpu.memory_space<vmem>>
        %dma_wait3A_682 = tpu.memref_squeeze %dma_wait3A_681 : memref<1x1024xf32, #tpu.memory_space<vmem>> -> memref<1024xf32, #tpu.memory_space<vmem>>
        %dma_wait3A_683 = arith.constant 0 : i32
        %dma_wait3A_684 = tpu.memref_slice %arg4[%dma_wait3A_671, %dma_wait3A_672, %add3A, %dma_wait3A_683] : memref<200x8x32x1024xf32, #tpu.memory_space<hbm>> -> memref<1x1x1x1024xf32, #tpu.memory_space<hbm>>
        %dma_wait3A_685 = tpu.memref_squeeze %dma_wait3A_684 : memref<1x1x1x1024xf32, #tpu.memory_space<hbm>> -> memref<1024xf32, #tpu.memory_space<hbm>>
        tpu.wait_dma2 semaphore(%arg10 : memref<!tpu.dma_semaphore, #tpu.memory_space<semaphore_mem>>) src(%dma_wait3A_685 : memref<1024xf32, #tpu.memory_space<hbm>>) dst(%dma_wait3A_682 : memref<1024xf32, #tpu.memory_space<vmem>>)
        %dma_wait3A_686 = arith.constant 0 : i32
        %dma_wait3A_687 = arith.constant 5 : i32
        %dma_wait3A_688 = arith.constant 0 : i32
        %dma_wait3A_689 = arith.constant 5120 : i32
        %dma_wait3A_690 = tpu.memref_slice %arg7[%dma_wait3A_688, %dma_wait3A_689] : memref<2x8192xf32, #tpu.memory_space<vmem>> -> memref<1x1024xf32, #tpu.memory_space<vmem>>
        %dma_wait3A_691 = tpu.memref_squeeze %dma_wait3A_690 : memref<1x1024xf32, #tpu.memory_space<vmem>> -> memref<1024xf32, #tpu.memory_space<vmem>>
        %dma_wait3A_692 = arith.constant 0 : i32
        %dma_wait3A_693 = tpu.memref_slice %arg4[%dma_wait3A_686, %dma_wait3A_687, %add3A, %dma_wait3A_692] : memref<200x8x32x1024xf32, #tpu.memory_space<hbm>> -> memref<1x1x1x1024xf32, #tpu.memory_space<hbm>>
        %dma_wait3A_694 = tpu.memref_squeeze %dma_wait3A_693 : memref<1x1x1x1024xf32, #tpu.memory_space<hbm>> -> memref<1024xf32, #tpu.memory_space<hbm>>
        %dma_wait3A_695 = arith.constant 5120 : i32
        %dma_wait3A_696 = tpu.memref_slice %arg7[%dma_wait3A_688, %dma_wait3A_695] : memref<2x8192xf32, #tpu.memory_space<vmem>> -> memref<1x1024xf32, #tpu.memory_space<vmem>>
        %dma_wait3A_697 = tpu.memref_squeeze %dma_wait3A_696 : memref<1x1024xf32, #tpu.memory_space<vmem>> -> memref<1024xf32, #tpu.memory_space<vmem>>
        %dma_wait3A_698 = arith.constant 0 : i32
        %dma_wait3A_699 = tpu.memref_slice %arg4[%dma_wait3A_686, %dma_wait3A_687, %add3A, %dma_wait3A_698] : memref<200x8x32x1024xf32, #tpu.memory_space<hbm>> -> memref<1x1x1x1024xf32, #tpu.memory_space<hbm>>
        %dma_wait3A_700 = tpu.memref_squeeze %dma_wait3A_699 : memref<1x1x1x1024xf32, #tpu.memory_space<hbm>> -> memref<1024xf32, #tpu.memory_space<hbm>>
        tpu.wait_dma2 semaphore(%arg10 : memref<!tpu.dma_semaphore, #tpu.memory_space<semaphore_mem>>) src(%dma_wait3A_700 : memref<1024xf32, #tpu.memory_space<hbm>>) dst(%dma_wait3A_697 : memref<1024xf32, #tpu.memory_space<vmem>>)
        %dma_wait3A_701 = arith.constant 0 : i32
        %dma_wait3A_702 = arith.constant 6 : i32
        %dma_wait3A_703 = arith.constant 0 : i32
        %dma_wait3A_704 = arith.constant 6144 : i32
        %dma_wait3A_705 = tpu.memref_slice %arg7[%dma_wait3A_703, %dma_wait3A_704] : memref<2x8192xf32, #tpu.memory_space<vmem>> -> memref<1x1024xf32, #tpu.memory_space<vmem>>
        %dma_wait3A_706 = tpu.memref_squeeze %dma_wait3A_705 : memref<1x1024xf32, #tpu.memory_space<vmem>> -> memref<1024xf32, #tpu.memory_space<vmem>>
        %dma_wait3A_707 = arith.constant 0 : i32
        %dma_wait3A_708 = tpu.memref_slice %arg4[%dma_wait3A_701, %dma_wait3A_702, %add3A, %dma_wait3A_707] : memref<200x8x32x1024xf32, #tpu.memory_space<hbm>> -> memref<1x1x1x1024xf32, #tpu.memory_space<hbm>>
        %dma_wait3A_709 = tpu.memref_squeeze %dma_wait3A_708 : memref<1x1x1x1024xf32, #tpu.memory_space<hbm>> -> memref<1024xf32, #tpu.memory_space<hbm>>
        %dma_wait3A_710 = arith.constant 6144 : i32
        %dma_wait3A_711 = tpu.memref_slice %arg7[%dma_wait3A_703, %dma_wait3A_710] : memref<2x8192xf32, #tpu.memory_space<vmem>> -> memref<1x1024xf32, #tpu.memory_space<vmem>>
        %dma_wait3A_712 = tpu.memref_squeeze %dma_wait3A_711 : memref<1x1024xf32, #tpu.memory_space<vmem>> -> memref<1024xf32, #tpu.memory_space<vmem>>
        %dma_wait3A_713 = arith.constant 0 : i32
        %dma_wait3A_714 = tpu.memref_slice %arg4[%dma_wait3A_701, %dma_wait3A_702, %add3A, %dma_wait3A_713] : memref<200x8x32x1024xf32, #tpu.memory_space<hbm>> -> memref<1x1x1x1024xf32, #tpu.memory_space<hbm>>
        %dma_wait3A_715 = tpu.memref_squeeze %dma_wait3A_714 : memref<1x1x1x1024xf32, #tpu.memory_space<hbm>> -> memref<1024xf32, #tpu.memory_space<hbm>>
        tpu.wait_dma2 semaphore(%arg10 : memref<!tpu.dma_semaphore, #tpu.memory_space<semaphore_mem>>) src(%dma_wait3A_715 : memref<1024xf32, #tpu.memory_space<hbm>>) dst(%dma_wait3A_712 : memref<1024xf32, #tpu.memory_space<vmem>>)
        %dma_wait3A_716 = arith.constant 0 : i32
        %dma_wait3A_717 = arith.constant 7 : i32
        %dma_wait3A_718 = arith.constant 0 : i32
        %dma_wait3A_719 = arith.constant 7168 : i32
        %dma_wait3A_720 = tpu.memref_slice %arg7[%dma_wait3A_718, %dma_wait3A_719] : memref<2x8192xf32, #tpu.memory_space<vmem>> -> memref<1x1024xf32, #tpu.memory_space<vmem>>
        %dma_wait3A_721 = tpu.memref_squeeze %dma_wait3A_720 : memref<1x1024xf32, #tpu.memory_space<vmem>> -> memref<1024xf32, #tpu.memory_space<vmem>>
        %dma_wait3A_722 = arith.constant 0 : i32
        %dma_wait3A_723 = tpu.memref_slice %arg4[%dma_wait3A_716, %dma_wait3A_717, %add3A, %dma_wait3A_722] : memref<200x8x32x1024xf32, #tpu.memory_space<hbm>> -> memref<1x1x1x1024xf32, #tpu.memory_space<hbm>>
        %dma_wait3A_724 = tpu.memref_squeeze %dma_wait3A_723 : memref<1x1x1x1024xf32, #tpu.memory_space<hbm>> -> memref<1024xf32, #tpu.memory_space<hbm>>
        %dma_wait3A_725 = arith.constant 7168 : i32
        %dma_wait3A_726 = tpu.memref_slice %arg7[%dma_wait3A_718, %dma_wait3A_725] : memref<2x8192xf32, #tpu.memory_space<vmem>> -> memref<1x1024xf32, #tpu.memory_space<vmem>>
        %dma_wait3A_727 = tpu.memref_squeeze %dma_wait3A_726 : memref<1x1024xf32, #tpu.memory_space<vmem>> -> memref<1024xf32, #tpu.memory_space<vmem>>
        %dma_wait3A_728 = arith.constant 0 : i32
        %dma_wait3A_729 = tpu.memref_slice %arg4[%dma_wait3A_716, %dma_wait3A_717, %add3A, %dma_wait3A_728] : memref<200x8x32x1024xf32, #tpu.memory_space<hbm>> -> memref<1x1x1x1024xf32, #tpu.memory_space<hbm>>
        %dma_wait3A_730 = tpu.memref_squeeze %dma_wait3A_729 : memref<1x1x1x1024xf32, #tpu.memory_space<hbm>> -> memref<1024xf32, #tpu.memory_space<hbm>>
        tpu.wait_dma2 semaphore(%arg10 : memref<!tpu.dma_semaphore, #tpu.memory_space<semaphore_mem>>) src(%dma_wait3A_730 : memref<1024xf32, #tpu.memory_space<hbm>>) dst(%dma_wait3A_727 : memref<1024xf32, #tpu.memory_space<vmem>>)
      } else {
      }
      %iota3A = tpu.iota {dimensions = array<i32: 0>} : vector<16xi32>
      %broadcast_in_dim3A = arith.constant 0.000000e+00 : f32
      %broadcast_in_dim3A_290 = vector.broadcast %broadcast_in_dim3A : f32 to vector<16xf32>
      %add3A_291 = arith.constant 0 : i32
      %add3A_292 = vector.broadcast %add3A_291 : i32 to vector<16xi32>
      %add3A_293 = arith.addi %add3A_292, %iota3A : vector<16xi32>
      %mul3A_294 = arith.constant 128 : i32
      %mul3A_295 = vector.broadcast %mul3A_294 : i32 to vector<16xi32>
      %mul3A_296 = arith.muli %add3A_293, %mul3A_295 : vector<16xi32>
      %add3A_297 = arith.constant 16 : i32
      %add3A_298 = vector.broadcast %add3A_297 : i32 to vector<16xi32>
      %add3A_299 = arith.addi %add3A_298, %iota3A : vector<16xi32>
      %mul3A_300 = arith.constant 128 : i32
      %mul3A_301 = vector.broadcast %mul3A_300 : i32 to vector<16xi32>
      %mul3A_302 = arith.muli %add3A_299, %mul3A_301 : vector<16xi32>
      %add3A_303 = arith.constant 32 : i32
      %add3A_304 = vector.broadcast %add3A_303 : i32 to vector<16xi32>
      %add3A_305 = arith.addi %add3A_304, %iota3A : vector<16xi32>
      %mul3A_306 = arith.constant 128 : i32
      %mul3A_307 = vector.broadcast %mul3A_306 : i32 to vector<16xi32>
      %mul3A_308 = arith.muli %add3A_305, %mul3A_307 : vector<16xi32>
      %add3A_309 = arith.constant 48 : i32
      %add3A_310 = vector.broadcast %add3A_309 : i32 to vector<16xi32>
      %add3A_311 = arith.addi %add3A_310, %iota3A : vector<16xi32>
      %mul3A_312 = arith.constant 128 : i32
      %mul3A_313 = vector.broadcast %mul3A_312 : i32 to vector<16xi32>
      %mul3A_314 = arith.muli %add3A_311, %mul3A_313 : vector<16xi32>
      %scan3A_315 = arith.constant 0 : i32
      %scan3A_316 = arith.constant 0 : i32
      %scan3A_317 = arith.constant 8 : i32
      %scan3A_318 = arith.addi %scan3A_316, %scan3A_317 : i32
      %scan3A_319 = arith.constant 1 : i32
      scf.for %scan3A_611 = %scan3A_316 to %scan3A_318 step %scan3A_319  : i32 {
        %mul3A_612 = arith.constant 16 : i32
        %mul3A_613 = arith.muli %scan3A_611, %mul3A_612 : i32
        %get3A = arith.index_cast %add3A_272 : i32 to index
        %get3A_614 = arith.index_cast %mul3A_613 : i32 to index
        %get3A_615 = tpu.vector_load %arg5[%get3A, %get3A_614] {strides = array<i32>} : memref<200x128xi32, #tpu.memory_space<vmem>>, vector<16xi32>,
        %eq3A = arith.constant 0 : i32
        %eq3A_616 = vector.broadcast %eq3A : i32 to vector<16xi32>
        %eq3A_617 = arith.cmpi eq, %get3A_615, %eq3A_616 : vector<16xi32>
        %all_reduce_population_count3A = tpu.all_reduce %eq3A_617 {dim = 0 : i64, kind = #tpu.reduction_kind<sum>} : vector<16xi1> -> vector<16xi32>
        %slice3A = vector.extract_strided_slice %all_reduce_population_count3A {offsets = [0], sizes = [1], strides = [1]} : vector<16xi32> to vector<1xi32>
        %squeeze3A = vector.extract %slice3A[0] : i32 from vector<1xi32>
        %gt3A_618 = arith.constant 0 : i32
        %gt3A_619 = arith.cmpi sgt, %squeeze3A, %gt3A_618 : i32
        %convert_element_type3A_620 = arith.extui %gt3A_619 : i1 to i32
        %cond3A_621 = arith.constant 0 : i32
        %cond3A_622 = arith.cmpi ne, %convert_element_type3A_620, %cond3A_621 : i32
        scf.if %cond3A_622 {
          %mul3A_1518 = arith.constant 16 : i32
          %mul3A_1519 = arith.muli %scan3A_611, %mul3A_1518 : i32
          %add3A_1520 = vector.broadcast %mul3A_1519 : i32 to vector<16xi32>
          %add3A_1521 = arith.addi %add3A_1520, %iota3A : vector<16xi32>
          %broadcast_in_dim3A_1522 = arith.constant 0 : i32
          %broadcast_in_dim3A_1523 = vector.broadcast %broadcast_in_dim3A_1522 : i32 to vector<16xi32>
          %scatter3A = arith.constant 0 : i32
          %scatter3A_1524 = arith.constant 0 : i32
          %scatter3A_1525 = arith.constant 0 : i32
          %scatter3A_1526 = tpu.memref_slice %arg6[%scatter3A, %scatter3A_1524, %scatter3A_1525] : memref<2x128x64xf32, #tpu.memory_space<vmem>> -> memref<1x128x64xf32, #tpu.memory_space<vmem>>
          %scatter3A_1527 = tpu.memref_squeeze %scatter3A_1526 : memref<1x128x64xf32, #tpu.memory_space<vmem>> -> memref<128x64xf32, #tpu.memory_space<vmem>>
          tpu.vector_store_idx %scatter3A_1527[%add3A_1521, %broadcast_in_dim3A_1523], %broadcast_in_dim3A_290 masked %eq3A_617 : memref<128x64xf32, #tpu.memory_space<vmem>>[vector<16xi32>, vector<16xi32>], vector<16xf32>, vector<16xi1>
          %broadcast_in_dim3A_1528 = arith.constant 1 : i32
          %broadcast_in_dim3A_1529 = vector.broadcast %broadcast_in_dim3A_1528 : i32 to vector<16xi32>
          %scatter3A_1530 = arith.constant 0 : i32
          %scatter3A_1531 = arith.constant 0 : i32
          %scatter3A_1532 = arith.constant 0 : i32
          %scatter3A_1533 = tpu.memref_slice %arg6[%scatter3A_1530, %scatter3A_1531, %scatter3A_1532] : memref<2x128x64xf32, #tpu.memory_space<vmem>> -> memref<1x128x64xf32, #tpu.memory_space<vmem>>
          %scatter3A_1534 = tpu.memref_squeeze %scatter3A_1533 : memref<1x128x64xf32, #tpu.memory_space<vmem>> -> memref<128x64xf32, #tpu.memory_space<vmem>>
          tpu.vector_store_idx %scatter3A_1534[%add3A_1521, %broadcast_in_dim3A_1529], %broadcast_in_dim3A_290 masked %eq3A_617 : memref<128x64xf32, #tpu.memory_space<vmem>>[vector<16xi32>, vector<16xi32>], vector<16xf32>, vector<16xi1>
          %broadcast_in_dim3A_1535 = arith.constant 2 : i32
          %broadcast_in_dim3A_1536 = vector.broadcast %broadcast_in_dim3A_1535 : i32 to vector<16xi32>
          %scatter3A_1537 = arith.constant 0 : i32
          %scatter3A_1538 = arith.constant 0 : i32
          %scatter3A_1539 = arith.constant 0 : i32
          %scatter3A_1540 = tpu.memref_slice %arg6[%scatter3A_1537, %scatter3A_1538, %scatter3A_1539] : memref<2x128x64xf32, #tpu.memory_space<vmem>> -> memref<1x128x64xf32, #tpu.memory_space<vmem>>
          %scatter3A_1541 = tpu.memref_squeeze %scatter3A_1540 : memref<1x128x64xf32, #tpu.memory_space<vmem>> -> memref<128x64xf32, #tpu.memory_space<vmem>>
          tpu.vector_store_idx %scatter3A_1541[%add3A_1521, %broadcast_in_dim3A_1536], %broadcast_in_dim3A_290 masked %eq3A_617 : memref<128x64xf32, #tpu.memory_space<vmem>>[vector<16xi32>, vector<16xi32>], vector<16xf32>, vector<16xi1>
          %broadcast_in_dim3A_1542 = arith.constant 3 : i32
          %broadcast_in_dim3A_1543 = vector.broadcast %broadcast_in_dim3A_1542 : i32 to vector<16xi32>
          %scatter3A_1544 = arith.constant 0 : i32
          %scatter3A_1545 = arith.constant 0 : i32
          %scatter3A_1546 = arith.constant 0 : i32
          %scatter3A_1547 = tpu.memref_slice %arg6[%scatter3A_1544, %scatter3A_1545, %scatter3A_1546] : memref<2x128x64xf32, #tpu.memory_space<vmem>> -> memref<1x128x64xf32, #tpu.memory_space<vmem>>
          %scatter3A_1548 = tpu.memref_squeeze %scatter3A_1547 : memref<1x128x64xf32, #tpu.memory_space<vmem>> -> memref<128x64xf32, #tpu.memory_space<vmem>>
          tpu.vector_store_idx %scatter3A_1548[%add3A_1521, %broadcast_in_dim3A_1543], %broadcast_in_dim3A_290 masked %eq3A_617 : memref<128x64xf32, #tpu.memory_space<vmem>>[vector<16xi32>, vector<16xi32>], vector<16xf32>, vector<16xi1>
          %broadcast_in_dim3A_1549 = arith.constant 4 : i32
          %broadcast_in_dim3A_1550 = vector.broadcast %broadcast_in_dim3A_1549 : i32 to vector<16xi32>
          %scatter3A_1551 = arith.constant 0 : i32
          %scatter3A_1552 = arith.constant 0 : i32
          %scatter3A_1553 = arith.constant 0 : i32
          %scatter3A_1554 = tpu.memref_slice %arg6[%scatter3A_1551, %scatter3A_1552, %scatter3A_1553] : memref<2x128x64xf32, #tpu.memory_space<vmem>> -> memref<1x128x64xf32, #tpu.memory_space<vmem>>
          %scatter3A_1555 = tpu.memref_squeeze %scatter3A_1554 : memref<1x128x64xf32, #tpu.memory_space<vmem>> -> memref<128x64xf32, #tpu.memory_space<vmem>>
          tpu.vector_store_idx %scatter3A_1555[%add3A_1521, %broadcast_in_dim3A_1550], %broadcast_in_dim3A_290 masked %eq3A_617 : memref<128x64xf32, #tpu.memory_space<vmem>>[vector<16xi32>, vector<16xi32>], vector<16xf32>, vector<16xi1>
          %broadcast_in_dim3A_1556 = arith.constant 5 : i32
          %broadcast_in_dim3A_1557 = vector.broadcast %broadcast_in_dim3A_1556 : i32 to vector<16xi32>
          %scatter3A_1558 = arith.constant 0 : i32
          %scatter3A_1559 = arith.constant 0 : i32
          %scatter3A_1560 = arith.constant 0 : i32
          %scatter3A_1561 = tpu.memref_slice %arg6[%scatter3A_1558, %scatter3A_1559, %scatter3A_1560] : memref<2x128x64xf32, #tpu.memory_space<vmem>> -> memref<1x128x64xf32, #tpu.memory_space<vmem>>
          %scatter3A_1562 = tpu.memref_squeeze %scatter3A_1561 : memref<1x128x64xf32, #tpu.memory_space<vmem>> -> memref<128x64xf32, #tpu.memory_space<vmem>>
          tpu.vector_store_idx %scatter3A_1562[%add3A_1521, %broadcast_in_dim3A_1557], %broadcast_in_dim3A_290 masked %eq3A_617 : memref<128x64xf32, #tpu.memory_space<vmem>>[vector<16xi32>, vector<16xi32>], vector<16xf32>, vector<16xi1>
          %broadcast_in_dim3A_1563 = arith.constant 6 : i32
          %broadcast_in_dim3A_1564 = vector.broadcast %broadcast_in_dim3A_1563 : i32 to vector<16xi32>
          %scatter3A_1565 = arith.constant 0 : i32
          %scatter3A_1566 = arith.constant 0 : i32
          %scatter3A_1567 = arith.constant 0 : i32
          %scatter3A_1568 = tpu.memref_slice %arg6[%scatter3A_1565, %scatter3A_1566, %scatter3A_1567] : memref<2x128x64xf32, #tpu.memory_space<vmem>> -> memref<1x128x64xf32, #tpu.memory_space<vmem>>
          %scatter3A_1569 = tpu.memref_squeeze %scatter3A_1568 : memref<1x128x64xf32, #tpu.memory_space<vmem>> -> memref<128x64xf32, #tpu.memory_space<vmem>>
          tpu.vector_store_idx %scatter3A_1569[%add3A_1521, %broadcast_in_dim3A_1564], %broadcast_in_dim3A_290 masked %eq3A_617 : memref<128x64xf32, #tpu.memory_space<vmem>>[vector<16xi32>, vector<16xi32>], vector<16xf32>, vector<16xi1>
          %broadcast_in_dim3A_1570 = arith.constant 7 : i32
          %broadcast_in_dim3A_1571 = vector.broadcast %broadcast_in_dim3A_1570 : i32 to vector<16xi32>
          %scatter3A_1572 = arith.constant 0 : i32
          %scatter3A_1573 = arith.constant 0 : i32
          %scatter3A_1574 = arith.constant 0 : i32
          %scatter3A_1575 = tpu.memref_slice %arg6[%scatter3A_1572, %scatter3A_1573, %scatter3A_1574] : memref<2x128x64xf32, #tpu.memory_space<vmem>> -> memref<1x128x64xf32, #tpu.memory_space<vmem>>
          %scatter3A_1576 = tpu.memref_squeeze %scatter3A_1575 : memref<1x128x64xf32, #tpu.memory_space<vmem>> -> memref<128x64xf32, #tpu.memory_space<vmem>>
          tpu.vector_store_idx %scatter3A_1576[%add3A_1521, %broadcast_in_dim3A_1571], %broadcast_in_dim3A_290 masked %eq3A_617 : memref<128x64xf32, #tpu.memory_space<vmem>>[vector<16xi32>, vector<16xi32>], vector<16xf32>, vector<16xi1>
          %broadcast_in_dim3A_1577 = arith.constant 8 : i32
          %broadcast_in_dim3A_1578 = vector.broadcast %broadcast_in_dim3A_1577 : i32 to vector<16xi32>
          %scatter3A_1579 = arith.constant 0 : i32
          %scatter3A_1580 = arith.constant 0 : i32
          %scatter3A_1581 = arith.constant 0 : i32
          %scatter3A_1582 = tpu.memref_slice %arg6[%scatter3A_1579, %scatter3A_1580, %scatter3A_1581] : memref<2x128x64xf32, #tpu.memory_space<vmem>> -> memref<1x128x64xf32, #tpu.memory_space<vmem>>
          %scatter3A_1583 = tpu.memref_squeeze %scatter3A_1582 : memref<1x128x64xf32, #tpu.memory_space<vmem>> -> memref<128x64xf32, #tpu.memory_space<vmem>>
          tpu.vector_store_idx %scatter3A_1583[%add3A_1521, %broadcast_in_dim3A_1578], %broadcast_in_dim3A_290 masked %eq3A_617 : memref<128x64xf32, #tpu.memory_space<vmem>>[vector<16xi32>, vector<16xi32>], vector<16xf32>, vector<16xi1>
          %broadcast_in_dim3A_1584 = arith.constant 9 : i32
          %broadcast_in_dim3A_1585 = vector.broadcast %broadcast_in_dim3A_1584 : i32 to vector<16xi32>
          %scatter3A_1586 = arith.constant 0 : i32
          %scatter3A_1587 = arith.constant 0 : i32
          %scatter3A_1588 = arith.constant 0 : i32
          %scatter3A_1589 = tpu.memref_slice %arg6[%scatter3A_1586, %scatter3A_1587, %scatter3A_1588] : memref<2x128x64xf32, #tpu.memory_space<vmem>> -> memref<1x128x64xf32, #tpu.memory_space<vmem>>
          %scatter3A_1590 = tpu.memref_squeeze %scatter3A_1589 : memref<1x128x64xf32, #tpu.memory_space<vmem>> -> memref<128x64xf32, #tpu.memory_space<vmem>>
          tpu.vector_store_idx %scatter3A_1590[%add3A_1521, %broadcast_in_dim3A_1585], %broadcast_in_dim3A_290 masked %eq3A_617 : memref<128x64xf32, #tpu.memory_space<vmem>>[vector<16xi32>, vector<16xi32>], vector<16xf32>, vector<16xi1>
          %broadcast_in_dim3A_1591 = arith.constant 10 : i32
          %broadcast_in_dim3A_1592 = vector.broadcast %broadcast_in_dim3A_1591 : i32 to vector<16xi32>
          %scatter3A_1593 = arith.constant 0 : i32
          %scatter3A_1594 = arith.constant 0 : i32
          %scatter3A_1595 = arith.constant 0 : i32
          %scatter3A_1596 = tpu.memref_slice %arg6[%scatter3A_1593, %scatter3A_1594, %scatter3A_1595] : memref<2x128x64xf32, #tpu.memory_space<vmem>> -> memref<1x128x64xf32, #tpu.memory_space<vmem>>
          %scatter3A_1597 = tpu.memref_squeeze %scatter3A_1596 : memref<1x128x64xf32, #tpu.memory_space<vmem>> -> memref<128x64xf32, #tpu.memory_space<vmem>>
          tpu.vector_store_idx %scatter3A_1597[%add3A_1521, %broadcast_in_dim3A_1592], %broadcast_in_dim3A_290 masked %eq3A_617 : memref<128x64xf32, #tpu.memory_space<vmem>>[vector<16xi32>, vector<16xi32>], vector<16xf32>, vector<16xi1>
          %broadcast_in_dim3A_1598 = arith.constant 11 : i32
          %broadcast_in_dim3A_1599 = vector.broadcast %broadcast_in_dim3A_1598 : i32 to vector<16xi32>
          %scatter3A_1600 = arith.constant 0 : i32
          %scatter3A_1601 = arith.constant 0 : i32
          %scatter3A_1602 = arith.constant 0 : i32
          %scatter3A_1603 = tpu.memref_slice %arg6[%scatter3A_1600, %scatter3A_1601, %scatter3A_1602] : memref<2x128x64xf32, #tpu.memory_space<vmem>> -> memref<1x128x64xf32, #tpu.memory_space<vmem>>
          %scatter3A_1604 = tpu.memref_squeeze %scatter3A_1603 : memref<1x128x64xf32, #tpu.memory_space<vmem>> -> memref<128x64xf32, #tpu.memory_space<vmem>>
          tpu.vector_store_idx %scatter3A_1604[%add3A_1521, %broadcast_in_dim3A_1599], %broadcast_in_dim3A_290 masked %eq3A_617 : memref<128x64xf32, #tpu.memory_space<vmem>>[vector<16xi32>, vector<16xi32>], vector<16xf32>, vector<16xi1>
          %broadcast_in_dim3A_1605 = arith.constant 12 : i32
          %broadcast_in_dim3A_1606 = vector.broadcast %broadcast_in_dim3A_1605 : i32 to vector<16xi32>
          %scatter3A_1607 = arith.constant 0 : i32
          %scatter3A_1608 = arith.constant 0 : i32
          %scatter3A_1609 = arith.constant 0 : i32
          %scatter3A_1610 = tpu.memref_slice %arg6[%scatter3A_1607, %scatter3A_1608, %scatter3A_1609] : memref<2x128x64xf32, #tpu.memory_space<vmem>> -> memref<1x128x64xf32, #tpu.memory_space<vmem>>
          %scatter3A_1611 = tpu.memref_squeeze %scatter3A_1610 : memref<1x128x64xf32, #tpu.memory_space<vmem>> -> memref<128x64xf32, #tpu.memory_space<vmem>>
          tpu.vector_store_idx %scatter3A_1611[%add3A_1521, %broadcast_in_dim3A_1606], %broadcast_in_dim3A_290 masked %eq3A_617 : memref<128x64xf32, #tpu.memory_space<vmem>>[vector<16xi32>, vector<16xi32>], vector<16xf32>, vector<16xi1>
          %broadcast_in_dim3A_1612 = arith.constant 13 : i32
          %broadcast_in_dim3A_1613 = vector.broadcast %broadcast_in_dim3A_1612 : i32 to vector<16xi32>
          %scatter3A_1614 = arith.constant 0 : i32
          %scatter3A_1615 = arith.constant 0 : i32
          %scatter3A_1616 = arith.constant 0 : i32
          %scatter3A_1617 = tpu.memref_slice %arg6[%scatter3A_1614, %scatter3A_1615, %scatter3A_1616] : memref<2x128x64xf32, #tpu.memory_space<vmem>> -> memref<1x128x64xf32, #tpu.memory_space<vmem>>
          %scatter3A_1618 = tpu.memref_squeeze %scatter3A_1617 : memref<1x128x64xf32, #tpu.memory_space<vmem>> -> memref<128x64xf32, #tpu.memory_space<vmem>>
          tpu.vector_store_idx %scatter3A_1618[%add3A_1521, %broadcast_in_dim3A_1613], %broadcast_in_dim3A_290 masked %eq3A_617 : memref<128x64xf32, #tpu.memory_space<vmem>>[vector<16xi32>, vector<16xi32>], vector<16xf32>, vector<16xi1>
          %broadcast_in_dim3A_1619 = arith.constant 14 : i32
          %broadcast_in_dim3A_1620 = vector.broadcast %broadcast_in_dim3A_1619 : i32 to vector<16xi32>
          %scatter3A_1621 = arith.constant 0 : i32
          %scatter3A_1622 = arith.constant 0 : i32
          %scatter3A_1623 = arith.constant 0 : i32
          %scatter3A_1624 = tpu.memref_slice %arg6[%scatter3A_1621, %scatter3A_1622, %scatter3A_1623] : memref<2x128x64xf32, #tpu.memory_space<vmem>> -> memref<1x128x64xf32, #tpu.memory_space<vmem>>
          %scatter3A_1625 = tpu.memref_squeeze %scatter3A_1624 : memref<1x128x64xf32, #tpu.memory_space<vmem>> -> memref<128x64xf32, #tpu.memory_space<vmem>>
          tpu.vector_store_idx %scatter3A_1625[%add3A_1521, %broadcast_in_dim3A_1620], %broadcast_in_dim3A_290 masked %eq3A_617 : memref<128x64xf32, #tpu.memory_space<vmem>>[vector<16xi32>, vector<16xi32>], vector<16xf32>, vector<16xi1>
          %broadcast_in_dim3A_1626 = arith.constant 15 : i32
          %broadcast_in_dim3A_1627 = vector.broadcast %broadcast_in_dim3A_1626 : i32 to vector<16xi32>
          %scatter3A_1628 = arith.constant 0 : i32
          %scatter3A_1629 = arith.constant 0 : i32
          %scatter3A_1630 = arith.constant 0 : i32
          %scatter3A_1631 = tpu.memref_slice %arg6[%scatter3A_1628, %scatter3A_1629, %scatter3A_1630] : memref<2x128x64xf32, #tpu.memory_space<vmem>> -> memref<1x128x64xf32, #tpu.memory_space<vmem>>
          %scatter3A_1632 = tpu.memref_squeeze %scatter3A_1631 : memref<1x128x64xf32, #tpu.memory_space<vmem>> -> memref<128x64xf32, #tpu.memory_space<vmem>>
          tpu.vector_store_idx %scatter3A_1632[%add3A_1521, %broadcast_in_dim3A_1627], %broadcast_in_dim3A_290 masked %eq3A_617 : memref<128x64xf32, #tpu.memory_space<vmem>>[vector<16xi32>, vector<16xi32>], vector<16xf32>, vector<16xi1>
          %broadcast_in_dim3A_1633 = arith.constant 16 : i32
          %broadcast_in_dim3A_1634 = vector.broadcast %broadcast_in_dim3A_1633 : i32 to vector<16xi32>
          %scatter3A_1635 = arith.constant 0 : i32
          %scatter3A_1636 = arith.constant 0 : i32
          %scatter3A_1637 = arith.constant 0 : i32
          %scatter3A_1638 = tpu.memref_slice %arg6[%scatter3A_1635, %scatter3A_1636, %scatter3A_1637] : memref<2x128x64xf32, #tpu.memory_space<vmem>> -> memref<1x128x64xf32, #tpu.memory_space<vmem>>
          %scatter3A_1639 = tpu.memref_squeeze %scatter3A_1638 : memref<1x128x64xf32, #tpu.memory_space<vmem>> -> memref<128x64xf32, #tpu.memory_space<vmem>>
          tpu.vector_store_idx %scatter3A_1639[%add3A_1521, %broadcast_in_dim3A_1634], %broadcast_in_dim3A_290 masked %eq3A_617 : memref<128x64xf32, #tpu.memory_space<vmem>>[vector<16xi32>, vector<16xi32>], vector<16xf32>, vector<16xi1>
          %broadcast_in_dim3A_1640 = arith.constant 17 : i32
          %broadcast_in_dim3A_1641 = vector.broadcast %broadcast_in_dim3A_1640 : i32 to vector<16xi32>
          %scatter3A_1642 = arith.constant 0 : i32
          %scatter3A_1643 = arith.constant 0 : i32
          %scatter3A_1644 = arith.constant 0 : i32
          %scatter3A_1645 = tpu.memref_slice %arg6[%scatter3A_1642, %scatter3A_1643, %scatter3A_1644] : memref<2x128x64xf32, #tpu.memory_space<vmem>> -> memref<1x128x64xf32, #tpu.memory_space<vmem>>
          %scatter3A_1646 = tpu.memref_squeeze %scatter3A_1645 : memref<1x128x64xf32, #tpu.memory_space<vmem>> -> memref<128x64xf32, #tpu.memory_space<vmem>>
          tpu.vector_store_idx %scatter3A_1646[%add3A_1521, %broadcast_in_dim3A_1641], %broadcast_in_dim3A_290 masked %eq3A_617 : memref<128x64xf32, #tpu.memory_space<vmem>>[vector<16xi32>, vector<16xi32>], vector<16xf32>, vector<16xi1>
          %broadcast_in_dim3A_1647 = arith.constant 18 : i32
          %broadcast_in_dim3A_1648 = vector.broadcast %broadcast_in_dim3A_1647 : i32 to vector<16xi32>
          %scatter3A_1649 = arith.constant 0 : i32
          %scatter3A_1650 = arith.constant 0 : i32
          %scatter3A_1651 = arith.constant 0 : i32
          %scatter3A_1652 = tpu.memref_slice %arg6[%scatter3A_1649, %scatter3A_1650, %scatter3A_1651] : memref<2x128x64xf32, #tpu.memory_space<vmem>> -> memref<1x128x64xf32, #tpu.memory_space<vmem>>
          %scatter3A_1653 = tpu.memref_squeeze %scatter3A_1652 : memref<1x128x64xf32, #tpu.memory_space<vmem>> -> memref<128x64xf32, #tpu.memory_space<vmem>>
          tpu.vector_store_idx %scatter3A_1653[%add3A_1521, %broadcast_in_dim3A_1648], %broadcast_in_dim3A_290 masked %eq3A_617 : memref<128x64xf32, #tpu.memory_space<vmem>>[vector<16xi32>, vector<16xi32>], vector<16xf32>, vector<16xi1>
          %broadcast_in_dim3A_1654 = arith.constant 19 : i32
          %broadcast_in_dim3A_1655 = vector.broadcast %broadcast_in_dim3A_1654 : i32 to vector<16xi32>
          %scatter3A_1656 = arith.constant 0 : i32
          %scatter3A_1657 = arith.constant 0 : i32
          %scatter3A_1658 = arith.constant 0 : i32
          %scatter3A_1659 = tpu.memref_slice %arg6[%scatter3A_1656, %scatter3A_1657, %scatter3A_1658] : memref<2x128x64xf32, #tpu.memory_space<vmem>> -> memref<1x128x64xf32, #tpu.memory_space<vmem>>
          %scatter3A_1660 = tpu.memref_squeeze %scatter3A_1659 : memref<1x128x64xf32, #tpu.memory_space<vmem>> -> memref<128x64xf32, #tpu.memory_space<vmem>>
          tpu.vector_store_idx %scatter3A_1660[%add3A_1521, %broadcast_in_dim3A_1655], %broadcast_in_dim3A_290 masked %eq3A_617 : memref<128x64xf32, #tpu.memory_space<vmem>>[vector<16xi32>, vector<16xi32>], vector<16xf32>, vector<16xi1>
          %broadcast_in_dim3A_1661 = arith.constant 20 : i32
          %broadcast_in_dim3A_1662 = vector.broadcast %broadcast_in_dim3A_1661 : i32 to vector<16xi32>
          %scatter3A_1663 = arith.constant 0 : i32
          %scatter3A_1664 = arith.constant 0 : i32
          %scatter3A_1665 = arith.constant 0 : i32
          %scatter3A_1666 = tpu.memref_slice %arg6[%scatter3A_1663, %scatter3A_1664, %scatter3A_1665] : memref<2x128x64xf32, #tpu.memory_space<vmem>> -> memref<1x128x64xf32, #tpu.memory_space<vmem>>
          %scatter3A_1667 = tpu.memref_squeeze %scatter3A_1666 : memref<1x128x64xf32, #tpu.memory_space<vmem>> -> memref<128x64xf32, #tpu.memory_space<vmem>>
          tpu.vector_store_idx %scatter3A_1667[%add3A_1521, %broadcast_in_dim3A_1662], %broadcast_in_dim3A_290 masked %eq3A_617 : memref<128x64xf32, #tpu.memory_space<vmem>>[vector<16xi32>, vector<16xi32>], vector<16xf32>, vector<16xi1>
          %broadcast_in_dim3A_1668 = arith.constant 21 : i32
          %broadcast_in_dim3A_1669 = vector.broadcast %broadcast_in_dim3A_1668 : i32 to vector<16xi32>
          %scatter3A_1670 = arith.constant 0 : i32
          %scatter3A_1671 = arith.constant 0 : i32
          %scatter3A_1672 = arith.constant 0 : i32
          %scatter3A_1673 = tpu.memref_slice %arg6[%scatter3A_1670, %scatter3A_1671, %scatter3A_1672] : memref<2x128x64xf32, #tpu.memory_space<vmem>> -> memref<1x128x64xf32, #tpu.memory_space<vmem>>
          %scatter3A_1674 = tpu.memref_squeeze %scatter3A_1673 : memref<1x128x64xf32, #tpu.memory_space<vmem>> -> memref<128x64xf32, #tpu.memory_space<vmem>>
          tpu.vector_store_idx %scatter3A_1674[%add3A_1521, %broadcast_in_dim3A_1669], %broadcast_in_dim3A_290 masked %eq3A_617 : memref<128x64xf32, #tpu.memory_space<vmem>>[vector<16xi32>, vector<16xi32>], vector<16xf32>, vector<16xi1>
          %broadcast_in_dim3A_1675 = arith.constant 22 : i32
          %broadcast_in_dim3A_1676 = vector.broadcast %broadcast_in_dim3A_1675 : i32 to vector<16xi32>
          %scatter3A_1677 = arith.constant 0 : i32
          %scatter3A_1678 = arith.constant 0 : i32
          %scatter3A_1679 = arith.constant 0 : i32
          %scatter3A_1680 = tpu.memref_slice %arg6[%scatter3A_1677, %scatter3A_1678, %scatter3A_1679] : memref<2x128x64xf32, #tpu.memory_space<vmem>> -> memref<1x128x64xf32, #tpu.memory_space<vmem>>
          %scatter3A_1681 = tpu.memref_squeeze %scatter3A_1680 : memref<1x128x64xf32, #tpu.memory_space<vmem>> -> memref<128x64xf32, #tpu.memory_space<vmem>>
          tpu.vector_store_idx %scatter3A_1681[%add3A_1521, %broadcast_in_dim3A_1676], %broadcast_in_dim3A_290 masked %eq3A_617 : memref<128x64xf32, #tpu.memory_space<vmem>>[vector<16xi32>, vector<16xi32>], vector<16xf32>, vector<16xi1>
          %broadcast_in_dim3A_1682 = arith.constant 23 : i32
          %broadcast_in_dim3A_1683 = vector.broadcast %broadcast_in_dim3A_1682 : i32 to vector<16xi32>
          %scatter3A_1684 = arith.constant 0 : i32
          %scatter3A_1685 = arith.constant 0 : i32
          %scatter3A_1686 = arith.constant 0 : i32
          %scatter3A_1687 = tpu.memref_slice %arg6[%scatter3A_1684, %scatter3A_1685, %scatter3A_1686] : memref<2x128x64xf32, #tpu.memory_space<vmem>> -> memref<1x128x64xf32, #tpu.memory_space<vmem>>
          %scatter3A_1688 = tpu.memref_squeeze %scatter3A_1687 : memref<1x128x64xf32, #tpu.memory_space<vmem>> -> memref<128x64xf32, #tpu.memory_space<vmem>>
          tpu.vector_store_idx %scatter3A_1688[%add3A_1521, %broadcast_in_dim3A_1683], %broadcast_in_dim3A_290 masked %eq3A_617 : memref<128x64xf32, #tpu.memory_space<vmem>>[vector<16xi32>, vector<16xi32>], vector<16xf32>, vector<16xi1>
          %broadcast_in_dim3A_1689 = arith.constant 24 : i32
          %broadcast_in_dim3A_1690 = vector.broadcast %broadcast_in_dim3A_1689 : i32 to vector<16xi32>
          %scatter3A_1691 = arith.constant 0 : i32
          %scatter3A_1692 = arith.constant 0 : i32
          %scatter3A_1693 = arith.constant 0 : i32
          %scatter3A_1694 = tpu.memref_slice %arg6[%scatter3A_1691, %scatter3A_1692, %scatter3A_1693] : memref<2x128x64xf32, #tpu.memory_space<vmem>> -> memref<1x128x64xf32, #tpu.memory_space<vmem>>
          %scatter3A_1695 = tpu.memref_squeeze %scatter3A_1694 : memref<1x128x64xf32, #tpu.memory_space<vmem>> -> memref<128x64xf32, #tpu.memory_space<vmem>>
          tpu.vector_store_idx %scatter3A_1695[%add3A_1521, %broadcast_in_dim3A_1690], %broadcast_in_dim3A_290 masked %eq3A_617 : memref<128x64xf32, #tpu.memory_space<vmem>>[vector<16xi32>, vector<16xi32>], vector<16xf32>, vector<16xi1>
          %broadcast_in_dim3A_1696 = arith.constant 25 : i32
          %broadcast_in_dim3A_1697 = vector.broadcast %broadcast_in_dim3A_1696 : i32 to vector<16xi32>
          %scatter3A_1698 = arith.constant 0 : i32
          %scatter3A_1699 = arith.constant 0 : i32
          %scatter3A_1700 = arith.constant 0 : i32
          %scatter3A_1701 = tpu.memref_slice %arg6[%scatter3A_1698, %scatter3A_1699, %scatter3A_1700] : memref<2x128x64xf32, #tpu.memory_space<vmem>> -> memref<1x128x64xf32, #tpu.memory_space<vmem>>
          %scatter3A_1702 = tpu.memref_squeeze %scatter3A_1701 : memref<1x128x64xf32, #tpu.memory_space<vmem>> -> memref<128x64xf32, #tpu.memory_space<vmem>>
          tpu.vector_store_idx %scatter3A_1702[%add3A_1521, %broadcast_in_dim3A_1697], %broadcast_in_dim3A_290 masked %eq3A_617 : memref<128x64xf32, #tpu.memory_space<vmem>>[vector<16xi32>, vector<16xi32>], vector<16xf32>, vector<16xi1>
          %broadcast_in_dim3A_1703 = arith.constant 26 : i32
          %broadcast_in_dim3A_1704 = vector.broadcast %broadcast_in_dim3A_1703 : i32 to vector<16xi32>
          %scatter3A_1705 = arith.constant 0 : i32
          %scatter3A_1706 = arith.constant 0 : i32
          %scatter3A_1707 = arith.constant 0 : i32
          %scatter3A_1708 = tpu.memref_slice %arg6[%scatter3A_1705, %scatter3A_1706, %scatter3A_1707] : memref<2x128x64xf32, #tpu.memory_space<vmem>> -> memref<1x128x64xf32, #tpu.memory_space<vmem>>
          %scatter3A_1709 = tpu.memref_squeeze %scatter3A_1708 : memref<1x128x64xf32, #tpu.memory_space<vmem>> -> memref<128x64xf32, #tpu.memory_space<vmem>>
          tpu.vector_store_idx %scatter3A_1709[%add3A_1521, %broadcast_in_dim3A_1704], %broadcast_in_dim3A_290 masked %eq3A_617 : memref<128x64xf32, #tpu.memory_space<vmem>>[vector<16xi32>, vector<16xi32>], vector<16xf32>, vector<16xi1>
          %broadcast_in_dim3A_1710 = arith.constant 27 : i32
          %broadcast_in_dim3A_1711 = vector.broadcast %broadcast_in_dim3A_1710 : i32 to vector<16xi32>
          %scatter3A_1712 = arith.constant 0 : i32
          %scatter3A_1713 = arith.constant 0 : i32
          %scatter3A_1714 = arith.constant 0 : i32
          %scatter3A_1715 = tpu.memref_slice %arg6[%scatter3A_1712, %scatter3A_1713, %scatter3A_1714] : memref<2x128x64xf32, #tpu.memory_space<vmem>> -> memref<1x128x64xf32, #tpu.memory_space<vmem>>
          %scatter3A_1716 = tpu.memref_squeeze %scatter3A_1715 : memref<1x128x64xf32, #tpu.memory_space<vmem>> -> memref<128x64xf32, #tpu.memory_space<vmem>>
          tpu.vector_store_idx %scatter3A_1716[%add3A_1521, %broadcast_in_dim3A_1711], %broadcast_in_dim3A_290 masked %eq3A_617 : memref<128x64xf32, #tpu.memory_space<vmem>>[vector<16xi32>, vector<16xi32>], vector<16xf32>, vector<16xi1>
          %broadcast_in_dim3A_1717 = arith.constant 28 : i32
          %broadcast_in_dim3A_1718 = vector.broadcast %broadcast_in_dim3A_1717 : i32 to vector<16xi32>
          %scatter3A_1719 = arith.constant 0 : i32
          %scatter3A_1720 = arith.constant 0 : i32
          %scatter3A_1721 = arith.constant 0 : i32
          %scatter3A_1722 = tpu.memref_slice %arg6[%scatter3A_1719, %scatter3A_1720, %scatter3A_1721] : memref<2x128x64xf32, #tpu.memory_space<vmem>> -> memref<1x128x64xf32, #tpu.memory_space<vmem>>
          %scatter3A_1723 = tpu.memref_squeeze %scatter3A_1722 : memref<1x128x64xf32, #tpu.memory_space<vmem>> -> memref<128x64xf32, #tpu.memory_space<vmem>>
          tpu.vector_store_idx %scatter3A_1723[%add3A_1521, %broadcast_in_dim3A_1718], %broadcast_in_dim3A_290 masked %eq3A_617 : memref<128x64xf32, #tpu.memory_space<vmem>>[vector<16xi32>, vector<16xi32>], vector<16xf32>, vector<16xi1>
          %broadcast_in_dim3A_1724 = arith.constant 29 : i32
          %broadcast_in_dim3A_1725 = vector.broadcast %broadcast_in_dim3A_1724 : i32 to vector<16xi32>
          %scatter3A_1726 = arith.constant 0 : i32
          %scatter3A_1727 = arith.constant 0 : i32
          %scatter3A_1728 = arith.constant 0 : i32
          %scatter3A_1729 = tpu.memref_slice %arg6[%scatter3A_1726, %scatter3A_1727, %scatter3A_1728] : memref<2x128x64xf32, #tpu.memory_space<vmem>> -> memref<1x128x64xf32, #tpu.memory_space<vmem>>
          %scatter3A_1730 = tpu.memref_squeeze %scatter3A_1729 : memref<1x128x64xf32, #tpu.memory_space<vmem>> -> memref<128x64xf32, #tpu.memory_space<vmem>>
          tpu.vector_store_idx %scatter3A_1730[%add3A_1521, %broadcast_in_dim3A_1725], %broadcast_in_dim3A_290 masked %eq3A_617 : memref<128x64xf32, #tpu.memory_space<vmem>>[vector<16xi32>, vector<16xi32>], vector<16xf32>, vector<16xi1>
          %broadcast_in_dim3A_1731 = arith.constant 30 : i32
          %broadcast_in_dim3A_1732 = vector.broadcast %broadcast_in_dim3A_1731 : i32 to vector<16xi32>
          %scatter3A_1733 = arith.constant 0 : i32
          %scatter3A_1734 = arith.constant 0 : i32
          %scatter3A_1735 = arith.constant 0 : i32
          %scatter3A_1736 = tpu.memref_slice %arg6[%scatter3A_1733, %scatter3A_1734, %scatter3A_1735] : memref<2x128x64xf32, #tpu.memory_space<vmem>> -> memref<1x128x64xf32, #tpu.memory_space<vmem>>
          %scatter3A_1737 = tpu.memref_squeeze %scatter3A_1736 : memref<1x128x64xf32, #tpu.memory_space<vmem>> -> memref<128x64xf32, #tpu.memory_space<vmem>>
          tpu.vector_store_idx %scatter3A_1737[%add3A_1521, %broadcast_in_dim3A_1732], %broadcast_in_dim3A_290 masked %eq3A_617 : memref<128x64xf32, #tpu.memory_space<vmem>>[vector<16xi32>, vector<16xi32>], vector<16xf32>, vector<16xi1>
          %broadcast_in_dim3A_1738 = arith.constant 31 : i32
          %broadcast_in_dim3A_1739 = vector.broadcast %broadcast_in_dim3A_1738 : i32 to vector<16xi32>
          %scatter3A_1740 = arith.constant 0 : i32
          %scatter3A_1741 = arith.constant 0 : i32
          %scatter3A_1742 = arith.constant 0 : i32
          %scatter3A_1743 = tpu.memref_slice %arg6[%scatter3A_1740, %scatter3A_1741, %scatter3A_1742] : memref<2x128x64xf32, #tpu.memory_space<vmem>> -> memref<1x128x64xf32, #tpu.memory_space<vmem>>
          %scatter3A_1744 = tpu.memref_squeeze %scatter3A_1743 : memref<1x128x64xf32, #tpu.memory_space<vmem>> -> memref<128x64xf32, #tpu.memory_space<vmem>>
          tpu.vector_store_idx %scatter3A_1744[%add3A_1521, %broadcast_in_dim3A_1739], %broadcast_in_dim3A_290 masked %eq3A_617 : memref<128x64xf32, #tpu.memory_space<vmem>>[vector<16xi32>, vector<16xi32>], vector<16xf32>, vector<16xi1>
          %broadcast_in_dim3A_1745 = arith.constant 32 : i32
          %broadcast_in_dim3A_1746 = vector.broadcast %broadcast_in_dim3A_1745 : i32 to vector<16xi32>
          %scatter3A_1747 = arith.constant 0 : i32
          %scatter3A_1748 = arith.constant 0 : i32
          %scatter3A_1749 = arith.constant 0 : i32
          %scatter3A_1750 = tpu.memref_slice %arg6[%scatter3A_1747, %scatter3A_1748, %scatter3A_1749] : memref<2x128x64xf32, #tpu.memory_space<vmem>> -> memref<1x128x64xf32, #tpu.memory_space<vmem>>
          %scatter3A_1751 = tpu.memref_squeeze %scatter3A_1750 : memref<1x128x64xf32, #tpu.memory_space<vmem>> -> memref<128x64xf32, #tpu.memory_space<vmem>>
          tpu.vector_store_idx %scatter3A_1751[%add3A_1521, %broadcast_in_dim3A_1746], %broadcast_in_dim3A_290 masked %eq3A_617 : memref<128x64xf32, #tpu.memory_space<vmem>>[vector<16xi32>, vector<16xi32>], vector<16xf32>, vector<16xi1>
          %broadcast_in_dim3A_1752 = arith.constant 33 : i32
          %broadcast_in_dim3A_1753 = vector.broadcast %broadcast_in_dim3A_1752 : i32 to vector<16xi32>
          %scatter3A_1754 = arith.constant 0 : i32
          %scatter3A_1755 = arith.constant 0 : i32
          %scatter3A_1756 = arith.constant 0 : i32
          %scatter3A_1757 = tpu.memref_slice %arg6[%scatter3A_1754, %scatter3A_1755, %scatter3A_1756] : memref<2x128x64xf32, #tpu.memory_space<vmem>> -> memref<1x128x64xf32, #tpu.memory_space<vmem>>
          %scatter3A_1758 = tpu.memref_squeeze %scatter3A_1757 : memref<1x128x64xf32, #tpu.memory_space<vmem>> -> memref<128x64xf32, #tpu.memory_space<vmem>>
          tpu.vector_store_idx %scatter3A_1758[%add3A_1521, %broadcast_in_dim3A_1753], %broadcast_in_dim3A_290 masked %eq3A_617 : memref<128x64xf32, #tpu.memory_space<vmem>>[vector<16xi32>, vector<16xi32>], vector<16xf32>, vector<16xi1>
          %broadcast_in_dim3A_1759 = arith.constant 34 : i32
          %broadcast_in_dim3A_1760 = vector.broadcast %broadcast_in_dim3A_1759 : i32 to vector<16xi32>
          %scatter3A_1761 = arith.constant 0 : i32
          %scatter3A_1762 = arith.constant 0 : i32
          %scatter3A_1763 = arith.constant 0 : i32
          %scatter3A_1764 = tpu.memref_slice %arg6[%scatter3A_1761, %scatter3A_1762, %scatter3A_1763] : memref<2x128x64xf32, #tpu.memory_space<vmem>> -> memref<1x128x64xf32, #tpu.memory_space<vmem>>
          %scatter3A_1765 = tpu.memref_squeeze %scatter3A_1764 : memref<1x128x64xf32, #tpu.memory_space<vmem>> -> memref<128x64xf32, #tpu.memory_space<vmem>>
          tpu.vector_store_idx %scatter3A_1765[%add3A_1521, %broadcast_in_dim3A_1760], %broadcast_in_dim3A_290 masked %eq3A_617 : memref<128x64xf32, #tpu.memory_space<vmem>>[vector<16xi32>, vector<16xi32>], vector<16xf32>, vector<16xi1>
          %broadcast_in_dim3A_1766 = arith.constant 35 : i32
          %broadcast_in_dim3A_1767 = vector.broadcast %broadcast_in_dim3A_1766 : i32 to vector<16xi32>
          %scatter3A_1768 = arith.constant 0 : i32
          %scatter3A_1769 = arith.constant 0 : i32
          %scatter3A_1770 = arith.constant 0 : i32
          %scatter3A_1771 = tpu.memref_slice %arg6[%scatter3A_1768, %scatter3A_1769, %scatter3A_1770] : memref<2x128x64xf32, #tpu.memory_space<vmem>> -> memref<1x128x64xf32, #tpu.memory_space<vmem>>
          %scatter3A_1772 = tpu.memref_squeeze %scatter3A_1771 : memref<1x128x64xf32, #tpu.memory_space<vmem>> -> memref<128x64xf32, #tpu.memory_space<vmem>>
          tpu.vector_store_idx %scatter3A_1772[%add3A_1521, %broadcast_in_dim3A_1767], %broadcast_in_dim3A_290 masked %eq3A_617 : memref<128x64xf32, #tpu.memory_space<vmem>>[vector<16xi32>, vector<16xi32>], vector<16xf32>, vector<16xi1>
          %broadcast_in_dim3A_1773 = arith.constant 36 : i32
          %broadcast_in_dim3A_1774 = vector.broadcast %broadcast_in_dim3A_1773 : i32 to vector<16xi32>
          %scatter3A_1775 = arith.constant 0 : i32
          %scatter3A_1776 = arith.constant 0 : i32
          %scatter3A_1777 = arith.constant 0 : i32
          %scatter3A_1778 = tpu.memref_slice %arg6[%scatter3A_1775, %scatter3A_1776, %scatter3A_1777] : memref<2x128x64xf32, #tpu.memory_space<vmem>> -> memref<1x128x64xf32, #tpu.memory_space<vmem>>
          %scatter3A_1779 = tpu.memref_squeeze %scatter3A_1778 : memref<1x128x64xf32, #tpu.memory_space<vmem>> -> memref<128x64xf32, #tpu.memory_space<vmem>>
          tpu.vector_store_idx %scatter3A_1779[%add3A_1521, %broadcast_in_dim3A_1774], %broadcast_in_dim3A_290 masked %eq3A_617 : memref<128x64xf32, #tpu.memory_space<vmem>>[vector<16xi32>, vector<16xi32>], vector<16xf32>, vector<16xi1>
          %broadcast_in_dim3A_1780 = arith.constant 37 : i32
          %broadcast_in_dim3A_1781 = vector.broadcast %broadcast_in_dim3A_1780 : i32 to vector<16xi32>
          %scatter3A_1782 = arith.constant 0 : i32
          %scatter3A_1783 = arith.constant 0 : i32
          %scatter3A_1784 = arith.constant 0 : i32
          %scatter3A_1785 = tpu.memref_slice %arg6[%scatter3A_1782, %scatter3A_1783, %scatter3A_1784] : memref<2x128x64xf32, #tpu.memory_space<vmem>> -> memref<1x128x64xf32, #tpu.memory_space<vmem>>
          %scatter3A_1786 = tpu.memref_squeeze %scatter3A_1785 : memref<1x128x64xf32, #tpu.memory_space<vmem>> -> memref<128x64xf32, #tpu.memory_space<vmem>>
          tpu.vector_store_idx %scatter3A_1786[%add3A_1521, %broadcast_in_dim3A_1781], %broadcast_in_dim3A_290 masked %eq3A_617 : memref<128x64xf32, #tpu.memory_space<vmem>>[vector<16xi32>, vector<16xi32>], vector<16xf32>, vector<16xi1>
          %broadcast_in_dim3A_1787 = arith.constant 38 : i32
          %broadcast_in_dim3A_1788 = vector.broadcast %broadcast_in_dim3A_1787 : i32 to vector<16xi32>
          %scatter3A_1789 = arith.constant 0 : i32
          %scatter3A_1790 = arith.constant 0 : i32
          %scatter3A_1791 = arith.constant 0 : i32
          %scatter3A_1792 = tpu.memref_slice %arg6[%scatter3A_1789, %scatter3A_1790, %scatter3A_1791] : memref<2x128x64xf32, #tpu.memory_space<vmem>> -> memref<1x128x64xf32, #tpu.memory_space<vmem>>
          %scatter3A_1793 = tpu.memref_squeeze %scatter3A_1792 : memref<1x128x64xf32, #tpu.memory_space<vmem>> -> memref<128x64xf32, #tpu.memory_space<vmem>>
          tpu.vector_store_idx %scatter3A_1793[%add3A_1521, %broadcast_in_dim3A_1788], %broadcast_in_dim3A_290 masked %eq3A_617 : memref<128x64xf32, #tpu.memory_space<vmem>>[vector<16xi32>, vector<16xi32>], vector<16xf32>, vector<16xi1>
          %broadcast_in_dim3A_1794 = arith.constant 39 : i32
          %broadcast_in_dim3A_1795 = vector.broadcast %broadcast_in_dim3A_1794 : i32 to vector<16xi32>
          %scatter3A_1796 = arith.constant 0 : i32
          %scatter3A_1797 = arith.constant 0 : i32
          %scatter3A_1798 = arith.constant 0 : i32
          %scatter3A_1799 = tpu.memref_slice %arg6[%scatter3A_1796, %scatter3A_1797, %scatter3A_1798] : memref<2x128x64xf32, #tpu.memory_space<vmem>> -> memref<1x128x64xf32, #tpu.memory_space<vmem>>
          %scatter3A_1800 = tpu.memref_squeeze %scatter3A_1799 : memref<1x128x64xf32, #tpu.memory_space<vmem>> -> memref<128x64xf32, #tpu.memory_space<vmem>>
          tpu.vector_store_idx %scatter3A_1800[%add3A_1521, %broadcast_in_dim3A_1795], %broadcast_in_dim3A_290 masked %eq3A_617 : memref<128x64xf32, #tpu.memory_space<vmem>>[vector<16xi32>, vector<16xi32>], vector<16xf32>, vector<16xi1>
          %broadcast_in_dim3A_1801 = arith.constant 40 : i32
          %broadcast_in_dim3A_1802 = vector.broadcast %broadcast_in_dim3A_1801 : i32 to vector<16xi32>
          %scatter3A_1803 = arith.constant 0 : i32
          %scatter3A_1804 = arith.constant 0 : i32
          %scatter3A_1805 = arith.constant 0 : i32
          %scatter3A_1806 = tpu.memref_slice %arg6[%scatter3A_1803, %scatter3A_1804, %scatter3A_1805] : memref<2x128x64xf32, #tpu.memory_space<vmem>> -> memref<1x128x64xf32, #tpu.memory_space<vmem>>
          %scatter3A_1807 = tpu.memref_squeeze %scatter3A_1806 : memref<1x128x64xf32, #tpu.memory_space<vmem>> -> memref<128x64xf32, #tpu.memory_space<vmem>>
          tpu.vector_store_idx %scatter3A_1807[%add3A_1521, %broadcast_in_dim3A_1802], %broadcast_in_dim3A_290 masked %eq3A_617 : memref<128x64xf32, #tpu.memory_space<vmem>>[vector<16xi32>, vector<16xi32>], vector<16xf32>, vector<16xi1>
          %broadcast_in_dim3A_1808 = arith.constant 41 : i32
          %broadcast_in_dim3A_1809 = vector.broadcast %broadcast_in_dim3A_1808 : i32 to vector<16xi32>
          %scatter3A_1810 = arith.constant 0 : i32
          %scatter3A_1811 = arith.constant 0 : i32
          %scatter3A_1812 = arith.constant 0 : i32
          %scatter3A_1813 = tpu.memref_slice %arg6[%scatter3A_1810, %scatter3A_1811, %scatter3A_1812] : memref<2x128x64xf32, #tpu.memory_space<vmem>> -> memref<1x128x64xf32, #tpu.memory_space<vmem>>
          %scatter3A_1814 = tpu.memref_squeeze %scatter3A_1813 : memref<1x128x64xf32, #tpu.memory_space<vmem>> -> memref<128x64xf32, #tpu.memory_space<vmem>>
          tpu.vector_store_idx %scatter3A_1814[%add3A_1521, %broadcast_in_dim3A_1809], %broadcast_in_dim3A_290 masked %eq3A_617 : memref<128x64xf32, #tpu.memory_space<vmem>>[vector<16xi32>, vector<16xi32>], vector<16xf32>, vector<16xi1>
          %broadcast_in_dim3A_1815 = arith.constant 42 : i32
          %broadcast_in_dim3A_1816 = vector.broadcast %broadcast_in_dim3A_1815 : i32 to vector<16xi32>
          %scatter3A_1817 = arith.constant 0 : i32
          %scatter3A_1818 = arith.constant 0 : i32
          %scatter3A_1819 = arith.constant 0 : i32
          %scatter3A_1820 = tpu.memref_slice %arg6[%scatter3A_1817, %scatter3A_1818, %scatter3A_1819] : memref<2x128x64xf32, #tpu.memory_space<vmem>> -> memref<1x128x64xf32, #tpu.memory_space<vmem>>
          %scatter3A_1821 = tpu.memref_squeeze %scatter3A_1820 : memref<1x128x64xf32, #tpu.memory_space<vmem>> -> memref<128x64xf32, #tpu.memory_space<vmem>>
          tpu.vector_store_idx %scatter3A_1821[%add3A_1521, %broadcast_in_dim3A_1816], %broadcast_in_dim3A_290 masked %eq3A_617 : memref<128x64xf32, #tpu.memory_space<vmem>>[vector<16xi32>, vector<16xi32>], vector<16xf32>, vector<16xi1>
          %broadcast_in_dim3A_1822 = arith.constant 43 : i32
          %broadcast_in_dim3A_1823 = vector.broadcast %broadcast_in_dim3A_1822 : i32 to vector<16xi32>
          %scatter3A_1824 = arith.constant 0 : i32
          %scatter3A_1825 = arith.constant 0 : i32
          %scatter3A_1826 = arith.constant 0 : i32
          %scatter3A_1827 = tpu.memref_slice %arg6[%scatter3A_1824, %scatter3A_1825, %scatter3A_1826] : memref<2x128x64xf32, #tpu.memory_space<vmem>> -> memref<1x128x64xf32, #tpu.memory_space<vmem>>
          %scatter3A_1828 = tpu.memref_squeeze %scatter3A_1827 : memref<1x128x64xf32, #tpu.memory_space<vmem>> -> memref<128x64xf32, #tpu.memory_space<vmem>>
          tpu.vector_store_idx %scatter3A_1828[%add3A_1521, %broadcast_in_dim3A_1823], %broadcast_in_dim3A_290 masked %eq3A_617 : memref<128x64xf32, #tpu.memory_space<vmem>>[vector<16xi32>, vector<16xi32>], vector<16xf32>, vector<16xi1>
          %broadcast_in_dim3A_1829 = arith.constant 44 : i32
          %broadcast_in_dim3A_1830 = vector.broadcast %broadcast_in_dim3A_1829 : i32 to vector<16xi32>
          %scatter3A_1831 = arith.constant 0 : i32
          %scatter3A_1832 = arith.constant 0 : i32
          %scatter3A_1833 = arith.constant 0 : i32
          %scatter3A_1834 = tpu.memref_slice %arg6[%scatter3A_1831, %scatter3A_1832, %scatter3A_1833] : memref<2x128x64xf32, #tpu.memory_space<vmem>> -> memref<1x128x64xf32, #tpu.memory_space<vmem>>
          %scatter3A_1835 = tpu.memref_squeeze %scatter3A_1834 : memref<1x128x64xf32, #tpu.memory_space<vmem>> -> memref<128x64xf32, #tpu.memory_space<vmem>>
          tpu.vector_store_idx %scatter3A_1835[%add3A_1521, %broadcast_in_dim3A_1830], %broadcast_in_dim3A_290 masked %eq3A_617 : memref<128x64xf32, #tpu.memory_space<vmem>>[vector<16xi32>, vector<16xi32>], vector<16xf32>, vector<16xi1>
          %broadcast_in_dim3A_1836 = arith.constant 45 : i32
          %broadcast_in_dim3A_1837 = vector.broadcast %broadcast_in_dim3A_1836 : i32 to vector<16xi32>
          %scatter3A_1838 = arith.constant 0 : i32
          %scatter3A_1839 = arith.constant 0 : i32
          %scatter3A_1840 = arith.constant 0 : i32
          %scatter3A_1841 = tpu.memref_slice %arg6[%scatter3A_1838, %scatter3A_1839, %scatter3A_1840] : memref<2x128x64xf32, #tpu.memory_space<vmem>> -> memref<1x128x64xf32, #tpu.memory_space<vmem>>
          %scatter3A_1842 = tpu.memref_squeeze %scatter3A_1841 : memref<1x128x64xf32, #tpu.memory_space<vmem>> -> memref<128x64xf32, #tpu.memory_space<vmem>>
          tpu.vector_store_idx %scatter3A_1842[%add3A_1521, %broadcast_in_dim3A_1837], %broadcast_in_dim3A_290 masked %eq3A_617 : memref<128x64xf32, #tpu.memory_space<vmem>>[vector<16xi32>, vector<16xi32>], vector<16xf32>, vector<16xi1>
          %broadcast_in_dim3A_1843 = arith.constant 46 : i32
          %broadcast_in_dim3A_1844 = vector.broadcast %broadcast_in_dim3A_1843 : i32 to vector<16xi32>
          %scatter3A_1845 = arith.constant 0 : i32
          %scatter3A_1846 = arith.constant 0 : i32
          %scatter3A_1847 = arith.constant 0 : i32
          %scatter3A_1848 = tpu.memref_slice %arg6[%scatter3A_1845, %scatter3A_1846, %scatter3A_1847] : memref<2x128x64xf32, #tpu.memory_space<vmem>> -> memref<1x128x64xf32, #tpu.memory_space<vmem>>
          %scatter3A_1849 = tpu.memref_squeeze %scatter3A_1848 : memref<1x128x64xf32, #tpu.memory_space<vmem>> -> memref<128x64xf32, #tpu.memory_space<vmem>>
          tpu.vector_store_idx %scatter3A_1849[%add3A_1521, %broadcast_in_dim3A_1844], %broadcast_in_dim3A_290 masked %eq3A_617 : memref<128x64xf32, #tpu.memory_space<vmem>>[vector<16xi32>, vector<16xi32>], vector<16xf32>, vector<16xi1>
          %broadcast_in_dim3A_1850 = arith.constant 47 : i32
          %broadcast_in_dim3A_1851 = vector.broadcast %broadcast_in_dim3A_1850 : i32 to vector<16xi32>
          %scatter3A_1852 = arith.constant 0 : i32
          %scatter3A_1853 = arith.constant 0 : i32
          %scatter3A_1854 = arith.constant 0 : i32
          %scatter3A_1855 = tpu.memref_slice %arg6[%scatter3A_1852, %scatter3A_1853, %scatter3A_1854] : memref<2x128x64xf32, #tpu.memory_space<vmem>> -> memref<1x128x64xf32, #tpu.memory_space<vmem>>
          %scatter3A_1856 = tpu.memref_squeeze %scatter3A_1855 : memref<1x128x64xf32, #tpu.memory_space<vmem>> -> memref<128x64xf32, #tpu.memory_space<vmem>>
          tpu.vector_store_idx %scatter3A_1856[%add3A_1521, %broadcast_in_dim3A_1851], %broadcast_in_dim3A_290 masked %eq3A_617 : memref<128x64xf32, #tpu.memory_space<vmem>>[vector<16xi32>, vector<16xi32>], vector<16xf32>, vector<16xi1>
          %broadcast_in_dim3A_1857 = arith.constant 48 : i32
          %broadcast_in_dim3A_1858 = vector.broadcast %broadcast_in_dim3A_1857 : i32 to vector<16xi32>
          %scatter3A_1859 = arith.constant 0 : i32
          %scatter3A_1860 = arith.constant 0 : i32
          %scatter3A_1861 = arith.constant 0 : i32
          %scatter3A_1862 = tpu.memref_slice %arg6[%scatter3A_1859, %scatter3A_1860, %scatter3A_1861] : memref<2x128x64xf32, #tpu.memory_space<vmem>> -> memref<1x128x64xf32, #tpu.memory_space<vmem>>
          %scatter3A_1863 = tpu.memref_squeeze %scatter3A_1862 : memref<1x128x64xf32, #tpu.memory_space<vmem>> -> memref<128x64xf32, #tpu.memory_space<vmem>>
          tpu.vector_store_idx %scatter3A_1863[%add3A_1521, %broadcast_in_dim3A_1858], %broadcast_in_dim3A_290 masked %eq3A_617 : memref<128x64xf32, #tpu.memory_space<vmem>>[vector<16xi32>, vector<16xi32>], vector<16xf32>, vector<16xi1>
          %broadcast_in_dim3A_1864 = arith.constant 49 : i32
          %broadcast_in_dim3A_1865 = vector.broadcast %broadcast_in_dim3A_1864 : i32 to vector<16xi32>
          %scatter3A_1866 = arith.constant 0 : i32
          %scatter3A_1867 = arith.constant 0 : i32
          %scatter3A_1868 = arith.constant 0 : i32
          %scatter3A_1869 = tpu.memref_slice %arg6[%scatter3A_1866, %scatter3A_1867, %scatter3A_1868] : memref<2x128x64xf32, #tpu.memory_space<vmem>> -> memref<1x128x64xf32, #tpu.memory_space<vmem>>
          %scatter3A_1870 = tpu.memref_squeeze %scatter3A_1869 : memref<1x128x64xf32, #tpu.memory_space<vmem>> -> memref<128x64xf32, #tpu.memory_space<vmem>>
          tpu.vector_store_idx %scatter3A_1870[%add3A_1521, %broadcast_in_dim3A_1865], %broadcast_in_dim3A_290 masked %eq3A_617 : memref<128x64xf32, #tpu.memory_space<vmem>>[vector<16xi32>, vector<16xi32>], vector<16xf32>, vector<16xi1>
          %broadcast_in_dim3A_1871 = arith.constant 50 : i32
          %broadcast_in_dim3A_1872 = vector.broadcast %broadcast_in_dim3A_1871 : i32 to vector<16xi32>
          %scatter3A_1873 = arith.constant 0 : i32
          %scatter3A_1874 = arith.constant 0 : i32
          %scatter3A_1875 = arith.constant 0 : i32
          %scatter3A_1876 = tpu.memref_slice %arg6[%scatter3A_1873, %scatter3A_1874, %scatter3A_1875] : memref<2x128x64xf32, #tpu.memory_space<vmem>> -> memref<1x128x64xf32, #tpu.memory_space<vmem>>
          %scatter3A_1877 = tpu.memref_squeeze %scatter3A_1876 : memref<1x128x64xf32, #tpu.memory_space<vmem>> -> memref<128x64xf32, #tpu.memory_space<vmem>>
          tpu.vector_store_idx %scatter3A_1877[%add3A_1521, %broadcast_in_dim3A_1872], %broadcast_in_dim3A_290 masked %eq3A_617 : memref<128x64xf32, #tpu.memory_space<vmem>>[vector<16xi32>, vector<16xi32>], vector<16xf32>, vector<16xi1>
          %broadcast_in_dim3A_1878 = arith.constant 51 : i32
          %broadcast_in_dim3A_1879 = vector.broadcast %broadcast_in_dim3A_1878 : i32 to vector<16xi32>
          %scatter3A_1880 = arith.constant 0 : i32
          %scatter3A_1881 = arith.constant 0 : i32
          %scatter3A_1882 = arith.constant 0 : i32
          %scatter3A_1883 = tpu.memref_slice %arg6[%scatter3A_1880, %scatter3A_1881, %scatter3A_1882] : memref<2x128x64xf32, #tpu.memory_space<vmem>> -> memref<1x128x64xf32, #tpu.memory_space<vmem>>
          %scatter3A_1884 = tpu.memref_squeeze %scatter3A_1883 : memref<1x128x64xf32, #tpu.memory_space<vmem>> -> memref<128x64xf32, #tpu.memory_space<vmem>>
          tpu.vector_store_idx %scatter3A_1884[%add3A_1521, %broadcast_in_dim3A_1879], %broadcast_in_dim3A_290 masked %eq3A_617 : memref<128x64xf32, #tpu.memory_space<vmem>>[vector<16xi32>, vector<16xi32>], vector<16xf32>, vector<16xi1>
          %broadcast_in_dim3A_1885 = arith.constant 52 : i32
          %broadcast_in_dim3A_1886 = vector.broadcast %broadcast_in_dim3A_1885 : i32 to vector<16xi32>
          %scatter3A_1887 = arith.constant 0 : i32
          %scatter3A_1888 = arith.constant 0 : i32
          %scatter3A_1889 = arith.constant 0 : i32
          %scatter3A_1890 = tpu.memref_slice %arg6[%scatter3A_1887, %scatter3A_1888, %scatter3A_1889] : memref<2x128x64xf32, #tpu.memory_space<vmem>> -> memref<1x128x64xf32, #tpu.memory_space<vmem>>
          %scatter3A_1891 = tpu.memref_squeeze %scatter3A_1890 : memref<1x128x64xf32, #tpu.memory_space<vmem>> -> memref<128x64xf32, #tpu.memory_space<vmem>>
          tpu.vector_store_idx %scatter3A_1891[%add3A_1521, %broadcast_in_dim3A_1886], %broadcast_in_dim3A_290 masked %eq3A_617 : memref<128x64xf32, #tpu.memory_space<vmem>>[vector<16xi32>, vector<16xi32>], vector<16xf32>, vector<16xi1>
          %broadcast_in_dim3A_1892 = arith.constant 53 : i32
          %broadcast_in_dim3A_1893 = vector.broadcast %broadcast_in_dim3A_1892 : i32 to vector<16xi32>
          %scatter3A_1894 = arith.constant 0 : i32
          %scatter3A_1895 = arith.constant 0 : i32
          %scatter3A_1896 = arith.constant 0 : i32
          %scatter3A_1897 = tpu.memref_slice %arg6[%scatter3A_1894, %scatter3A_1895, %scatter3A_1896] : memref<2x128x64xf32, #tpu.memory_space<vmem>> -> memref<1x128x64xf32, #tpu.memory_space<vmem>>
          %scatter3A_1898 = tpu.memref_squeeze %scatter3A_1897 : memref<1x128x64xf32, #tpu.memory_space<vmem>> -> memref<128x64xf32, #tpu.memory_space<vmem>>
          tpu.vector_store_idx %scatter3A_1898[%add3A_1521, %broadcast_in_dim3A_1893], %broadcast_in_dim3A_290 masked %eq3A_617 : memref<128x64xf32, #tpu.memory_space<vmem>>[vector<16xi32>, vector<16xi32>], vector<16xf32>, vector<16xi1>
          %broadcast_in_dim3A_1899 = arith.constant 54 : i32
          %broadcast_in_dim3A_1900 = vector.broadcast %broadcast_in_dim3A_1899 : i32 to vector<16xi32>
          %scatter3A_1901 = arith.constant 0 : i32
          %scatter3A_1902 = arith.constant 0 : i32
          %scatter3A_1903 = arith.constant 0 : i32
          %scatter3A_1904 = tpu.memref_slice %arg6[%scatter3A_1901, %scatter3A_1902, %scatter3A_1903] : memref<2x128x64xf32, #tpu.memory_space<vmem>> -> memref<1x128x64xf32, #tpu.memory_space<vmem>>
          %scatter3A_1905 = tpu.memref_squeeze %scatter3A_1904 : memref<1x128x64xf32, #tpu.memory_space<vmem>> -> memref<128x64xf32, #tpu.memory_space<vmem>>
          tpu.vector_store_idx %scatter3A_1905[%add3A_1521, %broadcast_in_dim3A_1900], %broadcast_in_dim3A_290 masked %eq3A_617 : memref<128x64xf32, #tpu.memory_space<vmem>>[vector<16xi32>, vector<16xi32>], vector<16xf32>, vector<16xi1>
          %broadcast_in_dim3A_1906 = arith.constant 55 : i32
          %broadcast_in_dim3A_1907 = vector.broadcast %broadcast_in_dim3A_1906 : i32 to vector<16xi32>
          %scatter3A_1908 = arith.constant 0 : i32
          %scatter3A_1909 = arith.constant 0 : i32
          %scatter3A_1910 = arith.constant 0 : i32
          %scatter3A_1911 = tpu.memref_slice %arg6[%scatter3A_1908, %scatter3A_1909, %scatter3A_1910] : memref<2x128x64xf32, #tpu.memory_space<vmem>> -> memref<1x128x64xf32, #tpu.memory_space<vmem>>
          %scatter3A_1912 = tpu.memref_squeeze %scatter3A_1911 : memref<1x128x64xf32, #tpu.memory_space<vmem>> -> memref<128x64xf32, #tpu.memory_space<vmem>>
          tpu.vector_store_idx %scatter3A_1912[%add3A_1521, %broadcast_in_dim3A_1907], %broadcast_in_dim3A_290 masked %eq3A_617 : memref<128x64xf32, #tpu.memory_space<vmem>>[vector<16xi32>, vector<16xi32>], vector<16xf32>, vector<16xi1>
          %broadcast_in_dim3A_1913 = arith.constant 56 : i32
          %broadcast_in_dim3A_1914 = vector.broadcast %broadcast_in_dim3A_1913 : i32 to vector<16xi32>
          %scatter3A_1915 = arith.constant 0 : i32
          %scatter3A_1916 = arith.constant 0 : i32
          %scatter3A_1917 = arith.constant 0 : i32
          %scatter3A_1918 = tpu.memref_slice %arg6[%scatter3A_1915, %scatter3A_1916, %scatter3A_1917] : memref<2x128x64xf32, #tpu.memory_space<vmem>> -> memref<1x128x64xf32, #tpu.memory_space<vmem>>
          %scatter3A_1919 = tpu.memref_squeeze %scatter3A_1918 : memref<1x128x64xf32, #tpu.memory_space<vmem>> -> memref<128x64xf32, #tpu.memory_space<vmem>>
          tpu.vector_store_idx %scatter3A_1919[%add3A_1521, %broadcast_in_dim3A_1914], %broadcast_in_dim3A_290 masked %eq3A_617 : memref<128x64xf32, #tpu.memory_space<vmem>>[vector<16xi32>, vector<16xi32>], vector<16xf32>, vector<16xi1>
          %broadcast_in_dim3A_1920 = arith.constant 57 : i32
          %broadcast_in_dim3A_1921 = vector.broadcast %broadcast_in_dim3A_1920 : i32 to vector<16xi32>
          %scatter3A_1922 = arith.constant 0 : i32
          %scatter3A_1923 = arith.constant 0 : i32
          %scatter3A_1924 = arith.constant 0 : i32
          %scatter3A_1925 = tpu.memref_slice %arg6[%scatter3A_1922, %scatter3A_1923, %scatter3A_1924] : memref<2x128x64xf32, #tpu.memory_space<vmem>> -> memref<1x128x64xf32, #tpu.memory_space<vmem>>
          %scatter3A_1926 = tpu.memref_squeeze %scatter3A_1925 : memref<1x128x64xf32, #tpu.memory_space<vmem>> -> memref<128x64xf32, #tpu.memory_space<vmem>>
          tpu.vector_store_idx %scatter3A_1926[%add3A_1521, %broadcast_in_dim3A_1921], %broadcast_in_dim3A_290 masked %eq3A_617 : memref<128x64xf32, #tpu.memory_space<vmem>>[vector<16xi32>, vector<16xi32>], vector<16xf32>, vector<16xi1>
          %broadcast_in_dim3A_1927 = arith.constant 58 : i32
          %broadcast_in_dim3A_1928 = vector.broadcast %broadcast_in_dim3A_1927 : i32 to vector<16xi32>
          %scatter3A_1929 = arith.constant 0 : i32
          %scatter3A_1930 = arith.constant 0 : i32
          %scatter3A_1931 = arith.constant 0 : i32
          %scatter3A_1932 = tpu.memref_slice %arg6[%scatter3A_1929, %scatter3A_1930, %scatter3A_1931] : memref<2x128x64xf32, #tpu.memory_space<vmem>> -> memref<1x128x64xf32, #tpu.memory_space<vmem>>
          %scatter3A_1933 = tpu.memref_squeeze %scatter3A_1932 : memref<1x128x64xf32, #tpu.memory_space<vmem>> -> memref<128x64xf32, #tpu.memory_space<vmem>>
          tpu.vector_store_idx %scatter3A_1933[%add3A_1521, %broadcast_in_dim3A_1928], %broadcast_in_dim3A_290 masked %eq3A_617 : memref<128x64xf32, #tpu.memory_space<vmem>>[vector<16xi32>, vector<16xi32>], vector<16xf32>, vector<16xi1>
          %broadcast_in_dim3A_1934 = arith.constant 59 : i32
          %broadcast_in_dim3A_1935 = vector.broadcast %broadcast_in_dim3A_1934 : i32 to vector<16xi32>
          %scatter3A_1936 = arith.constant 0 : i32
          %scatter3A_1937 = arith.constant 0 : i32
          %scatter3A_1938 = arith.constant 0 : i32
          %scatter3A_1939 = tpu.memref_slice %arg6[%scatter3A_1936, %scatter3A_1937, %scatter3A_1938] : memref<2x128x64xf32, #tpu.memory_space<vmem>> -> memref<1x128x64xf32, #tpu.memory_space<vmem>>
          %scatter3A_1940 = tpu.memref_squeeze %scatter3A_1939 : memref<1x128x64xf32, #tpu.memory_space<vmem>> -> memref<128x64xf32, #tpu.memory_space<vmem>>
          tpu.vector_store_idx %scatter3A_1940[%add3A_1521, %broadcast_in_dim3A_1935], %broadcast_in_dim3A_290 masked %eq3A_617 : memref<128x64xf32, #tpu.memory_space<vmem>>[vector<16xi32>, vector<16xi32>], vector<16xf32>, vector<16xi1>
          %broadcast_in_dim3A_1941 = arith.constant 60 : i32
          %broadcast_in_dim3A_1942 = vector.broadcast %broadcast_in_dim3A_1941 : i32 to vector<16xi32>
          %scatter3A_1943 = arith.constant 0 : i32
          %scatter3A_1944 = arith.constant 0 : i32
          %scatter3A_1945 = arith.constant 0 : i32
          %scatter3A_1946 = tpu.memref_slice %arg6[%scatter3A_1943, %scatter3A_1944, %scatter3A_1945] : memref<2x128x64xf32, #tpu.memory_space<vmem>> -> memref<1x128x64xf32, #tpu.memory_space<vmem>>
          %scatter3A_1947 = tpu.memref_squeeze %scatter3A_1946 : memref<1x128x64xf32, #tpu.memory_space<vmem>> -> memref<128x64xf32, #tpu.memory_space<vmem>>
          tpu.vector_store_idx %scatter3A_1947[%add3A_1521, %broadcast_in_dim3A_1942], %broadcast_in_dim3A_290 masked %eq3A_617 : memref<128x64xf32, #tpu.memory_space<vmem>>[vector<16xi32>, vector<16xi32>], vector<16xf32>, vector<16xi1>
          %broadcast_in_dim3A_1948 = arith.constant 61 : i32
          %broadcast_in_dim3A_1949 = vector.broadcast %broadcast_in_dim3A_1948 : i32 to vector<16xi32>
          %scatter3A_1950 = arith.constant 0 : i32
          %scatter3A_1951 = arith.constant 0 : i32
          %scatter3A_1952 = arith.constant 0 : i32
          %scatter3A_1953 = tpu.memref_slice %arg6[%scatter3A_1950, %scatter3A_1951, %scatter3A_1952] : memref<2x128x64xf32, #tpu.memory_space<vmem>> -> memref<1x128x64xf32, #tpu.memory_space<vmem>>
          %scatter3A_1954 = tpu.memref_squeeze %scatter3A_1953 : memref<1x128x64xf32, #tpu.memory_space<vmem>> -> memref<128x64xf32, #tpu.memory_space<vmem>>
          tpu.vector_store_idx %scatter3A_1954[%add3A_1521, %broadcast_in_dim3A_1949], %broadcast_in_dim3A_290 masked %eq3A_617 : memref<128x64xf32, #tpu.memory_space<vmem>>[vector<16xi32>, vector<16xi32>], vector<16xf32>, vector<16xi1>
          %broadcast_in_dim3A_1955 = arith.constant 62 : i32
          %broadcast_in_dim3A_1956 = vector.broadcast %broadcast_in_dim3A_1955 : i32 to vector<16xi32>
          %scatter3A_1957 = arith.constant 0 : i32
          %scatter3A_1958 = arith.constant 0 : i32
          %scatter3A_1959 = arith.constant 0 : i32
          %scatter3A_1960 = tpu.memref_slice %arg6[%scatter3A_1957, %scatter3A_1958, %scatter3A_1959] : memref<2x128x64xf32, #tpu.memory_space<vmem>> -> memref<1x128x64xf32, #tpu.memory_space<vmem>>
          %scatter3A_1961 = tpu.memref_squeeze %scatter3A_1960 : memref<1x128x64xf32, #tpu.memory_space<vmem>> -> memref<128x64xf32, #tpu.memory_space<vmem>>
          tpu.vector_store_idx %scatter3A_1961[%add3A_1521, %broadcast_in_dim3A_1956], %broadcast_in_dim3A_290 masked %eq3A_617 : memref<128x64xf32, #tpu.memory_space<vmem>>[vector<16xi32>, vector<16xi32>], vector<16xf32>, vector<16xi1>
          %broadcast_in_dim3A_1962 = arith.constant 63 : i32
          %broadcast_in_dim3A_1963 = vector.broadcast %broadcast_in_dim3A_1962 : i32 to vector<16xi32>
          %scatter3A_1964 = arith.constant 0 : i32
          %scatter3A_1965 = arith.constant 0 : i32
          %scatter3A_1966 = arith.constant 0 : i32
          %scatter3A_1967 = tpu.memref_slice %arg6[%scatter3A_1964, %scatter3A_1965, %scatter3A_1966] : memref<2x128x64xf32, #tpu.memory_space<vmem>> -> memref<1x128x64xf32, #tpu.memory_space<vmem>>
          %scatter3A_1968 = tpu.memref_squeeze %scatter3A_1967 : memref<1x128x64xf32, #tpu.memory_space<vmem>> -> memref<128x64xf32, #tpu.memory_space<vmem>>
          tpu.vector_store_idx %scatter3A_1968[%add3A_1521, %broadcast_in_dim3A_1963], %broadcast_in_dim3A_290 masked %eq3A_617 : memref<128x64xf32, #tpu.memory_space<vmem>>[vector<16xi32>, vector<16xi32>], vector<16xf32>, vector<16xi1>
        } else {
        }
        %mul3A_623 = arith.constant 16 : i32
        %mul3A_624 = arith.muli %scan3A_611, %mul3A_623 : i32
        %add3A_625 = arith.constant 0 : i32
        %add3A_626 = arith.addi %mul3A_624, %add3A_625 : i32
        %get3A_627 = arith.constant 0 : i32
        %get3A_628 = arith.index_cast %get3A_627 : i32 to index
        %get3A_629 = arith.index_cast %add3A_626 : i32 to index
        %get3A_630 = arith.constant 0 : index
        %get3A_631 = tpu.vector_load %arg6[%get3A_628, %get3A_629, %get3A_630] {strides = array<i32>} : memref<2x128x64xf32, #tpu.memory_space<vmem>>, vector<16xf32>,
        %mul3A_632 = arith.constant 64 : i32
        %mul3A_633 = arith.muli %add3A_626, %mul3A_632 : i32
        %add3A_634 = arith.constant 0 : i32
        %add3A_635 = arith.addi %mul3A_633, %add3A_634 : i32
        %swap3A = arith.constant 0 : i32
        %swap3A_636 = arith.index_cast %swap3A : i32 to index
        %swap3A_637 = arith.index_cast %add3A_635 : i32 to index
        %swap3A_638 = tpu.vector_load %arg7[%swap3A_636, %swap3A_637] {strides = array<i32>} : memref<2x8192xf32, #tpu.memory_space<vmem>>, vector<16xf32>,
        tpu.vector_store %arg7[%swap3A_636, %swap3A_637], %get3A_631 {strides = array<i32>} : memref<2x8192xf32, #tpu.memory_space<vmem>>, vector<16xf32>,
        %get3A_639 = arith.constant 0 : i32
        %get3A_640 = arith.index_cast %get3A_639 : i32 to index
        %get3A_641 = arith.index_cast %add3A_626 : i32 to index
        %get3A_642 = arith.constant 16 : index
        %get3A_643 = tpu.vector_load %arg6[%get3A_640, %get3A_641, %get3A_642] {strides = array<i32>} : memref<2x128x64xf32, #tpu.memory_space<vmem>>, vector<16xf32>,
        %mul3A_644 = arith.constant 64 : i32
        %mul3A_645 = arith.muli %add3A_626, %mul3A_644 : i32
        %add3A_646 = arith.constant 16 : i32
        %add3A_647 = arith.addi %mul3A_645, %add3A_646 : i32
        %swap3A_648 = arith.constant 0 : i32
        %swap3A_649 = arith.index_cast %swap3A_648 : i32 to index
        %swap3A_650 = arith.index_cast %add3A_647 : i32 to index
        %swap3A_651 = tpu.vector_load %arg7[%swap3A_649, %swap3A_650] {strides = array<i32>} : memref<2x8192xf32, #tpu.memory_space<vmem>>, vector<16xf32>,
        tpu.vector_store %arg7[%swap3A_649, %swap3A_650], %get3A_643 {strides = array<i32>} : memref<2x8192xf32, #tpu.memory_space<vmem>>, vector<16xf32>,
        %get3A_652 = arith.constant 0 : i32
        %get3A_653 = arith.index_cast %get3A_652 : i32 to index
        %get3A_654 = arith.index_cast %add3A_626 : i32 to index
        %get3A_655 = arith.constant 32 : index
        %get3A_656 = tpu.vector_load %arg6[%get3A_653, %get3A_654, %get3A_655] {strides = array<i32>} : memref<2x128x64xf32, #tpu.memory_space<vmem>>, vector<16xf32>,
        %mul3A_657 = arith.constant 64 : i32
        %mul3A_658 = arith.muli %add3A_626, %mul3A_657 : i32
        %add3A_659 = arith.constant 32 : i32
        %add3A_660 = arith.addi %mul3A_658, %add3A_659 : i32
        %swap3A_661 = arith.constant 0 : i32
        %swap3A_662 = arith.index_cast %swap3A_661 : i32 to index
        %swap3A_663 = arith.index_cast %add3A_660 : i32 to index
        %swap3A_664 = tpu.vector_load %arg7[%swap3A_662, %swap3A_663] {strides = array<i32>} : memref<2x8192xf32, #tpu.memory_space<vmem>>, vector<16xf32>,
        tpu.vector_store %arg7[%swap3A_662, %swap3A_663], %get3A_656 {strides = array<i32>} : memref<2x8192xf32, #tpu.memory_space<vmem>>, vector<16xf32>,
        %get3A_665 = arith.constant 0 : i32
        %get3A_666 = arith.index_cast %get3A_665 : i32 to index
        %get3A_667 = arith.index_cast %add3A_626 : i32 to index
        %get3A_668 = arith.constant 48 : index
        %get3A_669 = tpu.vector_load %arg6[%get3A_666, %get3A_667, %get3A_668] {strides = array<i32>} : memref<2x128x64xf32, #tpu.memory_space<vmem>>, vector<16xf32>,
        %mul3A_670 = arith.constant 64 : i32
        %mul3A_671 = arith.muli %add3A_626, %mul3A_670 : i32
        %add3A_672 = arith.constant 48 : i32
        %add3A_673 = arith.addi %mul3A_671, %add3A_672 : i32
        %swap3A_674 = arith.constant 0 : i32
        %swap3A_675 = arith.index_cast %swap3A_674 : i32 to index
        %swap3A_676 = arith.index_cast %add3A_673 : i32 to index
        %swap3A_677 = tpu.vector_load %arg7[%swap3A_675, %swap3A_676] {strides = array<i32>} : memref<2x8192xf32, #tpu.memory_space<vmem>>, vector<16xf32>,
        tpu.vector_store %arg7[%swap3A_675, %swap3A_676], %get3A_669 {strides = array<i32>} : memref<2x8192xf32, #tpu.memory_space<vmem>>, vector<16xf32>,
        %mul3A_678 = arith.constant 16 : i32
        %mul3A_679 = arith.muli %scan3A_611, %mul3A_678 : i32
        %add3A_680 = arith.constant 1 : i32
        %add3A_681 = arith.addi %mul3A_679, %add3A_680 : i32
        %get3A_682 = arith.constant 0 : i32
        %get3A_683 = arith.index_cast %get3A_682 : i32 to index
        %get3A_684 = arith.index_cast %add3A_681 : i32 to index
        %get3A_685 = arith.constant 0 : index
        %get3A_686 = tpu.vector_load %arg6[%get3A_683, %get3A_684, %get3A_685] {strides = array<i32>} : memref<2x128x64xf32, #tpu.memory_space<vmem>>, vector<16xf32>,
        %mul3A_687 = arith.constant 64 : i32
        %mul3A_688 = arith.muli %add3A_681, %mul3A_687 : i32
        %add3A_689 = arith.constant 0 : i32
        %add3A_690 = arith.addi %mul3A_688, %add3A_689 : i32
        %swap3A_691 = arith.constant 0 : i32
        %swap3A_692 = arith.index_cast %swap3A_691 : i32 to index
        %swap3A_693 = arith.index_cast %add3A_690 : i32 to index
        %swap3A_694 = tpu.vector_load %arg7[%swap3A_692, %swap3A_693] {strides = array<i32>} : memref<2x8192xf32, #tpu.memory_space<vmem>>, vector<16xf32>,
        tpu.vector_store %arg7[%swap3A_692, %swap3A_693], %get3A_686 {strides = array<i32>} : memref<2x8192xf32, #tpu.memory_space<vmem>>, vector<16xf32>,
        %get3A_695 = arith.constant 0 : i32
        %get3A_696 = arith.index_cast %get3A_695 : i32 to index
        %get3A_697 = arith.index_cast %add3A_681 : i32 to index
        %get3A_698 = arith.constant 16 : index
        %get3A_699 = tpu.vector_load %arg6[%get3A_696, %get3A_697, %get3A_698] {strides = array<i32>} : memref<2x128x64xf32, #tpu.memory_space<vmem>>, vector<16xf32>,
        %mul3A_700 = arith.constant 64 : i32
        %mul3A_701 = arith.muli %add3A_681, %mul3A_700 : i32
        %add3A_702 = arith.constant 16 : i32
        %add3A_703 = arith.addi %mul3A_701, %add3A_702 : i32
        %swap3A_704 = arith.constant 0 : i32
        %swap3A_705 = arith.index_cast %swap3A_704 : i32 to index
        %swap3A_706 = arith.index_cast %add3A_703 : i32 to index
        %swap3A_707 = tpu.vector_load %arg7[%swap3A_705, %swap3A_706] {strides = array<i32>} : memref<2x8192xf32, #tpu.memory_space<vmem>>, vector<16xf32>,
        tpu.vector_store %arg7[%swap3A_705, %swap3A_706], %get3A_699 {strides = array<i32>} : memref<2x8192xf32, #tpu.memory_space<vmem>>, vector<16xf32>,
        %get3A_708 = arith.constant 0 : i32
        %get3A_709 = arith.index_cast %get3A_708 : i32 to index
        %get3A_710 = arith.index_cast %add3A_681 : i32 to index
        %get3A_711 = arith.constant 32 : index
        %get3A_712 = tpu.vector_load %arg6[%get3A_709, %get3A_710, %get3A_711] {strides = array<i32>} : memref<2x128x64xf32, #tpu.memory_space<vmem>>, vector<16xf32>,
        %mul3A_713 = arith.constant 64 : i32
        %mul3A_714 = arith.muli %add3A_681, %mul3A_713 : i32
        %add3A_715 = arith.constant 32 : i32
        %add3A_716 = arith.addi %mul3A_714, %add3A_715 : i32
        %swap3A_717 = arith.constant 0 : i32
        %swap3A_718 = arith.index_cast %swap3A_717 : i32 to index
        %swap3A_719 = arith.index_cast %add3A_716 : i32 to index
        %swap3A_720 = tpu.vector_load %arg7[%swap3A_718, %swap3A_719] {strides = array<i32>} : memref<2x8192xf32, #tpu.memory_space<vmem>>, vector<16xf32>,
        tpu.vector_store %arg7[%swap3A_718, %swap3A_719], %get3A_712 {strides = array<i32>} : memref<2x8192xf32, #tpu.memory_space<vmem>>, vector<16xf32>,
        %get3A_721 = arith.constant 0 : i32
        %get3A_722 = arith.index_cast %get3A_721 : i32 to index
        %get3A_723 = arith.index_cast %add3A_681 : i32 to index
        %get3A_724 = arith.constant 48 : index
        %get3A_725 = tpu.vector_load %arg6[%get3A_722, %get3A_723, %get3A_724] {strides = array<i32>} : memref<2x128x64xf32, #tpu.memory_space<vmem>>, vector<16xf32>,
        %mul3A_726 = arith.constant 64 : i32
        %mul3A_727 = arith.muli %add3A_681, %mul3A_726 : i32
        %add3A_728 = arith.constant 48 : i32
        %add3A_729 = arith.addi %mul3A_727, %add3A_728 : i32
        %swap3A_730 = arith.constant 0 : i32
        %swap3A_731 = arith.index_cast %swap3A_730 : i32 to index
        %swap3A_732 = arith.index_cast %add3A_729 : i32 to index
        %swap3A_733 = tpu.vector_load %arg7[%swap3A_731, %swap3A_732] {strides = array<i32>} : memref<2x8192xf32, #tpu.memory_space<vmem>>, vector<16xf32>,
        tpu.vector_store %arg7[%swap3A_731, %swap3A_732], %get3A_725 {strides = array<i32>} : memref<2x8192xf32, #tpu.memory_space<vmem>>, vector<16xf32>,
        %mul3A_734 = arith.constant 16 : i32
        %mul3A_735 = arith.muli %scan3A_611, %mul3A_734 : i32
        %add3A_736 = arith.constant 2 : i32
        %add3A_737 = arith.addi %mul3A_735, %add3A_736 : i32
        %get3A_738 = arith.constant 0 : i32
        %get3A_739 = arith.index_cast %get3A_738 : i32 to index
        %get3A_740 = arith.index_cast %add3A_737 : i32 to index
        %get3A_741 = arith.constant 0 : index
        %get3A_742 = tpu.vector_load %arg6[%get3A_739, %get3A_740, %get3A_741] {strides = array<i32>} : memref<2x128x64xf32, #tpu.memory_space<vmem>>, vector<16xf32>,
        %mul3A_743 = arith.constant 64 : i32
        %mul3A_744 = arith.muli %add3A_737, %mul3A_743 : i32
        %add3A_745 = arith.constant 0 : i32
        %add3A_746 = arith.addi %mul3A_744, %add3A_745 : i32
        %swap3A_747 = arith.constant 0 : i32
        %swap3A_748 = arith.index_cast %swap3A_747 : i32 to index
        %swap3A_749 = arith.index_cast %add3A_746 : i32 to index
        %swap3A_750 = tpu.vector_load %arg7[%swap3A_748, %swap3A_749] {strides = array<i32>} : memref<2x8192xf32, #tpu.memory_space<vmem>>, vector<16xf32>,
        tpu.vector_store %arg7[%swap3A_748, %swap3A_749], %get3A_742 {strides = array<i32>} : memref<2x8192xf32, #tpu.memory_space<vmem>>, vector<16xf32>,
        %get3A_751 = arith.constant 0 : i32
        %get3A_752 = arith.index_cast %get3A_751 : i32 to index
        %get3A_753 = arith.index_cast %add3A_737 : i32 to index
        %get3A_754 = arith.constant 16 : index
        %get3A_755 = tpu.vector_load %arg6[%get3A_752, %get3A_753, %get3A_754] {strides = array<i32>} : memref<2x128x64xf32, #tpu.memory_space<vmem>>, vector<16xf32>,
        %mul3A_756 = arith.constant 64 : i32
        %mul3A_757 = arith.muli %add3A_737, %mul3A_756 : i32
        %add3A_758 = arith.constant 16 : i32
        %add3A_759 = arith.addi %mul3A_757, %add3A_758 : i32
        %swap3A_760 = arith.constant 0 : i32
        %swap3A_761 = arith.index_cast %swap3A_760 : i32 to index
        %swap3A_762 = arith.index_cast %add3A_759 : i32 to index
        %swap3A_763 = tpu.vector_load %arg7[%swap3A_761, %swap3A_762] {strides = array<i32>} : memref<2x8192xf32, #tpu.memory_space<vmem>>, vector<16xf32>,
        tpu.vector_store %arg7[%swap3A_761, %swap3A_762], %get3A_755 {strides = array<i32>} : memref<2x8192xf32, #tpu.memory_space<vmem>>, vector<16xf32>,
        %get3A_764 = arith.constant 0 : i32
        %get3A_765 = arith.index_cast %get3A_764 : i32 to index
        %get3A_766 = arith.index_cast %add3A_737 : i32 to index
        %get3A_767 = arith.constant 32 : index
        %get3A_768 = tpu.vector_load %arg6[%get3A_765, %get3A_766, %get3A_767] {strides = array<i32>} : memref<2x128x64xf32, #tpu.memory_space<vmem>>, vector<16xf32>,
        %mul3A_769 = arith.constant 64 : i32
        %mul3A_770 = arith.muli %add3A_737, %mul3A_769 : i32
        %add3A_771 = arith.constant 32 : i32
        %add3A_772 = arith.addi %mul3A_770, %add3A_771 : i32
        %swap3A_773 = arith.constant 0 : i32
        %swap3A_774 = arith.index_cast %swap3A_773 : i32 to index
        %swap3A_775 = arith.index_cast %add3A_772 : i32 to index
        %swap3A_776 = tpu.vector_load %arg7[%swap3A_774, %swap3A_775] {strides = array<i32>} : memref<2x8192xf32, #tpu.memory_space<vmem>>, vector<16xf32>,
        tpu.vector_store %arg7[%swap3A_774, %swap3A_775], %get3A_768 {strides = array<i32>} : memref<2x8192xf32, #tpu.memory_space<vmem>>, vector<16xf32>,
        %get3A_777 = arith.constant 0 : i32
        %get3A_778 = arith.index_cast %get3A_777 : i32 to index
        %get3A_779 = arith.index_cast %add3A_737 : i32 to index
        %get3A_780 = arith.constant 48 : index
        %get3A_781 = tpu.vector_load %arg6[%get3A_778, %get3A_779, %get3A_780] {strides = array<i32>} : memref<2x128x64xf32, #tpu.memory_space<vmem>>, vector<16xf32>,
        %mul3A_782 = arith.constant 64 : i32
        %mul3A_783 = arith.muli %add3A_737, %mul3A_782 : i32
        %add3A_784 = arith.constant 48 : i32
        %add3A_785 = arith.addi %mul3A_783, %add3A_784 : i32
        %swap3A_786 = arith.constant 0 : i32
        %swap3A_787 = arith.index_cast %swap3A_786 : i32 to index
        %swap3A_788 = arith.index_cast %add3A_785 : i32 to index
        %swap3A_789 = tpu.vector_load %arg7[%swap3A_787, %swap3A_788] {strides = array<i32>} : memref<2x8192xf32, #tpu.memory_space<vmem>>, vector<16xf32>,
        tpu.vector_store %arg7[%swap3A_787, %swap3A_788], %get3A_781 {strides = array<i32>} : memref<2x8192xf32, #tpu.memory_space<vmem>>, vector<16xf32>,
        %mul3A_790 = arith.constant 16 : i32
        %mul3A_791 = arith.muli %scan3A_611, %mul3A_790 : i32
        %add3A_792 = arith.constant 3 : i32
        %add3A_793 = arith.addi %mul3A_791, %add3A_792 : i32
        %get3A_794 = arith.constant 0 : i32
        %get3A_795 = arith.index_cast %get3A_794 : i32 to index
        %get3A_796 = arith.index_cast %add3A_793 : i32 to index
        %get3A_797 = arith.constant 0 : index
        %get3A_798 = tpu.vector_load %arg6[%get3A_795, %get3A_796, %get3A_797] {strides = array<i32>} : memref<2x128x64xf32, #tpu.memory_space<vmem>>, vector<16xf32>,
        %mul3A_799 = arith.constant 64 : i32
        %mul3A_800 = arith.muli %add3A_793, %mul3A_799 : i32
        %add3A_801 = arith.constant 0 : i32
        %add3A_802 = arith.addi %mul3A_800, %add3A_801 : i32
        %swap3A_803 = arith.constant 0 : i32
        %swap3A_804 = arith.index_cast %swap3A_803 : i32 to index
        %swap3A_805 = arith.index_cast %add3A_802 : i32 to index
        %swap3A_806 = tpu.vector_load %arg7[%swap3A_804, %swap3A_805] {strides = array<i32>} : memref<2x8192xf32, #tpu.memory_space<vmem>>, vector<16xf32>,
        tpu.vector_store %arg7[%swap3A_804, %swap3A_805], %get3A_798 {strides = array<i32>} : memref<2x8192xf32, #tpu.memory_space<vmem>>, vector<16xf32>,
        %get3A_807 = arith.constant 0 : i32
        %get3A_808 = arith.index_cast %get3A_807 : i32 to index
        %get3A_809 = arith.index_cast %add3A_793 : i32 to index
        %get3A_810 = arith.constant 16 : index
        %get3A_811 = tpu.vector_load %arg6[%get3A_808, %get3A_809, %get3A_810] {strides = array<i32>} : memref<2x128x64xf32, #tpu.memory_space<vmem>>, vector<16xf32>,
        %mul3A_812 = arith.constant 64 : i32
        %mul3A_813 = arith.muli %add3A_793, %mul3A_812 : i32
        %add3A_814 = arith.constant 16 : i32
        %add3A_815 = arith.addi %mul3A_813, %add3A_814 : i32
        %swap3A_816 = arith.constant 0 : i32
        %swap3A_817 = arith.index_cast %swap3A_816 : i32 to index
        %swap3A_818 = arith.index_cast %add3A_815 : i32 to index
        %swap3A_819 = tpu.vector_load %arg7[%swap3A_817, %swap3A_818] {strides = array<i32>} : memref<2x8192xf32, #tpu.memory_space<vmem>>, vector<16xf32>,
        tpu.vector_store %arg7[%swap3A_817, %swap3A_818], %get3A_811 {strides = array<i32>} : memref<2x8192xf32, #tpu.memory_space<vmem>>, vector<16xf32>,
        %get3A_820 = arith.constant 0 : i32
        %get3A_821 = arith.index_cast %get3A_820 : i32 to index
        %get3A_822 = arith.index_cast %add3A_793 : i32 to index
        %get3A_823 = arith.constant 32 : index
        %get3A_824 = tpu.vector_load %arg6[%get3A_821, %get3A_822, %get3A_823] {strides = array<i32>} : memref<2x128x64xf32, #tpu.memory_space<vmem>>, vector<16xf32>,
        %mul3A_825 = arith.constant 64 : i32
        %mul3A_826 = arith.muli %add3A_793, %mul3A_825 : i32
        %add3A_827 = arith.constant 32 : i32
        %add3A_828 = arith.addi %mul3A_826, %add3A_827 : i32
        %swap3A_829 = arith.constant 0 : i32
        %swap3A_830 = arith.index_cast %swap3A_829 : i32 to index
        %swap3A_831 = arith.index_cast %add3A_828 : i32 to index
        %swap3A_832 = tpu.vector_load %arg7[%swap3A_830, %swap3A_831] {strides = array<i32>} : memref<2x8192xf32, #tpu.memory_space<vmem>>, vector<16xf32>,
        tpu.vector_store %arg7[%swap3A_830, %swap3A_831], %get3A_824 {strides = array<i32>} : memref<2x8192xf32, #tpu.memory_space<vmem>>, vector<16xf32>,
        %get3A_833 = arith.constant 0 : i32
        %get3A_834 = arith.index_cast %get3A_833 : i32 to index
        %get3A_835 = arith.index_cast %add3A_793 : i32 to index
        %get3A_836 = arith.constant 48 : index
        %get3A_837 = tpu.vector_load %arg6[%get3A_834, %get3A_835, %get3A_836] {strides = array<i32>} : memref<2x128x64xf32, #tpu.memory_space<vmem>>, vector<16xf32>,
        %mul3A_838 = arith.constant 64 : i32
        %mul3A_839 = arith.muli %add3A_793, %mul3A_838 : i32
        %add3A_840 = arith.constant 48 : i32
        %add3A_841 = arith.addi %mul3A_839, %add3A_840 : i32
        %swap3A_842 = arith.constant 0 : i32
        %swap3A_843 = arith.index_cast %swap3A_842 : i32 to index
        %swap3A_844 = arith.index_cast %add3A_841 : i32 to index
        %swap3A_845 = tpu.vector_load %arg7[%swap3A_843, %swap3A_844] {strides = array<i32>} : memref<2x8192xf32, #tpu.memory_space<vmem>>, vector<16xf32>,
        tpu.vector_store %arg7[%swap3A_843, %swap3A_844], %get3A_837 {strides = array<i32>} : memref<2x8192xf32, #tpu.memory_space<vmem>>, vector<16xf32>,
        %mul3A_846 = arith.constant 16 : i32
        %mul3A_847 = arith.muli %scan3A_611, %mul3A_846 : i32
        %add3A_848 = arith.constant 4 : i32
        %add3A_849 = arith.addi %mul3A_847, %add3A_848 : i32
        %get3A_850 = arith.constant 0 : i32
        %get3A_851 = arith.index_cast %get3A_850 : i32 to index
        %get3A_852 = arith.index_cast %add3A_849 : i32 to index
        %get3A_853 = arith.constant 0 : index
        %get3A_854 = tpu.vector_load %arg6[%get3A_851, %get3A_852, %get3A_853] {strides = array<i32>} : memref<2x128x64xf32, #tpu.memory_space<vmem>>, vector<16xf32>,
        %mul3A_855 = arith.constant 64 : i32
        %mul3A_856 = arith.muli %add3A_849, %mul3A_855 : i32
        %add3A_857 = arith.constant 0 : i32
        %add3A_858 = arith.addi %mul3A_856, %add3A_857 : i32
        %swap3A_859 = arith.constant 0 : i32
        %swap3A_860 = arith.index_cast %swap3A_859 : i32 to index
        %swap3A_861 = arith.index_cast %add3A_858 : i32 to index
        %swap3A_862 = tpu.vector_load %arg7[%swap3A_860, %swap3A_861] {strides = array<i32>} : memref<2x8192xf32, #tpu.memory_space<vmem>>, vector<16xf32>,
        tpu.vector_store %arg7[%swap3A_860, %swap3A_861], %get3A_854 {strides = array<i32>} : memref<2x8192xf32, #tpu.memory_space<vmem>>, vector<16xf32>,
        %get3A_863 = arith.constant 0 : i32
        %get3A_864 = arith.index_cast %get3A_863 : i32 to index
        %get3A_865 = arith.index_cast %add3A_849 : i32 to index
        %get3A_866 = arith.constant 16 : index
        %get3A_867 = tpu.vector_load %arg6[%get3A_864, %get3A_865, %get3A_866] {strides = array<i32>} : memref<2x128x64xf32, #tpu.memory_space<vmem>>, vector<16xf32>,
        %mul3A_868 = arith.constant 64 : i32
        %mul3A_869 = arith.muli %add3A_849, %mul3A_868 : i32
        %add3A_870 = arith.constant 16 : i32
        %add3A_871 = arith.addi %mul3A_869, %add3A_870 : i32
        %swap3A_872 = arith.constant 0 : i32
        %swap3A_873 = arith.index_cast %swap3A_872 : i32 to index
        %swap3A_874 = arith.index_cast %add3A_871 : i32 to index
        %swap3A_875 = tpu.vector_load %arg7[%swap3A_873, %swap3A_874] {strides = array<i32>} : memref<2x8192xf32, #tpu.memory_space<vmem>>, vector<16xf32>,
        tpu.vector_store %arg7[%swap3A_873, %swap3A_874], %get3A_867 {strides = array<i32>} : memref<2x8192xf32, #tpu.memory_space<vmem>>, vector<16xf32>,
        %get3A_876 = arith.constant 0 : i32
        %get3A_877 = arith.index_cast %get3A_876 : i32 to index
        %get3A_878 = arith.index_cast %add3A_849 : i32 to index
        %get3A_879 = arith.constant 32 : index
        %get3A_880 = tpu.vector_load %arg6[%get3A_877, %get3A_878, %get3A_879] {strides = array<i32>} : memref<2x128x64xf32, #tpu.memory_space<vmem>>, vector<16xf32>,
        %mul3A_881 = arith.constant 64 : i32
        %mul3A_882 = arith.muli %add3A_849, %mul3A_881 : i32
        %add3A_883 = arith.constant 32 : i32
        %add3A_884 = arith.addi %mul3A_882, %add3A_883 : i32
        %swap3A_885 = arith.constant 0 : i32
        %swap3A_886 = arith.index_cast %swap3A_885 : i32 to index
        %swap3A_887 = arith.index_cast %add3A_884 : i32 to index
        %swap3A_888 = tpu.vector_load %arg7[%swap3A_886, %swap3A_887] {strides = array<i32>} : memref<2x8192xf32, #tpu.memory_space<vmem>>, vector<16xf32>,
        tpu.vector_store %arg7[%swap3A_886, %swap3A_887], %get3A_880 {strides = array<i32>} : memref<2x8192xf32, #tpu.memory_space<vmem>>, vector<16xf32>,
        %get3A_889 = arith.constant 0 : i32
        %get3A_890 = arith.index_cast %get3A_889 : i32 to index
        %get3A_891 = arith.index_cast %add3A_849 : i32 to index
        %get3A_892 = arith.constant 48 : index
        %get3A_893 = tpu.vector_load %arg6[%get3A_890, %get3A_891, %get3A_892] {strides = array<i32>} : memref<2x128x64xf32, #tpu.memory_space<vmem>>, vector<16xf32>,
        %mul3A_894 = arith.constant 64 : i32
        %mul3A_895 = arith.muli %add3A_849, %mul3A_894 : i32
        %add3A_896 = arith.constant 48 : i32
        %add3A_897 = arith.addi %mul3A_895, %add3A_896 : i32
        %swap3A_898 = arith.constant 0 : i32
        %swap3A_899 = arith.index_cast %swap3A_898 : i32 to index
        %swap3A_900 = arith.index_cast %add3A_897 : i32 to index
        %swap3A_901 = tpu.vector_load %arg7[%swap3A_899, %swap3A_900] {strides = array<i32>} : memref<2x8192xf32, #tpu.memory_space<vmem>>, vector<16xf32>,
        tpu.vector_store %arg7[%swap3A_899, %swap3A_900], %get3A_893 {strides = array<i32>} : memref<2x8192xf32, #tpu.memory_space<vmem>>, vector<16xf32>,
        %mul3A_902 = arith.constant 16 : i32
        %mul3A_903 = arith.muli %scan3A_611, %mul3A_902 : i32
        %add3A_904 = arith.constant 5 : i32
        %add3A_905 = arith.addi %mul3A_903, %add3A_904 : i32
        %get3A_906 = arith.constant 0 : i32
        %get3A_907 = arith.index_cast %get3A_906 : i32 to index
        %get3A_908 = arith.index_cast %add3A_905 : i32 to index
        %get3A_909 = arith.constant 0 : index
        %get3A_910 = tpu.vector_load %arg6[%get3A_907, %get3A_908, %get3A_909] {strides = array<i32>} : memref<2x128x64xf32, #tpu.memory_space<vmem>>, vector<16xf32>,
        %mul3A_911 = arith.constant 64 : i32
        %mul3A_912 = arith.muli %add3A_905, %mul3A_911 : i32
        %add3A_913 = arith.constant 0 : i32
        %add3A_914 = arith.addi %mul3A_912, %add3A_913 : i32
        %swap3A_915 = arith.constant 0 : i32
        %swap3A_916 = arith.index_cast %swap3A_915 : i32 to index
        %swap3A_917 = arith.index_cast %add3A_914 : i32 to index
        %swap3A_918 = tpu.vector_load %arg7[%swap3A_916, %swap3A_917] {strides = array<i32>} : memref<2x8192xf32, #tpu.memory_space<vmem>>, vector<16xf32>,
        tpu.vector_store %arg7[%swap3A_916, %swap3A_917], %get3A_910 {strides = array<i32>} : memref<2x8192xf32, #tpu.memory_space<vmem>>, vector<16xf32>,
        %get3A_919 = arith.constant 0 : i32
        %get3A_920 = arith.index_cast %get3A_919 : i32 to index
        %get3A_921 = arith.index_cast %add3A_905 : i32 to index
        %get3A_922 = arith.constant 16 : index
        %get3A_923 = tpu.vector_load %arg6[%get3A_920, %get3A_921, %get3A_922] {strides = array<i32>} : memref<2x128x64xf32, #tpu.memory_space<vmem>>, vector<16xf32>,
        %mul3A_924 = arith.constant 64 : i32
        %mul3A_925 = arith.muli %add3A_905, %mul3A_924 : i32
        %add3A_926 = arith.constant 16 : i32
        %add3A_927 = arith.addi %mul3A_925, %add3A_926 : i32
        %swap3A_928 = arith.constant 0 : i32
        %swap3A_929 = arith.index_cast %swap3A_928 : i32 to index
        %swap3A_930 = arith.index_cast %add3A_927 : i32 to index
        %swap3A_931 = tpu.vector_load %arg7[%swap3A_929, %swap3A_930] {strides = array<i32>} : memref<2x8192xf32, #tpu.memory_space<vmem>>, vector<16xf32>,
        tpu.vector_store %arg7[%swap3A_929, %swap3A_930], %get3A_923 {strides = array<i32>} : memref<2x8192xf32, #tpu.memory_space<vmem>>, vector<16xf32>,
        %get3A_932 = arith.constant 0 : i32
        %get3A_933 = arith.index_cast %get3A_932 : i32 to index
        %get3A_934 = arith.index_cast %add3A_905 : i32 to index
        %get3A_935 = arith.constant 32 : index
        %get3A_936 = tpu.vector_load %arg6[%get3A_933, %get3A_934, %get3A_935] {strides = array<i32>} : memref<2x128x64xf32, #tpu.memory_space<vmem>>, vector<16xf32>,
        %mul3A_937 = arith.constant 64 : i32
        %mul3A_938 = arith.muli %add3A_905, %mul3A_937 : i32
        %add3A_939 = arith.constant 32 : i32
        %add3A_940 = arith.addi %mul3A_938, %add3A_939 : i32
        %swap3A_941 = arith.constant 0 : i32
        %swap3A_942 = arith.index_cast %swap3A_941 : i32 to index
        %swap3A_943 = arith.index_cast %add3A_940 : i32 to index
        %swap3A_944 = tpu.vector_load %arg7[%swap3A_942, %swap3A_943] {strides = array<i32>} : memref<2x8192xf32, #tpu.memory_space<vmem>>, vector<16xf32>,
        tpu.vector_store %arg7[%swap3A_942, %swap3A_943], %get3A_936 {strides = array<i32>} : memref<2x8192xf32, #tpu.memory_space<vmem>>, vector<16xf32>,
        %get3A_945 = arith.constant 0 : i32
        %get3A_946 = arith.index_cast %get3A_945 : i32 to index
        %get3A_947 = arith.index_cast %add3A_905 : i32 to index
        %get3A_948 = arith.constant 48 : index
        %get3A_949 = tpu.vector_load %arg6[%get3A_946, %get3A_947, %get3A_948] {strides = array<i32>} : memref<2x128x64xf32, #tpu.memory_space<vmem>>, vector<16xf32>,
        %mul3A_950 = arith.constant 64 : i32
        %mul3A_951 = arith.muli %add3A_905, %mul3A_950 : i32
        %add3A_952 = arith.constant 48 : i32
        %add3A_953 = arith.addi %mul3A_951, %add3A_952 : i32
        %swap3A_954 = arith.constant 0 : i32
        %swap3A_955 = arith.index_cast %swap3A_954 : i32 to index
        %swap3A_956 = arith.index_cast %add3A_953 : i32 to index
        %swap3A_957 = tpu.vector_load %arg7[%swap3A_955, %swap3A_956] {strides = array<i32>} : memref<2x8192xf32, #tpu.memory_space<vmem>>, vector<16xf32>,
        tpu.vector_store %arg7[%swap3A_955, %swap3A_956], %get3A_949 {strides = array<i32>} : memref<2x8192xf32, #tpu.memory_space<vmem>>, vector<16xf32>,
        %mul3A_958 = arith.constant 16 : i32
        %mul3A_959 = arith.muli %scan3A_611, %mul3A_958 : i32
        %add3A_960 = arith.constant 6 : i32
        %add3A_961 = arith.addi %mul3A_959, %add3A_960 : i32
        %get3A_962 = arith.constant 0 : i32
        %get3A_963 = arith.index_cast %get3A_962 : i32 to index
        %get3A_964 = arith.index_cast %add3A_961 : i32 to index
        %get3A_965 = arith.constant 0 : index
        %get3A_966 = tpu.vector_load %arg6[%get3A_963, %get3A_964, %get3A_965] {strides = array<i32>} : memref<2x128x64xf32, #tpu.memory_space<vmem>>, vector<16xf32>,
        %mul3A_967 = arith.constant 64 : i32
        %mul3A_968 = arith.muli %add3A_961, %mul3A_967 : i32
        %add3A_969 = arith.constant 0 : i32
        %add3A_970 = arith.addi %mul3A_968, %add3A_969 : i32
        %swap3A_971 = arith.constant 0 : i32
        %swap3A_972 = arith.index_cast %swap3A_971 : i32 to index
        %swap3A_973 = arith.index_cast %add3A_970 : i32 to index
        %swap3A_974 = tpu.vector_load %arg7[%swap3A_972, %swap3A_973] {strides = array<i32>} : memref<2x8192xf32, #tpu.memory_space<vmem>>, vector<16xf32>,
        tpu.vector_store %arg7[%swap3A_972, %swap3A_973], %get3A_966 {strides = array<i32>} : memref<2x8192xf32, #tpu.memory_space<vmem>>, vector<16xf32>,
        %get3A_975 = arith.constant 0 : i32
        %get3A_976 = arith.index_cast %get3A_975 : i32 to index
        %get3A_977 = arith.index_cast %add3A_961 : i32 to index
        %get3A_978 = arith.constant 16 : index
        %get3A_979 = tpu.vector_load %arg6[%get3A_976, %get3A_977, %get3A_978] {strides = array<i32>} : memref<2x128x64xf32, #tpu.memory_space<vmem>>, vector<16xf32>,
        %mul3A_980 = arith.constant 64 : i32
        %mul3A_981 = arith.muli %add3A_961, %mul3A_980 : i32
        %add3A_982 = arith.constant 16 : i32
        %add3A_983 = arith.addi %mul3A_981, %add3A_982 : i32
        %swap3A_984 = arith.constant 0 : i32
        %swap3A_985 = arith.index_cast %swap3A_984 : i32 to index
        %swap3A_986 = arith.index_cast %add3A_983 : i32 to index
        %swap3A_987 = tpu.vector_load %arg7[%swap3A_985, %swap3A_986] {strides = array<i32>} : memref<2x8192xf32, #tpu.memory_space<vmem>>, vector<16xf32>,
        tpu.vector_store %arg7[%swap3A_985, %swap3A_986], %get3A_979 {strides = array<i32>} : memref<2x8192xf32, #tpu.memory_space<vmem>>, vector<16xf32>,
        %get3A_988 = arith.constant 0 : i32
        %get3A_989 = arith.index_cast %get3A_988 : i32 to index
        %get3A_990 = arith.index_cast %add3A_961 : i32 to index
        %get3A_991 = arith.constant 32 : index
        %get3A_992 = tpu.vector_load %arg6[%get3A_989, %get3A_990, %get3A_991] {strides = array<i32>} : memref<2x128x64xf32, #tpu.memory_space<vmem>>, vector<16xf32>,
        %mul3A_993 = arith.constant 64 : i32
        %mul3A_994 = arith.muli %add3A_961, %mul3A_993 : i32
        %add3A_995 = arith.constant 32 : i32
        %add3A_996 = arith.addi %mul3A_994, %add3A_995 : i32
        %swap3A_997 = arith.constant 0 : i32
        %swap3A_998 = arith.index_cast %swap3A_997 : i32 to index
        %swap3A_999 = arith.index_cast %add3A_996 : i32 to index
        %swap3A_1000 = tpu.vector_load %arg7[%swap3A_998, %swap3A_999] {strides = array<i32>} : memref<2x8192xf32, #tpu.memory_space<vmem>>, vector<16xf32>,
        tpu.vector_store %arg7[%swap3A_998, %swap3A_999], %get3A_992 {strides = array<i32>} : memref<2x8192xf32, #tpu.memory_space<vmem>>, vector<16xf32>,
        %get3A_1001 = arith.constant 0 : i32
        %get3A_1002 = arith.index_cast %get3A_1001 : i32 to index
        %get3A_1003 = arith.index_cast %add3A_961 : i32 to index
        %get3A_1004 = arith.constant 48 : index
        %get3A_1005 = tpu.vector_load %arg6[%get3A_1002, %get3A_1003, %get3A_1004] {strides = array<i32>} : memref<2x128x64xf32, #tpu.memory_space<vmem>>, vector<16xf32>,
        %mul3A_1006 = arith.constant 64 : i32
        %mul3A_1007 = arith.muli %add3A_961, %mul3A_1006 : i32
        %add3A_1008 = arith.constant 48 : i32
        %add3A_1009 = arith.addi %mul3A_1007, %add3A_1008 : i32
        %swap3A_1010 = arith.constant 0 : i32
        %swap3A_1011 = arith.index_cast %swap3A_1010 : i32 to index
        %swap3A_1012 = arith.index_cast %add3A_1009 : i32 to index
        %swap3A_1013 = tpu.vector_load %arg7[%swap3A_1011, %swap3A_1012] {strides = array<i32>} : memref<2x8192xf32, #tpu.memory_space<vmem>>, vector<16xf32>,
        tpu.vector_store %arg7[%swap3A_1011, %swap3A_1012], %get3A_1005 {strides = array<i32>} : memref<2x8192xf32, #tpu.memory_space<vmem>>, vector<16xf32>,
        %mul3A_1014 = arith.constant 16 : i32
        %mul3A_1015 = arith.muli %scan3A_611, %mul3A_1014 : i32
        %add3A_1016 = arith.constant 7 : i32
        %add3A_1017 = arith.addi %mul3A_1015, %add3A_1016 : i32
        %get3A_1018 = arith.constant 0 : i32
        %get3A_1019 = arith.index_cast %get3A_1018 : i32 to index
        %get3A_1020 = arith.index_cast %add3A_1017 : i32 to index
        %get3A_1021 = arith.constant 0 : index
        %get3A_1022 = tpu.vector_load %arg6[%get3A_1019, %get3A_1020, %get3A_1021] {strides = array<i32>} : memref<2x128x64xf32, #tpu.memory_space<vmem>>, vector<16xf32>,
        %mul3A_1023 = arith.constant 64 : i32
        %mul3A_1024 = arith.muli %add3A_1017, %mul3A_1023 : i32
        %add3A_1025 = arith.constant 0 : i32
        %add3A_1026 = arith.addi %mul3A_1024, %add3A_1025 : i32
        %swap3A_1027 = arith.constant 0 : i32
        %swap3A_1028 = arith.index_cast %swap3A_1027 : i32 to index
        %swap3A_1029 = arith.index_cast %add3A_1026 : i32 to index
        %swap3A_1030 = tpu.vector_load %arg7[%swap3A_1028, %swap3A_1029] {strides = array<i32>} : memref<2x8192xf32, #tpu.memory_space<vmem>>, vector<16xf32>,
        tpu.vector_store %arg7[%swap3A_1028, %swap3A_1029], %get3A_1022 {strides = array<i32>} : memref<2x8192xf32, #tpu.memory_space<vmem>>, vector<16xf32>,
        %get3A_1031 = arith.constant 0 : i32
        %get3A_1032 = arith.index_cast %get3A_1031 : i32 to index
        %get3A_1033 = arith.index_cast %add3A_1017 : i32 to index
        %get3A_1034 = arith.constant 16 : index
        %get3A_1035 = tpu.vector_load %arg6[%get3A_1032, %get3A_1033, %get3A_1034] {strides = array<i32>} : memref<2x128x64xf32, #tpu.memory_space<vmem>>, vector<16xf32>,
        %mul3A_1036 = arith.constant 64 : i32
        %mul3A_1037 = arith.muli %add3A_1017, %mul3A_1036 : i32
        %add3A_1038 = arith.constant 16 : i32
        %add3A_1039 = arith.addi %mul3A_1037, %add3A_1038 : i32
        %swap3A_1040 = arith.constant 0 : i32
        %swap3A_1041 = arith.index_cast %swap3A_1040 : i32 to index
        %swap3A_1042 = arith.index_cast %add3A_1039 : i32 to index
        %swap3A_1043 = tpu.vector_load %arg7[%swap3A_1041, %swap3A_1042] {strides = array<i32>} : memref<2x8192xf32, #tpu.memory_space<vmem>>, vector<16xf32>,
        tpu.vector_store %arg7[%swap3A_1041, %swap3A_1042], %get3A_1035 {strides = array<i32>} : memref<2x8192xf32, #tpu.memory_space<vmem>>, vector<16xf32>,
        %get3A_1044 = arith.constant 0 : i32
        %get3A_1045 = arith.index_cast %get3A_1044 : i32 to index
        %get3A_1046 = arith.index_cast %add3A_1017 : i32 to index
        %get3A_1047 = arith.constant 32 : index
        %get3A_1048 = tpu.vector_load %arg6[%get3A_1045, %get3A_1046, %get3A_1047] {strides = array<i32>} : memref<2x128x64xf32, #tpu.memory_space<vmem>>, vector<16xf32>,
        %mul3A_1049 = arith.constant 64 : i32
        %mul3A_1050 = arith.muli %add3A_1017, %mul3A_1049 : i32
        %add3A_1051 = arith.constant 32 : i32
        %add3A_1052 = arith.addi %mul3A_1050, %add3A_1051 : i32
        %swap3A_1053 = arith.constant 0 : i32
        %swap3A_1054 = arith.index_cast %swap3A_1053 : i32 to index
        %swap3A_1055 = arith.index_cast %add3A_1052 : i32 to index
        %swap3A_1056 = tpu.vector_load %arg7[%swap3A_1054, %swap3A_1055] {strides = array<i32>} : memref<2x8192xf32, #tpu.memory_space<vmem>>, vector<16xf32>,
        tpu.vector_store %arg7[%swap3A_1054, %swap3A_1055], %get3A_1048 {strides = array<i32>} : memref<2x8192xf32, #tpu.memory_space<vmem>>, vector<16xf32>,
        %get3A_1057 = arith.constant 0 : i32
        %get3A_1058 = arith.index_cast %get3A_1057 : i32 to index
        %get3A_1059 = arith.index_cast %add3A_1017 : i32 to index
        %get3A_1060 = arith.constant 48 : index
        %get3A_1061 = tpu.vector_load %arg6[%get3A_1058, %get3A_1059, %get3A_1060] {strides = array<i32>} : memref<2x128x64xf32, #tpu.memory_space<vmem>>, vector<16xf32>,
        %mul3A_1062 = arith.constant 64 : i32
        %mul3A_1063 = arith.muli %add3A_1017, %mul3A_1062 : i32
        %add3A_1064 = arith.constant 48 : i32
        %add3A_1065 = arith.addi %mul3A_1063, %add3A_1064 : i32
        %swap3A_1066 = arith.constant 0 : i32
        %swap3A_1067 = arith.index_cast %swap3A_1066 : i32 to index
        %swap3A_1068 = arith.index_cast %add3A_1065 : i32 to index
        %swap3A_1069 = tpu.vector_load %arg7[%swap3A_1067, %swap3A_1068] {strides = array<i32>} : memref<2x8192xf32, #tpu.memory_space<vmem>>, vector<16xf32>,
        tpu.vector_store %arg7[%swap3A_1067, %swap3A_1068], %get3A_1061 {strides = array<i32>} : memref<2x8192xf32, #tpu.memory_space<vmem>>, vector<16xf32>,
        %mul3A_1070 = arith.constant 16 : i32
        %mul3A_1071 = arith.muli %scan3A_611, %mul3A_1070 : i32
        %add3A_1072 = arith.constant 8 : i32
        %add3A_1073 = arith.addi %mul3A_1071, %add3A_1072 : i32
        %get3A_1074 = arith.constant 0 : i32
        %get3A_1075 = arith.index_cast %get3A_1074 : i32 to index
        %get3A_1076 = arith.index_cast %add3A_1073 : i32 to index
        %get3A_1077 = arith.constant 0 : index
        %get3A_1078 = tpu.vector_load %arg6[%get3A_1075, %get3A_1076, %get3A_1077] {strides = array<i32>} : memref<2x128x64xf32, #tpu.memory_space<vmem>>, vector<16xf32>,
        %mul3A_1079 = arith.constant 64 : i32
        %mul3A_1080 = arith.muli %add3A_1073, %mul3A_1079 : i32
        %add3A_1081 = arith.constant 0 : i32
        %add3A_1082 = arith.addi %mul3A_1080, %add3A_1081 : i32
        %swap3A_1083 = arith.constant 0 : i32
        %swap3A_1084 = arith.index_cast %swap3A_1083 : i32 to index
        %swap3A_1085 = arith.index_cast %add3A_1082 : i32 to index
        %swap3A_1086 = tpu.vector_load %arg7[%swap3A_1084, %swap3A_1085] {strides = array<i32>} : memref<2x8192xf32, #tpu.memory_space<vmem>>, vector<16xf32>,
        tpu.vector_store %arg7[%swap3A_1084, %swap3A_1085], %get3A_1078 {strides = array<i32>} : memref<2x8192xf32, #tpu.memory_space<vmem>>, vector<16xf32>,
        %get3A_1087 = arith.constant 0 : i32
        %get3A_1088 = arith.index_cast %get3A_1087 : i32 to index
        %get3A_1089 = arith.index_cast %add3A_1073 : i32 to index
        %get3A_1090 = arith.constant 16 : index
        %get3A_1091 = tpu.vector_load %arg6[%get3A_1088, %get3A_1089, %get3A_1090] {strides = array<i32>} : memref<2x128x64xf32, #tpu.memory_space<vmem>>, vector<16xf32>,
        %mul3A_1092 = arith.constant 64 : i32
        %mul3A_1093 = arith.muli %add3A_1073, %mul3A_1092 : i32
        %add3A_1094 = arith.constant 16 : i32
        %add3A_1095 = arith.addi %mul3A_1093, %add3A_1094 : i32
        %swap3A_1096 = arith.constant 0 : i32
        %swap3A_1097 = arith.index_cast %swap3A_1096 : i32 to index
        %swap3A_1098 = arith.index_cast %add3A_1095 : i32 to index
        %swap3A_1099 = tpu.vector_load %arg7[%swap3A_1097, %swap3A_1098] {strides = array<i32>} : memref<2x8192xf32, #tpu.memory_space<vmem>>, vector<16xf32>,
        tpu.vector_store %arg7[%swap3A_1097, %swap3A_1098], %get3A_1091 {strides = array<i32>} : memref<2x8192xf32, #tpu.memory_space<vmem>>, vector<16xf32>,
        %get3A_1100 = arith.constant 0 : i32
        %get3A_1101 = arith.index_cast %get3A_1100 : i32 to index
        %get3A_1102 = arith.index_cast %add3A_1073 : i32 to index
        %get3A_1103 = arith.constant 32 : index
        %get3A_1104 = tpu.vector_load %arg6[%get3A_1101, %get3A_1102, %get3A_1103] {strides = array<i32>} : memref<2x128x64xf32, #tpu.memory_space<vmem>>, vector<16xf32>,
        %mul3A_1105 = arith.constant 64 : i32
        %mul3A_1106 = arith.muli %add3A_1073, %mul3A_1105 : i32
        %add3A_1107 = arith.constant 32 : i32
        %add3A_1108 = arith.addi %mul3A_1106, %add3A_1107 : i32
        %swap3A_1109 = arith.constant 0 : i32
        %swap3A_1110 = arith.index_cast %swap3A_1109 : i32 to index
        %swap3A_1111 = arith.index_cast %add3A_1108 : i32 to index
        %swap3A_1112 = tpu.vector_load %arg7[%swap3A_1110, %swap3A_1111] {strides = array<i32>} : memref<2x8192xf32, #tpu.memory_space<vmem>>, vector<16xf32>,
        tpu.vector_store %arg7[%swap3A_1110, %swap3A_1111], %get3A_1104 {strides = array<i32>} : memref<2x8192xf32, #tpu.memory_space<vmem>>, vector<16xf32>,
        %get3A_1113 = arith.constant 0 : i32
        %get3A_1114 = arith.index_cast %get3A_1113 : i32 to index
        %get3A_1115 = arith.index_cast %add3A_1073 : i32 to index
        %get3A_1116 = arith.constant 48 : index
        %get3A_1117 = tpu.vector_load %arg6[%get3A_1114, %get3A_1115, %get3A_1116] {strides = array<i32>} : memref<2x128x64xf32, #tpu.memory_space<vmem>>, vector<16xf32>,
        %mul3A_1118 = arith.constant 64 : i32
        %mul3A_1119 = arith.muli %add3A_1073, %mul3A_1118 : i32
        %add3A_1120 = arith.constant 48 : i32
        %add3A_1121 = arith.addi %mul3A_1119, %add3A_1120 : i32
        %swap3A_1122 = arith.constant 0 : i32
        %swap3A_1123 = arith.index_cast %swap3A_1122 : i32 to index
        %swap3A_1124 = arith.index_cast %add3A_1121 : i32 to index
        %swap3A_1125 = tpu.vector_load %arg7[%swap3A_1123, %swap3A_1124] {strides = array<i32>} : memref<2x8192xf32, #tpu.memory_space<vmem>>, vector<16xf32>,
        tpu.vector_store %arg7[%swap3A_1123, %swap3A_1124], %get3A_1117 {strides = array<i32>} : memref<2x8192xf32, #tpu.memory_space<vmem>>, vector<16xf32>,
        %mul3A_1126 = arith.constant 16 : i32
        %mul3A_1127 = arith.muli %scan3A_611, %mul3A_1126 : i32
        %add3A_1128 = arith.constant 9 : i32
        %add3A_1129 = arith.addi %mul3A_1127, %add3A_1128 : i32
        %get3A_1130 = arith.constant 0 : i32
        %get3A_1131 = arith.index_cast %get3A_1130 : i32 to index
        %get3A_1132 = arith.index_cast %add3A_1129 : i32 to index
        %get3A_1133 = arith.constant 0 : index
        %get3A_1134 = tpu.vector_load %arg6[%get3A_1131, %get3A_1132, %get3A_1133] {strides = array<i32>} : memref<2x128x64xf32, #tpu.memory_space<vmem>>, vector<16xf32>,
        %mul3A_1135 = arith.constant 64 : i32
        %mul3A_1136 = arith.muli %add3A_1129, %mul3A_1135 : i32
        %add3A_1137 = arith.constant 0 : i32
        %add3A_1138 = arith.addi %mul3A_1136, %add3A_1137 : i32
        %swap3A_1139 = arith.constant 0 : i32
        %swap3A_1140 = arith.index_cast %swap3A_1139 : i32 to index
        %swap3A_1141 = arith.index_cast %add3A_1138 : i32 to index
        %swap3A_1142 = tpu.vector_load %arg7[%swap3A_1140, %swap3A_1141] {strides = array<i32>} : memref<2x8192xf32, #tpu.memory_space<vmem>>, vector<16xf32>,
        tpu.vector_store %arg7[%swap3A_1140, %swap3A_1141], %get3A_1134 {strides = array<i32>} : memref<2x8192xf32, #tpu.memory_space<vmem>>, vector<16xf32>,
        %get3A_1143 = arith.constant 0 : i32
        %get3A_1144 = arith.index_cast %get3A_1143 : i32 to index
        %get3A_1145 = arith.index_cast %add3A_1129 : i32 to index
        %get3A_1146 = arith.constant 16 : index
        %get3A_1147 = tpu.vector_load %arg6[%get3A_1144, %get3A_1145, %get3A_1146] {strides = array<i32>} : memref<2x128x64xf32, #tpu.memory_space<vmem>>, vector<16xf32>,
        %mul3A_1148 = arith.constant 64 : i32
        %mul3A_1149 = arith.muli %add3A_1129, %mul3A_1148 : i32
        %add3A_1150 = arith.constant 16 : i32
        %add3A_1151 = arith.addi %mul3A_1149, %add3A_1150 : i32
        %swap3A_1152 = arith.constant 0 : i32
        %swap3A_1153 = arith.index_cast %swap3A_1152 : i32 to index
        %swap3A_1154 = arith.index_cast %add3A_1151 : i32 to index
        %swap3A_1155 = tpu.vector_load %arg7[%swap3A_1153, %swap3A_1154] {strides = array<i32>} : memref<2x8192xf32, #tpu.memory_space<vmem>>, vector<16xf32>,
        tpu.vector_store %arg7[%swap3A_1153, %swap3A_1154], %get3A_1147 {strides = array<i32>} : memref<2x8192xf32, #tpu.memory_space<vmem>>, vector<16xf32>,
        %get3A_1156 = arith.constant 0 : i32
        %get3A_1157 = arith.index_cast %get3A_1156 : i32 to index
        %get3A_1158 = arith.index_cast %add3A_1129 : i32 to index
        %get3A_1159 = arith.constant 32 : index
        %get3A_1160 = tpu.vector_load %arg6[%get3A_1157, %get3A_1158, %get3A_1159] {strides = array<i32>} : memref<2x128x64xf32, #tpu.memory_space<vmem>>, vector<16xf32>,
        %mul3A_1161 = arith.constant 64 : i32
        %mul3A_1162 = arith.muli %add3A_1129, %mul3A_1161 : i32
        %add3A_1163 = arith.constant 32 : i32
        %add3A_1164 = arith.addi %mul3A_1162, %add3A_1163 : i32
        %swap3A_1165 = arith.constant 0 : i32
        %swap3A_1166 = arith.index_cast %swap3A_1165 : i32 to index
        %swap3A_1167 = arith.index_cast %add3A_1164 : i32 to index
        %swap3A_1168 = tpu.vector_load %arg7[%swap3A_1166, %swap3A_1167] {strides = array<i32>} : memref<2x8192xf32, #tpu.memory_space<vmem>>, vector<16xf32>,
        tpu.vector_store %arg7[%swap3A_1166, %swap3A_1167], %get3A_1160 {strides = array<i32>} : memref<2x8192xf32, #tpu.memory_space<vmem>>, vector<16xf32>,
        %get3A_1169 = arith.constant 0 : i32
        %get3A_1170 = arith.index_cast %get3A_1169 : i32 to index
        %get3A_1171 = arith.index_cast %add3A_1129 : i32 to index
        %get3A_1172 = arith.constant 48 : index
        %get3A_1173 = tpu.vector_load %arg6[%get3A_1170, %get3A_1171, %get3A_1172] {strides = array<i32>} : memref<2x128x64xf32, #tpu.memory_space<vmem>>, vector<16xf32>,
        %mul3A_1174 = arith.constant 64 : i32
        %mul3A_1175 = arith.muli %add3A_1129, %mul3A_1174 : i32
        %add3A_1176 = arith.constant 48 : i32
        %add3A_1177 = arith.addi %mul3A_1175, %add3A_1176 : i32
        %swap3A_1178 = arith.constant 0 : i32
        %swap3A_1179 = arith.index_cast %swap3A_1178 : i32 to index
        %swap3A_1180 = arith.index_cast %add3A_1177 : i32 to index
        %swap3A_1181 = tpu.vector_load %arg7[%swap3A_1179, %swap3A_1180] {strides = array<i32>} : memref<2x8192xf32, #tpu.memory_space<vmem>>, vector<16xf32>,
        tpu.vector_store %arg7[%swap3A_1179, %swap3A_1180], %get3A_1173 {strides = array<i32>} : memref<2x8192xf32, #tpu.memory_space<vmem>>, vector<16xf32>,
        %mul3A_1182 = arith.constant 16 : i32
        %mul3A_1183 = arith.muli %scan3A_611, %mul3A_1182 : i32
        %add3A_1184 = arith.constant 10 : i32
        %add3A_1185 = arith.addi %mul3A_1183, %add3A_1184 : i32
        %get3A_1186 = arith.constant 0 : i32
        %get3A_1187 = arith.index_cast %get3A_1186 : i32 to index
        %get3A_1188 = arith.index_cast %add3A_1185 : i32 to index
        %get3A_1189 = arith.constant 0 : index
        %get3A_1190 = tpu.vector_load %arg6[%get3A_1187, %get3A_1188, %get3A_1189] {strides = array<i32>} : memref<2x128x64xf32, #tpu.memory_space<vmem>>, vector<16xf32>,
        %mul3A_1191 = arith.constant 64 : i32
        %mul3A_1192 = arith.muli %add3A_1185, %mul3A_1191 : i32
        %add3A_1193 = arith.constant 0 : i32
        %add3A_1194 = arith.addi %mul3A_1192, %add3A_1193 : i32
        %swap3A_1195 = arith.constant 0 : i32
        %swap3A_1196 = arith.index_cast %swap3A_1195 : i32 to index
        %swap3A_1197 = arith.index_cast %add3A_1194 : i32 to index
        %swap3A_1198 = tpu.vector_load %arg7[%swap3A_1196, %swap3A_1197] {strides = array<i32>} : memref<2x8192xf32, #tpu.memory_space<vmem>>, vector<16xf32>,
        tpu.vector_store %arg7[%swap3A_1196, %swap3A_1197], %get3A_1190 {strides = array<i32>} : memref<2x8192xf32, #tpu.memory_space<vmem>>, vector<16xf32>,
        %get3A_1199 = arith.constant 0 : i32
        %get3A_1200 = arith.index_cast %get3A_1199 : i32 to index
        %get3A_1201 = arith.index_cast %add3A_1185 : i32 to index
        %get3A_1202 = arith.constant 16 : index
        %get3A_1203 = tpu.vector_load %arg6[%get3A_1200, %get3A_1201, %get3A_1202] {strides = array<i32>} : memref<2x128x64xf32, #tpu.memory_space<vmem>>, vector<16xf32>,
        %mul3A_1204 = arith.constant 64 : i32
        %mul3A_1205 = arith.muli %add3A_1185, %mul3A_1204 : i32
        %add3A_1206 = arith.constant 16 : i32
        %add3A_1207 = arith.addi %mul3A_1205, %add3A_1206 : i32
        %swap3A_1208 = arith.constant 0 : i32
        %swap3A_1209 = arith.index_cast %swap3A_1208 : i32 to index
        %swap3A_1210 = arith.index_cast %add3A_1207 : i32 to index
        %swap3A_1211 = tpu.vector_load %arg7[%swap3A_1209, %swap3A_1210] {strides = array<i32>} : memref<2x8192xf32, #tpu.memory_space<vmem>>, vector<16xf32>,
        tpu.vector_store %arg7[%swap3A_1209, %swap3A_1210], %get3A_1203 {strides = array<i32>} : memref<2x8192xf32, #tpu.memory_space<vmem>>, vector<16xf32>,
        %get3A_1212 = arith.constant 0 : i32
        %get3A_1213 = arith.index_cast %get3A_1212 : i32 to index
        %get3A_1214 = arith.index_cast %add3A_1185 : i32 to index
        %get3A_1215 = arith.constant 32 : index
        %get3A_1216 = tpu.vector_load %arg6[%get3A_1213, %get3A_1214, %get3A_1215] {strides = array<i32>} : memref<2x128x64xf32, #tpu.memory_space<vmem>>, vector<16xf32>,
        %mul3A_1217 = arith.constant 64 : i32
        %mul3A_1218 = arith.muli %add3A_1185, %mul3A_1217 : i32
        %add3A_1219 = arith.constant 32 : i32
        %add3A_1220 = arith.addi %mul3A_1218, %add3A_1219 : i32
        %swap3A_1221 = arith.constant 0 : i32
        %swap3A_1222 = arith.index_cast %swap3A_1221 : i32 to index
        %swap3A_1223 = arith.index_cast %add3A_1220 : i32 to index
        %swap3A_1224 = tpu.vector_load %arg7[%swap3A_1222, %swap3A_1223] {strides = array<i32>} : memref<2x8192xf32, #tpu.memory_space<vmem>>, vector<16xf32>,
        tpu.vector_store %arg7[%swap3A_1222, %swap3A_1223], %get3A_1216 {strides = array<i32>} : memref<2x8192xf32, #tpu.memory_space<vmem>>, vector<16xf32>,
        %get3A_1225 = arith.constant 0 : i32
        %get3A_1226 = arith.index_cast %get3A_1225 : i32 to index
        %get3A_1227 = arith.index_cast %add3A_1185 : i32 to index
        %get3A_1228 = arith.constant 48 : index
        %get3A_1229 = tpu.vector_load %arg6[%get3A_1226, %get3A_1227, %get3A_1228] {strides = array<i32>} : memref<2x128x64xf32, #tpu.memory_space<vmem>>, vector<16xf32>,
        %mul3A_1230 = arith.constant 64 : i32
        %mul3A_1231 = arith.muli %add3A_1185, %mul3A_1230 : i32
        %add3A_1232 = arith.constant 48 : i32
        %add3A_1233 = arith.addi %mul3A_1231, %add3A_1232 : i32
        %swap3A_1234 = arith.constant 0 : i32
        %swap3A_1235 = arith.index_cast %swap3A_1234 : i32 to index
        %swap3A_1236 = arith.index_cast %add3A_1233 : i32 to index
        %swap3A_1237 = tpu.vector_load %arg7[%swap3A_1235, %swap3A_1236] {strides = array<i32>} : memref<2x8192xf32, #tpu.memory_space<vmem>>, vector<16xf32>,
        tpu.vector_store %arg7[%swap3A_1235, %swap3A_1236], %get3A_1229 {strides = array<i32>} : memref<2x8192xf32, #tpu.memory_space<vmem>>, vector<16xf32>,
        %mul3A_1238 = arith.constant 16 : i32
        %mul3A_1239 = arith.muli %scan3A_611, %mul3A_1238 : i32
        %add3A_1240 = arith.constant 11 : i32
        %add3A_1241 = arith.addi %mul3A_1239, %add3A_1240 : i32
        %get3A_1242 = arith.constant 0 : i32
        %get3A_1243 = arith.index_cast %get3A_1242 : i32 to index
        %get3A_1244 = arith.index_cast %add3A_1241 : i32 to index
        %get3A_1245 = arith.constant 0 : index
        %get3A_1246 = tpu.vector_load %arg6[%get3A_1243, %get3A_1244, %get3A_1245] {strides = array<i32>} : memref<2x128x64xf32, #tpu.memory_space<vmem>>, vector<16xf32>,
        %mul3A_1247 = arith.constant 64 : i32
        %mul3A_1248 = arith.muli %add3A_1241, %mul3A_1247 : i32
        %add3A_1249 = arith.constant 0 : i32
        %add3A_1250 = arith.addi %mul3A_1248, %add3A_1249 : i32
        %swap3A_1251 = arith.constant 0 : i32
        %swap3A_1252 = arith.index_cast %swap3A_1251 : i32 to index
        %swap3A_1253 = arith.index_cast %add3A_1250 : i32 to index
        %swap3A_1254 = tpu.vector_load %arg7[%swap3A_1252, %swap3A_1253] {strides = array<i32>} : memref<2x8192xf32, #tpu.memory_space<vmem>>, vector<16xf32>,
        tpu.vector_store %arg7[%swap3A_1252, %swap3A_1253], %get3A_1246 {strides = array<i32>} : memref<2x8192xf32, #tpu.memory_space<vmem>>, vector<16xf32>,
        %get3A_1255 = arith.constant 0 : i32
        %get3A_1256 = arith.index_cast %get3A_1255 : i32 to index
        %get3A_1257 = arith.index_cast %add3A_1241 : i32 to index
        %get3A_1258 = arith.constant 16 : index
        %get3A_1259 = tpu.vector_load %arg6[%get3A_1256, %get3A_1257, %get3A_1258] {strides = array<i32>} : memref<2x128x64xf32, #tpu.memory_space<vmem>>, vector<16xf32>,
        %mul3A_1260 = arith.constant 64 : i32
        %mul3A_1261 = arith.muli %add3A_1241, %mul3A_1260 : i32
        %add3A_1262 = arith.constant 16 : i32
        %add3A_1263 = arith.addi %mul3A_1261, %add3A_1262 : i32
        %swap3A_1264 = arith.constant 0 : i32
        %swap3A_1265 = arith.index_cast %swap3A_1264 : i32 to index
        %swap3A_1266 = arith.index_cast %add3A_1263 : i32 to index
        %swap3A_1267 = tpu.vector_load %arg7[%swap3A_1265, %swap3A_1266] {strides = array<i32>} : memref<2x8192xf32, #tpu.memory_space<vmem>>, vector<16xf32>,
        tpu.vector_store %arg7[%swap3A_1265, %swap3A_1266], %get3A_1259 {strides = array<i32>} : memref<2x8192xf32, #tpu.memory_space<vmem>>, vector<16xf32>,
        %get3A_1268 = arith.constant 0 : i32
        %get3A_1269 = arith.index_cast %get3A_1268 : i32 to index
        %get3A_1270 = arith.index_cast %add3A_1241 : i32 to index
        %get3A_1271 = arith.constant 32 : index
        %get3A_1272 = tpu.vector_load %arg6[%get3A_1269, %get3A_1270, %get3A_1271] {strides = array<i32>} : memref<2x128x64xf32, #tpu.memory_space<vmem>>, vector<16xf32>,
        %mul3A_1273 = arith.constant 64 : i32
        %mul3A_1274 = arith.muli %add3A_1241, %mul3A_1273 : i32
        %add3A_1275 = arith.constant 32 : i32
        %add3A_1276 = arith.addi %mul3A_1274, %add3A_1275 : i32
        %swap3A_1277 = arith.constant 0 : i32
        %swap3A_1278 = arith.index_cast %swap3A_1277 : i32 to index
        %swap3A_1279 = arith.index_cast %add3A_1276 : i32 to index
        %swap3A_1280 = tpu.vector_load %arg7[%swap3A_1278, %swap3A_1279] {strides = array<i32>} : memref<2x8192xf32, #tpu.memory_space<vmem>>, vector<16xf32>,
        tpu.vector_store %arg7[%swap3A_1278, %swap3A_1279], %get3A_1272 {strides = array<i32>} : memref<2x8192xf32, #tpu.memory_space<vmem>>, vector<16xf32>,
        %get3A_1281 = arith.constant 0 : i32
        %get3A_1282 = arith.index_cast %get3A_1281 : i32 to index
        %get3A_1283 = arith.index_cast %add3A_1241 : i32 to index
        %get3A_1284 = arith.constant 48 : index
        %get3A_1285 = tpu.vector_load %arg6[%get3A_1282, %get3A_1283, %get3A_1284] {strides = array<i32>} : memref<2x128x64xf32, #tpu.memory_space<vmem>>, vector<16xf32>,
        %mul3A_1286 = arith.constant 64 : i32
        %mul3A_1287 = arith.muli %add3A_1241, %mul3A_1286 : i32
        %add3A_1288 = arith.constant 48 : i32
        %add3A_1289 = arith.addi %mul3A_1287, %add3A_1288 : i32
        %swap3A_1290 = arith.constant 0 : i32
        %swap3A_1291 = arith.index_cast %swap3A_1290 : i32 to index
        %swap3A_1292 = arith.index_cast %add3A_1289 : i32 to index
        %swap3A_1293 = tpu.vector_load %arg7[%swap3A_1291, %swap3A_1292] {strides = array<i32>} : memref<2x8192xf32, #tpu.memory_space<vmem>>, vector<16xf32>,
        tpu.vector_store %arg7[%swap3A_1291, %swap3A_1292], %get3A_1285 {strides = array<i32>} : memref<2x8192xf32, #tpu.memory_space<vmem>>, vector<16xf32>,
        %mul3A_1294 = arith.constant 16 : i32
        %mul3A_1295 = arith.muli %scan3A_611, %mul3A_1294 : i32
        %add3A_1296 = arith.constant 12 : i32
        %add3A_1297 = arith.addi %mul3A_1295, %add3A_1296 : i32
        %get3A_1298 = arith.constant 0 : i32
        %get3A_1299 = arith.index_cast %get3A_1298 : i32 to index
        %get3A_1300 = arith.index_cast %add3A_1297 : i32 to index
        %get3A_1301 = arith.constant 0 : index
        %get3A_1302 = tpu.vector_load %arg6[%get3A_1299, %get3A_1300, %get3A_1301] {strides = array<i32>} : memref<2x128x64xf32, #tpu.memory_space<vmem>>, vector<16xf32>,
        %mul3A_1303 = arith.constant 64 : i32
        %mul3A_1304 = arith.muli %add3A_1297, %mul3A_1303 : i32
        %add3A_1305 = arith.constant 0 : i32
        %add3A_1306 = arith.addi %mul3A_1304, %add3A_1305 : i32
        %swap3A_1307 = arith.constant 0 : i32
        %swap3A_1308 = arith.index_cast %swap3A_1307 : i32 to index
        %swap3A_1309 = arith.index_cast %add3A_1306 : i32 to index
        %swap3A_1310 = tpu.vector_load %arg7[%swap3A_1308, %swap3A_1309] {strides = array<i32>} : memref<2x8192xf32, #tpu.memory_space<vmem>>, vector<16xf32>,
        tpu.vector_store %arg7[%swap3A_1308, %swap3A_1309], %get3A_1302 {strides = array<i32>} : memref<2x8192xf32, #tpu.memory_space<vmem>>, vector<16xf32>,
        %get3A_1311 = arith.constant 0 : i32
        %get3A_1312 = arith.index_cast %get3A_1311 : i32 to index
        %get3A_1313 = arith.index_cast %add3A_1297 : i32 to index
        %get3A_1314 = arith.constant 16 : index
        %get3A_1315 = tpu.vector_load %arg6[%get3A_1312, %get3A_1313, %get3A_1314] {strides = array<i32>} : memref<2x128x64xf32, #tpu.memory_space<vmem>>, vector<16xf32>,
        %mul3A_1316 = arith.constant 64 : i32
        %mul3A_1317 = arith.muli %add3A_1297, %mul3A_1316 : i32
        %add3A_1318 = arith.constant 16 : i32
        %add3A_1319 = arith.addi %mul3A_1317, %add3A_1318 : i32
        %swap3A_1320 = arith.constant 0 : i32
        %swap3A_1321 = arith.index_cast %swap3A_1320 : i32 to index
        %swap3A_1322 = arith.index_cast %add3A_1319 : i32 to index
        %swap3A_1323 = tpu.vector_load %arg7[%swap3A_1321, %swap3A_1322] {strides = array<i32>} : memref<2x8192xf32, #tpu.memory_space<vmem>>, vector<16xf32>,
        tpu.vector_store %arg7[%swap3A_1321, %swap3A_1322], %get3A_1315 {strides = array<i32>} : memref<2x8192xf32, #tpu.memory_space<vmem>>, vector<16xf32>,
        %get3A_1324 = arith.constant 0 : i32
        %get3A_1325 = arith.index_cast %get3A_1324 : i32 to index
        %get3A_1326 = arith.index_cast %add3A_1297 : i32 to index
        %get3A_1327 = arith.constant 32 : index
        %get3A_1328 = tpu.vector_load %arg6[%get3A_1325, %get3A_1326, %get3A_1327] {strides = array<i32>} : memref<2x128x64xf32, #tpu.memory_space<vmem>>, vector<16xf32>,
        %mul3A_1329 = arith.constant 64 : i32
        %mul3A_1330 = arith.muli %add3A_1297, %mul3A_1329 : i32
        %add3A_1331 = arith.constant 32 : i32
        %add3A_1332 = arith.addi %mul3A_1330, %add3A_1331 : i32
        %swap3A_1333 = arith.constant 0 : i32
        %swap3A_1334 = arith.index_cast %swap3A_1333 : i32 to index
        %swap3A_1335 = arith.index_cast %add3A_1332 : i32 to index
        %swap3A_1336 = tpu.vector_load %arg7[%swap3A_1334, %swap3A_1335] {strides = array<i32>} : memref<2x8192xf32, #tpu.memory_space<vmem>>, vector<16xf32>,
        tpu.vector_store %arg7[%swap3A_1334, %swap3A_1335], %get3A_1328 {strides = array<i32>} : memref<2x8192xf32, #tpu.memory_space<vmem>>, vector<16xf32>,
        %get3A_1337 = arith.constant 0 : i32
        %get3A_1338 = arith.index_cast %get3A_1337 : i32 to index
        %get3A_1339 = arith.index_cast %add3A_1297 : i32 to index
        %get3A_1340 = arith.constant 48 : index
        %get3A_1341 = tpu.vector_load %arg6[%get3A_1338, %get3A_1339, %get3A_1340] {strides = array<i32>} : memref<2x128x64xf32, #tpu.memory_space<vmem>>, vector<16xf32>,
        %mul3A_1342 = arith.constant 64 : i32
        %mul3A_1343 = arith.muli %add3A_1297, %mul3A_1342 : i32
        %add3A_1344 = arith.constant 48 : i32
        %add3A_1345 = arith.addi %mul3A_1343, %add3A_1344 : i32
        %swap3A_1346 = arith.constant 0 : i32
        %swap3A_1347 = arith.index_cast %swap3A_1346 : i32 to index
        %swap3A_1348 = arith.index_cast %add3A_1345 : i32 to index
        %swap3A_1349 = tpu.vector_load %arg7[%swap3A_1347, %swap3A_1348] {strides = array<i32>} : memref<2x8192xf32, #tpu.memory_space<vmem>>, vector<16xf32>,
        tpu.vector_store %arg7[%swap3A_1347, %swap3A_1348], %get3A_1341 {strides = array<i32>} : memref<2x8192xf32, #tpu.memory_space<vmem>>, vector<16xf32>,
        %mul3A_1350 = arith.constant 16 : i32
        %mul3A_1351 = arith.muli %scan3A_611, %mul3A_1350 : i32
        %add3A_1352 = arith.constant 13 : i32
        %add3A_1353 = arith.addi %mul3A_1351, %add3A_1352 : i32
        %get3A_1354 = arith.constant 0 : i32
        %get3A_1355 = arith.index_cast %get3A_1354 : i32 to index
        %get3A_1356 = arith.index_cast %add3A_1353 : i32 to index
        %get3A_1357 = arith.constant 0 : index
        %get3A_1358 = tpu.vector_load %arg6[%get3A_1355, %get3A_1356, %get3A_1357] {strides = array<i32>} : memref<2x128x64xf32, #tpu.memory_space<vmem>>, vector<16xf32>,
        %mul3A_1359 = arith.constant 64 : i32
        %mul3A_1360 = arith.muli %add3A_1353, %mul3A_1359 : i32
        %add3A_1361 = arith.constant 0 : i32
        %add3A_1362 = arith.addi %mul3A_1360, %add3A_1361 : i32
        %swap3A_1363 = arith.constant 0 : i32
        %swap3A_1364 = arith.index_cast %swap3A_1363 : i32 to index
        %swap3A_1365 = arith.index_cast %add3A_1362 : i32 to index
        %swap3A_1366 = tpu.vector_load %arg7[%swap3A_1364, %swap3A_1365] {strides = array<i32>} : memref<2x8192xf32, #tpu.memory_space<vmem>>, vector<16xf32>,
        tpu.vector_store %arg7[%swap3A_1364, %swap3A_1365], %get3A_1358 {strides = array<i32>} : memref<2x8192xf32, #tpu.memory_space<vmem>>, vector<16xf32>,
        %get3A_1367 = arith.constant 0 : i32
        %get3A_1368 = arith.index_cast %get3A_1367 : i32 to index
        %get3A_1369 = arith.index_cast %add3A_1353 : i32 to index
        %get3A_1370 = arith.constant 16 : index
        %get3A_1371 = tpu.vector_load %arg6[%get3A_1368, %get3A_1369, %get3A_1370] {strides = array<i32>} : memref<2x128x64xf32, #tpu.memory_space<vmem>>, vector<16xf32>,
        %mul3A_1372 = arith.constant 64 : i32
        %mul3A_1373 = arith.muli %add3A_1353, %mul3A_1372 : i32
        %add3A_1374 = arith.constant 16 : i32
        %add3A_1375 = arith.addi %mul3A_1373, %add3A_1374 : i32
        %swap3A_1376 = arith.constant 0 : i32
        %swap3A_1377 = arith.index_cast %swap3A_1376 : i32 to index
        %swap3A_1378 = arith.index_cast %add3A_1375 : i32 to index
        %swap3A_1379 = tpu.vector_load %arg7[%swap3A_1377, %swap3A_1378] {strides = array<i32>} : memref<2x8192xf32, #tpu.memory_space<vmem>>, vector<16xf32>,
        tpu.vector_store %arg7[%swap3A_1377, %swap3A_1378], %get3A_1371 {strides = array<i32>} : memref<2x8192xf32, #tpu.memory_space<vmem>>, vector<16xf32>,
        %get3A_1380 = arith.constant 0 : i32
        %get3A_1381 = arith.index_cast %get3A_1380 : i32 to index
        %get3A_1382 = arith.index_cast %add3A_1353 : i32 to index
        %get3A_1383 = arith.constant 32 : index
        %get3A_1384 = tpu.vector_load %arg6[%get3A_1381, %get3A_1382, %get3A_1383] {strides = array<i32>} : memref<2x128x64xf32, #tpu.memory_space<vmem>>, vector<16xf32>,
        %mul3A_1385 = arith.constant 64 : i32
        %mul3A_1386 = arith.muli %add3A_1353, %mul3A_1385 : i32
        %add3A_1387 = arith.constant 32 : i32
        %add3A_1388 = arith.addi %mul3A_1386, %add3A_1387 : i32
        %swap3A_1389 = arith.constant 0 : i32
        %swap3A_1390 = arith.index_cast %swap3A_1389 : i32 to index
        %swap3A_1391 = arith.index_cast %add3A_1388 : i32 to index
        %swap3A_1392 = tpu.vector_load %arg7[%swap3A_1390, %swap3A_1391] {strides = array<i32>} : memref<2x8192xf32, #tpu.memory_space<vmem>>, vector<16xf32>,
        tpu.vector_store %arg7[%swap3A_1390, %swap3A_1391], %get3A_1384 {strides = array<i32>} : memref<2x8192xf32, #tpu.memory_space<vmem>>, vector<16xf32>,
        %get3A_1393 = arith.constant 0 : i32
        %get3A_1394 = arith.index_cast %get3A_1393 : i32 to index
        %get3A_1395 = arith.index_cast %add3A_1353 : i32 to index
        %get3A_1396 = arith.constant 48 : index
        %get3A_1397 = tpu.vector_load %arg6[%get3A_1394, %get3A_1395, %get3A_1396] {strides = array<i32>} : memref<2x128x64xf32, #tpu.memory_space<vmem>>, vector<16xf32>,
        %mul3A_1398 = arith.constant 64 : i32
        %mul3A_1399 = arith.muli %add3A_1353, %mul3A_1398 : i32
        %add3A_1400 = arith.constant 48 : i32
        %add3A_1401 = arith.addi %mul3A_1399, %add3A_1400 : i32
        %swap3A_1402 = arith.constant 0 : i32
        %swap3A_1403 = arith.index_cast %swap3A_1402 : i32 to index
        %swap3A_1404 = arith.index_cast %add3A_1401 : i32 to index
        %swap3A_1405 = tpu.vector_load %arg7[%swap3A_1403, %swap3A_1404] {strides = array<i32>} : memref<2x8192xf32, #tpu.memory_space<vmem>>, vector<16xf32>,
        tpu.vector_store %arg7[%swap3A_1403, %swap3A_1404], %get3A_1397 {strides = array<i32>} : memref<2x8192xf32, #tpu.memory_space<vmem>>, vector<16xf32>,
        %mul3A_1406 = arith.constant 16 : i32
        %mul3A_1407 = arith.muli %scan3A_611, %mul3A_1406 : i32
        %add3A_1408 = arith.constant 14 : i32
        %add3A_1409 = arith.addi %mul3A_1407, %add3A_1408 : i32
        %get3A_1410 = arith.constant 0 : i32
        %get3A_1411 = arith.index_cast %get3A_1410 : i32 to index
        %get3A_1412 = arith.index_cast %add3A_1409 : i32 to index
        %get3A_1413 = arith.constant 0 : index
        %get3A_1414 = tpu.vector_load %arg6[%get3A_1411, %get3A_1412, %get3A_1413] {strides = array<i32>} : memref<2x128x64xf32, #tpu.memory_space<vmem>>, vector<16xf32>,
        %mul3A_1415 = arith.constant 64 : i32
        %mul3A_1416 = arith.muli %add3A_1409, %mul3A_1415 : i32
        %add3A_1417 = arith.constant 0 : i32
        %add3A_1418 = arith.addi %mul3A_1416, %add3A_1417 : i32
        %swap3A_1419 = arith.constant 0 : i32
        %swap3A_1420 = arith.index_cast %swap3A_1419 : i32 to index
        %swap3A_1421 = arith.index_cast %add3A_1418 : i32 to index
        %swap3A_1422 = tpu.vector_load %arg7[%swap3A_1420, %swap3A_1421] {strides = array<i32>} : memref<2x8192xf32, #tpu.memory_space<vmem>>, vector<16xf32>,
        tpu.vector_store %arg7[%swap3A_1420, %swap3A_1421], %get3A_1414 {strides = array<i32>} : memref<2x8192xf32, #tpu.memory_space<vmem>>, vector<16xf32>,
        %get3A_1423 = arith.constant 0 : i32
        %get3A_1424 = arith.index_cast %get3A_1423 : i32 to index
        %get3A_1425 = arith.index_cast %add3A_1409 : i32 to index
        %get3A_1426 = arith.constant 16 : index
        %get3A_1427 = tpu.vector_load %arg6[%get3A_1424, %get3A_1425, %get3A_1426] {strides = array<i32>} : memref<2x128x64xf32, #tpu.memory_space<vmem>>, vector<16xf32>,
        %mul3A_1428 = arith.constant 64 : i32
        %mul3A_1429 = arith.muli %add3A_1409, %mul3A_1428 : i32
        %add3A_1430 = arith.constant 16 : i32
        %add3A_1431 = arith.addi %mul3A_1429, %add3A_1430 : i32
        %swap3A_1432 = arith.constant 0 : i32
        %swap3A_1433 = arith.index_cast %swap3A_1432 : i32 to index
        %swap3A_1434 = arith.index_cast %add3A_1431 : i32 to index
        %swap3A_1435 = tpu.vector_load %arg7[%swap3A_1433, %swap3A_1434] {strides = array<i32>} : memref<2x8192xf32, #tpu.memory_space<vmem>>, vector<16xf32>,
        tpu.vector_store %arg7[%swap3A_1433, %swap3A_1434], %get3A_1427 {strides = array<i32>} : memref<2x8192xf32, #tpu.memory_space<vmem>>, vector<16xf32>,
        %get3A_1436 = arith.constant 0 : i32
        %get3A_1437 = arith.index_cast %get3A_1436 : i32 to index
        %get3A_1438 = arith.index_cast %add3A_1409 : i32 to index
        %get3A_1439 = arith.constant 32 : index
        %get3A_1440 = tpu.vector_load %arg6[%get3A_1437, %get3A_1438, %get3A_1439] {strides = array<i32>} : memref<2x128x64xf32, #tpu.memory_space<vmem>>, vector<16xf32>,
        %mul3A_1441 = arith.constant 64 : i32
        %mul3A_1442 = arith.muli %add3A_1409, %mul3A_1441 : i32
        %add3A_1443 = arith.constant 32 : i32
        %add3A_1444 = arith.addi %mul3A_1442, %add3A_1443 : i32
        %swap3A_1445 = arith.constant 0 : i32
        %swap3A_1446 = arith.index_cast %swap3A_1445 : i32 to index
        %swap3A_1447 = arith.index_cast %add3A_1444 : i32 to index
        %swap3A_1448 = tpu.vector_load %arg7[%swap3A_1446, %swap3A_1447] {strides = array<i32>} : memref<2x8192xf32, #tpu.memory_space<vmem>>, vector<16xf32>,
        tpu.vector_store %arg7[%swap3A_1446, %swap3A_1447], %get3A_1440 {strides = array<i32>} : memref<2x8192xf32, #tpu.memory_space<vmem>>, vector<16xf32>,
        %get3A_1449 = arith.constant 0 : i32
        %get3A_1450 = arith.index_cast %get3A_1449 : i32 to index
        %get3A_1451 = arith.index_cast %add3A_1409 : i32 to index
        %get3A_1452 = arith.constant 48 : index
        %get3A_1453 = tpu.vector_load %arg6[%get3A_1450, %get3A_1451, %get3A_1452] {strides = array<i32>} : memref<2x128x64xf32, #tpu.memory_space<vmem>>, vector<16xf32>,
        %mul3A_1454 = arith.constant 64 : i32
        %mul3A_1455 = arith.muli %add3A_1409, %mul3A_1454 : i32
        %add3A_1456 = arith.constant 48 : i32
        %add3A_1457 = arith.addi %mul3A_1455, %add3A_1456 : i32
        %swap3A_1458 = arith.constant 0 : i32
        %swap3A_1459 = arith.index_cast %swap3A_1458 : i32 to index
        %swap3A_1460 = arith.index_cast %add3A_1457 : i32 to index
        %swap3A_1461 = tpu.vector_load %arg7[%swap3A_1459, %swap3A_1460] {strides = array<i32>} : memref<2x8192xf32, #tpu.memory_space<vmem>>, vector<16xf32>,
        tpu.vector_store %arg7[%swap3A_1459, %swap3A_1460], %get3A_1453 {strides = array<i32>} : memref<2x8192xf32, #tpu.memory_space<vmem>>, vector<16xf32>,
        %mul3A_1462 = arith.constant 16 : i32
        %mul3A_1463 = arith.muli %scan3A_611, %mul3A_1462 : i32
        %add3A_1464 = arith.constant 15 : i32
        %add3A_1465 = arith.addi %mul3A_1463, %add3A_1464 : i32
        %get3A_1466 = arith.constant 0 : i32
        %get3A_1467 = arith.index_cast %get3A_1466 : i32 to index
        %get3A_1468 = arith.index_cast %add3A_1465 : i32 to index
        %get3A_1469 = arith.constant 0 : index
        %get3A_1470 = tpu.vector_load %arg6[%get3A_1467, %get3A_1468, %get3A_1469] {strides = array<i32>} : memref<2x128x64xf32, #tpu.memory_space<vmem>>, vector<16xf32>,
        %mul3A_1471 = arith.constant 64 : i32
        %mul3A_1472 = arith.muli %add3A_1465, %mul3A_1471 : i32
        %add3A_1473 = arith.constant 0 : i32
        %add3A_1474 = arith.addi %mul3A_1472, %add3A_1473 : i32
        %swap3A_1475 = arith.constant 0 : i32
        %swap3A_1476 = arith.index_cast %swap3A_1475 : i32 to index
        %swap3A_1477 = arith.index_cast %add3A_1474 : i32 to index
        %swap3A_1478 = tpu.vector_load %arg7[%swap3A_1476, %swap3A_1477] {strides = array<i32>} : memref<2x8192xf32, #tpu.memory_space<vmem>>, vector<16xf32>,
        tpu.vector_store %arg7[%swap3A_1476, %swap3A_1477], %get3A_1470 {strides = array<i32>} : memref<2x8192xf32, #tpu.memory_space<vmem>>, vector<16xf32>,
        %get3A_1479 = arith.constant 0 : i32
        %get3A_1480 = arith.index_cast %get3A_1479 : i32 to index
        %get3A_1481 = arith.index_cast %add3A_1465 : i32 to index
        %get3A_1482 = arith.constant 16 : index
        %get3A_1483 = tpu.vector_load %arg6[%get3A_1480, %get3A_1481, %get3A_1482] {strides = array<i32>} : memref<2x128x64xf32, #tpu.memory_space<vmem>>, vector<16xf32>,
        %mul3A_1484 = arith.constant 64 : i32
        %mul3A_1485 = arith.muli %add3A_1465, %mul3A_1484 : i32
        %add3A_1486 = arith.constant 16 : i32
        %add3A_1487 = arith.addi %mul3A_1485, %add3A_1486 : i32
        %swap3A_1488 = arith.constant 0 : i32
        %swap3A_1489 = arith.index_cast %swap3A_1488 : i32 to index
        %swap3A_1490 = arith.index_cast %add3A_1487 : i32 to index
        %swap3A_1491 = tpu.vector_load %arg7[%swap3A_1489, %swap3A_1490] {strides = array<i32>} : memref<2x8192xf32, #tpu.memory_space<vmem>>, vector<16xf32>,
        tpu.vector_store %arg7[%swap3A_1489, %swap3A_1490], %get3A_1483 {strides = array<i32>} : memref<2x8192xf32, #tpu.memory_space<vmem>>, vector<16xf32>,
        %get3A_1492 = arith.constant 0 : i32
        %get3A_1493 = arith.index_cast %get3A_1492 : i32 to index
        %get3A_1494 = arith.index_cast %add3A_1465 : i32 to index
        %get3A_1495 = arith.constant 32 : index
        %get3A_1496 = tpu.vector_load %arg6[%get3A_1493, %get3A_1494, %get3A_1495] {strides = array<i32>} : memref<2x128x64xf32, #tpu.memory_space<vmem>>, vector<16xf32>,
        %mul3A_1497 = arith.constant 64 : i32
        %mul3A_1498 = arith.muli %add3A_1465, %mul3A_1497 : i32
        %add3A_1499 = arith.constant 32 : i32
        %add3A_1500 = arith.addi %mul3A_1498, %add3A_1499 : i32
        %swap3A_1501 = arith.constant 0 : i32
        %swap3A_1502 = arith.index_cast %swap3A_1501 : i32 to index
        %swap3A_1503 = arith.index_cast %add3A_1500 : i32 to index
        %swap3A_1504 = tpu.vector_load %arg7[%swap3A_1502, %swap3A_1503] {strides = array<i32>} : memref<2x8192xf32, #tpu.memory_space<vmem>>, vector<16xf32>,
        tpu.vector_store %arg7[%swap3A_1502, %swap3A_1503], %get3A_1496 {strides = array<i32>} : memref<2x8192xf32, #tpu.memory_space<vmem>>, vector<16xf32>,
        %get3A_1505 = arith.constant 0 : i32
        %get3A_1506 = arith.index_cast %get3A_1505 : i32 to index
        %get3A_1507 = arith.index_cast %add3A_1465 : i32 to index
        %get3A_1508 = arith.constant 48 : index
        %get3A_1509 = tpu.vector_load %arg6[%get3A_1506, %get3A_1507, %get3A_1508] {strides = array<i32>} : memref<2x128x64xf32, #tpu.memory_space<vmem>>, vector<16xf32>,
        %mul3A_1510 = arith.constant 64 : i32
        %mul3A_1511 = arith.muli %add3A_1465, %mul3A_1510 : i32
        %add3A_1512 = arith.constant 48 : i32
        %add3A_1513 = arith.addi %mul3A_1511, %add3A_1512 : i32
        %swap3A_1514 = arith.constant 0 : i32
        %swap3A_1515 = arith.index_cast %swap3A_1514 : i32 to index
        %swap3A_1516 = arith.index_cast %add3A_1513 : i32 to index
        %swap3A_1517 = tpu.vector_load %arg7[%swap3A_1515, %swap3A_1516] {strides = array<i32>} : memref<2x8192xf32, #tpu.memory_space<vmem>>, vector<16xf32>,
        tpu.vector_store %arg7[%swap3A_1515, %swap3A_1516], %get3A_1509 {strides = array<i32>} : memref<2x8192xf32, #tpu.memory_space<vmem>>, vector<16xf32>,
      }
      %scan3A_320 = arith.constant 8 : i32
      %lt3A = arith.constant 99 : i32
      %lt3A_321 = arith.cmpi slt, %scan3A_268, %lt3A : i32
      %convert_element_type3A_322 = arith.extui %lt3A_321 : i1 to i32
      %cond3A_323 = arith.constant 0 : i32
      %cond3A_324 = arith.cmpi ne, %convert_element_type3A_322, %cond3A_323 : i32
      scf.if %cond3A_324 {
        %add3A_611 = arith.constant 2 : i32
        %add3A_612 = arith.addi %add3A_272, %add3A_611 : i32
        %dma_start3A_613 = arith.constant 0 : i32
        %dma_start3A_614 = arith.constant 0 : i32
        %dma_start3A_615 = arith.constant 0 : i32
        %dma_start3A_616 = tpu.memref_slice %arg6[%dma_start3A_613, %dma_start3A_614, %dma_start3A_615] : memref<2x128x64xf32, #tpu.memory_space<vmem>> -> memref<1x128x64xf32, #tpu.memory_space<vmem>>
        %dma_start3A_617 = tpu.memref_squeeze %dma_start3A_616 : memref<1x128x64xf32, #tpu.memory_space<vmem>> -> memref<128x64xf32, #tpu.memory_space<vmem>>
        %dma_start3A_618 = arith.constant 0 : i32
        %dma_start3A_619 = tpu.memref_slice %arg5[%add3A_612, %dma_start3A_618] : memref<200x128xi32, #tpu.memory_space<vmem>> -> memref<1x128xi32, #tpu.memory_space<vmem>>
        %dma_start3A_620 = tpu.memref_squeeze %dma_start3A_619 : memref<1x128xi32, #tpu.memory_space<vmem>> -> memref<128xi32, #tpu.memory_space<vmem>>
        %dma_start3A_621 = arith.constant 0 : i32
        %dma_start3A_622 = arith.constant 0 : i32
        %dma_start3A_623 = tpu.memref_slice %arg3[%dma_start3A_621, %dma_start3A_622] : memref<1000000x64xf32, #tpu.memory_space<hbm>> -> memref<1000000x64xf32, #tpu.memory_space<hbm>>
        tpu.enqueue_indirect_dma source(%dma_start3A_623 : memref<1000000x64xf32, #tpu.memory_space<hbm>>) target(%dma_start3A_617 : memref<128x64xf32, #tpu.memory_space<vmem>>) offsets(%dma_start3A_620 : memref<128xi32, #tpu.memory_space<vmem>>) semaphore(%arg8 : memref<!tpu.dma_semaphore, #tpu.memory_space<semaphore_mem>>)
      } else {
      }
      %dma_start3A_325 = arith.constant 0 : i32
      %dma_start3A_326 = arith.constant 0 : i32
      %dma_start3A_327 = arith.constant 0 : i32
      %dma_start3A_328 = tpu.memref_slice %arg7[%dma_start3A_325, %dma_start3A_327] : memref<2x8192xf32, #tpu.memory_space<vmem>> -> memref<1x1024xf32, #tpu.memory_space<vmem>>
      %dma_start3A_329 = tpu.memref_squeeze %dma_start3A_328 : memref<1x1024xf32, #tpu.memory_space<vmem>> -> memref<1024xf32, #tpu.memory_space<vmem>>
      %dma_start3A_330 = arith.constant 0 : i32
      %dma_start3A_331 = tpu.memref_slice %arg4[%add3A_272, %dma_start3A_326, %add3A, %dma_start3A_330] : memref<200x8x32x1024xf32, #tpu.memory_space<hbm>> -> memref<1x1x1x1024xf32, #tpu.memory_space<hbm>>
      %dma_start3A_332 = tpu.memref_squeeze %dma_start3A_331 : memref<1x1x1x1024xf32, #tpu.memory_space<hbm>> -> memref<1024xf32, #tpu.memory_space<hbm>>
      %dma_start3A_333 = arith.constant 0 : i32
      %dma_start3A_334 = tpu.memref_slice %arg4[%add3A_272, %dma_start3A_326, %add3A, %dma_start3A_333] : memref<200x8x32x1024xf32, #tpu.memory_space<hbm>> -> memref<1x1x1x1024xf32, #tpu.memory_space<hbm>>
      %dma_start3A_335 = tpu.memref_squeeze %dma_start3A_334 : memref<1x1x1x1024xf32, #tpu.memory_space<hbm>> -> memref<1024xf32, #tpu.memory_space<hbm>>
      %dma_start3A_336 = arith.constant 0 : i32
      %dma_start3A_337 = tpu.memref_slice %arg7[%dma_start3A_325, %dma_start3A_336] : memref<2x8192xf32, #tpu.memory_space<vmem>> -> memref<1x1024xf32, #tpu.memory_space<vmem>>
      %dma_start3A_338 = tpu.memref_squeeze %dma_start3A_337 : memref<1x1024xf32, #tpu.memory_space<vmem>> -> memref<1024xf32, #tpu.memory_space<vmem>>
      tpu.enqueue_dma source(%dma_start3A_338 : memref<1024xf32, #tpu.memory_space<vmem>>) target(%dma_start3A_335 : memref<1024xf32, #tpu.memory_space<hbm>>) target_semaphore(%arg10 : memref<!tpu.dma_semaphore, #tpu.memory_space<semaphore_mem>>)
      %dma_start3A_339 = arith.constant 0 : i32
      %dma_start3A_340 = arith.constant 1 : i32
      %dma_start3A_341 = arith.constant 1024 : i32
      %dma_start3A_342 = tpu.memref_slice %arg7[%dma_start3A_339, %dma_start3A_341] : memref<2x8192xf32, #tpu.memory_space<vmem>> -> memref<1x1024xf32, #tpu.memory_space<vmem>>
      %dma_start3A_343 = tpu.memref_squeeze %dma_start3A_342 : memref<1x1024xf32, #tpu.memory_space<vmem>> -> memref<1024xf32, #tpu.memory_space<vmem>>
      %dma_start3A_344 = arith.constant 0 : i32
      %dma_start3A_345 = tpu.memref_slice %arg4[%add3A_272, %dma_start3A_340, %add3A, %dma_start3A_344] : memref<200x8x32x1024xf32, #tpu.memory_space<hbm>> -> memref<1x1x1x1024xf32, #tpu.memory_space<hbm>>
      %dma_start3A_346 = tpu.memref_squeeze %dma_start3A_345 : memref<1x1x1x1024xf32, #tpu.memory_space<hbm>> -> memref<1024xf32, #tpu.memory_space<hbm>>
      %dma_start3A_347 = arith.constant 0 : i32
      %dma_start3A_348 = tpu.memref_slice %arg4[%add3A_272, %dma_start3A_340, %add3A, %dma_start3A_347] : memref<200x8x32x1024xf32, #tpu.memory_space<hbm>> -> memref<1x1x1x1024xf32, #tpu.memory_space<hbm>>
      %dma_start3A_349 = tpu.memref_squeeze %dma_start3A_348 : memref<1x1x1x1024xf32, #tpu.memory_space<hbm>> -> memref<1024xf32, #tpu.memory_space<hbm>>
      %dma_start3A_350 = arith.constant 1024 : i32
      %dma_start3A_351 = tpu.memref_slice %arg7[%dma_start3A_339, %dma_start3A_350] : memref<2x8192xf32, #tpu.memory_space<vmem>> -> memref<1x1024xf32, #tpu.memory_space<vmem>>
      %dma_start3A_352 = tpu.memref_squeeze %dma_start3A_351 : memref<1x1024xf32, #tpu.memory_space<vmem>> -> memref<1024xf32, #tpu.memory_space<vmem>>
      tpu.enqueue_dma source(%dma_start3A_352 : memref<1024xf32, #tpu.memory_space<vmem>>) target(%dma_start3A_349 : memref<1024xf32, #tpu.memory_space<hbm>>) target_semaphore(%arg10 : memref<!tpu.dma_semaphore, #tpu.memory_space<semaphore_mem>>)
      %dma_start3A_353 = arith.constant 0 : i32
      %dma_start3A_354 = arith.constant 2 : i32
      %dma_start3A_355 = arith.constant 2048 : i32
      %dma_start3A_356 = tpu.memref_slice %arg7[%dma_start3A_353, %dma_start3A_355] : memref<2x8192xf32, #tpu.memory_space<vmem>> -> memref<1x1024xf32, #tpu.memory_space<vmem>>
      %dma_start3A_357 = tpu.memref_squeeze %dma_start3A_356 : memref<1x1024xf32, #tpu.memory_space<vmem>> -> memref<1024xf32, #tpu.memory_space<vmem>>
      %dma_start3A_358 = arith.constant 0 : i32
      %dma_start3A_359 = tpu.memref_slice %arg4[%add3A_272, %dma_start3A_354, %add3A, %dma_start3A_358] : memref<200x8x32x1024xf32, #tpu.memory_space<hbm>> -> memref<1x1x1x1024xf32, #tpu.memory_space<hbm>>
      %dma_start3A_360 = tpu.memref_squeeze %dma_start3A_359 : memref<1x1x1x1024xf32, #tpu.memory_space<hbm>> -> memref<1024xf32, #tpu.memory_space<hbm>>
      %dma_start3A_361 = arith.constant 0 : i32
      %dma_start3A_362 = tpu.memref_slice %arg4[%add3A_272, %dma_start3A_354, %add3A, %dma_start3A_361] : memref<200x8x32x1024xf32, #tpu.memory_space<hbm>> -> memref<1x1x1x1024xf32, #tpu.memory_space<hbm>>
      %dma_start3A_363 = tpu.memref_squeeze %dma_start3A_362 : memref<1x1x1x1024xf32, #tpu.memory_space<hbm>> -> memref<1024xf32, #tpu.memory_space<hbm>>
      %dma_start3A_364 = arith.constant 2048 : i32
      %dma_start3A_365 = tpu.memref_slice %arg7[%dma_start3A_353, %dma_start3A_364] : memref<2x8192xf32, #tpu.memory_space<vmem>> -> memref<1x1024xf32, #tpu.memory_space<vmem>>
      %dma_start3A_366 = tpu.memref_squeeze %dma_start3A_365 : memref<1x1024xf32, #tpu.memory_space<vmem>> -> memref<1024xf32, #tpu.memory_space<vmem>>
      tpu.enqueue_dma source(%dma_start3A_366 : memref<1024xf32, #tpu.memory_space<vmem>>) target(%dma_start3A_363 : memref<1024xf32, #tpu.memory_space<hbm>>) target_semaphore(%arg10 : memref<!tpu.dma_semaphore, #tpu.memory_space<semaphore_mem>>)
      %dma_start3A_367 = arith.constant 0 : i32
      %dma_start3A_368 = arith.constant 3 : i32
      %dma_start3A_369 = arith.constant 3072 : i32
      %dma_start3A_370 = tpu.memref_slice %arg7[%dma_start3A_367, %dma_start3A_369] : memref<2x8192xf32, #tpu.memory_space<vmem>> -> memref<1x1024xf32, #tpu.memory_space<vmem>>
      %dma_start3A_371 = tpu.memref_squeeze %dma_start3A_370 : memref<1x1024xf32, #tpu.memory_space<vmem>> -> memref<1024xf32, #tpu.memory_space<vmem>>
      %dma_start3A_372 = arith.constant 0 : i32
      %dma_start3A_373 = tpu.memref_slice %arg4[%add3A_272, %dma_start3A_368, %add3A, %dma_start3A_372] : memref<200x8x32x1024xf32, #tpu.memory_space<hbm>> -> memref<1x1x1x1024xf32, #tpu.memory_space<hbm>>
      %dma_start3A_374 = tpu.memref_squeeze %dma_start3A_373 : memref<1x1x1x1024xf32, #tpu.memory_space<hbm>> -> memref<1024xf32, #tpu.memory_space<hbm>>
      %dma_start3A_375 = arith.constant 0 : i32
      %dma_start3A_376 = tpu.memref_slice %arg4[%add3A_272, %dma_start3A_368, %add3A, %dma_start3A_375] : memref<200x8x32x1024xf32, #tpu.memory_space<hbm>> -> memref<1x1x1x1024xf32, #tpu.memory_space<hbm>>
      %dma_start3A_377 = tpu.memref_squeeze %dma_start3A_376 : memref<1x1x1x1024xf32, #tpu.memory_space<hbm>> -> memref<1024xf32, #tpu.memory_space<hbm>>
      %dma_start3A_378 = arith.constant 3072 : i32
      %dma_start3A_379 = tpu.memref_slice %arg7[%dma_start3A_367, %dma_start3A_378] : memref<2x8192xf32, #tpu.memory_space<vmem>> -> memref<1x1024xf32, #tpu.memory_space<vmem>>
      %dma_start3A_380 = tpu.memref_squeeze %dma_start3A_379 : memref<1x1024xf32, #tpu.memory_space<vmem>> -> memref<1024xf32, #tpu.memory_space<vmem>>
      tpu.enqueue_dma source(%dma_start3A_380 : memref<1024xf32, #tpu.memory_space<vmem>>) target(%dma_start3A_377 : memref<1024xf32, #tpu.memory_space<hbm>>) target_semaphore(%arg10 : memref<!tpu.dma_semaphore, #tpu.memory_space<semaphore_mem>>)
      %dma_start3A_381 = arith.constant 0 : i32
      %dma_start3A_382 = arith.constant 4 : i32
      %dma_start3A_383 = arith.constant 4096 : i32
      %dma_start3A_384 = tpu.memref_slice %arg7[%dma_start3A_381, %dma_start3A_383] : memref<2x8192xf32, #tpu.memory_space<vmem>> -> memref<1x1024xf32, #tpu.memory_space<vmem>>
      %dma_start3A_385 = tpu.memref_squeeze %dma_start3A_384 : memref<1x1024xf32, #tpu.memory_space<vmem>> -> memref<1024xf32, #tpu.memory_space<vmem>>
      %dma_start3A_386 = arith.constant 0 : i32
      %dma_start3A_387 = tpu.memref_slice %arg4[%add3A_272, %dma_start3A_382, %add3A, %dma_start3A_386] : memref<200x8x32x1024xf32, #tpu.memory_space<hbm>> -> memref<1x1x1x1024xf32, #tpu.memory_space<hbm>>
      %dma_start3A_388 = tpu.memref_squeeze %dma_start3A_387 : memref<1x1x1x1024xf32, #tpu.memory_space<hbm>> -> memref<1024xf32, #tpu.memory_space<hbm>>
      %dma_start3A_389 = arith.constant 0 : i32
      %dma_start3A_390 = tpu.memref_slice %arg4[%add3A_272, %dma_start3A_382, %add3A, %dma_start3A_389] : memref<200x8x32x1024xf32, #tpu.memory_space<hbm>> -> memref<1x1x1x1024xf32, #tpu.memory_space<hbm>>
      %dma_start3A_391 = tpu.memref_squeeze %dma_start3A_390 : memref<1x1x1x1024xf32, #tpu.memory_space<hbm>> -> memref<1024xf32, #tpu.memory_space<hbm>>
      %dma_start3A_392 = arith.constant 4096 : i32
      %dma_start3A_393 = tpu.memref_slice %arg7[%dma_start3A_381, %dma_start3A_392] : memref<2x8192xf32, #tpu.memory_space<vmem>> -> memref<1x1024xf32, #tpu.memory_space<vmem>>
      %dma_start3A_394 = tpu.memref_squeeze %dma_start3A_393 : memref<1x1024xf32, #tpu.memory_space<vmem>> -> memref<1024xf32, #tpu.memory_space<vmem>>
      tpu.enqueue_dma source(%dma_start3A_394 : memref<1024xf32, #tpu.memory_space<vmem>>) target(%dma_start3A_391 : memref<1024xf32, #tpu.memory_space<hbm>>) target_semaphore(%arg10 : memref<!tpu.dma_semaphore, #tpu.memory_space<semaphore_mem>>)
      %dma_start3A_395 = arith.constant 0 : i32
      %dma_start3A_396 = arith.constant 5 : i32
      %dma_start3A_397 = arith.constant 5120 : i32
      %dma_start3A_398 = tpu.memref_slice %arg7[%dma_start3A_395, %dma_start3A_397] : memref<2x8192xf32, #tpu.memory_space<vmem>> -> memref<1x1024xf32, #tpu.memory_space<vmem>>
      %dma_start3A_399 = tpu.memref_squeeze %dma_start3A_398 : memref<1x1024xf32, #tpu.memory_space<vmem>> -> memref<1024xf32, #tpu.memory_space<vmem>>
      %dma_start3A_400 = arith.constant 0 : i32
      %dma_start3A_401 = tpu.memref_slice %arg4[%add3A_272, %dma_start3A_396, %add3A, %dma_start3A_400] : memref<200x8x32x1024xf32, #tpu.memory_space<hbm>> -> memref<1x1x1x1024xf32, #tpu.memory_space<hbm>>
      %dma_start3A_402 = tpu.memref_squeeze %dma_start3A_401 : memref<1x1x1x1024xf32, #tpu.memory_space<hbm>> -> memref<1024xf32, #tpu.memory_space<hbm>>
      %dma_start3A_403 = arith.constant 0 : i32
      %dma_start3A_404 = tpu.memref_slice %arg4[%add3A_272, %dma_start3A_396, %add3A, %dma_start3A_403] : memref<200x8x32x1024xf32, #tpu.memory_space<hbm>> -> memref<1x1x1x1024xf32, #tpu.memory_space<hbm>>
      %dma_start3A_405 = tpu.memref_squeeze %dma_start3A_404 : memref<1x1x1x1024xf32, #tpu.memory_space<hbm>> -> memref<1024xf32, #tpu.memory_space<hbm>>
      %dma_start3A_406 = arith.constant 5120 : i32
      %dma_start3A_407 = tpu.memref_slice %arg7[%dma_start3A_395, %dma_start3A_406] : memref<2x8192xf32, #tpu.memory_space<vmem>> -> memref<1x1024xf32, #tpu.memory_space<vmem>>
      %dma_start3A_408 = tpu.memref_squeeze %dma_start3A_407 : memref<1x1024xf32, #tpu.memory_space<vmem>> -> memref<1024xf32, #tpu.memory_space<vmem>>
      tpu.enqueue_dma source(%dma_start3A_408 : memref<1024xf32, #tpu.memory_space<vmem>>) target(%dma_start3A_405 : memref<1024xf32, #tpu.memory_space<hbm>>) target_semaphore(%arg10 : memref<!tpu.dma_semaphore, #tpu.memory_space<semaphore_mem>>)
      %dma_start3A_409 = arith.constant 0 : i32
      %dma_start3A_410 = arith.constant 6 : i32
      %dma_start3A_411 = arith.constant 6144 : i32
      %dma_start3A_412 = tpu.memref_slice %arg7[%dma_start3A_409, %dma_start3A_411] : memref<2x8192xf32, #tpu.memory_space<vmem>> -> memref<1x1024xf32, #tpu.memory_space<vmem>>
      %dma_start3A_413 = tpu.memref_squeeze %dma_start3A_412 : memref<1x1024xf32, #tpu.memory_space<vmem>> -> memref<1024xf32, #tpu.memory_space<vmem>>
      %dma_start3A_414 = arith.constant 0 : i32
      %dma_start3A_415 = tpu.memref_slice %arg4[%add3A_272, %dma_start3A_410, %add3A, %dma_start3A_414] : memref<200x8x32x1024xf32, #tpu.memory_space<hbm>> -> memref<1x1x1x1024xf32, #tpu.memory_space<hbm>>
      %dma_start3A_416 = tpu.memref_squeeze %dma_start3A_415 : memref<1x1x1x1024xf32, #tpu.memory_space<hbm>> -> memref<1024xf32, #tpu.memory_space<hbm>>
      %dma_start3A_417 = arith.constant 0 : i32
      %dma_start3A_418 = tpu.memref_slice %arg4[%add3A_272, %dma_start3A_410, %add3A, %dma_start3A_417] : memref<200x8x32x1024xf32, #tpu.memory_space<hbm>> -> memref<1x1x1x1024xf32, #tpu.memory_space<hbm>>
      %dma_start3A_419 = tpu.memref_squeeze %dma_start3A_418 : memref<1x1x1x1024xf32, #tpu.memory_space<hbm>> -> memref<1024xf32, #tpu.memory_space<hbm>>
      %dma_start3A_420 = arith.constant 6144 : i32
      %dma_start3A_421 = tpu.memref_slice %arg7[%dma_start3A_409, %dma_start3A_420] : memref<2x8192xf32, #tpu.memory_space<vmem>> -> memref<1x1024xf32, #tpu.memory_space<vmem>>
      %dma_start3A_422 = tpu.memref_squeeze %dma_start3A_421 : memref<1x1024xf32, #tpu.memory_space<vmem>> -> memref<1024xf32, #tpu.memory_space<vmem>>
      tpu.enqueue_dma source(%dma_start3A_422 : memref<1024xf32, #tpu.memory_space<vmem>>) target(%dma_start3A_419 : memref<1024xf32, #tpu.memory_space<hbm>>) target_semaphore(%arg10 : memref<!tpu.dma_semaphore, #tpu.memory_space<semaphore_mem>>)
      %dma_start3A_423 = arith.constant 0 : i32
      %dma_start3A_424 = arith.constant 7 : i32
      %dma_start3A_425 = arith.constant 7168 : i32
      %dma_start3A_426 = tpu.memref_slice %arg7[%dma_start3A_423, %dma_start3A_425] : memref<2x8192xf32, #tpu.memory_space<vmem>> -> memref<1x1024xf32, #tpu.memory_space<vmem>>
      %dma_start3A_427 = tpu.memref_squeeze %dma_start3A_426 : memref<1x1024xf32, #tpu.memory_space<vmem>> -> memref<1024xf32, #tpu.memory_space<vmem>>
      %dma_start3A_428 = arith.constant 0 : i32
      %dma_start3A_429 = tpu.memref_slice %arg4[%add3A_272, %dma_start3A_424, %add3A, %dma_start3A_428] : memref<200x8x32x1024xf32, #tpu.memory_space<hbm>> -> memref<1x1x1x1024xf32, #tpu.memory_space<hbm>>
      %dma_start3A_430 = tpu.memref_squeeze %dma_start3A_429 : memref<1x1x1x1024xf32, #tpu.memory_space<hbm>> -> memref<1024xf32, #tpu.memory_space<hbm>>
      %dma_start3A_431 = arith.constant 0 : i32
      %dma_start3A_432 = tpu.memref_slice %arg4[%add3A_272, %dma_start3A_424, %add3A, %dma_start3A_431] : memref<200x8x32x1024xf32, #tpu.memory_space<hbm>> -> memref<1x1x1x1024xf32, #tpu.memory_space<hbm>>
      %dma_start3A_433 = tpu.memref_squeeze %dma_start3A_432 : memref<1x1x1x1024xf32, #tpu.memory_space<hbm>> -> memref<1024xf32, #tpu.memory_space<hbm>>
      %dma_start3A_434 = arith.constant 7168 : i32
      %dma_start3A_435 = tpu.memref_slice %arg7[%dma_start3A_423, %dma_start3A_434] : memref<2x8192xf32, #tpu.memory_space<vmem>> -> memref<1x1024xf32, #tpu.memory_space<vmem>>
      %dma_start3A_436 = tpu.memref_squeeze %dma_start3A_435 : memref<1x1024xf32, #tpu.memory_space<vmem>> -> memref<1024xf32, #tpu.memory_space<vmem>>
      tpu.enqueue_dma source(%dma_start3A_436 : memref<1024xf32, #tpu.memory_space<vmem>>) target(%dma_start3A_433 : memref<1024xf32, #tpu.memory_space<hbm>>) target_semaphore(%arg10 : memref<!tpu.dma_semaphore, #tpu.memory_space<semaphore_mem>>)
      %mul3A_437 = arith.constant 2 : i32
      %mul3A_438 = arith.muli %scan3A_268, %mul3A_437 : i32
      %add3A_439 = arith.constant 1 : i32
      %add3A_440 = arith.addi %mul3A_438, %add3A_439 : i32
      %dma_wait3A_441 = arith.constant 1 : i32
      %dma_wait3A_442 = arith.constant 0 : i32
      %dma_wait3A_443 = arith.constant 0 : i32
      %dma_wait3A_444 = tpu.memref_slice %arg6[%dma_wait3A_441, %dma_wait3A_442, %dma_wait3A_443] : memref<2x128x64xf32, #tpu.memory_space<vmem>> -> memref<1x128x64xf32, #tpu.memory_space<vmem>>
      %dma_wait3A_445 = tpu.memref_squeeze %dma_wait3A_444 : memref<1x128x64xf32, #tpu.memory_space<vmem>> -> memref<128x64xf32, #tpu.memory_space<vmem>>
      %dma_wait3A_446 = arith.constant 0 : i32
      %dma_wait3A_447 = arith.constant 0 : i32
      %dma_wait3A_448 = tpu.memref_slice %arg3[%dma_wait3A_446, %dma_wait3A_447] : memref<1000000x64xf32, #tpu.memory_space<hbm>> -> memref<128x64xf32, #tpu.memory_space<hbm>>
      %dma_wait3A_449 = arith.constant 0 : i32
      %dma_wait3A_450 = arith.constant 0 : i32
      %dma_wait3A_451 = tpu.memref_slice %arg6[%dma_wait3A_441, %dma_wait3A_449, %dma_wait3A_450] : memref<2x128x64xf32, #tpu.memory_space<vmem>> -> memref<1x128x64xf32, #tpu.memory_space<vmem>>
      %dma_wait3A_452 = tpu.memref_squeeze %dma_wait3A_451 : memref<1x128x64xf32, #tpu.memory_space<vmem>> -> memref<128x64xf32, #tpu.memory_space<vmem>>
      %dma_wait3A_453 = arith.constant 0 : i32
      %dma_wait3A_454 = arith.constant 0 : i32
      %dma_wait3A_455 = tpu.memref_slice %arg3[%dma_wait3A_453, %dma_wait3A_454] : memref<1000000x64xf32, #tpu.memory_space<hbm>> -> memref<128x64xf32, #tpu.memory_space<hbm>>
      tpu.wait_dma2 semaphore(%arg9 : memref<!tpu.dma_semaphore, #tpu.memory_space<semaphore_mem>>) src(%dma_wait3A_455 : memref<128x64xf32, #tpu.memory_space<hbm>>) dst(%dma_wait3A_452 : memref<128x64xf32, #tpu.memory_space<vmem>>)
      %gt3A_456 = arith.constant 0 : i32
      %gt3A_457 = arith.cmpi sgt, %scan3A_268, %gt3A_456 : i32
      %convert_element_type3A_458 = arith.extui %gt3A_457 : i1 to i32
      %cond3A_459 = arith.constant 0 : i32
      %cond3A_460 = arith.cmpi ne, %convert_element_type3A_458, %cond3A_459 : i32
      scf.if %cond3A_460 {
        %dma_wait3A_611 = arith.constant 0 : i32
        %dma_wait3A_612 = arith.constant 0 : i32
        %dma_wait3A_613 = arith.constant 1 : i32
        %dma_wait3A_614 = arith.constant 0 : i32
        %dma_wait3A_615 = tpu.memref_slice %arg7[%dma_wait3A_613, %dma_wait3A_614] : memref<2x8192xf32, #tpu.memory_space<vmem>> -> memref<1x1024xf32, #tpu.memory_space<vmem>>
        %dma_wait3A_616 = tpu.memref_squeeze %dma_wait3A_615 : memref<1x1024xf32, #tpu.memory_space<vmem>> -> memref<1024xf32, #tpu.memory_space<vmem>>
        %dma_wait3A_617 = arith.constant 0 : i32
        %dma_wait3A_618 = tpu.memref_slice %arg4[%dma_wait3A_611, %dma_wait3A_612, %add3A, %dma_wait3A_617] : memref<200x8x32x1024xf32, #tpu.memory_space<hbm>> -> memref<1x1x1x1024xf32, #tpu.memory_space<hbm>>
        %dma_wait3A_619 = tpu.memref_squeeze %dma_wait3A_618 : memref<1x1x1x1024xf32, #tpu.memory_space<hbm>> -> memref<1024xf32, #tpu.memory_space<hbm>>
        %dma_wait3A_620 = arith.constant 0 : i32
        %dma_wait3A_621 = tpu.memref_slice %arg7[%dma_wait3A_613, %dma_wait3A_620] : memref<2x8192xf32, #tpu.memory_space<vmem>> -> memref<1x1024xf32, #tpu.memory_space<vmem>>
        %dma_wait3A_622 = tpu.memref_squeeze %dma_wait3A_621 : memref<1x1024xf32, #tpu.memory_space<vmem>> -> memref<1024xf32, #tpu.memory_space<vmem>>
        %dma_wait3A_623 = arith.constant 0 : i32
        %dma_wait3A_624 = tpu.memref_slice %arg4[%dma_wait3A_611, %dma_wait3A_612, %add3A, %dma_wait3A_623] : memref<200x8x32x1024xf32, #tpu.memory_space<hbm>> -> memref<1x1x1x1024xf32, #tpu.memory_space<hbm>>
        %dma_wait3A_625 = tpu.memref_squeeze %dma_wait3A_624 : memref<1x1x1x1024xf32, #tpu.memory_space<hbm>> -> memref<1024xf32, #tpu.memory_space<hbm>>
        tpu.wait_dma2 semaphore(%arg11 : memref<!tpu.dma_semaphore, #tpu.memory_space<semaphore_mem>>) src(%dma_wait3A_625 : memref<1024xf32, #tpu.memory_space<hbm>>) dst(%dma_wait3A_622 : memref<1024xf32, #tpu.memory_space<vmem>>)
        %dma_wait3A_626 = arith.constant 0 : i32
        %dma_wait3A_627 = arith.constant 1 : i32
        %dma_wait3A_628 = arith.constant 1 : i32
        %dma_wait3A_629 = arith.constant 1024 : i32
        %dma_wait3A_630 = tpu.memref_slice %arg7[%dma_wait3A_628, %dma_wait3A_629] : memref<2x8192xf32, #tpu.memory_space<vmem>> -> memref<1x1024xf32, #tpu.memory_space<vmem>>
        %dma_wait3A_631 = tpu.memref_squeeze %dma_wait3A_630 : memref<1x1024xf32, #tpu.memory_space<vmem>> -> memref<1024xf32, #tpu.memory_space<vmem>>
        %dma_wait3A_632 = arith.constant 0 : i32
        %dma_wait3A_633 = tpu.memref_slice %arg4[%dma_wait3A_626, %dma_wait3A_627, %add3A, %dma_wait3A_632] : memref<200x8x32x1024xf32, #tpu.memory_space<hbm>> -> memref<1x1x1x1024xf32, #tpu.memory_space<hbm>>
        %dma_wait3A_634 = tpu.memref_squeeze %dma_wait3A_633 : memref<1x1x1x1024xf32, #tpu.memory_space<hbm>> -> memref<1024xf32, #tpu.memory_space<hbm>>
        %dma_wait3A_635 = arith.constant 1024 : i32
        %dma_wait3A_636 = tpu.memref_slice %arg7[%dma_wait3A_628, %dma_wait3A_635] : memref<2x8192xf32, #tpu.memory_space<vmem>> -> memref<1x1024xf32, #tpu.memory_space<vmem>>
        %dma_wait3A_637 = tpu.memref_squeeze %dma_wait3A_636 : memref<1x1024xf32, #tpu.memory_space<vmem>> -> memref<1024xf32, #tpu.memory_space<vmem>>
        %dma_wait3A_638 = arith.constant 0 : i32
        %dma_wait3A_639 = tpu.memref_slice %arg4[%dma_wait3A_626, %dma_wait3A_627, %add3A, %dma_wait3A_638] : memref<200x8x32x1024xf32, #tpu.memory_space<hbm>> -> memref<1x1x1x1024xf32, #tpu.memory_space<hbm>>
        %dma_wait3A_640 = tpu.memref_squeeze %dma_wait3A_639 : memref<1x1x1x1024xf32, #tpu.memory_space<hbm>> -> memref<1024xf32, #tpu.memory_space<hbm>>
        tpu.wait_dma2 semaphore(%arg11 : memref<!tpu.dma_semaphore, #tpu.memory_space<semaphore_mem>>) src(%dma_wait3A_640 : memref<1024xf32, #tpu.memory_space<hbm>>) dst(%dma_wait3A_637 : memref<1024xf32, #tpu.memory_space<vmem>>)
        %dma_wait3A_641 = arith.constant 0 : i32
        %dma_wait3A_642 = arith.constant 2 : i32
        %dma_wait3A_643 = arith.constant 1 : i32
        %dma_wait3A_644 = arith.constant 2048 : i32
        %dma_wait3A_645 = tpu.memref_slice %arg7[%dma_wait3A_643, %dma_wait3A_644] : memref<2x8192xf32, #tpu.memory_space<vmem>> -> memref<1x1024xf32, #tpu.memory_space<vmem>>
        %dma_wait3A_646 = tpu.memref_squeeze %dma_wait3A_645 : memref<1x1024xf32, #tpu.memory_space<vmem>> -> memref<1024xf32, #tpu.memory_space<vmem>>
        %dma_wait3A_647 = arith.constant 0 : i32
        %dma_wait3A_648 = tpu.memref_slice %arg4[%dma_wait3A_641, %dma_wait3A_642, %add3A, %dma_wait3A_647] : memref<200x8x32x1024xf32, #tpu.memory_space<hbm>> -> memref<1x1x1x1024xf32, #tpu.memory_space<hbm>>
        %dma_wait3A_649 = tpu.memref_squeeze %dma_wait3A_648 : memref<1x1x1x1024xf32, #tpu.memory_space<hbm>> -> memref<1024xf32, #tpu.memory_space<hbm>>
        %dma_wait3A_650 = arith.constant 2048 : i32
        %dma_wait3A_651 = tpu.memref_slice %arg7[%dma_wait3A_643, %dma_wait3A_650] : memref<2x8192xf32, #tpu.memory_space<vmem>> -> memref<1x1024xf32, #tpu.memory_space<vmem>>
        %dma_wait3A_652 = tpu.memref_squeeze %dma_wait3A_651 : memref<1x1024xf32, #tpu.memory_space<vmem>> -> memref<1024xf32, #tpu.memory_space<vmem>>
        %dma_wait3A_653 = arith.constant 0 : i32
        %dma_wait3A_654 = tpu.memref_slice %arg4[%dma_wait3A_641, %dma_wait3A_642, %add3A, %dma_wait3A_653] : memref<200x8x32x1024xf32, #tpu.memory_space<hbm>> -> memref<1x1x1x1024xf32, #tpu.memory_space<hbm>>
        %dma_wait3A_655 = tpu.memref_squeeze %dma_wait3A_654 : memref<1x1x1x1024xf32, #tpu.memory_space<hbm>> -> memref<1024xf32, #tpu.memory_space<hbm>>
        tpu.wait_dma2 semaphore(%arg11 : memref<!tpu.dma_semaphore, #tpu.memory_space<semaphore_mem>>) src(%dma_wait3A_655 : memref<1024xf32, #tpu.memory_space<hbm>>) dst(%dma_wait3A_652 : memref<1024xf32, #tpu.memory_space<vmem>>)
        %dma_wait3A_656 = arith.constant 0 : i32
        %dma_wait3A_657 = arith.constant 3 : i32
        %dma_wait3A_658 = arith.constant 1 : i32
        %dma_wait3A_659 = arith.constant 3072 : i32
        %dma_wait3A_660 = tpu.memref_slice %arg7[%dma_wait3A_658, %dma_wait3A_659] : memref<2x8192xf32, #tpu.memory_space<vmem>> -> memref<1x1024xf32, #tpu.memory_space<vmem>>
        %dma_wait3A_661 = tpu.memref_squeeze %dma_wait3A_660 : memref<1x1024xf32, #tpu.memory_space<vmem>> -> memref<1024xf32, #tpu.memory_space<vmem>>
        %dma_wait3A_662 = arith.constant 0 : i32
        %dma_wait3A_663 = tpu.memref_slice %arg4[%dma_wait3A_656, %dma_wait3A_657, %add3A, %dma_wait3A_662] : memref<200x8x32x1024xf32, #tpu.memory_space<hbm>> -> memref<1x1x1x1024xf32, #tpu.memory_space<hbm>>
        %dma_wait3A_664 = tpu.memref_squeeze %dma_wait3A_663 : memref<1x1x1x1024xf32, #tpu.memory_space<hbm>> -> memref<1024xf32, #tpu.memory_space<hbm>>
        %dma_wait3A_665 = arith.constant 3072 : i32
        %dma_wait3A_666 = tpu.memref_slice %arg7[%dma_wait3A_658, %dma_wait3A_665] : memref<2x8192xf32, #tpu.memory_space<vmem>> -> memref<1x1024xf32, #tpu.memory_space<vmem>>
        %dma_wait3A_667 = tpu.memref_squeeze %dma_wait3A_666 : memref<1x1024xf32, #tpu.memory_space<vmem>> -> memref<1024xf32, #tpu.memory_space<vmem>>
        %dma_wait3A_668 = arith.constant 0 : i32
        %dma_wait3A_669 = tpu.memref_slice %arg4[%dma_wait3A_656, %dma_wait3A_657, %add3A, %dma_wait3A_668] : memref<200x8x32x1024xf32, #tpu.memory_space<hbm>> -> memref<1x1x1x1024xf32, #tpu.memory_space<hbm>>
        %dma_wait3A_670 = tpu.memref_squeeze %dma_wait3A_669 : memref<1x1x1x1024xf32, #tpu.memory_space<hbm>> -> memref<1024xf32, #tpu.memory_space<hbm>>
        tpu.wait_dma2 semaphore(%arg11 : memref<!tpu.dma_semaphore, #tpu.memory_space<semaphore_mem>>) src(%dma_wait3A_670 : memref<1024xf32, #tpu.memory_space<hbm>>) dst(%dma_wait3A_667 : memref<1024xf32, #tpu.memory_space<vmem>>)
        %dma_wait3A_671 = arith.constant 0 : i32
        %dma_wait3A_672 = arith.constant 4 : i32
        %dma_wait3A_673 = arith.constant 1 : i32
        %dma_wait3A_674 = arith.constant 4096 : i32
        %dma_wait3A_675 = tpu.memref_slice %arg7[%dma_wait3A_673, %dma_wait3A_674] : memref<2x8192xf32, #tpu.memory_space<vmem>> -> memref<1x1024xf32, #tpu.memory_space<vmem>>
        %dma_wait3A_676 = tpu.memref_squeeze %dma_wait3A_675 : memref<1x1024xf32, #tpu.memory_space<vmem>> -> memref<1024xf32, #tpu.memory_space<vmem>>
        %dma_wait3A_677 = arith.constant 0 : i32
        %dma_wait3A_678 = tpu.memref_slice %arg4[%dma_wait3A_671, %dma_wait3A_672, %add3A, %dma_wait3A_677] : memref<200x8x32x1024xf32, #tpu.memory_space<hbm>> -> memref<1x1x1x1024xf32, #tpu.memory_space<hbm>>
        %dma_wait3A_679 = tpu.memref_squeeze %dma_wait3A_678 : memref<1x1x1x1024xf32, #tpu.memory_space<hbm>> -> memref<1024xf32, #tpu.memory_space<hbm>>
        %dma_wait3A_680 = arith.constant 4096 : i32
        %dma_wait3A_681 = tpu.memref_slice %arg7[%dma_wait3A_673, %dma_wait3A_680] : memref<2x8192xf32, #tpu.memory_space<vmem>> -> memref<1x1024xf32, #tpu.memory_space<vmem>>
        %dma_wait3A_682 = tpu.memref_squeeze %dma_wait3A_681 : memref<1x1024xf32, #tpu.memory_space<vmem>> -> memref<1024xf32, #tpu.memory_space<vmem>>
        %dma_wait3A_683 = arith.constant 0 : i32
        %dma_wait3A_684 = tpu.memref_slice %arg4[%dma_wait3A_671, %dma_wait3A_672, %add3A, %dma_wait3A_683] : memref<200x8x32x1024xf32, #tpu.memory_space<hbm>> -> memref<1x1x1x1024xf32, #tpu.memory_space<hbm>>
        %dma_wait3A_685 = tpu.memref_squeeze %dma_wait3A_684 : memref<1x1x1x1024xf32, #tpu.memory_space<hbm>> -> memref<1024xf32, #tpu.memory_space<hbm>>
        tpu.wait_dma2 semaphore(%arg11 : memref<!tpu.dma_semaphore, #tpu.memory_space<semaphore_mem>>) src(%dma_wait3A_685 : memref<1024xf32, #tpu.memory_space<hbm>>) dst(%dma_wait3A_682 : memref<1024xf32, #tpu.memory_space<vmem>>)
        %dma_wait3A_686 = arith.constant 0 : i32
        %dma_wait3A_687 = arith.constant 5 : i32
        %dma_wait3A_688 = arith.constant 1 : i32
        %dma_wait3A_689 = arith.constant 5120 : i32
        %dma_wait3A_690 = tpu.memref_slice %arg7[%dma_wait3A_688, %dma_wait3A_689] : memref<2x8192xf32, #tpu.memory_space<vmem>> -> memref<1x1024xf32, #tpu.memory_space<vmem>>
        %dma_wait3A_691 = tpu.memref_squeeze %dma_wait3A_690 : memref<1x1024xf32, #tpu.memory_space<vmem>> -> memref<1024xf32, #tpu.memory_space<vmem>>
        %dma_wait3A_692 = arith.constant 0 : i32
        %dma_wait3A_693 = tpu.memref_slice %arg4[%dma_wait3A_686, %dma_wait3A_687, %add3A, %dma_wait3A_692] : memref<200x8x32x1024xf32, #tpu.memory_space<hbm>> -> memref<1x1x1x1024xf32, #tpu.memory_space<hbm>>
        %dma_wait3A_694 = tpu.memref_squeeze %dma_wait3A_693 : memref<1x1x1x1024xf32, #tpu.memory_space<hbm>> -> memref<1024xf32, #tpu.memory_space<hbm>>
        %dma_wait3A_695 = arith.constant 5120 : i32
        %dma_wait3A_696 = tpu.memref_slice %arg7[%dma_wait3A_688, %dma_wait3A_695] : memref<2x8192xf32, #tpu.memory_space<vmem>> -> memref<1x1024xf32, #tpu.memory_space<vmem>>
        %dma_wait3A_697 = tpu.memref_squeeze %dma_wait3A_696 : memref<1x1024xf32, #tpu.memory_space<vmem>> -> memref<1024xf32, #tpu.memory_space<vmem>>
        %dma_wait3A_698 = arith.constant 0 : i32
        %dma_wait3A_699 = tpu.memref_slice %arg4[%dma_wait3A_686, %dma_wait3A_687, %add3A, %dma_wait3A_698] : memref<200x8x32x1024xf32, #tpu.memory_space<hbm>> -> memref<1x1x1x1024xf32, #tpu.memory_space<hbm>>
        %dma_wait3A_700 = tpu.memref_squeeze %dma_wait3A_699 : memref<1x1x1x1024xf32, #tpu.memory_space<hbm>> -> memref<1024xf32, #tpu.memory_space<hbm>>
        tpu.wait_dma2 semaphore(%arg11 : memref<!tpu.dma_semaphore, #tpu.memory_space<semaphore_mem>>) src(%dma_wait3A_700 : memref<1024xf32, #tpu.memory_space<hbm>>) dst(%dma_wait3A_697 : memref<1024xf32, #tpu.memory_space<vmem>>)
        %dma_wait3A_701 = arith.constant 0 : i32
        %dma_wait3A_702 = arith.constant 6 : i32
        %dma_wait3A_703 = arith.constant 1 : i32
        %dma_wait3A_704 = arith.constant 6144 : i32
        %dma_wait3A_705 = tpu.memref_slice %arg7[%dma_wait3A_703, %dma_wait3A_704] : memref<2x8192xf32, #tpu.memory_space<vmem>> -> memref<1x1024xf32, #tpu.memory_space<vmem>>
        %dma_wait3A_706 = tpu.memref_squeeze %dma_wait3A_705 : memref<1x1024xf32, #tpu.memory_space<vmem>> -> memref<1024xf32, #tpu.memory_space<vmem>>
        %dma_wait3A_707 = arith.constant 0 : i32
        %dma_wait3A_708 = tpu.memref_slice %arg4[%dma_wait3A_701, %dma_wait3A_702, %add3A, %dma_wait3A_707] : memref<200x8x32x1024xf32, #tpu.memory_space<hbm>> -> memref<1x1x1x1024xf32, #tpu.memory_space<hbm>>
        %dma_wait3A_709 = tpu.memref_squeeze %dma_wait3A_708 : memref<1x1x1x1024xf32, #tpu.memory_space<hbm>> -> memref<1024xf32, #tpu.memory_space<hbm>>
        %dma_wait3A_710 = arith.constant 6144 : i32
        %dma_wait3A_711 = tpu.memref_slice %arg7[%dma_wait3A_703, %dma_wait3A_710] : memref<2x8192xf32, #tpu.memory_space<vmem>> -> memref<1x1024xf32, #tpu.memory_space<vmem>>
        %dma_wait3A_712 = tpu.memref_squeeze %dma_wait3A_711 : memref<1x1024xf32, #tpu.memory_space<vmem>> -> memref<1024xf32, #tpu.memory_space<vmem>>
        %dma_wait3A_713 = arith.constant 0 : i32
        %dma_wait3A_714 = tpu.memref_slice %arg4[%dma_wait3A_701, %dma_wait3A_702, %add3A, %dma_wait3A_713] : memref<200x8x32x1024xf32, #tpu.memory_space<hbm>> -> memref<1x1x1x1024xf32, #tpu.memory_space<hbm>>
        %dma_wait3A_715 = tpu.memref_squeeze %dma_wait3A_714 : memref<1x1x1x1024xf32, #tpu.memory_space<hbm>> -> memref<1024xf32, #tpu.memory_space<hbm>>
        tpu.wait_dma2 semaphore(%arg11 : memref<!tpu.dma_semaphore, #tpu.memory_space<semaphore_mem>>) src(%dma_wait3A_715 : memref<1024xf32, #tpu.memory_space<hbm>>) dst(%dma_wait3A_712 : memref<1024xf32, #tpu.memory_space<vmem>>)
        %dma_wait3A_716 = arith.constant 0 : i32
        %dma_wait3A_717 = arith.constant 7 : i32
        %dma_wait3A_718 = arith.constant 1 : i32
        %dma_wait3A_719 = arith.constant 7168 : i32
        %dma_wait3A_720 = tpu.memref_slice %arg7[%dma_wait3A_718, %dma_wait3A_719] : memref<2x8192xf32, #tpu.memory_space<vmem>> -> memref<1x1024xf32, #tpu.memory_space<vmem>>
        %dma_wait3A_721 = tpu.memref_squeeze %dma_wait3A_720 : memref<1x1024xf32, #tpu.memory_space<vmem>> -> memref<1024xf32, #tpu.memory_space<vmem>>
        %dma_wait3A_722 = arith.constant 0 : i32
        %dma_wait3A_723 = tpu.memref_slice %arg4[%dma_wait3A_716, %dma_wait3A_717, %add3A, %dma_wait3A_722] : memref<200x8x32x1024xf32, #tpu.memory_space<hbm>> -> memref<1x1x1x1024xf32, #tpu.memory_space<hbm>>
        %dma_wait3A_724 = tpu.memref_squeeze %dma_wait3A_723 : memref<1x1x1x1024xf32, #tpu.memory_space<hbm>> -> memref<1024xf32, #tpu.memory_space<hbm>>
        %dma_wait3A_725 = arith.constant 7168 : i32
        %dma_wait3A_726 = tpu.memref_slice %arg7[%dma_wait3A_718, %dma_wait3A_725] : memref<2x8192xf32, #tpu.memory_space<vmem>> -> memref<1x1024xf32, #tpu.memory_space<vmem>>
        %dma_wait3A_727 = tpu.memref_squeeze %dma_wait3A_726 : memref<1x1024xf32, #tpu.memory_space<vmem>> -> memref<1024xf32, #tpu.memory_space<vmem>>
        %dma_wait3A_728 = arith.constant 0 : i32
        %dma_wait3A_729 = tpu.memref_slice %arg4[%dma_wait3A_716, %dma_wait3A_717, %add3A, %dma_wait3A_728] : memref<200x8x32x1024xf32, #tpu.memory_space<hbm>> -> memref<1x1x1x1024xf32, #tpu.memory_space<hbm>>
        %dma_wait3A_730 = tpu.memref_squeeze %dma_wait3A_729 : memref<1x1x1x1024xf32, #tpu.memory_space<hbm>> -> memref<1024xf32, #tpu.memory_space<hbm>>
        tpu.wait_dma2 semaphore(%arg11 : memref<!tpu.dma_semaphore, #tpu.memory_space<semaphore_mem>>) src(%dma_wait3A_730 : memref<1024xf32, #tpu.memory_space<hbm>>) dst(%dma_wait3A_727 : memref<1024xf32, #tpu.memory_space<vmem>>)
      } else {
      }
      %iota3A_461 = tpu.iota {dimensions = array<i32: 0>} : vector<16xi32>
      %broadcast_in_dim3A_462 = arith.constant 0.000000e+00 : f32
      %broadcast_in_dim3A_463 = vector.broadcast %broadcast_in_dim3A_462 : f32 to vector<16xf32>
      %add3A_464 = arith.constant 0 : i32
      %add3A_465 = vector.broadcast %add3A_464 : i32 to vector<16xi32>
      %add3A_466 = arith.addi %add3A_465, %iota3A_461 : vector<16xi32>
      %mul3A_467 = arith.constant 128 : i32
      %mul3A_468 = vector.broadcast %mul3A_467 : i32 to vector<16xi32>
      %mul3A_469 = arith.muli %add3A_466, %mul3A_468 : vector<16xi32>
      %add3A_470 = arith.constant 16 : i32
      %add3A_471 = vector.broadcast %add3A_470 : i32 to vector<16xi32>
      %add3A_472 = arith.addi %add3A_471, %iota3A_461 : vector<16xi32>
      %mul3A_473 = arith.constant 128 : i32
      %mul3A_474 = vector.broadcast %mul3A_473 : i32 to vector<16xi32>
      %mul3A_475 = arith.muli %add3A_472, %mul3A_474 : vector<16xi32>
      %add3A_476 = arith.constant 32 : i32
      %add3A_477 = vector.broadcast %add3A_476 : i32 to vector<16xi32>
      %add3A_478 = arith.addi %add3A_477, %iota3A_461 : vector<16xi32>
      %mul3A_479 = arith.constant 128 : i32
      %mul3A_480 = vector.broadcast %mul3A_479 : i32 to vector<16xi32>
      %mul3A_481 = arith.muli %add3A_478, %mul3A_480 : vector<16xi32>
      %add3A_482 = arith.constant 48 : i32
      %add3A_483 = vector.broadcast %add3A_482 : i32 to vector<16xi32>
      %add3A_484 = arith.addi %add3A_483, %iota3A_461 : vector<16xi32>
      %mul3A_485 = arith.constant 128 : i32
      %mul3A_486 = vector.broadcast %mul3A_485 : i32 to vector<16xi32>
      %mul3A_487 = arith.muli %add3A_484, %mul3A_486 : vector<16xi32>
      %scan3A_488 = arith.constant 0 : i32
      %scan3A_489 = arith.constant 0 : i32
      %scan3A_490 = arith.constant 8 : i32
      %scan3A_491 = arith.addi %scan3A_489, %scan3A_490 : i32
      %scan3A_492 = arith.constant 1 : i32
      scf.for %scan3A_611 = %scan3A_489 to %scan3A_491 step %scan3A_492  : i32 {
        %mul3A_612 = arith.constant 16 : i32
        %mul3A_613 = arith.muli %scan3A_611, %mul3A_612 : i32
        %get3A = arith.index_cast %add3A_440 : i32 to index
        %get3A_614 = arith.index_cast %mul3A_613 : i32 to index
        %get3A_615 = tpu.vector_load %arg5[%get3A, %get3A_614] {strides = array<i32>} : memref<200x128xi32, #tpu.memory_space<vmem>>, vector<16xi32>,
        %eq3A = arith.constant 0 : i32
        %eq3A_616 = vector.broadcast %eq3A : i32 to vector<16xi32>
        %eq3A_617 = arith.cmpi eq, %get3A_615, %eq3A_616 : vector<16xi32>
        %all_reduce_population_count3A = tpu.all_reduce %eq3A_617 {dim = 0 : i64, kind = #tpu.reduction_kind<sum>} : vector<16xi1> -> vector<16xi32>
        %slice3A = vector.extract_strided_slice %all_reduce_population_count3A {offsets = [0], sizes = [1], strides = [1]} : vector<16xi32> to vector<1xi32>
        %squeeze3A = vector.extract %slice3A[0] : i32 from vector<1xi32>
        %gt3A_618 = arith.constant 0 : i32
        %gt3A_619 = arith.cmpi sgt, %squeeze3A, %gt3A_618 : i32
        %convert_element_type3A_620 = arith.extui %gt3A_619 : i1 to i32
        %cond3A_621 = arith.constant 0 : i32
        %cond3A_622 = arith.cmpi ne, %convert_element_type3A_620, %cond3A_621 : i32
        scf.if %cond3A_622 {
          %mul3A_1518 = arith.constant 16 : i32
          %mul3A_1519 = arith.muli %scan3A_611, %mul3A_1518 : i32
          %add3A_1520 = vector.broadcast %mul3A_1519 : i32 to vector<16xi32>
          %add3A_1521 = arith.addi %add3A_1520, %iota3A_461 : vector<16xi32>
          %broadcast_in_dim3A_1522 = arith.constant 0 : i32
          %broadcast_in_dim3A_1523 = vector.broadcast %broadcast_in_dim3A_1522 : i32 to vector<16xi32>
          %scatter3A = arith.constant 1 : i32
          %scatter3A_1524 = arith.constant 0 : i32
          %scatter3A_1525 = arith.constant 0 : i32
          %scatter3A_1526 = tpu.memref_slice %arg6[%scatter3A, %scatter3A_1524, %scatter3A_1525] : memref<2x128x64xf32, #tpu.memory_space<vmem>> -> memref<1x128x64xf32, #tpu.memory_space<vmem>>
          %scatter3A_1527 = tpu.memref_squeeze %scatter3A_1526 : memref<1x128x64xf32, #tpu.memory_space<vmem>> -> memref<128x64xf32, #tpu.memory_space<vmem>>
          tpu.vector_store_idx %scatter3A_1527[%add3A_1521, %broadcast_in_dim3A_1523], %broadcast_in_dim3A_463 masked %eq3A_617 : memref<128x64xf32, #tpu.memory_space<vmem>>[vector<16xi32>, vector<16xi32>], vector<16xf32>, vector<16xi1>
          %broadcast_in_dim3A_1528 = arith.constant 1 : i32
          %broadcast_in_dim3A_1529 = vector.broadcast %broadcast_in_dim3A_1528 : i32 to vector<16xi32>
          %scatter3A_1530 = arith.constant 1 : i32
          %scatter3A_1531 = arith.constant 0 : i32
          %scatter3A_1532 = arith.constant 0 : i32
          %scatter3A_1533 = tpu.memref_slice %arg6[%scatter3A_1530, %scatter3A_1531, %scatter3A_1532] : memref<2x128x64xf32, #tpu.memory_space<vmem>> -> memref<1x128x64xf32, #tpu.memory_space<vmem>>
          %scatter3A_1534 = tpu.memref_squeeze %scatter3A_1533 : memref<1x128x64xf32, #tpu.memory_space<vmem>> -> memref<128x64xf32, #tpu.memory_space<vmem>>
          tpu.vector_store_idx %scatter3A_1534[%add3A_1521, %broadcast_in_dim3A_1529], %broadcast_in_dim3A_463 masked %eq3A_617 : memref<128x64xf32, #tpu.memory_space<vmem>>[vector<16xi32>, vector<16xi32>], vector<16xf32>, vector<16xi1>
          %broadcast_in_dim3A_1535 = arith.constant 2 : i32
          %broadcast_in_dim3A_1536 = vector.broadcast %broadcast_in_dim3A_1535 : i32 to vector<16xi32>
          %scatter3A_1537 = arith.constant 1 : i32
          %scatter3A_1538 = arith.constant 0 : i32
          %scatter3A_1539 = arith.constant 0 : i32
          %scatter3A_1540 = tpu.memref_slice %arg6[%scatter3A_1537, %scatter3A_1538, %scatter3A_1539] : memref<2x128x64xf32, #tpu.memory_space<vmem>> -> memref<1x128x64xf32, #tpu.memory_space<vmem>>
          %scatter3A_1541 = tpu.memref_squeeze %scatter3A_1540 : memref<1x128x64xf32, #tpu.memory_space<vmem>> -> memref<128x64xf32, #tpu.memory_space<vmem>>
          tpu.vector_store_idx %scatter3A_1541[%add3A_1521, %broadcast_in_dim3A_1536], %broadcast_in_dim3A_463 masked %eq3A_617 : memref<128x64xf32, #tpu.memory_space<vmem>>[vector<16xi32>, vector<16xi32>], vector<16xf32>, vector<16xi1>
          %broadcast_in_dim3A_1542 = arith.constant 3 : i32
          %broadcast_in_dim3A_1543 = vector.broadcast %broadcast_in_dim3A_1542 : i32 to vector<16xi32>
          %scatter3A_1544 = arith.constant 1 : i32
          %scatter3A_1545 = arith.constant 0 : i32
          %scatter3A_1546 = arith.constant 0 : i32
          %scatter3A_1547 = tpu.memref_slice %arg6[%scatter3A_1544, %scatter3A_1545, %scatter3A_1546] : memref<2x128x64xf32, #tpu.memory_space<vmem>> -> memref<1x128x64xf32, #tpu.memory_space<vmem>>
          %scatter3A_1548 = tpu.memref_squeeze %scatter3A_1547 : memref<1x128x64xf32, #tpu.memory_space<vmem>> -> memref<128x64xf32, #tpu.memory_space<vmem>>
          tpu.vector_store_idx %scatter3A_1548[%add3A_1521, %broadcast_in_dim3A_1543], %broadcast_in_dim3A_463 masked %eq3A_617 : memref<128x64xf32, #tpu.memory_space<vmem>>[vector<16xi32>, vector<16xi32>], vector<16xf32>, vector<16xi1>
          %broadcast_in_dim3A_1549 = arith.constant 4 : i32
          %broadcast_in_dim3A_1550 = vector.broadcast %broadcast_in_dim3A_1549 : i32 to vector<16xi32>
          %scatter3A_1551 = arith.constant 1 : i32
          %scatter3A_1552 = arith.constant 0 : i32
          %scatter3A_1553 = arith.constant 0 : i32
          %scatter3A_1554 = tpu.memref_slice %arg6[%scatter3A_1551, %scatter3A_1552, %scatter3A_1553] : memref<2x128x64xf32, #tpu.memory_space<vmem>> -> memref<1x128x64xf32, #tpu.memory_space<vmem>>
          %scatter3A_1555 = tpu.memref_squeeze %scatter3A_1554 : memref<1x128x64xf32, #tpu.memory_space<vmem>> -> memref<128x64xf32, #tpu.memory_space<vmem>>
          tpu.vector_store_idx %scatter3A_1555[%add3A_1521, %broadcast_in_dim3A_1550], %broadcast_in_dim3A_463 masked %eq3A_617 : memref<128x64xf32, #tpu.memory_space<vmem>>[vector<16xi32>, vector<16xi32>], vector<16xf32>, vector<16xi1>
          %broadcast_in_dim3A_1556 = arith.constant 5 : i32
          %broadcast_in_dim3A_1557 = vector.broadcast %broadcast_in_dim3A_1556 : i32 to vector<16xi32>
          %scatter3A_1558 = arith.constant 1 : i32
          %scatter3A_1559 = arith.constant 0 : i32
          %scatter3A_1560 = arith.constant 0 : i32
          %scatter3A_1561 = tpu.memref_slice %arg6[%scatter3A_1558, %scatter3A_1559, %scatter3A_1560] : memref<2x128x64xf32, #tpu.memory_space<vmem>> -> memref<1x128x64xf32, #tpu.memory_space<vmem>>
          %scatter3A_1562 = tpu.memref_squeeze %scatter3A_1561 : memref<1x128x64xf32, #tpu.memory_space<vmem>> -> memref<128x64xf32, #tpu.memory_space<vmem>>
          tpu.vector_store_idx %scatter3A_1562[%add3A_1521, %broadcast_in_dim3A_1557], %broadcast_in_dim3A_463 masked %eq3A_617 : memref<128x64xf32, #tpu.memory_space<vmem>>[vector<16xi32>, vector<16xi32>], vector<16xf32>, vector<16xi1>
          %broadcast_in_dim3A_1563 = arith.constant 6 : i32
          %broadcast_in_dim3A_1564 = vector.broadcast %broadcast_in_dim3A_1563 : i32 to vector<16xi32>
          %scatter3A_1565 = arith.constant 1 : i32
          %scatter3A_1566 = arith.constant 0 : i32
          %scatter3A_1567 = arith.constant 0 : i32
          %scatter3A_1568 = tpu.memref_slice %arg6[%scatter3A_1565, %scatter3A_1566, %scatter3A_1567] : memref<2x128x64xf32, #tpu.memory_space<vmem>> -> memref<1x128x64xf32, #tpu.memory_space<vmem>>
          %scatter3A_1569 = tpu.memref_squeeze %scatter3A_1568 : memref<1x128x64xf32, #tpu.memory_space<vmem>> -> memref<128x64xf32, #tpu.memory_space<vmem>>
          tpu.vector_store_idx %scatter3A_1569[%add3A_1521, %broadcast_in_dim3A_1564], %broadcast_in_dim3A_463 masked %eq3A_617 : memref<128x64xf32, #tpu.memory_space<vmem>>[vector<16xi32>, vector<16xi32>], vector<16xf32>, vector<16xi1>
          %broadcast_in_dim3A_1570 = arith.constant 7 : i32
          %broadcast_in_dim3A_1571 = vector.broadcast %broadcast_in_dim3A_1570 : i32 to vector<16xi32>
          %scatter3A_1572 = arith.constant 1 : i32
          %scatter3A_1573 = arith.constant 0 : i32
          %scatter3A_1574 = arith.constant 0 : i32
          %scatter3A_1575 = tpu.memref_slice %arg6[%scatter3A_1572, %scatter3A_1573, %scatter3A_1574] : memref<2x128x64xf32, #tpu.memory_space<vmem>> -> memref<1x128x64xf32, #tpu.memory_space<vmem>>
          %scatter3A_1576 = tpu.memref_squeeze %scatter3A_1575 : memref<1x128x64xf32, #tpu.memory_space<vmem>> -> memref<128x64xf32, #tpu.memory_space<vmem>>
          tpu.vector_store_idx %scatter3A_1576[%add3A_1521, %broadcast_in_dim3A_1571], %broadcast_in_dim3A_463 masked %eq3A_617 : memref<128x64xf32, #tpu.memory_space<vmem>>[vector<16xi32>, vector<16xi32>], vector<16xf32>, vector<16xi1>
          %broadcast_in_dim3A_1577 = arith.constant 8 : i32
          %broadcast_in_dim3A_1578 = vector.broadcast %broadcast_in_dim3A_1577 : i32 to vector<16xi32>
          %scatter3A_1579 = arith.constant 1 : i32
          %scatter3A_1580 = arith.constant 0 : i32
          %scatter3A_1581 = arith.constant 0 : i32
          %scatter3A_1582 = tpu.memref_slice %arg6[%scatter3A_1579, %scatter3A_1580, %scatter3A_1581] : memref<2x128x64xf32, #tpu.memory_space<vmem>> -> memref<1x128x64xf32, #tpu.memory_space<vmem>>
          %scatter3A_1583 = tpu.memref_squeeze %scatter3A_1582 : memref<1x128x64xf32, #tpu.memory_space<vmem>> -> memref<128x64xf32, #tpu.memory_space<vmem>>
          tpu.vector_store_idx %scatter3A_1583[%add3A_1521, %broadcast_in_dim3A_1578], %broadcast_in_dim3A_463 masked %eq3A_617 : memref<128x64xf32, #tpu.memory_space<vmem>>[vector<16xi32>, vector<16xi32>], vector<16xf32>, vector<16xi1>
          %broadcast_in_dim3A_1584 = arith.constant 9 : i32
          %broadcast_in_dim3A_1585 = vector.broadcast %broadcast_in_dim3A_1584 : i32 to vector<16xi32>
          %scatter3A_1586 = arith.constant 1 : i32
          %scatter3A_1587 = arith.constant 0 : i32
          %scatter3A_1588 = arith.constant 0 : i32
          %scatter3A_1589 = tpu.memref_slice %arg6[%scatter3A_1586, %scatter3A_1587, %scatter3A_1588] : memref<2x128x64xf32, #tpu.memory_space<vmem>> -> memref<1x128x64xf32, #tpu.memory_space<vmem>>
          %scatter3A_1590 = tpu.memref_squeeze %scatter3A_1589 : memref<1x128x64xf32, #tpu.memory_space<vmem>> -> memref<128x64xf32, #tpu.memory_space<vmem>>
          tpu.vector_store_idx %scatter3A_1590[%add3A_1521, %broadcast_in_dim3A_1585], %broadcast_in_dim3A_463 masked %eq3A_617 : memref<128x64xf32, #tpu.memory_space<vmem>>[vector<16xi32>, vector<16xi32>], vector<16xf32>, vector<16xi1>
          %broadcast_in_dim3A_1591 = arith.constant 10 : i32
          %broadcast_in_dim3A_1592 = vector.broadcast %broadcast_in_dim3A_1591 : i32 to vector<16xi32>
          %scatter3A_1593 = arith.constant 1 : i32
          %scatter3A_1594 = arith.constant 0 : i32
          %scatter3A_1595 = arith.constant 0 : i32
          %scatter3A_1596 = tpu.memref_slice %arg6[%scatter3A_1593, %scatter3A_1594, %scatter3A_1595] : memref<2x128x64xf32, #tpu.memory_space<vmem>> -> memref<1x128x64xf32, #tpu.memory_space<vmem>>
          %scatter3A_1597 = tpu.memref_squeeze %scatter3A_1596 : memref<1x128x64xf32, #tpu.memory_space<vmem>> -> memref<128x64xf32, #tpu.memory_space<vmem>>
          tpu.vector_store_idx %scatter3A_1597[%add3A_1521, %broadcast_in_dim3A_1592], %broadcast_in_dim3A_463 masked %eq3A_617 : memref<128x64xf32, #tpu.memory_space<vmem>>[vector<16xi32>, vector<16xi32>], vector<16xf32>, vector<16xi1>
          %broadcast_in_dim3A_1598 = arith.constant 11 : i32
          %broadcast_in_dim3A_1599 = vector.broadcast %broadcast_in_dim3A_1598 : i32 to vector<16xi32>
          %scatter3A_1600 = arith.constant 1 : i32
          %scatter3A_1601 = arith.constant 0 : i32
          %scatter3A_1602 = arith.constant 0 : i32
          %scatter3A_1603 = tpu.memref_slice %arg6[%scatter3A_1600, %scatter3A_1601, %scatter3A_1602] : memref<2x128x64xf32, #tpu.memory_space<vmem>> -> memref<1x128x64xf32, #tpu.memory_space<vmem>>
          %scatter3A_1604 = tpu.memref_squeeze %scatter3A_1603 : memref<1x128x64xf32, #tpu.memory_space<vmem>> -> memref<128x64xf32, #tpu.memory_space<vmem>>
          tpu.vector_store_idx %scatter3A_1604[%add3A_1521, %broadcast_in_dim3A_1599], %broadcast_in_dim3A_463 masked %eq3A_617 : memref<128x64xf32, #tpu.memory_space<vmem>>[vector<16xi32>, vector<16xi32>], vector<16xf32>, vector<16xi1>
          %broadcast_in_dim3A_1605 = arith.constant 12 : i32
          %broadcast_in_dim3A_1606 = vector.broadcast %broadcast_in_dim3A_1605 : i32 to vector<16xi32>
          %scatter3A_1607 = arith.constant 1 : i32
          %scatter3A_1608 = arith.constant 0 : i32
          %scatter3A_1609 = arith.constant 0 : i32
          %scatter3A_1610 = tpu.memref_slice %arg6[%scatter3A_1607, %scatter3A_1608, %scatter3A_1609] : memref<2x128x64xf32, #tpu.memory_space<vmem>> -> memref<1x128x64xf32, #tpu.memory_space<vmem>>
          %scatter3A_1611 = tpu.memref_squeeze %scatter3A_1610 : memref<1x128x64xf32, #tpu.memory_space<vmem>> -> memref<128x64xf32, #tpu.memory_space<vmem>>
          tpu.vector_store_idx %scatter3A_1611[%add3A_1521, %broadcast_in_dim3A_1606], %broadcast_in_dim3A_463 masked %eq3A_617 : memref<128x64xf32, #tpu.memory_space<vmem>>[vector<16xi32>, vector<16xi32>], vector<16xf32>, vector<16xi1>
          %broadcast_in_dim3A_1612 = arith.constant 13 : i32
          %broadcast_in_dim3A_1613 = vector.broadcast %broadcast_in_dim3A_1612 : i32 to vector<16xi32>
          %scatter3A_1614 = arith.constant 1 : i32
          %scatter3A_1615 = arith.constant 0 : i32
          %scatter3A_1616 = arith.constant 0 : i32
          %scatter3A_1617 = tpu.memref_slice %arg6[%scatter3A_1614, %scatter3A_1615, %scatter3A_1616] : memref<2x128x64xf32, #tpu.memory_space<vmem>> -> memref<1x128x64xf32, #tpu.memory_space<vmem>>
          %scatter3A_1618 = tpu.memref_squeeze %scatter3A_1617 : memref<1x128x64xf32, #tpu.memory_space<vmem>> -> memref<128x64xf32, #tpu.memory_space<vmem>>
          tpu.vector_store_idx %scatter3A_1618[%add3A_1521, %broadcast_in_dim3A_1613], %broadcast_in_dim3A_463 masked %eq3A_617 : memref<128x64xf32, #tpu.memory_space<vmem>>[vector<16xi32>, vector<16xi32>], vector<16xf32>, vector<16xi1>
          %broadcast_in_dim3A_1619 = arith.constant 14 : i32
          %broadcast_in_dim3A_1620 = vector.broadcast %broadcast_in_dim3A_1619 : i32 to vector<16xi32>
          %scatter3A_1621 = arith.constant 1 : i32
          %scatter3A_1622 = arith.constant 0 : i32
          %scatter3A_1623 = arith.constant 0 : i32
          %scatter3A_1624 = tpu.memref_slice %arg6[%scatter3A_1621, %scatter3A_1622, %scatter3A_1623] : memref<2x128x64xf32, #tpu.memory_space<vmem>> -> memref<1x128x64xf32, #tpu.memory_space<vmem>>
          %scatter3A_1625 = tpu.memref_squeeze %scatter3A_1624 : memref<1x128x64xf32, #tpu.memory_space<vmem>> -> memref<128x64xf32, #tpu.memory_space<vmem>>
          tpu.vector_store_idx %scatter3A_1625[%add3A_1521, %broadcast_in_dim3A_1620], %broadcast_in_dim3A_463 masked %eq3A_617 : memref<128x64xf32, #tpu.memory_space<vmem>>[vector<16xi32>, vector<16xi32>], vector<16xf32>, vector<16xi1>
          %broadcast_in_dim3A_1626 = arith.constant 15 : i32
          %broadcast_in_dim3A_1627 = vector.broadcast %broadcast_in_dim3A_1626 : i32 to vector<16xi32>
          %scatter3A_1628 = arith.constant 1 : i32
          %scatter3A_1629 = arith.constant 0 : i32
          %scatter3A_1630 = arith.constant 0 : i32
          %scatter3A_1631 = tpu.memref_slice %arg6[%scatter3A_1628, %scatter3A_1629, %scatter3A_1630] : memref<2x128x64xf32, #tpu.memory_space<vmem>> -> memref<1x128x64xf32, #tpu.memory_space<vmem>>
          %scatter3A_1632 = tpu.memref_squeeze %scatter3A_1631 : memref<1x128x64xf32, #tpu.memory_space<vmem>> -> memref<128x64xf32, #tpu.memory_space<vmem>>
          tpu.vector_store_idx %scatter3A_1632[%add3A_1521, %broadcast_in_dim3A_1627], %broadcast_in_dim3A_463 masked %eq3A_617 : memref<128x64xf32, #tpu.memory_space<vmem>>[vector<16xi32>, vector<16xi32>], vector<16xf32>, vector<16xi1>
          %broadcast_in_dim3A_1633 = arith.constant 16 : i32
          %broadcast_in_dim3A_1634 = vector.broadcast %broadcast_in_dim3A_1633 : i32 to vector<16xi32>
          %scatter3A_1635 = arith.constant 1 : i32
          %scatter3A_1636 = arith.constant 0 : i32
          %scatter3A_1637 = arith.constant 0 : i32
          %scatter3A_1638 = tpu.memref_slice %arg6[%scatter3A_1635, %scatter3A_1636, %scatter3A_1637] : memref<2x128x64xf32, #tpu.memory_space<vmem>> -> memref<1x128x64xf32, #tpu.memory_space<vmem>>
          %scatter3A_1639 = tpu.memref_squeeze %scatter3A_1638 : memref<1x128x64xf32, #tpu.memory_space<vmem>> -> memref<128x64xf32, #tpu.memory_space<vmem>>
          tpu.vector_store_idx %scatter3A_1639[%add3A_1521, %broadcast_in_dim3A_1634], %broadcast_in_dim3A_463 masked %eq3A_617 : memref<128x64xf32, #tpu.memory_space<vmem>>[vector<16xi32>, vector<16xi32>], vector<16xf32>, vector<16xi1>
          %broadcast_in_dim3A_1640 = arith.constant 17 : i32
          %broadcast_in_dim3A_1641 = vector.broadcast %broadcast_in_dim3A_1640 : i32 to vector<16xi32>
          %scatter3A_1642 = arith.constant 1 : i32
          %scatter3A_1643 = arith.constant 0 : i32
          %scatter3A_1644 = arith.constant 0 : i32
          %scatter3A_1645 = tpu.memref_slice %arg6[%scatter3A_1642, %scatter3A_1643, %scatter3A_1644] : memref<2x128x64xf32, #tpu.memory_space<vmem>> -> memref<1x128x64xf32, #tpu.memory_space<vmem>>
          %scatter3A_1646 = tpu.memref_squeeze %scatter3A_1645 : memref<1x128x64xf32, #tpu.memory_space<vmem>> -> memref<128x64xf32, #tpu.memory_space<vmem>>
          tpu.vector_store_idx %scatter3A_1646[%add3A_1521, %broadcast_in_dim3A_1641], %broadcast_in_dim3A_463 masked %eq3A_617 : memref<128x64xf32, #tpu.memory_space<vmem>>[vector<16xi32>, vector<16xi32>], vector<16xf32>, vector<16xi1>
          %broadcast_in_dim3A_1647 = arith.constant 18 : i32
          %broadcast_in_dim3A_1648 = vector.broadcast %broadcast_in_dim3A_1647 : i32 to vector<16xi32>
          %scatter3A_1649 = arith.constant 1 : i32
          %scatter3A_1650 = arith.constant 0 : i32
          %scatter3A_1651 = arith.constant 0 : i32
          %scatter3A_1652 = tpu.memref_slice %arg6[%scatter3A_1649, %scatter3A_1650, %scatter3A_1651] : memref<2x128x64xf32, #tpu.memory_space<vmem>> -> memref<1x128x64xf32, #tpu.memory_space<vmem>>
          %scatter3A_1653 = tpu.memref_squeeze %scatter3A_1652 : memref<1x128x64xf32, #tpu.memory_space<vmem>> -> memref<128x64xf32, #tpu.memory_space<vmem>>
          tpu.vector_store_idx %scatter3A_1653[%add3A_1521, %broadcast_in_dim3A_1648], %broadcast_in_dim3A_463 masked %eq3A_617 : memref<128x64xf32, #tpu.memory_space<vmem>>[vector<16xi32>, vector<16xi32>], vector<16xf32>, vector<16xi1>
          %broadcast_in_dim3A_1654 = arith.constant 19 : i32
          %broadcast_in_dim3A_1655 = vector.broadcast %broadcast_in_dim3A_1654 : i32 to vector<16xi32>
          %scatter3A_1656 = arith.constant 1 : i32
          %scatter3A_1657 = arith.constant 0 : i32
          %scatter3A_1658 = arith.constant 0 : i32
          %scatter3A_1659 = tpu.memref_slice %arg6[%scatter3A_1656, %scatter3A_1657, %scatter3A_1658] : memref<2x128x64xf32, #tpu.memory_space<vmem>> -> memref<1x128x64xf32, #tpu.memory_space<vmem>>
          %scatter3A_1660 = tpu.memref_squeeze %scatter3A_1659 : memref<1x128x64xf32, #tpu.memory_space<vmem>> -> memref<128x64xf32, #tpu.memory_space<vmem>>
          tpu.vector_store_idx %scatter3A_1660[%add3A_1521, %broadcast_in_dim3A_1655], %broadcast_in_dim3A_463 masked %eq3A_617 : memref<128x64xf32, #tpu.memory_space<vmem>>[vector<16xi32>, vector<16xi32>], vector<16xf32>, vector<16xi1>
          %broadcast_in_dim3A_1661 = arith.constant 20 : i32
          %broadcast_in_dim3A_1662 = vector.broadcast %broadcast_in_dim3A_1661 : i32 to vector<16xi32>
          %scatter3A_1663 = arith.constant 1 : i32
          %scatter3A_1664 = arith.constant 0 : i32
          %scatter3A_1665 = arith.constant 0 : i32
          %scatter3A_1666 = tpu.memref_slice %arg6[%scatter3A_1663, %scatter3A_1664, %scatter3A_1665] : memref<2x128x64xf32, #tpu.memory_space<vmem>> -> memref<1x128x64xf32, #tpu.memory_space<vmem>>
          %scatter3A_1667 = tpu.memref_squeeze %scatter3A_1666 : memref<1x128x64xf32, #tpu.memory_space<vmem>> -> memref<128x64xf32, #tpu.memory_space<vmem>>
          tpu.vector_store_idx %scatter3A_1667[%add3A_1521, %broadcast_in_dim3A_1662], %broadcast_in_dim3A_463 masked %eq3A_617 : memref<128x64xf32, #tpu.memory_space<vmem>>[vector<16xi32>, vector<16xi32>], vector<16xf32>, vector<16xi1>
          %broadcast_in_dim3A_1668 = arith.constant 21 : i32
          %broadcast_in_dim3A_1669 = vector.broadcast %broadcast_in_dim3A_1668 : i32 to vector<16xi32>
          %scatter3A_1670 = arith.constant 1 : i32
          %scatter3A_1671 = arith.constant 0 : i32
          %scatter3A_1672 = arith.constant 0 : i32
          %scatter3A_1673 = tpu.memref_slice %arg6[%scatter3A_1670, %scatter3A_1671, %scatter3A_1672] : memref<2x128x64xf32, #tpu.memory_space<vmem>> -> memref<1x128x64xf32, #tpu.memory_space<vmem>>
          %scatter3A_1674 = tpu.memref_squeeze %scatter3A_1673 : memref<1x128x64xf32, #tpu.memory_space<vmem>> -> memref<128x64xf32, #tpu.memory_space<vmem>>
          tpu.vector_store_idx %scatter3A_1674[%add3A_1521, %broadcast_in_dim3A_1669], %broadcast_in_dim3A_463 masked %eq3A_617 : memref<128x64xf32, #tpu.memory_space<vmem>>[vector<16xi32>, vector<16xi32>], vector<16xf32>, vector<16xi1>
          %broadcast_in_dim3A_1675 = arith.constant 22 : i32
          %broadcast_in_dim3A_1676 = vector.broadcast %broadcast_in_dim3A_1675 : i32 to vector<16xi32>
          %scatter3A_1677 = arith.constant 1 : i32
          %scatter3A_1678 = arith.constant 0 : i32
          %scatter3A_1679 = arith.constant 0 : i32
          %scatter3A_1680 = tpu.memref_slice %arg6[%scatter3A_1677, %scatter3A_1678, %scatter3A_1679] : memref<2x128x64xf32, #tpu.memory_space<vmem>> -> memref<1x128x64xf32, #tpu.memory_space<vmem>>
          %scatter3A_1681 = tpu.memref_squeeze %scatter3A_1680 : memref<1x128x64xf32, #tpu.memory_space<vmem>> -> memref<128x64xf32, #tpu.memory_space<vmem>>
          tpu.vector_store_idx %scatter3A_1681[%add3A_1521, %broadcast_in_dim3A_1676], %broadcast_in_dim3A_463 masked %eq3A_617 : memref<128x64xf32, #tpu.memory_space<vmem>>[vector<16xi32>, vector<16xi32>], vector<16xf32>, vector<16xi1>
          %broadcast_in_dim3A_1682 = arith.constant 23 : i32
          %broadcast_in_dim3A_1683 = vector.broadcast %broadcast_in_dim3A_1682 : i32 to vector<16xi32>
          %scatter3A_1684 = arith.constant 1 : i32
          %scatter3A_1685 = arith.constant 0 : i32
          %scatter3A_1686 = arith.constant 0 : i32
          %scatter3A_1687 = tpu.memref_slice %arg6[%scatter3A_1684, %scatter3A_1685, %scatter3A_1686] : memref<2x128x64xf32, #tpu.memory_space<vmem>> -> memref<1x128x64xf32, #tpu.memory_space<vmem>>
          %scatter3A_1688 = tpu.memref_squeeze %scatter3A_1687 : memref<1x128x64xf32, #tpu.memory_space<vmem>> -> memref<128x64xf32, #tpu.memory_space<vmem>>
          tpu.vector_store_idx %scatter3A_1688[%add3A_1521, %broadcast_in_dim3A_1683], %broadcast_in_dim3A_463 masked %eq3A_617 : memref<128x64xf32, #tpu.memory_space<vmem>>[vector<16xi32>, vector<16xi32>], vector<16xf32>, vector<16xi1>
          %broadcast_in_dim3A_1689 = arith.constant 24 : i32
          %broadcast_in_dim3A_1690 = vector.broadcast %broadcast_in_dim3A_1689 : i32 to vector<16xi32>
          %scatter3A_1691 = arith.constant 1 : i32
          %scatter3A_1692 = arith.constant 0 : i32
          %scatter3A_1693 = arith.constant 0 : i32
          %scatter3A_1694 = tpu.memref_slice %arg6[%scatter3A_1691, %scatter3A_1692, %scatter3A_1693] : memref<2x128x64xf32, #tpu.memory_space<vmem>> -> memref<1x128x64xf32, #tpu.memory_space<vmem>>
          %scatter3A_1695 = tpu.memref_squeeze %scatter3A_1694 : memref<1x128x64xf32, #tpu.memory_space<vmem>> -> memref<128x64xf32, #tpu.memory_space<vmem>>
          tpu.vector_store_idx %scatter3A_1695[%add3A_1521, %broadcast_in_dim3A_1690], %broadcast_in_dim3A_463 masked %eq3A_617 : memref<128x64xf32, #tpu.memory_space<vmem>>[vector<16xi32>, vector<16xi32>], vector<16xf32>, vector<16xi1>
          %broadcast_in_dim3A_1696 = arith.constant 25 : i32
          %broadcast_in_dim3A_1697 = vector.broadcast %broadcast_in_dim3A_1696 : i32 to vector<16xi32>
          %scatter3A_1698 = arith.constant 1 : i32
          %scatter3A_1699 = arith.constant 0 : i32
          %scatter3A_1700 = arith.constant 0 : i32
          %scatter3A_1701 = tpu.memref_slice %arg6[%scatter3A_1698, %scatter3A_1699, %scatter3A_1700] : memref<2x128x64xf32, #tpu.memory_space<vmem>> -> memref<1x128x64xf32, #tpu.memory_space<vmem>>
          %scatter3A_1702 = tpu.memref_squeeze %scatter3A_1701 : memref<1x128x64xf32, #tpu.memory_space<vmem>> -> memref<128x64xf32, #tpu.memory_space<vmem>>
          tpu.vector_store_idx %scatter3A_1702[%add3A_1521, %broadcast_in_dim3A_1697], %broadcast_in_dim3A_463 masked %eq3A_617 : memref<128x64xf32, #tpu.memory_space<vmem>>[vector<16xi32>, vector<16xi32>], vector<16xf32>, vector<16xi1>
          %broadcast_in_dim3A_1703 = arith.constant 26 : i32
          %broadcast_in_dim3A_1704 = vector.broadcast %broadcast_in_dim3A_1703 : i32 to vector<16xi32>
          %scatter3A_1705 = arith.constant 1 : i32
          %scatter3A_1706 = arith.constant 0 : i32
          %scatter3A_1707 = arith.constant 0 : i32
          %scatter3A_1708 = tpu.memref_slice %arg6[%scatter3A_1705, %scatter3A_1706, %scatter3A_1707] : memref<2x128x64xf32, #tpu.memory_space<vmem>> -> memref<1x128x64xf32, #tpu.memory_space<vmem>>
          %scatter3A_1709 = tpu.memref_squeeze %scatter3A_1708 : memref<1x128x64xf32, #tpu.memory_space<vmem>> -> memref<128x64xf32, #tpu.memory_space<vmem>>
          tpu.vector_store_idx %scatter3A_1709[%add3A_1521, %broadcast_in_dim3A_1704], %broadcast_in_dim3A_463 masked %eq3A_617 : memref<128x64xf32, #tpu.memory_space<vmem>>[vector<16xi32>, vector<16xi32>], vector<16xf32>, vector<16xi1>
          %broadcast_in_dim3A_1710 = arith.constant 27 : i32
          %broadcast_in_dim3A_1711 = vector.broadcast %broadcast_in_dim3A_1710 : i32 to vector<16xi32>
          %scatter3A_1712 = arith.constant 1 : i32
          %scatter3A_1713 = arith.constant 0 : i32
          %scatter3A_1714 = arith.constant 0 : i32
          %scatter3A_1715 = tpu.memref_slice %arg6[%scatter3A_1712, %scatter3A_1713, %scatter3A_1714] : memref<2x128x64xf32, #tpu.memory_space<vmem>> -> memref<1x128x64xf32, #tpu.memory_space<vmem>>
          %scatter3A_1716 = tpu.memref_squeeze %scatter3A_1715 : memref<1x128x64xf32, #tpu.memory_space<vmem>> -> memref<128x64xf32, #tpu.memory_space<vmem>>
          tpu.vector_store_idx %scatter3A_1716[%add3A_1521, %broadcast_in_dim3A_1711], %broadcast_in_dim3A_463 masked %eq3A_617 : memref<128x64xf32, #tpu.memory_space<vmem>>[vector<16xi32>, vector<16xi32>], vector<16xf32>, vector<16xi1>
          %broadcast_in_dim3A_1717 = arith.constant 28 : i32
          %broadcast_in_dim3A_1718 = vector.broadcast %broadcast_in_dim3A_1717 : i32 to vector<16xi32>
          %scatter3A_1719 = arith.constant 1 : i32
          %scatter3A_1720 = arith.constant 0 : i32
          %scatter3A_1721 = arith.constant 0 : i32
          %scatter3A_1722 = tpu.memref_slice %arg6[%scatter3A_1719, %scatter3A_1720, %scatter3A_1721] : memref<2x128x64xf32, #tpu.memory_space<vmem>> -> memref<1x128x64xf32, #tpu.memory_space<vmem>>
          %scatter3A_1723 = tpu.memref_squeeze %scatter3A_1722 : memref<1x128x64xf32, #tpu.memory_space<vmem>> -> memref<128x64xf32, #tpu.memory_space<vmem>>
          tpu.vector_store_idx %scatter3A_1723[%add3A_1521, %broadcast_in_dim3A_1718], %broadcast_in_dim3A_463 masked %eq3A_617 : memref<128x64xf32, #tpu.memory_space<vmem>>[vector<16xi32>, vector<16xi32>], vector<16xf32>, vector<16xi1>
          %broadcast_in_dim3A_1724 = arith.constant 29 : i32
          %broadcast_in_dim3A_1725 = vector.broadcast %broadcast_in_dim3A_1724 : i32 to vector<16xi32>
          %scatter3A_1726 = arith.constant 1 : i32
          %scatter3A_1727 = arith.constant 0 : i32
          %scatter3A_1728 = arith.constant 0 : i32
          %scatter3A_1729 = tpu.memref_slice %arg6[%scatter3A_1726, %scatter3A_1727, %scatter3A_1728] : memref<2x128x64xf32, #tpu.memory_space<vmem>> -> memref<1x128x64xf32, #tpu.memory_space<vmem>>
          %scatter3A_1730 = tpu.memref_squeeze %scatter3A_1729 : memref<1x128x64xf32, #tpu.memory_space<vmem>> -> memref<128x64xf32, #tpu.memory_space<vmem>>
          tpu.vector_store_idx %scatter3A_1730[%add3A_1521, %broadcast_in_dim3A_1725], %broadcast_in_dim3A_463 masked %eq3A_617 : memref<128x64xf32, #tpu.memory_space<vmem>>[vector<16xi32>, vector<16xi32>], vector<16xf32>, vector<16xi1>
          %broadcast_in_dim3A_1731 = arith.constant 30 : i32
          %broadcast_in_dim3A_1732 = vector.broadcast %broadcast_in_dim3A_1731 : i32 to vector<16xi32>
          %scatter3A_1733 = arith.constant 1 : i32
          %scatter3A_1734 = arith.constant 0 : i32
          %scatter3A_1735 = arith.constant 0 : i32
          %scatter3A_1736 = tpu.memref_slice %arg6[%scatter3A_1733, %scatter3A_1734, %scatter3A_1735] : memref<2x128x64xf32, #tpu.memory_space<vmem>> -> memref<1x128x64xf32, #tpu.memory_space<vmem>>
          %scatter3A_1737 = tpu.memref_squeeze %scatter3A_1736 : memref<1x128x64xf32, #tpu.memory_space<vmem>> -> memref<128x64xf32, #tpu.memory_space<vmem>>
          tpu.vector_store_idx %scatter3A_1737[%add3A_1521, %broadcast_in_dim3A_1732], %broadcast_in_dim3A_463 masked %eq3A_617 : memref<128x64xf32, #tpu.memory_space<vmem>>[vector<16xi32>, vector<16xi32>], vector<16xf32>, vector<16xi1>
          %broadcast_in_dim3A_1738 = arith.constant 31 : i32
          %broadcast_in_dim3A_1739 = vector.broadcast %broadcast_in_dim3A_1738 : i32 to vector<16xi32>
          %scatter3A_1740 = arith.constant 1 : i32
          %scatter3A_1741 = arith.constant 0 : i32
          %scatter3A_1742 = arith.constant 0 : i32
          %scatter3A_1743 = tpu.memref_slice %arg6[%scatter3A_1740, %scatter3A_1741, %scatter3A_1742] : memref<2x128x64xf32, #tpu.memory_space<vmem>> -> memref<1x128x64xf32, #tpu.memory_space<vmem>>
          %scatter3A_1744 = tpu.memref_squeeze %scatter3A_1743 : memref<1x128x64xf32, #tpu.memory_space<vmem>> -> memref<128x64xf32, #tpu.memory_space<vmem>>
          tpu.vector_store_idx %scatter3A_1744[%add3A_1521, %broadcast_in_dim3A_1739], %broadcast_in_dim3A_463 masked %eq3A_617 : memref<128x64xf32, #tpu.memory_space<vmem>>[vector<16xi32>, vector<16xi32>], vector<16xf32>, vector<16xi1>
          %broadcast_in_dim3A_1745 = arith.constant 32 : i32
          %broadcast_in_dim3A_1746 = vector.broadcast %broadcast_in_dim3A_1745 : i32 to vector<16xi32>
          %scatter3A_1747 = arith.constant 1 : i32
          %scatter3A_1748 = arith.constant 0 : i32
          %scatter3A_1749 = arith.constant 0 : i32
          %scatter3A_1750 = tpu.memref_slice %arg6[%scatter3A_1747, %scatter3A_1748, %scatter3A_1749] : memref<2x128x64xf32, #tpu.memory_space<vmem>> -> memref<1x128x64xf32, #tpu.memory_space<vmem>>
          %scatter3A_1751 = tpu.memref_squeeze %scatter3A_1750 : memref<1x128x64xf32, #tpu.memory_space<vmem>> -> memref<128x64xf32, #tpu.memory_space<vmem>>
          tpu.vector_store_idx %scatter3A_1751[%add3A_1521, %broadcast_in_dim3A_1746], %broadcast_in_dim3A_463 masked %eq3A_617 : memref<128x64xf32, #tpu.memory_space<vmem>>[vector<16xi32>, vector<16xi32>], vector<16xf32>, vector<16xi1>
          %broadcast_in_dim3A_1752 = arith.constant 33 : i32
          %broadcast_in_dim3A_1753 = vector.broadcast %broadcast_in_dim3A_1752 : i32 to vector<16xi32>
          %scatter3A_1754 = arith.constant 1 : i32
          %scatter3A_1755 = arith.constant 0 : i32
          %scatter3A_1756 = arith.constant 0 : i32
          %scatter3A_1757 = tpu.memref_slice %arg6[%scatter3A_1754, %scatter3A_1755, %scatter3A_1756] : memref<2x128x64xf32, #tpu.memory_space<vmem>> -> memref<1x128x64xf32, #tpu.memory_space<vmem>>
          %scatter3A_1758 = tpu.memref_squeeze %scatter3A_1757 : memref<1x128x64xf32, #tpu.memory_space<vmem>> -> memref<128x64xf32, #tpu.memory_space<vmem>>
          tpu.vector_store_idx %scatter3A_1758[%add3A_1521, %broadcast_in_dim3A_1753], %broadcast_in_dim3A_463 masked %eq3A_617 : memref<128x64xf32, #tpu.memory_space<vmem>>[vector<16xi32>, vector<16xi32>], vector<16xf32>, vector<16xi1>
          %broadcast_in_dim3A_1759 = arith.constant 34 : i32
          %broadcast_in_dim3A_1760 = vector.broadcast %broadcast_in_dim3A_1759 : i32 to vector<16xi32>
          %scatter3A_1761 = arith.constant 1 : i32
          %scatter3A_1762 = arith.constant 0 : i32
          %scatter3A_1763 = arith.constant 0 : i32
          %scatter3A_1764 = tpu.memref_slice %arg6[%scatter3A_1761, %scatter3A_1762, %scatter3A_1763] : memref<2x128x64xf32, #tpu.memory_space<vmem>> -> memref<1x128x64xf32, #tpu.memory_space<vmem>>
          %scatter3A_1765 = tpu.memref_squeeze %scatter3A_1764 : memref<1x128x64xf32, #tpu.memory_space<vmem>> -> memref<128x64xf32, #tpu.memory_space<vmem>>
          tpu.vector_store_idx %scatter3A_1765[%add3A_1521, %broadcast_in_dim3A_1760], %broadcast_in_dim3A_463 masked %eq3A_617 : memref<128x64xf32, #tpu.memory_space<vmem>>[vector<16xi32>, vector<16xi32>], vector<16xf32>, vector<16xi1>
          %broadcast_in_dim3A_1766 = arith.constant 35 : i32
          %broadcast_in_dim3A_1767 = vector.broadcast %broadcast_in_dim3A_1766 : i32 to vector<16xi32>
          %scatter3A_1768 = arith.constant 1 : i32
          %scatter3A_1769 = arith.constant 0 : i32
          %scatter3A_1770 = arith.constant 0 : i32
          %scatter3A_1771 = tpu.memref_slice %arg6[%scatter3A_1768, %scatter3A_1769, %scatter3A_1770] : memref<2x128x64xf32, #tpu.memory_space<vmem>> -> memref<1x128x64xf32, #tpu.memory_space<vmem>>
          %scatter3A_1772 = tpu.memref_squeeze %scatter3A_1771 : memref<1x128x64xf32, #tpu.memory_space<vmem>> -> memref<128x64xf32, #tpu.memory_space<vmem>>
          tpu.vector_store_idx %scatter3A_1772[%add3A_1521, %broadcast_in_dim3A_1767], %broadcast_in_dim3A_463 masked %eq3A_617 : memref<128x64xf32, #tpu.memory_space<vmem>>[vector<16xi32>, vector<16xi32>], vector<16xf32>, vector<16xi1>
          %broadcast_in_dim3A_1773 = arith.constant 36 : i32
          %broadcast_in_dim3A_1774 = vector.broadcast %broadcast_in_dim3A_1773 : i32 to vector<16xi32>
          %scatter3A_1775 = arith.constant 1 : i32
          %scatter3A_1776 = arith.constant 0 : i32
          %scatter3A_1777 = arith.constant 0 : i32
          %scatter3A_1778 = tpu.memref_slice %arg6[%scatter3A_1775, %scatter3A_1776, %scatter3A_1777] : memref<2x128x64xf32, #tpu.memory_space<vmem>> -> memref<1x128x64xf32, #tpu.memory_space<vmem>>
          %scatter3A_1779 = tpu.memref_squeeze %scatter3A_1778 : memref<1x128x64xf32, #tpu.memory_space<vmem>> -> memref<128x64xf32, #tpu.memory_space<vmem>>
          tpu.vector_store_idx %scatter3A_1779[%add3A_1521, %broadcast_in_dim3A_1774], %broadcast_in_dim3A_463 masked %eq3A_617 : memref<128x64xf32, #tpu.memory_space<vmem>>[vector<16xi32>, vector<16xi32>], vector<16xf32>, vector<16xi1>
          %broadcast_in_dim3A_1780 = arith.constant 37 : i32
          %broadcast_in_dim3A_1781 = vector.broadcast %broadcast_in_dim3A_1780 : i32 to vector<16xi32>
          %scatter3A_1782 = arith.constant 1 : i32
          %scatter3A_1783 = arith.constant 0 : i32
          %scatter3A_1784 = arith.constant 0 : i32
          %scatter3A_1785 = tpu.memref_slice %arg6[%scatter3A_1782, %scatter3A_1783, %scatter3A_1784] : memref<2x128x64xf32, #tpu.memory_space<vmem>> -> memref<1x128x64xf32, #tpu.memory_space<vmem>>
          %scatter3A_1786 = tpu.memref_squeeze %scatter3A_1785 : memref<1x128x64xf32, #tpu.memory_space<vmem>> -> memref<128x64xf32, #tpu.memory_space<vmem>>
          tpu.vector_store_idx %scatter3A_1786[%add3A_1521, %broadcast_in_dim3A_1781], %broadcast_in_dim3A_463 masked %eq3A_617 : memref<128x64xf32, #tpu.memory_space<vmem>>[vector<16xi32>, vector<16xi32>], vector<16xf32>, vector<16xi1>
          %broadcast_in_dim3A_1787 = arith.constant 38 : i32
          %broadcast_in_dim3A_1788 = vector.broadcast %broadcast_in_dim3A_1787 : i32 to vector<16xi32>
          %scatter3A_1789 = arith.constant 1 : i32
          %scatter3A_1790 = arith.constant 0 : i32
          %scatter3A_1791 = arith.constant 0 : i32
          %scatter3A_1792 = tpu.memref_slice %arg6[%scatter3A_1789, %scatter3A_1790, %scatter3A_1791] : memref<2x128x64xf32, #tpu.memory_space<vmem>> -> memref<1x128x64xf32, #tpu.memory_space<vmem>>
          %scatter3A_1793 = tpu.memref_squeeze %scatter3A_1792 : memref<1x128x64xf32, #tpu.memory_space<vmem>> -> memref<128x64xf32, #tpu.memory_space<vmem>>
          tpu.vector_store_idx %scatter3A_1793[%add3A_1521, %broadcast_in_dim3A_1788], %broadcast_in_dim3A_463 masked %eq3A_617 : memref<128x64xf32, #tpu.memory_space<vmem>>[vector<16xi32>, vector<16xi32>], vector<16xf32>, vector<16xi1>
          %broadcast_in_dim3A_1794 = arith.constant 39 : i32
          %broadcast_in_dim3A_1795 = vector.broadcast %broadcast_in_dim3A_1794 : i32 to vector<16xi32>
          %scatter3A_1796 = arith.constant 1 : i32
          %scatter3A_1797 = arith.constant 0 : i32
          %scatter3A_1798 = arith.constant 0 : i32
          %scatter3A_1799 = tpu.memref_slice %arg6[%scatter3A_1796, %scatter3A_1797, %scatter3A_1798] : memref<2x128x64xf32, #tpu.memory_space<vmem>> -> memref<1x128x64xf32, #tpu.memory_space<vmem>>
          %scatter3A_1800 = tpu.memref_squeeze %scatter3A_1799 : memref<1x128x64xf32, #tpu.memory_space<vmem>> -> memref<128x64xf32, #tpu.memory_space<vmem>>
          tpu.vector_store_idx %scatter3A_1800[%add3A_1521, %broadcast_in_dim3A_1795], %broadcast_in_dim3A_463 masked %eq3A_617 : memref<128x64xf32, #tpu.memory_space<vmem>>[vector<16xi32>, vector<16xi32>], vector<16xf32>, vector<16xi1>
          %broadcast_in_dim3A_1801 = arith.constant 40 : i32
          %broadcast_in_dim3A_1802 = vector.broadcast %broadcast_in_dim3A_1801 : i32 to vector<16xi32>
          %scatter3A_1803 = arith.constant 1 : i32
          %scatter3A_1804 = arith.constant 0 : i32
          %scatter3A_1805 = arith.constant 0 : i32
          %scatter3A_1806 = tpu.memref_slice %arg6[%scatter3A_1803, %scatter3A_1804, %scatter3A_1805] : memref<2x128x64xf32, #tpu.memory_space<vmem>> -> memref<1x128x64xf32, #tpu.memory_space<vmem>>
          %scatter3A_1807 = tpu.memref_squeeze %scatter3A_1806 : memref<1x128x64xf32, #tpu.memory_space<vmem>> -> memref<128x64xf32, #tpu.memory_space<vmem>>
          tpu.vector_store_idx %scatter3A_1807[%add3A_1521, %broadcast_in_dim3A_1802], %broadcast_in_dim3A_463 masked %eq3A_617 : memref<128x64xf32, #tpu.memory_space<vmem>>[vector<16xi32>, vector<16xi32>], vector<16xf32>, vector<16xi1>
          %broadcast_in_dim3A_1808 = arith.constant 41 : i32
          %broadcast_in_dim3A_1809 = vector.broadcast %broadcast_in_dim3A_1808 : i32 to vector<16xi32>
          %scatter3A_1810 = arith.constant 1 : i32
          %scatter3A_1811 = arith.constant 0 : i32
          %scatter3A_1812 = arith.constant 0 : i32
          %scatter3A_1813 = tpu.memref_slice %arg6[%scatter3A_1810, %scatter3A_1811, %scatter3A_1812] : memref<2x128x64xf32, #tpu.memory_space<vmem>> -> memref<1x128x64xf32, #tpu.memory_space<vmem>>
          %scatter3A_1814 = tpu.memref_squeeze %scatter3A_1813 : memref<1x128x64xf32, #tpu.memory_space<vmem>> -> memref<128x64xf32, #tpu.memory_space<vmem>>
          tpu.vector_store_idx %scatter3A_1814[%add3A_1521, %broadcast_in_dim3A_1809], %broadcast_in_dim3A_463 masked %eq3A_617 : memref<128x64xf32, #tpu.memory_space<vmem>>[vector<16xi32>, vector<16xi32>], vector<16xf32>, vector<16xi1>
          %broadcast_in_dim3A_1815 = arith.constant 42 : i32
          %broadcast_in_dim3A_1816 = vector.broadcast %broadcast_in_dim3A_1815 : i32 to vector<16xi32>
          %scatter3A_1817 = arith.constant 1 : i32
          %scatter3A_1818 = arith.constant 0 : i32
          %scatter3A_1819 = arith.constant 0 : i32
          %scatter3A_1820 = tpu.memref_slice %arg6[%scatter3A_1817, %scatter3A_1818, %scatter3A_1819] : memref<2x128x64xf32, #tpu.memory_space<vmem>> -> memref<1x128x64xf32, #tpu.memory_space<vmem>>
          %scatter3A_1821 = tpu.memref_squeeze %scatter3A_1820 : memref<1x128x64xf32, #tpu.memory_space<vmem>> -> memref<128x64xf32, #tpu.memory_space<vmem>>
          tpu.vector_store_idx %scatter3A_1821[%add3A_1521, %broadcast_in_dim3A_1816], %broadcast_in_dim3A_463 masked %eq3A_617 : memref<128x64xf32, #tpu.memory_space<vmem>>[vector<16xi32>, vector<16xi32>], vector<16xf32>, vector<16xi1>
          %broadcast_in_dim3A_1822 = arith.constant 43 : i32
          %broadcast_in_dim3A_1823 = vector.broadcast %broadcast_in_dim3A_1822 : i32 to vector<16xi32>
          %scatter3A_1824 = arith.constant 1 : i32
          %scatter3A_1825 = arith.constant 0 : i32
          %scatter3A_1826 = arith.constant 0 : i32
          %scatter3A_1827 = tpu.memref_slice %arg6[%scatter3A_1824, %scatter3A_1825, %scatter3A_1826] : memref<2x128x64xf32, #tpu.memory_space<vmem>> -> memref<1x128x64xf32, #tpu.memory_space<vmem>>
          %scatter3A_1828 = tpu.memref_squeeze %scatter3A_1827 : memref<1x128x64xf32, #tpu.memory_space<vmem>> -> memref<128x64xf32, #tpu.memory_space<vmem>>
          tpu.vector_store_idx %scatter3A_1828[%add3A_1521, %broadcast_in_dim3A_1823], %broadcast_in_dim3A_463 masked %eq3A_617 : memref<128x64xf32, #tpu.memory_space<vmem>>[vector<16xi32>, vector<16xi32>], vector<16xf32>, vector<16xi1>
          %broadcast_in_dim3A_1829 = arith.constant 44 : i32
          %broadcast_in_dim3A_1830 = vector.broadcast %broadcast_in_dim3A_1829 : i32 to vector<16xi32>
          %scatter3A_1831 = arith.constant 1 : i32
          %scatter3A_1832 = arith.constant 0 : i32
          %scatter3A_1833 = arith.constant 0 : i32
          %scatter3A_1834 = tpu.memref_slice %arg6[%scatter3A_1831, %scatter3A_1832, %scatter3A_1833] : memref<2x128x64xf32, #tpu.memory_space<vmem>> -> memref<1x128x64xf32, #tpu.memory_space<vmem>>
          %scatter3A_1835 = tpu.memref_squeeze %scatter3A_1834 : memref<1x128x64xf32, #tpu.memory_space<vmem>> -> memref<128x64xf32, #tpu.memory_space<vmem>>
          tpu.vector_store_idx %scatter3A_1835[%add3A_1521, %broadcast_in_dim3A_1830], %broadcast_in_dim3A_463 masked %eq3A_617 : memref<128x64xf32, #tpu.memory_space<vmem>>[vector<16xi32>, vector<16xi32>], vector<16xf32>, vector<16xi1>
          %broadcast_in_dim3A_1836 = arith.constant 45 : i32
          %broadcast_in_dim3A_1837 = vector.broadcast %broadcast_in_dim3A_1836 : i32 to vector<16xi32>
          %scatter3A_1838 = arith.constant 1 : i32
          %scatter3A_1839 = arith.constant 0 : i32
          %scatter3A_1840 = arith.constant 0 : i32
          %scatter3A_1841 = tpu.memref_slice %arg6[%scatter3A_1838, %scatter3A_1839, %scatter3A_1840] : memref<2x128x64xf32, #tpu.memory_space<vmem>> -> memref<1x128x64xf32, #tpu.memory_space<vmem>>
          %scatter3A_1842 = tpu.memref_squeeze %scatter3A_1841 : memref<1x128x64xf32, #tpu.memory_space<vmem>> -> memref<128x64xf32, #tpu.memory_space<vmem>>
          tpu.vector_store_idx %scatter3A_1842[%add3A_1521, %broadcast_in_dim3A_1837], %broadcast_in_dim3A_463 masked %eq3A_617 : memref<128x64xf32, #tpu.memory_space<vmem>>[vector<16xi32>, vector<16xi32>], vector<16xf32>, vector<16xi1>
          %broadcast_in_dim3A_1843 = arith.constant 46 : i32
          %broadcast_in_dim3A_1844 = vector.broadcast %broadcast_in_dim3A_1843 : i32 to vector<16xi32>
          %scatter3A_1845 = arith.constant 1 : i32
          %scatter3A_1846 = arith.constant 0 : i32
          %scatter3A_1847 = arith.constant 0 : i32
          %scatter3A_1848 = tpu.memref_slice %arg6[%scatter3A_1845, %scatter3A_1846, %scatter3A_1847] : memref<2x128x64xf32, #tpu.memory_space<vmem>> -> memref<1x128x64xf32, #tpu.memory_space<vmem>>
          %scatter3A_1849 = tpu.memref_squeeze %scatter3A_1848 : memref<1x128x64xf32, #tpu.memory_space<vmem>> -> memref<128x64xf32, #tpu.memory_space<vmem>>
          tpu.vector_store_idx %scatter3A_1849[%add3A_1521, %broadcast_in_dim3A_1844], %broadcast_in_dim3A_463 masked %eq3A_617 : memref<128x64xf32, #tpu.memory_space<vmem>>[vector<16xi32>, vector<16xi32>], vector<16xf32>, vector<16xi1>
          %broadcast_in_dim3A_1850 = arith.constant 47 : i32
          %broadcast_in_dim3A_1851 = vector.broadcast %broadcast_in_dim3A_1850 : i32 to vector<16xi32>
          %scatter3A_1852 = arith.constant 1 : i32
          %scatter3A_1853 = arith.constant 0 : i32
          %scatter3A_1854 = arith.constant 0 : i32
          %scatter3A_1855 = tpu.memref_slice %arg6[%scatter3A_1852, %scatter3A_1853, %scatter3A_1854] : memref<2x128x64xf32, #tpu.memory_space<vmem>> -> memref<1x128x64xf32, #tpu.memory_space<vmem>>
          %scatter3A_1856 = tpu.memref_squeeze %scatter3A_1855 : memref<1x128x64xf32, #tpu.memory_space<vmem>> -> memref<128x64xf32, #tpu.memory_space<vmem>>
          tpu.vector_store_idx %scatter3A_1856[%add3A_1521, %broadcast_in_dim3A_1851], %broadcast_in_dim3A_463 masked %eq3A_617 : memref<128x64xf32, #tpu.memory_space<vmem>>[vector<16xi32>, vector<16xi32>], vector<16xf32>, vector<16xi1>
          %broadcast_in_dim3A_1857 = arith.constant 48 : i32
          %broadcast_in_dim3A_1858 = vector.broadcast %broadcast_in_dim3A_1857 : i32 to vector<16xi32>
          %scatter3A_1859 = arith.constant 1 : i32
          %scatter3A_1860 = arith.constant 0 : i32
          %scatter3A_1861 = arith.constant 0 : i32
          %scatter3A_1862 = tpu.memref_slice %arg6[%scatter3A_1859, %scatter3A_1860, %scatter3A_1861] : memref<2x128x64xf32, #tpu.memory_space<vmem>> -> memref<1x128x64xf32, #tpu.memory_space<vmem>>
          %scatter3A_1863 = tpu.memref_squeeze %scatter3A_1862 : memref<1x128x64xf32, #tpu.memory_space<vmem>> -> memref<128x64xf32, #tpu.memory_space<vmem>>
          tpu.vector_store_idx %scatter3A_1863[%add3A_1521, %broadcast_in_dim3A_1858], %broadcast_in_dim3A_463 masked %eq3A_617 : memref<128x64xf32, #tpu.memory_space<vmem>>[vector<16xi32>, vector<16xi32>], vector<16xf32>, vector<16xi1>
          %broadcast_in_dim3A_1864 = arith.constant 49 : i32
          %broadcast_in_dim3A_1865 = vector.broadcast %broadcast_in_dim3A_1864 : i32 to vector<16xi32>
          %scatter3A_1866 = arith.constant 1 : i32
          %scatter3A_1867 = arith.constant 0 : i32
          %scatter3A_1868 = arith.constant 0 : i32
          %scatter3A_1869 = tpu.memref_slice %arg6[%scatter3A_1866, %scatter3A_1867, %scatter3A_1868] : memref<2x128x64xf32, #tpu.memory_space<vmem>> -> memref<1x128x64xf32, #tpu.memory_space<vmem>>
          %scatter3A_1870 = tpu.memref_squeeze %scatter3A_1869 : memref<1x128x64xf32, #tpu.memory_space<vmem>> -> memref<128x64xf32, #tpu.memory_space<vmem>>
          tpu.vector_store_idx %scatter3A_1870[%add3A_1521, %broadcast_in_dim3A_1865], %broadcast_in_dim3A_463 masked %eq3A_617 : memref<128x64xf32, #tpu.memory_space<vmem>>[vector<16xi32>, vector<16xi32>], vector<16xf32>, vector<16xi1>
          %broadcast_in_dim3A_1871 = arith.constant 50 : i32
          %broadcast_in_dim3A_1872 = vector.broadcast %broadcast_in_dim3A_1871 : i32 to vector<16xi32>
          %scatter3A_1873 = arith.constant 1 : i32
          %scatter3A_1874 = arith.constant 0 : i32
          %scatter3A_1875 = arith.constant 0 : i32
          %scatter3A_1876 = tpu.memref_slice %arg6[%scatter3A_1873, %scatter3A_1874, %scatter3A_1875] : memref<2x128x64xf32, #tpu.memory_space<vmem>> -> memref<1x128x64xf32, #tpu.memory_space<vmem>>
          %scatter3A_1877 = tpu.memref_squeeze %scatter3A_1876 : memref<1x128x64xf32, #tpu.memory_space<vmem>> -> memref<128x64xf32, #tpu.memory_space<vmem>>
          tpu.vector_store_idx %scatter3A_1877[%add3A_1521, %broadcast_in_dim3A_1872], %broadcast_in_dim3A_463 masked %eq3A_617 : memref<128x64xf32, #tpu.memory_space<vmem>>[vector<16xi32>, vector<16xi32>], vector<16xf32>, vector<16xi1>
          %broadcast_in_dim3A_1878 = arith.constant 51 : i32
          %broadcast_in_dim3A_1879 = vector.broadcast %broadcast_in_dim3A_1878 : i32 to vector<16xi32>
          %scatter3A_1880 = arith.constant 1 : i32
          %scatter3A_1881 = arith.constant 0 : i32
          %scatter3A_1882 = arith.constant 0 : i32
          %scatter3A_1883 = tpu.memref_slice %arg6[%scatter3A_1880, %scatter3A_1881, %scatter3A_1882] : memref<2x128x64xf32, #tpu.memory_space<vmem>> -> memref<1x128x64xf32, #tpu.memory_space<vmem>>
          %scatter3A_1884 = tpu.memref_squeeze %scatter3A_1883 : memref<1x128x64xf32, #tpu.memory_space<vmem>> -> memref<128x64xf32, #tpu.memory_space<vmem>>
          tpu.vector_store_idx %scatter3A_1884[%add3A_1521, %broadcast_in_dim3A_1879], %broadcast_in_dim3A_463 masked %eq3A_617 : memref<128x64xf32, #tpu.memory_space<vmem>>[vector<16xi32>, vector<16xi32>], vector<16xf32>, vector<16xi1>
          %broadcast_in_dim3A_1885 = arith.constant 52 : i32
          %broadcast_in_dim3A_1886 = vector.broadcast %broadcast_in_dim3A_1885 : i32 to vector<16xi32>
          %scatter3A_1887 = arith.constant 1 : i32
          %scatter3A_1888 = arith.constant 0 : i32
          %scatter3A_1889 = arith.constant 0 : i32
          %scatter3A_1890 = tpu.memref_slice %arg6[%scatter3A_1887, %scatter3A_1888, %scatter3A_1889] : memref<2x128x64xf32, #tpu.memory_space<vmem>> -> memref<1x128x64xf32, #tpu.memory_space<vmem>>
          %scatter3A_1891 = tpu.memref_squeeze %scatter3A_1890 : memref<1x128x64xf32, #tpu.memory_space<vmem>> -> memref<128x64xf32, #tpu.memory_space<vmem>>
          tpu.vector_store_idx %scatter3A_1891[%add3A_1521, %broadcast_in_dim3A_1886], %broadcast_in_dim3A_463 masked %eq3A_617 : memref<128x64xf32, #tpu.memory_space<vmem>>[vector<16xi32>, vector<16xi32>], vector<16xf32>, vector<16xi1>
          %broadcast_in_dim3A_1892 = arith.constant 53 : i32
          %broadcast_in_dim3A_1893 = vector.broadcast %broadcast_in_dim3A_1892 : i32 to vector<16xi32>
          %scatter3A_1894 = arith.constant 1 : i32
          %scatter3A_1895 = arith.constant 0 : i32
          %scatter3A_1896 = arith.constant 0 : i32
          %scatter3A_1897 = tpu.memref_slice %arg6[%scatter3A_1894, %scatter3A_1895, %scatter3A_1896] : memref<2x128x64xf32, #tpu.memory_space<vmem>> -> memref<1x128x64xf32, #tpu.memory_space<vmem>>
          %scatter3A_1898 = tpu.memref_squeeze %scatter3A_1897 : memref<1x128x64xf32, #tpu.memory_space<vmem>> -> memref<128x64xf32, #tpu.memory_space<vmem>>
          tpu.vector_store_idx %scatter3A_1898[%add3A_1521, %broadcast_in_dim3A_1893], %broadcast_in_dim3A_463 masked %eq3A_617 : memref<128x64xf32, #tpu.memory_space<vmem>>[vector<16xi32>, vector<16xi32>], vector<16xf32>, vector<16xi1>
          %broadcast_in_dim3A_1899 = arith.constant 54 : i32
          %broadcast_in_dim3A_1900 = vector.broadcast %broadcast_in_dim3A_1899 : i32 to vector<16xi32>
          %scatter3A_1901 = arith.constant 1 : i32
          %scatter3A_1902 = arith.constant 0 : i32
          %scatter3A_1903 = arith.constant 0 : i32
          %scatter3A_1904 = tpu.memref_slice %arg6[%scatter3A_1901, %scatter3A_1902, %scatter3A_1903] : memref<2x128x64xf32, #tpu.memory_space<vmem>> -> memref<1x128x64xf32, #tpu.memory_space<vmem>>
          %scatter3A_1905 = tpu.memref_squeeze %scatter3A_1904 : memref<1x128x64xf32, #tpu.memory_space<vmem>> -> memref<128x64xf32, #tpu.memory_space<vmem>>
          tpu.vector_store_idx %scatter3A_1905[%add3A_1521, %broadcast_in_dim3A_1900], %broadcast_in_dim3A_463 masked %eq3A_617 : memref<128x64xf32, #tpu.memory_space<vmem>>[vector<16xi32>, vector<16xi32>], vector<16xf32>, vector<16xi1>
          %broadcast_in_dim3A_1906 = arith.constant 55 : i32
          %broadcast_in_dim3A_1907 = vector.broadcast %broadcast_in_dim3A_1906 : i32 to vector<16xi32>
          %scatter3A_1908 = arith.constant 1 : i32
          %scatter3A_1909 = arith.constant 0 : i32
          %scatter3A_1910 = arith.constant 0 : i32
          %scatter3A_1911 = tpu.memref_slice %arg6[%scatter3A_1908, %scatter3A_1909, %scatter3A_1910] : memref<2x128x64xf32, #tpu.memory_space<vmem>> -> memref<1x128x64xf32, #tpu.memory_space<vmem>>
          %scatter3A_1912 = tpu.memref_squeeze %scatter3A_1911 : memref<1x128x64xf32, #tpu.memory_space<vmem>> -> memref<128x64xf32, #tpu.memory_space<vmem>>
          tpu.vector_store_idx %scatter3A_1912[%add3A_1521, %broadcast_in_dim3A_1907], %broadcast_in_dim3A_463 masked %eq3A_617 : memref<128x64xf32, #tpu.memory_space<vmem>>[vector<16xi32>, vector<16xi32>], vector<16xf32>, vector<16xi1>
          %broadcast_in_dim3A_1913 = arith.constant 56 : i32
          %broadcast_in_dim3A_1914 = vector.broadcast %broadcast_in_dim3A_1913 : i32 to vector<16xi32>
          %scatter3A_1915 = arith.constant 1 : i32
          %scatter3A_1916 = arith.constant 0 : i32
          %scatter3A_1917 = arith.constant 0 : i32
          %scatter3A_1918 = tpu.memref_slice %arg6[%scatter3A_1915, %scatter3A_1916, %scatter3A_1917] : memref<2x128x64xf32, #tpu.memory_space<vmem>> -> memref<1x128x64xf32, #tpu.memory_space<vmem>>
          %scatter3A_1919 = tpu.memref_squeeze %scatter3A_1918 : memref<1x128x64xf32, #tpu.memory_space<vmem>> -> memref<128x64xf32, #tpu.memory_space<vmem>>
          tpu.vector_store_idx %scatter3A_1919[%add3A_1521, %broadcast_in_dim3A_1914], %broadcast_in_dim3A_463 masked %eq3A_617 : memref<128x64xf32, #tpu.memory_space<vmem>>[vector<16xi32>, vector<16xi32>], vector<16xf32>, vector<16xi1>
          %broadcast_in_dim3A_1920 = arith.constant 57 : i32
          %broadcast_in_dim3A_1921 = vector.broadcast %broadcast_in_dim3A_1920 : i32 to vector<16xi32>
          %scatter3A_1922 = arith.constant 1 : i32
          %scatter3A_1923 = arith.constant 0 : i32
          %scatter3A_1924 = arith.constant 0 : i32
          %scatter3A_1925 = tpu.memref_slice %arg6[%scatter3A_1922, %scatter3A_1923, %scatter3A_1924] : memref<2x128x64xf32, #tpu.memory_space<vmem>> -> memref<1x128x64xf32, #tpu.memory_space<vmem>>
          %scatter3A_1926 = tpu.memref_squeeze %scatter3A_1925 : memref<1x128x64xf32, #tpu.memory_space<vmem>> -> memref<128x64xf32, #tpu.memory_space<vmem>>
          tpu.vector_store_idx %scatter3A_1926[%add3A_1521, %broadcast_in_dim3A_1921], %broadcast_in_dim3A_463 masked %eq3A_617 : memref<128x64xf32, #tpu.memory_space<vmem>>[vector<16xi32>, vector<16xi32>], vector<16xf32>, vector<16xi1>
          %broadcast_in_dim3A_1927 = arith.constant 58 : i32
          %broadcast_in_dim3A_1928 = vector.broadcast %broadcast_in_dim3A_1927 : i32 to vector<16xi32>
          %scatter3A_1929 = arith.constant 1 : i32
          %scatter3A_1930 = arith.constant 0 : i32
          %scatter3A_1931 = arith.constant 0 : i32
          %scatter3A_1932 = tpu.memref_slice %arg6[%scatter3A_1929, %scatter3A_1930, %scatter3A_1931] : memref<2x128x64xf32, #tpu.memory_space<vmem>> -> memref<1x128x64xf32, #tpu.memory_space<vmem>>
          %scatter3A_1933 = tpu.memref_squeeze %scatter3A_1932 : memref<1x128x64xf32, #tpu.memory_space<vmem>> -> memref<128x64xf32, #tpu.memory_space<vmem>>
          tpu.vector_store_idx %scatter3A_1933[%add3A_1521, %broadcast_in_dim3A_1928], %broadcast_in_dim3A_463 masked %eq3A_617 : memref<128x64xf32, #tpu.memory_space<vmem>>[vector<16xi32>, vector<16xi32>], vector<16xf32>, vector<16xi1>
          %broadcast_in_dim3A_1934 = arith.constant 59 : i32
          %broadcast_in_dim3A_1935 = vector.broadcast %broadcast_in_dim3A_1934 : i32 to vector<16xi32>
          %scatter3A_1936 = arith.constant 1 : i32
          %scatter3A_1937 = arith.constant 0 : i32
          %scatter3A_1938 = arith.constant 0 : i32
          %scatter3A_1939 = tpu.memref_slice %arg6[%scatter3A_1936, %scatter3A_1937, %scatter3A_1938] : memref<2x128x64xf32, #tpu.memory_space<vmem>> -> memref<1x128x64xf32, #tpu.memory_space<vmem>>
          %scatter3A_1940 = tpu.memref_squeeze %scatter3A_1939 : memref<1x128x64xf32, #tpu.memory_space<vmem>> -> memref<128x64xf32, #tpu.memory_space<vmem>>
          tpu.vector_store_idx %scatter3A_1940[%add3A_1521, %broadcast_in_dim3A_1935], %broadcast_in_dim3A_463 masked %eq3A_617 : memref<128x64xf32, #tpu.memory_space<vmem>>[vector<16xi32>, vector<16xi32>], vector<16xf32>, vector<16xi1>
          %broadcast_in_dim3A_1941 = arith.constant 60 : i32
          %broadcast_in_dim3A_1942 = vector.broadcast %broadcast_in_dim3A_1941 : i32 to vector<16xi32>
          %scatter3A_1943 = arith.constant 1 : i32
          %scatter3A_1944 = arith.constant 0 : i32
          %scatter3A_1945 = arith.constant 0 : i32
          %scatter3A_1946 = tpu.memref_slice %arg6[%scatter3A_1943, %scatter3A_1944, %scatter3A_1945] : memref<2x128x64xf32, #tpu.memory_space<vmem>> -> memref<1x128x64xf32, #tpu.memory_space<vmem>>
          %scatter3A_1947 = tpu.memref_squeeze %scatter3A_1946 : memref<1x128x64xf32, #tpu.memory_space<vmem>> -> memref<128x64xf32, #tpu.memory_space<vmem>>
          tpu.vector_store_idx %scatter3A_1947[%add3A_1521, %broadcast_in_dim3A_1942], %broadcast_in_dim3A_463 masked %eq3A_617 : memref<128x64xf32, #tpu.memory_space<vmem>>[vector<16xi32>, vector<16xi32>], vector<16xf32>, vector<16xi1>
          %broadcast_in_dim3A_1948 = arith.constant 61 : i32
          %broadcast_in_dim3A_1949 = vector.broadcast %broadcast_in_dim3A_1948 : i32 to vector<16xi32>
          %scatter3A_1950 = arith.constant 1 : i32
          %scatter3A_1951 = arith.constant 0 : i32
          %scatter3A_1952 = arith.constant 0 : i32
          %scatter3A_1953 = tpu.memref_slice %arg6[%scatter3A_1950, %scatter3A_1951, %scatter3A_1952] : memref<2x128x64xf32, #tpu.memory_space<vmem>> -> memref<1x128x64xf32, #tpu.memory_space<vmem>>
          %scatter3A_1954 = tpu.memref_squeeze %scatter3A_1953 : memref<1x128x64xf32, #tpu.memory_space<vmem>> -> memref<128x64xf32, #tpu.memory_space<vmem>>
          tpu.vector_store_idx %scatter3A_1954[%add3A_1521, %broadcast_in_dim3A_1949], %broadcast_in_dim3A_463 masked %eq3A_617 : memref<128x64xf32, #tpu.memory_space<vmem>>[vector<16xi32>, vector<16xi32>], vector<16xf32>, vector<16xi1>
          %broadcast_in_dim3A_1955 = arith.constant 62 : i32
          %broadcast_in_dim3A_1956 = vector.broadcast %broadcast_in_dim3A_1955 : i32 to vector<16xi32>
          %scatter3A_1957 = arith.constant 1 : i32
          %scatter3A_1958 = arith.constant 0 : i32
          %scatter3A_1959 = arith.constant 0 : i32
          %scatter3A_1960 = tpu.memref_slice %arg6[%scatter3A_1957, %scatter3A_1958, %scatter3A_1959] : memref<2x128x64xf32, #tpu.memory_space<vmem>> -> memref<1x128x64xf32, #tpu.memory_space<vmem>>
          %scatter3A_1961 = tpu.memref_squeeze %scatter3A_1960 : memref<1x128x64xf32, #tpu.memory_space<vmem>> -> memref<128x64xf32, #tpu.memory_space<vmem>>
          tpu.vector_store_idx %scatter3A_1961[%add3A_1521, %broadcast_in_dim3A_1956], %broadcast_in_dim3A_463 masked %eq3A_617 : memref<128x64xf32, #tpu.memory_space<vmem>>[vector<16xi32>, vector<16xi32>], vector<16xf32>, vector<16xi1>
          %broadcast_in_dim3A_1962 = arith.constant 63 : i32
          %broadcast_in_dim3A_1963 = vector.broadcast %broadcast_in_dim3A_1962 : i32 to vector<16xi32>
          %scatter3A_1964 = arith.constant 1 : i32
          %scatter3A_1965 = arith.constant 0 : i32
          %scatter3A_1966 = arith.constant 0 : i32
          %scatter3A_1967 = tpu.memref_slice %arg6[%scatter3A_1964, %scatter3A_1965, %scatter3A_1966] : memref<2x128x64xf32, #tpu.memory_space<vmem>> -> memref<1x128x64xf32, #tpu.memory_space<vmem>>
          %scatter3A_1968 = tpu.memref_squeeze %scatter3A_1967 : memref<1x128x64xf32, #tpu.memory_space<vmem>> -> memref<128x64xf32, #tpu.memory_space<vmem>>
          tpu.vector_store_idx %scatter3A_1968[%add3A_1521, %broadcast_in_dim3A_1963], %broadcast_in_dim3A_463 masked %eq3A_617 : memref<128x64xf32, #tpu.memory_space<vmem>>[vector<16xi32>, vector<16xi32>], vector<16xf32>, vector<16xi1>
        } else {
        }
        %mul3A_623 = arith.constant 16 : i32
        %mul3A_624 = arith.muli %scan3A_611, %mul3A_623 : i32
        %add3A_625 = arith.constant 0 : i32
        %add3A_626 = arith.addi %mul3A_624, %add3A_625 : i32
        %get3A_627 = arith.constant 1 : i32
        %get3A_628 = arith.index_cast %get3A_627 : i32 to index
        %get3A_629 = arith.index_cast %add3A_626 : i32 to index
        %get3A_630 = arith.constant 0 : index
        %get3A_631 = tpu.vector_load %arg6[%get3A_628, %get3A_629, %get3A_630] {strides = array<i32>} : memref<2x128x64xf32, #tpu.memory_space<vmem>>, vector<16xf32>,
        %mul3A_632 = arith.constant 64 : i32
        %mul3A_633 = arith.muli %add3A_626, %mul3A_632 : i32
        %add3A_634 = arith.constant 0 : i32
        %add3A_635 = arith.addi %mul3A_633, %add3A_634 : i32
        %swap3A = arith.constant 1 : i32
        %swap3A_636 = arith.index_cast %swap3A : i32 to index
        %swap3A_637 = arith.index_cast %add3A_635 : i32 to index
        %swap3A_638 = tpu.vector_load %arg7[%swap3A_636, %swap3A_637] {strides = array<i32>} : memref<2x8192xf32, #tpu.memory_space<vmem>>, vector<16xf32>,
        tpu.vector_store %arg7[%swap3A_636, %swap3A_637], %get3A_631 {strides = array<i32>} : memref<2x8192xf32, #tpu.memory_space<vmem>>, vector<16xf32>,
        %get3A_639 = arith.constant 1 : i32
        %get3A_640 = arith.index_cast %get3A_639 : i32 to index
        %get3A_641 = arith.index_cast %add3A_626 : i32 to index
        %get3A_642 = arith.constant 16 : index
        %get3A_643 = tpu.vector_load %arg6[%get3A_640, %get3A_641, %get3A_642] {strides = array<i32>} : memref<2x128x64xf32, #tpu.memory_space<vmem>>, vector<16xf32>,
        %mul3A_644 = arith.constant 64 : i32
        %mul3A_645 = arith.muli %add3A_626, %mul3A_644 : i32
        %add3A_646 = arith.constant 16 : i32
        %add3A_647 = arith.addi %mul3A_645, %add3A_646 : i32
        %swap3A_648 = arith.constant 1 : i32
        %swap3A_649 = arith.index_cast %swap3A_648 : i32 to index
        %swap3A_650 = arith.index_cast %add3A_647 : i32 to index
        %swap3A_651 = tpu.vector_load %arg7[%swap3A_649, %swap3A_650] {strides = array<i32>} : memref<2x8192xf32, #tpu.memory_space<vmem>>, vector<16xf32>,
        tpu.vector_store %arg7[%swap3A_649, %swap3A_650], %get3A_643 {strides = array<i32>} : memref<2x8192xf32, #tpu.memory_space<vmem>>, vector<16xf32>,
        %get3A_652 = arith.constant 1 : i32
        %get3A_653 = arith.index_cast %get3A_652 : i32 to index
        %get3A_654 = arith.index_cast %add3A_626 : i32 to index
        %get3A_655 = arith.constant 32 : index
        %get3A_656 = tpu.vector_load %arg6[%get3A_653, %get3A_654, %get3A_655] {strides = array<i32>} : memref<2x128x64xf32, #tpu.memory_space<vmem>>, vector<16xf32>,
        %mul3A_657 = arith.constant 64 : i32
        %mul3A_658 = arith.muli %add3A_626, %mul3A_657 : i32
        %add3A_659 = arith.constant 32 : i32
        %add3A_660 = arith.addi %mul3A_658, %add3A_659 : i32
        %swap3A_661 = arith.constant 1 : i32
        %swap3A_662 = arith.index_cast %swap3A_661 : i32 to index
        %swap3A_663 = arith.index_cast %add3A_660 : i32 to index
        %swap3A_664 = tpu.vector_load %arg7[%swap3A_662, %swap3A_663] {strides = array<i32>} : memref<2x8192xf32, #tpu.memory_space<vmem>>, vector<16xf32>,
        tpu.vector_store %arg7[%swap3A_662, %swap3A_663], %get3A_656 {strides = array<i32>} : memref<2x8192xf32, #tpu.memory_space<vmem>>, vector<16xf32>,
        %get3A_665 = arith.constant 1 : i32
        %get3A_666 = arith.index_cast %get3A_665 : i32 to index
        %get3A_667 = arith.index_cast %add3A_626 : i32 to index
        %get3A_668 = arith.constant 48 : index
        %get3A_669 = tpu.vector_load %arg6[%get3A_666, %get3A_667, %get3A_668] {strides = array<i32>} : memref<2x128x64xf32, #tpu.memory_space<vmem>>, vector<16xf32>,
        %mul3A_670 = arith.constant 64 : i32
        %mul3A_671 = arith.muli %add3A_626, %mul3A_670 : i32
        %add3A_672 = arith.constant 48 : i32
        %add3A_673 = arith.addi %mul3A_671, %add3A_672 : i32
        %swap3A_674 = arith.constant 1 : i32
        %swap3A_675 = arith.index_cast %swap3A_674 : i32 to index
        %swap3A_676 = arith.index_cast %add3A_673 : i32 to index
        %swap3A_677 = tpu.vector_load %arg7[%swap3A_675, %swap3A_676] {strides = array<i32>} : memref<2x8192xf32, #tpu.memory_space<vmem>>, vector<16xf32>,
        tpu.vector_store %arg7[%swap3A_675, %swap3A_676], %get3A_669 {strides = array<i32>} : memref<2x8192xf32, #tpu.memory_space<vmem>>, vector<16xf32>,
        %mul3A_678 = arith.constant 16 : i32
        %mul3A_679 = arith.muli %scan3A_611, %mul3A_678 : i32
        %add3A_680 = arith.constant 1 : i32
        %add3A_681 = arith.addi %mul3A_679, %add3A_680 : i32
        %get3A_682 = arith.constant 1 : i32
        %get3A_683 = arith.index_cast %get3A_682 : i32 to index
        %get3A_684 = arith.index_cast %add3A_681 : i32 to index
        %get3A_685 = arith.constant 0 : index
        %get3A_686 = tpu.vector_load %arg6[%get3A_683, %get3A_684, %get3A_685] {strides = array<i32>} : memref<2x128x64xf32, #tpu.memory_space<vmem>>, vector<16xf32>,
        %mul3A_687 = arith.constant 64 : i32
        %mul3A_688 = arith.muli %add3A_681, %mul3A_687 : i32
        %add3A_689 = arith.constant 0 : i32
        %add3A_690 = arith.addi %mul3A_688, %add3A_689 : i32
        %swap3A_691 = arith.constant 1 : i32
        %swap3A_692 = arith.index_cast %swap3A_691 : i32 to index
        %swap3A_693 = arith.index_cast %add3A_690 : i32 to index
        %swap3A_694 = tpu.vector_load %arg7[%swap3A_692, %swap3A_693] {strides = array<i32>} : memref<2x8192xf32, #tpu.memory_space<vmem>>, vector<16xf32>,
        tpu.vector_store %arg7[%swap3A_692, %swap3A_693], %get3A_686 {strides = array<i32>} : memref<2x8192xf32, #tpu.memory_space<vmem>>, vector<16xf32>,
        %get3A_695 = arith.constant 1 : i32
        %get3A_696 = arith.index_cast %get3A_695 : i32 to index
        %get3A_697 = arith.index_cast %add3A_681 : i32 to index
        %get3A_698 = arith.constant 16 : index
        %get3A_699 = tpu.vector_load %arg6[%get3A_696, %get3A_697, %get3A_698] {strides = array<i32>} : memref<2x128x64xf32, #tpu.memory_space<vmem>>, vector<16xf32>,
        %mul3A_700 = arith.constant 64 : i32
        %mul3A_701 = arith.muli %add3A_681, %mul3A_700 : i32
        %add3A_702 = arith.constant 16 : i32
        %add3A_703 = arith.addi %mul3A_701, %add3A_702 : i32
        %swap3A_704 = arith.constant 1 : i32
        %swap3A_705 = arith.index_cast %swap3A_704 : i32 to index
        %swap3A_706 = arith.index_cast %add3A_703 : i32 to index
        %swap3A_707 = tpu.vector_load %arg7[%swap3A_705, %swap3A_706] {strides = array<i32>} : memref<2x8192xf32, #tpu.memory_space<vmem>>, vector<16xf32>,
        tpu.vector_store %arg7[%swap3A_705, %swap3A_706], %get3A_699 {strides = array<i32>} : memref<2x8192xf32, #tpu.memory_space<vmem>>, vector<16xf32>,
        %get3A_708 = arith.constant 1 : i32
        %get3A_709 = arith.index_cast %get3A_708 : i32 to index
        %get3A_710 = arith.index_cast %add3A_681 : i32 to index
        %get3A_711 = arith.constant 32 : index
        %get3A_712 = tpu.vector_load %arg6[%get3A_709, %get3A_710, %get3A_711] {strides = array<i32>} : memref<2x128x64xf32, #tpu.memory_space<vmem>>, vector<16xf32>,
        %mul3A_713 = arith.constant 64 : i32
        %mul3A_714 = arith.muli %add3A_681, %mul3A_713 : i32
        %add3A_715 = arith.constant 32 : i32
        %add3A_716 = arith.addi %mul3A_714, %add3A_715 : i32
        %swap3A_717 = arith.constant 1 : i32
        %swap3A_718 = arith.index_cast %swap3A_717 : i32 to index
        %swap3A_719 = arith.index_cast %add3A_716 : i32 to index
        %swap3A_720 = tpu.vector_load %arg7[%swap3A_718, %swap3A_719] {strides = array<i32>} : memref<2x8192xf32, #tpu.memory_space<vmem>>, vector<16xf32>,
        tpu.vector_store %arg7[%swap3A_718, %swap3A_719], %get3A_712 {strides = array<i32>} : memref<2x8192xf32, #tpu.memory_space<vmem>>, vector<16xf32>,
        %get3A_721 = arith.constant 1 : i32
        %get3A_722 = arith.index_cast %get3A_721 : i32 to index
        %get3A_723 = arith.index_cast %add3A_681 : i32 to index
        %get3A_724 = arith.constant 48 : index
        %get3A_725 = tpu.vector_load %arg6[%get3A_722, %get3A_723, %get3A_724] {strides = array<i32>} : memref<2x128x64xf32, #tpu.memory_space<vmem>>, vector<16xf32>,
        %mul3A_726 = arith.constant 64 : i32
        %mul3A_727 = arith.muli %add3A_681, %mul3A_726 : i32
        %add3A_728 = arith.constant 48 : i32
        %add3A_729 = arith.addi %mul3A_727, %add3A_728 : i32
        %swap3A_730 = arith.constant 1 : i32
        %swap3A_731 = arith.index_cast %swap3A_730 : i32 to index
        %swap3A_732 = arith.index_cast %add3A_729 : i32 to index
        %swap3A_733 = tpu.vector_load %arg7[%swap3A_731, %swap3A_732] {strides = array<i32>} : memref<2x8192xf32, #tpu.memory_space<vmem>>, vector<16xf32>,
        tpu.vector_store %arg7[%swap3A_731, %swap3A_732], %get3A_725 {strides = array<i32>} : memref<2x8192xf32, #tpu.memory_space<vmem>>, vector<16xf32>,
        %mul3A_734 = arith.constant 16 : i32
        %mul3A_735 = arith.muli %scan3A_611, %mul3A_734 : i32
        %add3A_736 = arith.constant 2 : i32
        %add3A_737 = arith.addi %mul3A_735, %add3A_736 : i32
        %get3A_738 = arith.constant 1 : i32
        %get3A_739 = arith.index_cast %get3A_738 : i32 to index
        %get3A_740 = arith.index_cast %add3A_737 : i32 to index
        %get3A_741 = arith.constant 0 : index
        %get3A_742 = tpu.vector_load %arg6[%get3A_739, %get3A_740, %get3A_741] {strides = array<i32>} : memref<2x128x64xf32, #tpu.memory_space<vmem>>, vector<16xf32>,
        %mul3A_743 = arith.constant 64 : i32
        %mul3A_744 = arith.muli %add3A_737, %mul3A_743 : i32
        %add3A_745 = arith.constant 0 : i32
        %add3A_746 = arith.addi %mul3A_744, %add3A_745 : i32
        %swap3A_747 = arith.constant 1 : i32
        %swap3A_748 = arith.index_cast %swap3A_747 : i32 to index
        %swap3A_749 = arith.index_cast %add3A_746 : i32 to index
        %swap3A_750 = tpu.vector_load %arg7[%swap3A_748, %swap3A_749] {strides = array<i32>} : memref<2x8192xf32, #tpu.memory_space<vmem>>, vector<16xf32>,
        tpu.vector_store %arg7[%swap3A_748, %swap3A_749], %get3A_742 {strides = array<i32>} : memref<2x8192xf32, #tpu.memory_space<vmem>>, vector<16xf32>,
        %get3A_751 = arith.constant 1 : i32
        %get3A_752 = arith.index_cast %get3A_751 : i32 to index
        %get3A_753 = arith.index_cast %add3A_737 : i32 to index
        %get3A_754 = arith.constant 16 : index
        %get3A_755 = tpu.vector_load %arg6[%get3A_752, %get3A_753, %get3A_754] {strides = array<i32>} : memref<2x128x64xf32, #tpu.memory_space<vmem>>, vector<16xf32>,
        %mul3A_756 = arith.constant 64 : i32
        %mul3A_757 = arith.muli %add3A_737, %mul3A_756 : i32
        %add3A_758 = arith.constant 16 : i32
        %add3A_759 = arith.addi %mul3A_757, %add3A_758 : i32
        %swap3A_760 = arith.constant 1 : i32
        %swap3A_761 = arith.index_cast %swap3A_760 : i32 to index
        %swap3A_762 = arith.index_cast %add3A_759 : i32 to index
        %swap3A_763 = tpu.vector_load %arg7[%swap3A_761, %swap3A_762] {strides = array<i32>} : memref<2x8192xf32, #tpu.memory_space<vmem>>, vector<16xf32>,
        tpu.vector_store %arg7[%swap3A_761, %swap3A_762], %get3A_755 {strides = array<i32>} : memref<2x8192xf32, #tpu.memory_space<vmem>>, vector<16xf32>,
        %get3A_764 = arith.constant 1 : i32
        %get3A_765 = arith.index_cast %get3A_764 : i32 to index
        %get3A_766 = arith.index_cast %add3A_737 : i32 to index
        %get3A_767 = arith.constant 32 : index
        %get3A_768 = tpu.vector_load %arg6[%get3A_765, %get3A_766, %get3A_767] {strides = array<i32>} : memref<2x128x64xf32, #tpu.memory_space<vmem>>, vector<16xf32>,
        %mul3A_769 = arith.constant 64 : i32
        %mul3A_770 = arith.muli %add3A_737, %mul3A_769 : i32
        %add3A_771 = arith.constant 32 : i32
        %add3A_772 = arith.addi %mul3A_770, %add3A_771 : i32
        %swap3A_773 = arith.constant 1 : i32
        %swap3A_774 = arith.index_cast %swap3A_773 : i32 to index
        %swap3A_775 = arith.index_cast %add3A_772 : i32 to index
        %swap3A_776 = tpu.vector_load %arg7[%swap3A_774, %swap3A_775] {strides = array<i32>} : memref<2x8192xf32, #tpu.memory_space<vmem>>, vector<16xf32>,
        tpu.vector_store %arg7[%swap3A_774, %swap3A_775], %get3A_768 {strides = array<i32>} : memref<2x8192xf32, #tpu.memory_space<vmem>>, vector<16xf32>,
        %get3A_777 = arith.constant 1 : i32
        %get3A_778 = arith.index_cast %get3A_777 : i32 to index
        %get3A_779 = arith.index_cast %add3A_737 : i32 to index
        %get3A_780 = arith.constant 48 : index
        %get3A_781 = tpu.vector_load %arg6[%get3A_778, %get3A_779, %get3A_780] {strides = array<i32>} : memref<2x128x64xf32, #tpu.memory_space<vmem>>, vector<16xf32>,
        %mul3A_782 = arith.constant 64 : i32
        %mul3A_783 = arith.muli %add3A_737, %mul3A_782 : i32
        %add3A_784 = arith.constant 48 : i32
        %add3A_785 = arith.addi %mul3A_783, %add3A_784 : i32
        %swap3A_786 = arith.constant 1 : i32
        %swap3A_787 = arith.index_cast %swap3A_786 : i32 to index
        %swap3A_788 = arith.index_cast %add3A_785 : i32 to index
        %swap3A_789 = tpu.vector_load %arg7[%swap3A_787, %swap3A_788] {strides = array<i32>} : memref<2x8192xf32, #tpu.memory_space<vmem>>, vector<16xf32>,
        tpu.vector_store %arg7[%swap3A_787, %swap3A_788], %get3A_781 {strides = array<i32>} : memref<2x8192xf32, #tpu.memory_space<vmem>>, vector<16xf32>,
        %mul3A_790 = arith.constant 16 : i32
        %mul3A_791 = arith.muli %scan3A_611, %mul3A_790 : i32
        %add3A_792 = arith.constant 3 : i32
        %add3A_793 = arith.addi %mul3A_791, %add3A_792 : i32
        %get3A_794 = arith.constant 1 : i32
        %get3A_795 = arith.index_cast %get3A_794 : i32 to index
        %get3A_796 = arith.index_cast %add3A_793 : i32 to index
        %get3A_797 = arith.constant 0 : index
        %get3A_798 = tpu.vector_load %arg6[%get3A_795, %get3A_796, %get3A_797] {strides = array<i32>} : memref<2x128x64xf32, #tpu.memory_space<vmem>>, vector<16xf32>,
        %mul3A_799 = arith.constant 64 : i32
        %mul3A_800 = arith.muli %add3A_793, %mul3A_799 : i32
        %add3A_801 = arith.constant 0 : i32
        %add3A_802 = arith.addi %mul3A_800, %add3A_801 : i32
        %swap3A_803 = arith.constant 1 : i32
        %swap3A_804 = arith.index_cast %swap3A_803 : i32 to index
        %swap3A_805 = arith.index_cast %add3A_802 : i32 to index
        %swap3A_806 = tpu.vector_load %arg7[%swap3A_804, %swap3A_805] {strides = array<i32>} : memref<2x8192xf32, #tpu.memory_space<vmem>>, vector<16xf32>,
        tpu.vector_store %arg7[%swap3A_804, %swap3A_805], %get3A_798 {strides = array<i32>} : memref<2x8192xf32, #tpu.memory_space<vmem>>, vector<16xf32>,
        %get3A_807 = arith.constant 1 : i32
        %get3A_808 = arith.index_cast %get3A_807 : i32 to index
        %get3A_809 = arith.index_cast %add3A_793 : i32 to index
        %get3A_810 = arith.constant 16 : index
        %get3A_811 = tpu.vector_load %arg6[%get3A_808, %get3A_809, %get3A_810] {strides = array<i32>} : memref<2x128x64xf32, #tpu.memory_space<vmem>>, vector<16xf32>,
        %mul3A_812 = arith.constant 64 : i32
        %mul3A_813 = arith.muli %add3A_793, %mul3A_812 : i32
        %add3A_814 = arith.constant 16 : i32
        %add3A_815 = arith.addi %mul3A_813, %add3A_814 : i32
        %swap3A_816 = arith.constant 1 : i32
        %swap3A_817 = arith.index_cast %swap3A_816 : i32 to index
        %swap3A_818 = arith.index_cast %add3A_815 : i32 to index
        %swap3A_819 = tpu.vector_load %arg7[%swap3A_817, %swap3A_818] {strides = array<i32>} : memref<2x8192xf32, #tpu.memory_space<vmem>>, vector<16xf32>,
        tpu.vector_store %arg7[%swap3A_817, %swap3A_818], %get3A_811 {strides = array<i32>} : memref<2x8192xf32, #tpu.memory_space<vmem>>, vector<16xf32>,
        %get3A_820 = arith.constant 1 : i32
        %get3A_821 = arith.index_cast %get3A_820 : i32 to index
        %get3A_822 = arith.index_cast %add3A_793 : i32 to index
        %get3A_823 = arith.constant 32 : index
        %get3A_824 = tpu.vector_load %arg6[%get3A_821, %get3A_822, %get3A_823] {strides = array<i32>} : memref<2x128x64xf32, #tpu.memory_space<vmem>>, vector<16xf32>,
        %mul3A_825 = arith.constant 64 : i32
        %mul3A_826 = arith.muli %add3A_793, %mul3A_825 : i32
        %add3A_827 = arith.constant 32 : i32
        %add3A_828 = arith.addi %mul3A_826, %add3A_827 : i32
        %swap3A_829 = arith.constant 1 : i32
        %swap3A_830 = arith.index_cast %swap3A_829 : i32 to index
        %swap3A_831 = arith.index_cast %add3A_828 : i32 to index
        %swap3A_832 = tpu.vector_load %arg7[%swap3A_830, %swap3A_831] {strides = array<i32>} : memref<2x8192xf32, #tpu.memory_space<vmem>>, vector<16xf32>,
        tpu.vector_store %arg7[%swap3A_830, %swap3A_831], %get3A_824 {strides = array<i32>} : memref<2x8192xf32, #tpu.memory_space<vmem>>, vector<16xf32>,
        %get3A_833 = arith.constant 1 : i32
        %get3A_834 = arith.index_cast %get3A_833 : i32 to index
        %get3A_835 = arith.index_cast %add3A_793 : i32 to index
        %get3A_836 = arith.constant 48 : index
        %get3A_837 = tpu.vector_load %arg6[%get3A_834, %get3A_835, %get3A_836] {strides = array<i32>} : memref<2x128x64xf32, #tpu.memory_space<vmem>>, vector<16xf32>,
        %mul3A_838 = arith.constant 64 : i32
        %mul3A_839 = arith.muli %add3A_793, %mul3A_838 : i32
        %add3A_840 = arith.constant 48 : i32
        %add3A_841 = arith.addi %mul3A_839, %add3A_840 : i32
        %swap3A_842 = arith.constant 1 : i32
        %swap3A_843 = arith.index_cast %swap3A_842 : i32 to index
        %swap3A_844 = arith.index_cast %add3A_841 : i32 to index
        %swap3A_845 = tpu.vector_load %arg7[%swap3A_843, %swap3A_844] {strides = array<i32>} : memref<2x8192xf32, #tpu.memory_space<vmem>>, vector<16xf32>,
        tpu.vector_store %arg7[%swap3A_843, %swap3A_844], %get3A_837 {strides = array<i32>} : memref<2x8192xf32, #tpu.memory_space<vmem>>, vector<16xf32>,
        %mul3A_846 = arith.constant 16 : i32
        %mul3A_847 = arith.muli %scan3A_611, %mul3A_846 : i32
        %add3A_848 = arith.constant 4 : i32
        %add3A_849 = arith.addi %mul3A_847, %add3A_848 : i32
        %get3A_850 = arith.constant 1 : i32
        %get3A_851 = arith.index_cast %get3A_850 : i32 to index
        %get3A_852 = arith.index_cast %add3A_849 : i32 to index
        %get3A_853 = arith.constant 0 : index
        %get3A_854 = tpu.vector_load %arg6[%get3A_851, %get3A_852, %get3A_853] {strides = array<i32>} : memref<2x128x64xf32, #tpu.memory_space<vmem>>, vector<16xf32>,
        %mul3A_855 = arith.constant 64 : i32
        %mul3A_856 = arith.muli %add3A_849, %mul3A_855 : i32
        %add3A_857 = arith.constant 0 : i32
        %add3A_858 = arith.addi %mul3A_856, %add3A_857 : i32
        %swap3A_859 = arith.constant 1 : i32
        %swap3A_860 = arith.index_cast %swap3A_859 : i32 to index
        %swap3A_861 = arith.index_cast %add3A_858 : i32 to index
        %swap3A_862 = tpu.vector_load %arg7[%swap3A_860, %swap3A_861] {strides = array<i32>} : memref<2x8192xf32, #tpu.memory_space<vmem>>, vector<16xf32>,
        tpu.vector_store %arg7[%swap3A_860, %swap3A_861], %get3A_854 {strides = array<i32>} : memref<2x8192xf32, #tpu.memory_space<vmem>>, vector<16xf32>,
        %get3A_863 = arith.constant 1 : i32
        %get3A_864 = arith.index_cast %get3A_863 : i32 to index
        %get3A_865 = arith.index_cast %add3A_849 : i32 to index
        %get3A_866 = arith.constant 16 : index
        %get3A_867 = tpu.vector_load %arg6[%get3A_864, %get3A_865, %get3A_866] {strides = array<i32>} : memref<2x128x64xf32, #tpu.memory_space<vmem>>, vector<16xf32>,
        %mul3A_868 = arith.constant 64 : i32
        %mul3A_869 = arith.muli %add3A_849, %mul3A_868 : i32
        %add3A_870 = arith.constant 16 : i32
        %add3A_871 = arith.addi %mul3A_869, %add3A_870 : i32
        %swap3A_872 = arith.constant 1 : i32
        %swap3A_873 = arith.index_cast %swap3A_872 : i32 to index
        %swap3A_874 = arith.index_cast %add3A_871 : i32 to index
        %swap3A_875 = tpu.vector_load %arg7[%swap3A_873, %swap3A_874] {strides = array<i32>} : memref<2x8192xf32, #tpu.memory_space<vmem>>, vector<16xf32>,
        tpu.vector_store %arg7[%swap3A_873, %swap3A_874], %get3A_867 {strides = array<i32>} : memref<2x8192xf32, #tpu.memory_space<vmem>>, vector<16xf32>,
        %get3A_876 = arith.constant 1 : i32
        %get3A_877 = arith.index_cast %get3A_876 : i32 to index
        %get3A_878 = arith.index_cast %add3A_849 : i32 to index
        %get3A_879 = arith.constant 32 : index
        %get3A_880 = tpu.vector_load %arg6[%get3A_877, %get3A_878, %get3A_879] {strides = array<i32>} : memref<2x128x64xf32, #tpu.memory_space<vmem>>, vector<16xf32>,
        %mul3A_881 = arith.constant 64 : i32
        %mul3A_882 = arith.muli %add3A_849, %mul3A_881 : i32
        %add3A_883 = arith.constant 32 : i32
        %add3A_884 = arith.addi %mul3A_882, %add3A_883 : i32
        %swap3A_885 = arith.constant 1 : i32
        %swap3A_886 = arith.index_cast %swap3A_885 : i32 to index
        %swap3A_887 = arith.index_cast %add3A_884 : i32 to index
        %swap3A_888 = tpu.vector_load %arg7[%swap3A_886, %swap3A_887] {strides = array<i32>} : memref<2x8192xf32, #tpu.memory_space<vmem>>, vector<16xf32>,
        tpu.vector_store %arg7[%swap3A_886, %swap3A_887], %get3A_880 {strides = array<i32>} : memref<2x8192xf32, #tpu.memory_space<vmem>>, vector<16xf32>,
        %get3A_889 = arith.constant 1 : i32
        %get3A_890 = arith.index_cast %get3A_889 : i32 to index
        %get3A_891 = arith.index_cast %add3A_849 : i32 to index
        %get3A_892 = arith.constant 48 : index
        %get3A_893 = tpu.vector_load %arg6[%get3A_890, %get3A_891, %get3A_892] {strides = array<i32>} : memref<2x128x64xf32, #tpu.memory_space<vmem>>, vector<16xf32>,
        %mul3A_894 = arith.constant 64 : i32
        %mul3A_895 = arith.muli %add3A_849, %mul3A_894 : i32
        %add3A_896 = arith.constant 48 : i32
        %add3A_897 = arith.addi %mul3A_895, %add3A_896 : i32
        %swap3A_898 = arith.constant 1 : i32
        %swap3A_899 = arith.index_cast %swap3A_898 : i32 to index
        %swap3A_900 = arith.index_cast %add3A_897 : i32 to index
        %swap3A_901 = tpu.vector_load %arg7[%swap3A_899, %swap3A_900] {strides = array<i32>} : memref<2x8192xf32, #tpu.memory_space<vmem>>, vector<16xf32>,
        tpu.vector_store %arg7[%swap3A_899, %swap3A_900], %get3A_893 {strides = array<i32>} : memref<2x8192xf32, #tpu.memory_space<vmem>>, vector<16xf32>,
        %mul3A_902 = arith.constant 16 : i32
        %mul3A_903 = arith.muli %scan3A_611, %mul3A_902 : i32
        %add3A_904 = arith.constant 5 : i32
        %add3A_905 = arith.addi %mul3A_903, %add3A_904 : i32
        %get3A_906 = arith.constant 1 : i32
        %get3A_907 = arith.index_cast %get3A_906 : i32 to index
        %get3A_908 = arith.index_cast %add3A_905 : i32 to index
        %get3A_909 = arith.constant 0 : index
        %get3A_910 = tpu.vector_load %arg6[%get3A_907, %get3A_908, %get3A_909] {strides = array<i32>} : memref<2x128x64xf32, #tpu.memory_space<vmem>>, vector<16xf32>,
        %mul3A_911 = arith.constant 64 : i32
        %mul3A_912 = arith.muli %add3A_905, %mul3A_911 : i32
        %add3A_913 = arith.constant 0 : i32
        %add3A_914 = arith.addi %mul3A_912, %add3A_913 : i32
        %swap3A_915 = arith.constant 1 : i32
        %swap3A_916 = arith.index_cast %swap3A_915 : i32 to index
        %swap3A_917 = arith.index_cast %add3A_914 : i32 to index
        %swap3A_918 = tpu.vector_load %arg7[%swap3A_916, %swap3A_917] {strides = array<i32>} : memref<2x8192xf32, #tpu.memory_space<vmem>>, vector<16xf32>,
        tpu.vector_store %arg7[%swap3A_916, %swap3A_917], %get3A_910 {strides = array<i32>} : memref<2x8192xf32, #tpu.memory_space<vmem>>, vector<16xf32>,
        %get3A_919 = arith.constant 1 : i32
        %get3A_920 = arith.index_cast %get3A_919 : i32 to index
        %get3A_921 = arith.index_cast %add3A_905 : i32 to index
        %get3A_922 = arith.constant 16 : index
        %get3A_923 = tpu.vector_load %arg6[%get3A_920, %get3A_921, %get3A_922] {strides = array<i32>} : memref<2x128x64xf32, #tpu.memory_space<vmem>>, vector<16xf32>,
        %mul3A_924 = arith.constant 64 : i32
        %mul3A_925 = arith.muli %add3A_905, %mul3A_924 : i32
        %add3A_926 = arith.constant 16 : i32
        %add3A_927 = arith.addi %mul3A_925, %add3A_926 : i32
        %swap3A_928 = arith.constant 1 : i32
        %swap3A_929 = arith.index_cast %swap3A_928 : i32 to index
        %swap3A_930 = arith.index_cast %add3A_927 : i32 to index
        %swap3A_931 = tpu.vector_load %arg7[%swap3A_929, %swap3A_930] {strides = array<i32>} : memref<2x8192xf32, #tpu.memory_space<vmem>>, vector<16xf32>,
        tpu.vector_store %arg7[%swap3A_929, %swap3A_930], %get3A_923 {strides = array<i32>} : memref<2x8192xf32, #tpu.memory_space<vmem>>, vector<16xf32>,
        %get3A_932 = arith.constant 1 : i32
        %get3A_933 = arith.index_cast %get3A_932 : i32 to index
        %get3A_934 = arith.index_cast %add3A_905 : i32 to index
        %get3A_935 = arith.constant 32 : index
        %get3A_936 = tpu.vector_load %arg6[%get3A_933, %get3A_934, %get3A_935] {strides = array<i32>} : memref<2x128x64xf32, #tpu.memory_space<vmem>>, vector<16xf32>,
        %mul3A_937 = arith.constant 64 : i32
        %mul3A_938 = arith.muli %add3A_905, %mul3A_937 : i32
        %add3A_939 = arith.constant 32 : i32
        %add3A_940 = arith.addi %mul3A_938, %add3A_939 : i32
        %swap3A_941 = arith.constant 1 : i32
        %swap3A_942 = arith.index_cast %swap3A_941 : i32 to index
        %swap3A_943 = arith.index_cast %add3A_940 : i32 to index
        %swap3A_944 = tpu.vector_load %arg7[%swap3A_942, %swap3A_943] {strides = array<i32>} : memref<2x8192xf32, #tpu.memory_space<vmem>>, vector<16xf32>,
        tpu.vector_store %arg7[%swap3A_942, %swap3A_943], %get3A_936 {strides = array<i32>} : memref<2x8192xf32, #tpu.memory_space<vmem>>, vector<16xf32>,
        %get3A_945 = arith.constant 1 : i32
        %get3A_946 = arith.index_cast %get3A_945 : i32 to index
        %get3A_947 = arith.index_cast %add3A_905 : i32 to index
        %get3A_948 = arith.constant 48 : index
        %get3A_949 = tpu.vector_load %arg6[%get3A_946, %get3A_947, %get3A_948] {strides = array<i32>} : memref<2x128x64xf32, #tpu.memory_space<vmem>>, vector<16xf32>,
        %mul3A_950 = arith.constant 64 : i32
        %mul3A_951 = arith.muli %add3A_905, %mul3A_950 : i32
        %add3A_952 = arith.constant 48 : i32
        %add3A_953 = arith.addi %mul3A_951, %add3A_952 : i32
        %swap3A_954 = arith.constant 1 : i32
        %swap3A_955 = arith.index_cast %swap3A_954 : i32 to index
        %swap3A_956 = arith.index_cast %add3A_953 : i32 to index
        %swap3A_957 = tpu.vector_load %arg7[%swap3A_955, %swap3A_956] {strides = array<i32>} : memref<2x8192xf32, #tpu.memory_space<vmem>>, vector<16xf32>,
        tpu.vector_store %arg7[%swap3A_955, %swap3A_956], %get3A_949 {strides = array<i32>} : memref<2x8192xf32, #tpu.memory_space<vmem>>, vector<16xf32>,
        %mul3A_958 = arith.constant 16 : i32
        %mul3A_959 = arith.muli %scan3A_611, %mul3A_958 : i32
        %add3A_960 = arith.constant 6 : i32
        %add3A_961 = arith.addi %mul3A_959, %add3A_960 : i32
        %get3A_962 = arith.constant 1 : i32
        %get3A_963 = arith.index_cast %get3A_962 : i32 to index
        %get3A_964 = arith.index_cast %add3A_961 : i32 to index
        %get3A_965 = arith.constant 0 : index
        %get3A_966 = tpu.vector_load %arg6[%get3A_963, %get3A_964, %get3A_965] {strides = array<i32>} : memref<2x128x64xf32, #tpu.memory_space<vmem>>, vector<16xf32>,
        %mul3A_967 = arith.constant 64 : i32
        %mul3A_968 = arith.muli %add3A_961, %mul3A_967 : i32
        %add3A_969 = arith.constant 0 : i32
        %add3A_970 = arith.addi %mul3A_968, %add3A_969 : i32
        %swap3A_971 = arith.constant 1 : i32
        %swap3A_972 = arith.index_cast %swap3A_971 : i32 to index
        %swap3A_973 = arith.index_cast %add3A_970 : i32 to index
        %swap3A_974 = tpu.vector_load %arg7[%swap3A_972, %swap3A_973] {strides = array<i32>} : memref<2x8192xf32, #tpu.memory_space<vmem>>, vector<16xf32>,
        tpu.vector_store %arg7[%swap3A_972, %swap3A_973], %get3A_966 {strides = array<i32>} : memref<2x8192xf32, #tpu.memory_space<vmem>>, vector<16xf32>,
        %get3A_975 = arith.constant 1 : i32
        %get3A_976 = arith.index_cast %get3A_975 : i32 to index
        %get3A_977 = arith.index_cast %add3A_961 : i32 to index
        %get3A_978 = arith.constant 16 : index
        %get3A_979 = tpu.vector_load %arg6[%get3A_976, %get3A_977, %get3A_978] {strides = array<i32>} : memref<2x128x64xf32, #tpu.memory_space<vmem>>, vector<16xf32>,
        %mul3A_980 = arith.constant 64 : i32
        %mul3A_981 = arith.muli %add3A_961, %mul3A_980 : i32
        %add3A_982 = arith.constant 16 : i32
        %add3A_983 = arith.addi %mul3A_981, %add3A_982 : i32
        %swap3A_984 = arith.constant 1 : i32
        %swap3A_985 = arith.index_cast %swap3A_984 : i32 to index
        %swap3A_986 = arith.index_cast %add3A_983 : i32 to index
        %swap3A_987 = tpu.vector_load %arg7[%swap3A_985, %swap3A_986] {strides = array<i32>} : memref<2x8192xf32, #tpu.memory_space<vmem>>, vector<16xf32>,
        tpu.vector_store %arg7[%swap3A_985, %swap3A_986], %get3A_979 {strides = array<i32>} : memref<2x8192xf32, #tpu.memory_space<vmem>>, vector<16xf32>,
        %get3A_988 = arith.constant 1 : i32
        %get3A_989 = arith.index_cast %get3A_988 : i32 to index
        %get3A_990 = arith.index_cast %add3A_961 : i32 to index
        %get3A_991 = arith.constant 32 : index
        %get3A_992 = tpu.vector_load %arg6[%get3A_989, %get3A_990, %get3A_991] {strides = array<i32>} : memref<2x128x64xf32, #tpu.memory_space<vmem>>, vector<16xf32>,
        %mul3A_993 = arith.constant 64 : i32
        %mul3A_994 = arith.muli %add3A_961, %mul3A_993 : i32
        %add3A_995 = arith.constant 32 : i32
        %add3A_996 = arith.addi %mul3A_994, %add3A_995 : i32
        %swap3A_997 = arith.constant 1 : i32
        %swap3A_998 = arith.index_cast %swap3A_997 : i32 to index
        %swap3A_999 = arith.index_cast %add3A_996 : i32 to index
        %swap3A_1000 = tpu.vector_load %arg7[%swap3A_998, %swap3A_999] {strides = array<i32>} : memref<2x8192xf32, #tpu.memory_space<vmem>>, vector<16xf32>,
        tpu.vector_store %arg7[%swap3A_998, %swap3A_999], %get3A_992 {strides = array<i32>} : memref<2x8192xf32, #tpu.memory_space<vmem>>, vector<16xf32>,
        %get3A_1001 = arith.constant 1 : i32
        %get3A_1002 = arith.index_cast %get3A_1001 : i32 to index
        %get3A_1003 = arith.index_cast %add3A_961 : i32 to index
        %get3A_1004 = arith.constant 48 : index
        %get3A_1005 = tpu.vector_load %arg6[%get3A_1002, %get3A_1003, %get3A_1004] {strides = array<i32>} : memref<2x128x64xf32, #tpu.memory_space<vmem>>, vector<16xf32>,
        %mul3A_1006 = arith.constant 64 : i32
        %mul3A_1007 = arith.muli %add3A_961, %mul3A_1006 : i32
        %add3A_1008 = arith.constant 48 : i32
        %add3A_1009 = arith.addi %mul3A_1007, %add3A_1008 : i32
        %swap3A_1010 = arith.constant 1 : i32
        %swap3A_1011 = arith.index_cast %swap3A_1010 : i32 to index
        %swap3A_1012 = arith.index_cast %add3A_1009 : i32 to index
        %swap3A_1013 = tpu.vector_load %arg7[%swap3A_1011, %swap3A_1012] {strides = array<i32>} : memref<2x8192xf32, #tpu.memory_space<vmem>>, vector<16xf32>,
        tpu.vector_store %arg7[%swap3A_1011, %swap3A_1012], %get3A_1005 {strides = array<i32>} : memref<2x8192xf32, #tpu.memory_space<vmem>>, vector<16xf32>,
        %mul3A_1014 = arith.constant 16 : i32
        %mul3A_1015 = arith.muli %scan3A_611, %mul3A_1014 : i32
        %add3A_1016 = arith.constant 7 : i32
        %add3A_1017 = arith.addi %mul3A_1015, %add3A_1016 : i32
        %get3A_1018 = arith.constant 1 : i32
        %get3A_1019 = arith.index_cast %get3A_1018 : i32 to index
        %get3A_1020 = arith.index_cast %add3A_1017 : i32 to index
        %get3A_1021 = arith.constant 0 : index
        %get3A_1022 = tpu.vector_load %arg6[%get3A_1019, %get3A_1020, %get3A_1021] {strides = array<i32>} : memref<2x128x64xf32, #tpu.memory_space<vmem>>, vector<16xf32>,
        %mul3A_1023 = arith.constant 64 : i32
        %mul3A_1024 = arith.muli %add3A_1017, %mul3A_1023 : i32
        %add3A_1025 = arith.constant 0 : i32
        %add3A_1026 = arith.addi %mul3A_1024, %add3A_1025 : i32
        %swap3A_1027 = arith.constant 1 : i32
        %swap3A_1028 = arith.index_cast %swap3A_1027 : i32 to index
        %swap3A_1029 = arith.index_cast %add3A_1026 : i32 to index
        %swap3A_1030 = tpu.vector_load %arg7[%swap3A_1028, %swap3A_1029] {strides = array<i32>} : memref<2x8192xf32, #tpu.memory_space<vmem>>, vector<16xf32>,
        tpu.vector_store %arg7[%swap3A_1028, %swap3A_1029], %get3A_1022 {strides = array<i32>} : memref<2x8192xf32, #tpu.memory_space<vmem>>, vector<16xf32>,
        %get3A_1031 = arith.constant 1 : i32
        %get3A_1032 = arith.index_cast %get3A_1031 : i32 to index
        %get3A_1033 = arith.index_cast %add3A_1017 : i32 to index
        %get3A_1034 = arith.constant 16 : index
        %get3A_1035 = tpu.vector_load %arg6[%get3A_1032, %get3A_1033, %get3A_1034] {strides = array<i32>} : memref<2x128x64xf32, #tpu.memory_space<vmem>>, vector<16xf32>,
        %mul3A_1036 = arith.constant 64 : i32
        %mul3A_1037 = arith.muli %add3A_1017, %mul3A_1036 : i32
        %add3A_1038 = arith.constant 16 : i32
        %add3A_1039 = arith.addi %mul3A_1037, %add3A_1038 : i32
        %swap3A_1040 = arith.constant 1 : i32
        %swap3A_1041 = arith.index_cast %swap3A_1040 : i32 to index
        %swap3A_1042 = arith.index_cast %add3A_1039 : i32 to index
        %swap3A_1043 = tpu.vector_load %arg7[%swap3A_1041, %swap3A_1042] {strides = array<i32>} : memref<2x8192xf32, #tpu.memory_space<vmem>>, vector<16xf32>,
        tpu.vector_store %arg7[%swap3A_1041, %swap3A_1042], %get3A_1035 {strides = array<i32>} : memref<2x8192xf32, #tpu.memory_space<vmem>>, vector<16xf32>,
        %get3A_1044 = arith.constant 1 : i32
        %get3A_1045 = arith.index_cast %get3A_1044 : i32 to index
        %get3A_1046 = arith.index_cast %add3A_1017 : i32 to index
        %get3A_1047 = arith.constant 32 : index
        %get3A_1048 = tpu.vector_load %arg6[%get3A_1045, %get3A_1046, %get3A_1047] {strides = array<i32>} : memref<2x128x64xf32, #tpu.memory_space<vmem>>, vector<16xf32>,
        %mul3A_1049 = arith.constant 64 : i32
        %mul3A_1050 = arith.muli %add3A_1017, %mul3A_1049 : i32
        %add3A_1051 = arith.constant 32 : i32
        %add3A_1052 = arith.addi %mul3A_1050, %add3A_1051 : i32
        %swap3A_1053 = arith.constant 1 : i32
        %swap3A_1054 = arith.index_cast %swap3A_1053 : i32 to index
        %swap3A_1055 = arith.index_cast %add3A_1052 : i32 to index
        %swap3A_1056 = tpu.vector_load %arg7[%swap3A_1054, %swap3A_1055] {strides = array<i32>} : memref<2x8192xf32, #tpu.memory_space<vmem>>, vector<16xf32>,
        tpu.vector_store %arg7[%swap3A_1054, %swap3A_1055], %get3A_1048 {strides = array<i32>} : memref<2x8192xf32, #tpu.memory_space<vmem>>, vector<16xf32>,
        %get3A_1057 = arith.constant 1 : i32
        %get3A_1058 = arith.index_cast %get3A_1057 : i32 to index
        %get3A_1059 = arith.index_cast %add3A_1017 : i32 to index
        %get3A_1060 = arith.constant 48 : index
        %get3A_1061 = tpu.vector_load %arg6[%get3A_1058, %get3A_1059, %get3A_1060] {strides = array<i32>} : memref<2x128x64xf32, #tpu.memory_space<vmem>>, vector<16xf32>,
        %mul3A_1062 = arith.constant 64 : i32
        %mul3A_1063 = arith.muli %add3A_1017, %mul3A_1062 : i32
        %add3A_1064 = arith.constant 48 : i32
        %add3A_1065 = arith.addi %mul3A_1063, %add3A_1064 : i32
        %swap3A_1066 = arith.constant 1 : i32
        %swap3A_1067 = arith.index_cast %swap3A_1066 : i32 to index
        %swap3A_1068 = arith.index_cast %add3A_1065 : i32 to index
        %swap3A_1069 = tpu.vector_load %arg7[%swap3A_1067, %swap3A_1068] {strides = array<i32>} : memref<2x8192xf32, #tpu.memory_space<vmem>>, vector<16xf32>,
        tpu.vector_store %arg7[%swap3A_1067, %swap3A_1068], %get3A_1061 {strides = array<i32>} : memref<2x8192xf32, #tpu.memory_space<vmem>>, vector<16xf32>,
        %mul3A_1070 = arith.constant 16 : i32
        %mul3A_1071 = arith.muli %scan3A_611, %mul3A_1070 : i32
        %add3A_1072 = arith.constant 8 : i32
        %add3A_1073 = arith.addi %mul3A_1071, %add3A_1072 : i32
        %get3A_1074 = arith.constant 1 : i32
        %get3A_1075 = arith.index_cast %get3A_1074 : i32 to index
        %get3A_1076 = arith.index_cast %add3A_1073 : i32 to index
        %get3A_1077 = arith.constant 0 : index
        %get3A_1078 = tpu.vector_load %arg6[%get3A_1075, %get3A_1076, %get3A_1077] {strides = array<i32>} : memref<2x128x64xf32, #tpu.memory_space<vmem>>, vector<16xf32>,
        %mul3A_1079 = arith.constant 64 : i32
        %mul3A_1080 = arith.muli %add3A_1073, %mul3A_1079 : i32
        %add3A_1081 = arith.constant 0 : i32
        %add3A_1082 = arith.addi %mul3A_1080, %add3A_1081 : i32
        %swap3A_1083 = arith.constant 1 : i32
        %swap3A_1084 = arith.index_cast %swap3A_1083 : i32 to index
        %swap3A_1085 = arith.index_cast %add3A_1082 : i32 to index
        %swap3A_1086 = tpu.vector_load %arg7[%swap3A_1084, %swap3A_1085] {strides = array<i32>} : memref<2x8192xf32, #tpu.memory_space<vmem>>, vector<16xf32>,
        tpu.vector_store %arg7[%swap3A_1084, %swap3A_1085], %get3A_1078 {strides = array<i32>} : memref<2x8192xf32, #tpu.memory_space<vmem>>, vector<16xf32>,
        %get3A_1087 = arith.constant 1 : i32
        %get3A_1088 = arith.index_cast %get3A_1087 : i32 to index
        %get3A_1089 = arith.index_cast %add3A_1073 : i32 to index
        %get3A_1090 = arith.constant 16 : index
        %get3A_1091 = tpu.vector_load %arg6[%get3A_1088, %get3A_1089, %get3A_1090] {strides = array<i32>} : memref<2x128x64xf32, #tpu.memory_space<vmem>>, vector<16xf32>,
        %mul3A_1092 = arith.constant 64 : i32
        %mul3A_1093 = arith.muli %add3A_1073, %mul3A_1092 : i32
        %add3A_1094 = arith.constant 16 : i32
        %add3A_1095 = arith.addi %mul3A_1093, %add3A_1094 : i32
        %swap3A_1096 = arith.constant 1 : i32
        %swap3A_1097 = arith.index_cast %swap3A_1096 : i32 to index
        %swap3A_1098 = arith.index_cast %add3A_1095 : i32 to index
        %swap3A_1099 = tpu.vector_load %arg7[%swap3A_1097, %swap3A_1098] {strides = array<i32>} : memref<2x8192xf32, #tpu.memory_space<vmem>>, vector<16xf32>,
        tpu.vector_store %arg7[%swap3A_1097, %swap3A_1098], %get3A_1091 {strides = array<i32>} : memref<2x8192xf32, #tpu.memory_space<vmem>>, vector<16xf32>,
        %get3A_1100 = arith.constant 1 : i32
        %get3A_1101 = arith.index_cast %get3A_1100 : i32 to index
        %get3A_1102 = arith.index_cast %add3A_1073 : i32 to index
        %get3A_1103 = arith.constant 32 : index
        %get3A_1104 = tpu.vector_load %arg6[%get3A_1101, %get3A_1102, %get3A_1103] {strides = array<i32>} : memref<2x128x64xf32, #tpu.memory_space<vmem>>, vector<16xf32>,
        %mul3A_1105 = arith.constant 64 : i32
        %mul3A_1106 = arith.muli %add3A_1073, %mul3A_1105 : i32
        %add3A_1107 = arith.constant 32 : i32
        %add3A_1108 = arith.addi %mul3A_1106, %add3A_1107 : i32
        %swap3A_1109 = arith.constant 1 : i32
        %swap3A_1110 = arith.index_cast %swap3A_1109 : i32 to index
        %swap3A_1111 = arith.index_cast %add3A_1108 : i32 to index
        %swap3A_1112 = tpu.vector_load %arg7[%swap3A_1110, %swap3A_1111] {strides = array<i32>} : memref<2x8192xf32, #tpu.memory_space<vmem>>, vector<16xf32>,
        tpu.vector_store %arg7[%swap3A_1110, %swap3A_1111], %get3A_1104 {strides = array<i32>} : memref<2x8192xf32, #tpu.memory_space<vmem>>, vector<16xf32>,
        %get3A_1113 = arith.constant 1 : i32
        %get3A_1114 = arith.index_cast %get3A_1113 : i32 to index
        %get3A_1115 = arith.index_cast %add3A_1073 : i32 to index
        %get3A_1116 = arith.constant 48 : index
        %get3A_1117 = tpu.vector_load %arg6[%get3A_1114, %get3A_1115, %get3A_1116] {strides = array<i32>} : memref<2x128x64xf32, #tpu.memory_space<vmem>>, vector<16xf32>,
        %mul3A_1118 = arith.constant 64 : i32
        %mul3A_1119 = arith.muli %add3A_1073, %mul3A_1118 : i32
        %add3A_1120 = arith.constant 48 : i32
        %add3A_1121 = arith.addi %mul3A_1119, %add3A_1120 : i32
        %swap3A_1122 = arith.constant 1 : i32
        %swap3A_1123 = arith.index_cast %swap3A_1122 : i32 to index
        %swap3A_1124 = arith.index_cast %add3A_1121 : i32 to index
        %swap3A_1125 = tpu.vector_load %arg7[%swap3A_1123, %swap3A_1124] {strides = array<i32>} : memref<2x8192xf32, #tpu.memory_space<vmem>>, vector<16xf32>,
        tpu.vector_store %arg7[%swap3A_1123, %swap3A_1124], %get3A_1117 {strides = array<i32>} : memref<2x8192xf32, #tpu.memory_space<vmem>>, vector<16xf32>,
        %mul3A_1126 = arith.constant 16 : i32
        %mul3A_1127 = arith.muli %scan3A_611, %mul3A_1126 : i32
        %add3A_1128 = arith.constant 9 : i32
        %add3A_1129 = arith.addi %mul3A_1127, %add3A_1128 : i32
        %get3A_1130 = arith.constant 1 : i32
        %get3A_1131 = arith.index_cast %get3A_1130 : i32 to index
        %get3A_1132 = arith.index_cast %add3A_1129 : i32 to index
        %get3A_1133 = arith.constant 0 : index
        %get3A_1134 = tpu.vector_load %arg6[%get3A_1131, %get3A_1132, %get3A_1133] {strides = array<i32>} : memref<2x128x64xf32, #tpu.memory_space<vmem>>, vector<16xf32>,
        %mul3A_1135 = arith.constant 64 : i32
        %mul3A_1136 = arith.muli %add3A_1129, %mul3A_1135 : i32
        %add3A_1137 = arith.constant 0 : i32
        %add3A_1138 = arith.addi %mul3A_1136, %add3A_1137 : i32
        %swap3A_1139 = arith.constant 1 : i32
        %swap3A_1140 = arith.index_cast %swap3A_1139 : i32 to index
        %swap3A_1141 = arith.index_cast %add3A_1138 : i32 to index
        %swap3A_1142 = tpu.vector_load %arg7[%swap3A_1140, %swap3A_1141] {strides = array<i32>} : memref<2x8192xf32, #tpu.memory_space<vmem>>, vector<16xf32>,
        tpu.vector_store %arg7[%swap3A_1140, %swap3A_1141], %get3A_1134 {strides = array<i32>} : memref<2x8192xf32, #tpu.memory_space<vmem>>, vector<16xf32>,
        %get3A_1143 = arith.constant 1 : i32
        %get3A_1144 = arith.index_cast %get3A_1143 : i32 to index
        %get3A_1145 = arith.index_cast %add3A_1129 : i32 to index
        %get3A_1146 = arith.constant 16 : index
        %get3A_1147 = tpu.vector_load %arg6[%get3A_1144, %get3A_1145, %get3A_1146] {strides = array<i32>} : memref<2x128x64xf32, #tpu.memory_space<vmem>>, vector<16xf32>,
        %mul3A_1148 = arith.constant 64 : i32
        %mul3A_1149 = arith.muli %add3A_1129, %mul3A_1148 : i32
        %add3A_1150 = arith.constant 16 : i32
        %add3A_1151 = arith.addi %mul3A_1149, %add3A_1150 : i32
        %swap3A_1152 = arith.constant 1 : i32
        %swap3A_1153 = arith.index_cast %swap3A_1152 : i32 to index
        %swap3A_1154 = arith.index_cast %add3A_1151 : i32 to index
        %swap3A_1155 = tpu.vector_load %arg7[%swap3A_1153, %swap3A_1154] {strides = array<i32>} : memref<2x8192xf32, #tpu.memory_space<vmem>>, vector<16xf32>,
        tpu.vector_store %arg7[%swap3A_1153, %swap3A_1154], %get3A_1147 {strides = array<i32>} : memref<2x8192xf32, #tpu.memory_space<vmem>>, vector<16xf32>,
        %get3A_1156 = arith.constant 1 : i32
        %get3A_1157 = arith.index_cast %get3A_1156 : i32 to index
        %get3A_1158 = arith.index_cast %add3A_1129 : i32 to index
        %get3A_1159 = arith.constant 32 : index
        %get3A_1160 = tpu.vector_load %arg6[%get3A_1157, %get3A_1158, %get3A_1159] {strides = array<i32>} : memref<2x128x64xf32, #tpu.memory_space<vmem>>, vector<16xf32>,
        %mul3A_1161 = arith.constant 64 : i32
        %mul3A_1162 = arith.muli %add3A_1129, %mul3A_1161 : i32
        %add3A_1163 = arith.constant 32 : i32
        %add3A_1164 = arith.addi %mul3A_1162, %add3A_1163 : i32
        %swap3A_1165 = arith.constant 1 : i32
        %swap3A_1166 = arith.index_cast %swap3A_1165 : i32 to index
        %swap3A_1167 = arith.index_cast %add3A_1164 : i32 to index
        %swap3A_1168 = tpu.vector_load %arg7[%swap3A_1166, %swap3A_1167] {strides = array<i32>} : memref<2x8192xf32, #tpu.memory_space<vmem>>, vector<16xf32>,
        tpu.vector_store %arg7[%swap3A_1166, %swap3A_1167], %get3A_1160 {strides = array<i32>} : memref<2x8192xf32, #tpu.memory_space<vmem>>, vector<16xf32>,
        %get3A_1169 = arith.constant 1 : i32
        %get3A_1170 = arith.index_cast %get3A_1169 : i32 to index
        %get3A_1171 = arith.index_cast %add3A_1129 : i32 to index
        %get3A_1172 = arith.constant 48 : index
        %get3A_1173 = tpu.vector_load %arg6[%get3A_1170, %get3A_1171, %get3A_1172] {strides = array<i32>} : memref<2x128x64xf32, #tpu.memory_space<vmem>>, vector<16xf32>,
        %mul3A_1174 = arith.constant 64 : i32
        %mul3A_1175 = arith.muli %add3A_1129, %mul3A_1174 : i32
        %add3A_1176 = arith.constant 48 : i32
        %add3A_1177 = arith.addi %mul3A_1175, %add3A_1176 : i32
        %swap3A_1178 = arith.constant 1 : i32
        %swap3A_1179 = arith.index_cast %swap3A_1178 : i32 to index
        %swap3A_1180 = arith.index_cast %add3A_1177 : i32 to index
        %swap3A_1181 = tpu.vector_load %arg7[%swap3A_1179, %swap3A_1180] {strides = array<i32>} : memref<2x8192xf32, #tpu.memory_space<vmem>>, vector<16xf32>,
        tpu.vector_store %arg7[%swap3A_1179, %swap3A_1180], %get3A_1173 {strides = array<i32>} : memref<2x8192xf32, #tpu.memory_space<vmem>>, vector<16xf32>,
        %mul3A_1182 = arith.constant 16 : i32
        %mul3A_1183 = arith.muli %scan3A_611, %mul3A_1182 : i32
        %add3A_1184 = arith.constant 10 : i32
        %add3A_1185 = arith.addi %mul3A_1183, %add3A_1184 : i32
        %get3A_1186 = arith.constant 1 : i32
        %get3A_1187 = arith.index_cast %get3A_1186 : i32 to index
        %get3A_1188 = arith.index_cast %add3A_1185 : i32 to index
        %get3A_1189 = arith.constant 0 : index
        %get3A_1190 = tpu.vector_load %arg6[%get3A_1187, %get3A_1188, %get3A_1189] {strides = array<i32>} : memref<2x128x64xf32, #tpu.memory_space<vmem>>, vector<16xf32>,
        %mul3A_1191 = arith.constant 64 : i32
        %mul3A_1192 = arith.muli %add3A_1185, %mul3A_1191 : i32
        %add3A_1193 = arith.constant 0 : i32
        %add3A_1194 = arith.addi %mul3A_1192, %add3A_1193 : i32
        %swap3A_1195 = arith.constant 1 : i32
        %swap3A_1196 = arith.index_cast %swap3A_1195 : i32 to index
        %swap3A_1197 = arith.index_cast %add3A_1194 : i32 to index
        %swap3A_1198 = tpu.vector_load %arg7[%swap3A_1196, %swap3A_1197] {strides = array<i32>} : memref<2x8192xf32, #tpu.memory_space<vmem>>, vector<16xf32>,
        tpu.vector_store %arg7[%swap3A_1196, %swap3A_1197], %get3A_1190 {strides = array<i32>} : memref<2x8192xf32, #tpu.memory_space<vmem>>, vector<16xf32>,
        %get3A_1199 = arith.constant 1 : i32
        %get3A_1200 = arith.index_cast %get3A_1199 : i32 to index
        %get3A_1201 = arith.index_cast %add3A_1185 : i32 to index
        %get3A_1202 = arith.constant 16 : index
        %get3A_1203 = tpu.vector_load %arg6[%get3A_1200, %get3A_1201, %get3A_1202] {strides = array<i32>} : memref<2x128x64xf32, #tpu.memory_space<vmem>>, vector<16xf32>,
        %mul3A_1204 = arith.constant 64 : i32
        %mul3A_1205 = arith.muli %add3A_1185, %mul3A_1204 : i32
        %add3A_1206 = arith.constant 16 : i32
        %add3A_1207 = arith.addi %mul3A_1205, %add3A_1206 : i32
        %swap3A_1208 = arith.constant 1 : i32
        %swap3A_1209 = arith.index_cast %swap3A_1208 : i32 to index
        %swap3A_1210 = arith.index_cast %add3A_1207 : i32 to index
        %swap3A_1211 = tpu.vector_load %arg7[%swap3A_1209, %swap3A_1210] {strides = array<i32>} : memref<2x8192xf32, #tpu.memory_space<vmem>>, vector<16xf32>,
        tpu.vector_store %arg7[%swap3A_1209, %swap3A_1210], %get3A_1203 {strides = array<i32>} : memref<2x8192xf32, #tpu.memory_space<vmem>>, vector<16xf32>,
        %get3A_1212 = arith.constant 1 : i32
        %get3A_1213 = arith.index_cast %get3A_1212 : i32 to index
        %get3A_1214 = arith.index_cast %add3A_1185 : i32 to index
        %get3A_1215 = arith.constant 32 : index
        %get3A_1216 = tpu.vector_load %arg6[%get3A_1213, %get3A_1214, %get3A_1215] {strides = array<i32>} : memref<2x128x64xf32, #tpu.memory_space<vmem>>, vector<16xf32>,
        %mul3A_1217 = arith.constant 64 : i32
        %mul3A_1218 = arith.muli %add3A_1185, %mul3A_1217 : i32
        %add3A_1219 = arith.constant 32 : i32
        %add3A_1220 = arith.addi %mul3A_1218, %add3A_1219 : i32
        %swap3A_1221 = arith.constant 1 : i32
        %swap3A_1222 = arith.index_cast %swap3A_1221 : i32 to index
        %swap3A_1223 = arith.index_cast %add3A_1220 : i32 to index
        %swap3A_1224 = tpu.vector_load %arg7[%swap3A_1222, %swap3A_1223] {strides = array<i32>} : memref<2x8192xf32, #tpu.memory_space<vmem>>, vector<16xf32>,
        tpu.vector_store %arg7[%swap3A_1222, %swap3A_1223], %get3A_1216 {strides = array<i32>} : memref<2x8192xf32, #tpu.memory_space<vmem>>, vector<16xf32>,
        %get3A_1225 = arith.constant 1 : i32
        %get3A_1226 = arith.index_cast %get3A_1225 : i32 to index
        %get3A_1227 = arith.index_cast %add3A_1185 : i32 to index
        %get3A_1228 = arith.constant 48 : index
        %get3A_1229 = tpu.vector_load %arg6[%get3A_1226, %get3A_1227, %get3A_1228] {strides = array<i32>} : memref<2x128x64xf32, #tpu.memory_space<vmem>>, vector<16xf32>,
        %mul3A_1230 = arith.constant 64 : i32
        %mul3A_1231 = arith.muli %add3A_1185, %mul3A_1230 : i32
        %add3A_1232 = arith.constant 48 : i32
        %add3A_1233 = arith.addi %mul3A_1231, %add3A_1232 : i32
        %swap3A_1234 = arith.constant 1 : i32
        %swap3A_1235 = arith.index_cast %swap3A_1234 : i32 to index
        %swap3A_1236 = arith.index_cast %add3A_1233 : i32 to index
        %swap3A_1237 = tpu.vector_load %arg7[%swap3A_1235, %swap3A_1236] {strides = array<i32>} : memref<2x8192xf32, #tpu.memory_space<vmem>>, vector<16xf32>,
        tpu.vector_store %arg7[%swap3A_1235, %swap3A_1236], %get3A_1229 {strides = array<i32>} : memref<2x8192xf32, #tpu.memory_space<vmem>>, vector<16xf32>,
        %mul3A_1238 = arith.constant 16 : i32
        %mul3A_1239 = arith.muli %scan3A_611, %mul3A_1238 : i32
        %add3A_1240 = arith.constant 11 : i32
        %add3A_1241 = arith.addi %mul3A_1239, %add3A_1240 : i32
        %get3A_1242 = arith.constant 1 : i32
        %get3A_1243 = arith.index_cast %get3A_1242 : i32 to index
        %get3A_1244 = arith.index_cast %add3A_1241 : i32 to index
        %get3A_1245 = arith.constant 0 : index
        %get3A_1246 = tpu.vector_load %arg6[%get3A_1243, %get3A_1244, %get3A_1245] {strides = array<i32>} : memref<2x128x64xf32, #tpu.memory_space<vmem>>, vector<16xf32>,
        %mul3A_1247 = arith.constant 64 : i32
        %mul3A_1248 = arith.muli %add3A_1241, %mul3A_1247 : i32
        %add3A_1249 = arith.constant 0 : i32
        %add3A_1250 = arith.addi %mul3A_1248, %add3A_1249 : i32
        %swap3A_1251 = arith.constant 1 : i32
        %swap3A_1252 = arith.index_cast %swap3A_1251 : i32 to index
        %swap3A_1253 = arith.index_cast %add3A_1250 : i32 to index
        %swap3A_1254 = tpu.vector_load %arg7[%swap3A_1252, %swap3A_1253] {strides = array<i32>} : memref<2x8192xf32, #tpu.memory_space<vmem>>, vector<16xf32>,
        tpu.vector_store %arg7[%swap3A_1252, %swap3A_1253], %get3A_1246 {strides = array<i32>} : memref<2x8192xf32, #tpu.memory_space<vmem>>, vector<16xf32>,
        %get3A_1255 = arith.constant 1 : i32
        %get3A_1256 = arith.index_cast %get3A_1255 : i32 to index
        %get3A_1257 = arith.index_cast %add3A_1241 : i32 to index
        %get3A_1258 = arith.constant 16 : index
        %get3A_1259 = tpu.vector_load %arg6[%get3A_1256, %get3A_1257, %get3A_1258] {strides = array<i32>} : memref<2x128x64xf32, #tpu.memory_space<vmem>>, vector<16xf32>,
        %mul3A_1260 = arith.constant 64 : i32
        %mul3A_1261 = arith.muli %add3A_1241, %mul3A_1260 : i32
        %add3A_1262 = arith.constant 16 : i32
        %add3A_1263 = arith.addi %mul3A_1261, %add3A_1262 : i32
        %swap3A_1264 = arith.constant 1 : i32
        %swap3A_1265 = arith.index_cast %swap3A_1264 : i32 to index
        %swap3A_1266 = arith.index_cast %add3A_1263 : i32 to index
        %swap3A_1267 = tpu.vector_load %arg7[%swap3A_1265, %swap3A_1266] {strides = array<i32>} : memref<2x8192xf32, #tpu.memory_space<vmem>>, vector<16xf32>,
        tpu.vector_store %arg7[%swap3A_1265, %swap3A_1266], %get3A_1259 {strides = array<i32>} : memref<2x8192xf32, #tpu.memory_space<vmem>>, vector<16xf32>,
        %get3A_1268 = arith.constant 1 : i32
        %get3A_1269 = arith.index_cast %get3A_1268 : i32 to index
        %get3A_1270 = arith.index_cast %add3A_1241 : i32 to index
        %get3A_1271 = arith.constant 32 : index
        %get3A_1272 = tpu.vector_load %arg6[%get3A_1269, %get3A_1270, %get3A_1271] {strides = array<i32>} : memref<2x128x64xf32, #tpu.memory_space<vmem>>, vector<16xf32>,
        %mul3A_1273 = arith.constant 64 : i32
        %mul3A_1274 = arith.muli %add3A_1241, %mul3A_1273 : i32
        %add3A_1275 = arith.constant 32 : i32
        %add3A_1276 = arith.addi %mul3A_1274, %add3A_1275 : i32
        %swap3A_1277 = arith.constant 1 : i32
        %swap3A_1278 = arith.index_cast %swap3A_1277 : i32 to index
        %swap3A_1279 = arith.index_cast %add3A_1276 : i32 to index
        %swap3A_1280 = tpu.vector_load %arg7[%swap3A_1278, %swap3A_1279] {strides = array<i32>} : memref<2x8192xf32, #tpu.memory_space<vmem>>, vector<16xf32>,
        tpu.vector_store %arg7[%swap3A_1278, %swap3A_1279], %get3A_1272 {strides = array<i32>} : memref<2x8192xf32, #tpu.memory_space<vmem>>, vector<16xf32>,
        %get3A_1281 = arith.constant 1 : i32
        %get3A_1282 = arith.index_cast %get3A_1281 : i32 to index
        %get3A_1283 = arith.index_cast %add3A_1241 : i32 to index
        %get3A_1284 = arith.constant 48 : index
        %get3A_1285 = tpu.vector_load %arg6[%get3A_1282, %get3A_1283, %get3A_1284] {strides = array<i32>} : memref<2x128x64xf32, #tpu.memory_space<vmem>>, vector<16xf32>,
        %mul3A_1286 = arith.constant 64 : i32
        %mul3A_1287 = arith.muli %add3A_1241, %mul3A_1286 : i32
        %add3A_1288 = arith.constant 48 : i32
        %add3A_1289 = arith.addi %mul3A_1287, %add3A_1288 : i32
        %swap3A_1290 = arith.constant 1 : i32
        %swap3A_1291 = arith.index_cast %swap3A_1290 : i32 to index
        %swap3A_1292 = arith.index_cast %add3A_1289 : i32 to index
        %swap3A_1293 = tpu.vector_load %arg7[%swap3A_1291, %swap3A_1292] {strides = array<i32>} : memref<2x8192xf32, #tpu.memory_space<vmem>>, vector<16xf32>,
        tpu.vector_store %arg7[%swap3A_1291, %swap3A_1292], %get3A_1285 {strides = array<i32>} : memref<2x8192xf32, #tpu.memory_space<vmem>>, vector<16xf32>,
        %mul3A_1294 = arith.constant 16 : i32
        %mul3A_1295 = arith.muli %scan3A_611, %mul3A_1294 : i32
        %add3A_1296 = arith.constant 12 : i32
        %add3A_1297 = arith.addi %mul3A_1295, %add3A_1296 : i32
        %get3A_1298 = arith.constant 1 : i32
        %get3A_1299 = arith.index_cast %get3A_1298 : i32 to index
        %get3A_1300 = arith.index_cast %add3A_1297 : i32 to index
        %get3A_1301 = arith.constant 0 : index
        %get3A_1302 = tpu.vector_load %arg6[%get3A_1299, %get3A_1300, %get3A_1301] {strides = array<i32>} : memref<2x128x64xf32, #tpu.memory_space<vmem>>, vector<16xf32>,
        %mul3A_1303 = arith.constant 64 : i32
        %mul3A_1304 = arith.muli %add3A_1297, %mul3A_1303 : i32
        %add3A_1305 = arith.constant 0 : i32
        %add3A_1306 = arith.addi %mul3A_1304, %add3A_1305 : i32
        %swap3A_1307 = arith.constant 1 : i32
        %swap3A_1308 = arith.index_cast %swap3A_1307 : i32 to index
        %swap3A_1309 = arith.index_cast %add3A_1306 : i32 to index
        %swap3A_1310 = tpu.vector_load %arg7[%swap3A_1308, %swap3A_1309] {strides = array<i32>} : memref<2x8192xf32, #tpu.memory_space<vmem>>, vector<16xf32>,
        tpu.vector_store %arg7[%swap3A_1308, %swap3A_1309], %get3A_1302 {strides = array<i32>} : memref<2x8192xf32, #tpu.memory_space<vmem>>, vector<16xf32>,
        %get3A_1311 = arith.constant 1 : i32
        %get3A_1312 = arith.index_cast %get3A_1311 : i32 to index
        %get3A_1313 = arith.index_cast %add3A_1297 : i32 to index
        %get3A_1314 = arith.constant 16 : index
        %get3A_1315 = tpu.vector_load %arg6[%get3A_1312, %get3A_1313, %get3A_1314] {strides = array<i32>} : memref<2x128x64xf32, #tpu.memory_space<vmem>>, vector<16xf32>,
        %mul3A_1316 = arith.constant 64 : i32
        %mul3A_1317 = arith.muli %add3A_1297, %mul3A_1316 : i32
        %add3A_1318 = arith.constant 16 : i32
        %add3A_1319 = arith.addi %mul3A_1317, %add3A_1318 : i32
        %swap3A_1320 = arith.constant 1 : i32
        %swap3A_1321 = arith.index_cast %swap3A_1320 : i32 to index
        %swap3A_1322 = arith.index_cast %add3A_1319 : i32 to index
        %swap3A_1323 = tpu.vector_load %arg7[%swap3A_1321, %swap3A_1322] {strides = array<i32>} : memref<2x8192xf32, #tpu.memory_space<vmem>>, vector<16xf32>,
        tpu.vector_store %arg7[%swap3A_1321, %swap3A_1322], %get3A_1315 {strides = array<i32>} : memref<2x8192xf32, #tpu.memory_space<vmem>>, vector<16xf32>,
        %get3A_1324 = arith.constant 1 : i32
        %get3A_1325 = arith.index_cast %get3A_1324 : i32 to index
        %get3A_1326 = arith.index_cast %add3A_1297 : i32 to index
        %get3A_1327 = arith.constant 32 : index
        %get3A_1328 = tpu.vector_load %arg6[%get3A_1325, %get3A_1326, %get3A_1327] {strides = array<i32>} : memref<2x128x64xf32, #tpu.memory_space<vmem>>, vector<16xf32>,
        %mul3A_1329 = arith.constant 64 : i32
        %mul3A_1330 = arith.muli %add3A_1297, %mul3A_1329 : i32
        %add3A_1331 = arith.constant 32 : i32
        %add3A_1332 = arith.addi %mul3A_1330, %add3A_1331 : i32
        %swap3A_1333 = arith.constant 1 : i32
        %swap3A_1334 = arith.index_cast %swap3A_1333 : i32 to index
        %swap3A_1335 = arith.index_cast %add3A_1332 : i32 to index
        %swap3A_1336 = tpu.vector_load %arg7[%swap3A_1334, %swap3A_1335] {strides = array<i32>} : memref<2x8192xf32, #tpu.memory_space<vmem>>, vector<16xf32>,
        tpu.vector_store %arg7[%swap3A_1334, %swap3A_1335], %get3A_1328 {strides = array<i32>} : memref<2x8192xf32, #tpu.memory_space<vmem>>, vector<16xf32>,
        %get3A_1337 = arith.constant 1 : i32
        %get3A_1338 = arith.index_cast %get3A_1337 : i32 to index
        %get3A_1339 = arith.index_cast %add3A_1297 : i32 to index
        %get3A_1340 = arith.constant 48 : index
        %get3A_1341 = tpu.vector_load %arg6[%get3A_1338, %get3A_1339, %get3A_1340] {strides = array<i32>} : memref<2x128x64xf32, #tpu.memory_space<vmem>>, vector<16xf32>,
        %mul3A_1342 = arith.constant 64 : i32
        %mul3A_1343 = arith.muli %add3A_1297, %mul3A_1342 : i32
        %add3A_1344 = arith.constant 48 : i32
        %add3A_1345 = arith.addi %mul3A_1343, %add3A_1344 : i32
        %swap3A_1346 = arith.constant 1 : i32
        %swap3A_1347 = arith.index_cast %swap3A_1346 : i32 to index
        %swap3A_1348 = arith.index_cast %add3A_1345 : i32 to index
        %swap3A_1349 = tpu.vector_load %arg7[%swap3A_1347, %swap3A_1348] {strides = array<i32>} : memref<2x8192xf32, #tpu.memory_space<vmem>>, vector<16xf32>,
        tpu.vector_store %arg7[%swap3A_1347, %swap3A_1348], %get3A_1341 {strides = array<i32>} : memref<2x8192xf32, #tpu.memory_space<vmem>>, vector<16xf32>,
        %mul3A_1350 = arith.constant 16 : i32
        %mul3A_1351 = arith.muli %scan3A_611, %mul3A_1350 : i32
        %add3A_1352 = arith.constant 13 : i32
        %add3A_1353 = arith.addi %mul3A_1351, %add3A_1352 : i32
        %get3A_1354 = arith.constant 1 : i32
        %get3A_1355 = arith.index_cast %get3A_1354 : i32 to index
        %get3A_1356 = arith.index_cast %add3A_1353 : i32 to index
        %get3A_1357 = arith.constant 0 : index
        %get3A_1358 = tpu.vector_load %arg6[%get3A_1355, %get3A_1356, %get3A_1357] {strides = array<i32>} : memref<2x128x64xf32, #tpu.memory_space<vmem>>, vector<16xf32>,
        %mul3A_1359 = arith.constant 64 : i32
        %mul3A_1360 = arith.muli %add3A_1353, %mul3A_1359 : i32
        %add3A_1361 = arith.constant 0 : i32
        %add3A_1362 = arith.addi %mul3A_1360, %add3A_1361 : i32
        %swap3A_1363 = arith.constant 1 : i32
        %swap3A_1364 = arith.index_cast %swap3A_1363 : i32 to index
        %swap3A_1365 = arith.index_cast %add3A_1362 : i32 to index
        %swap3A_1366 = tpu.vector_load %arg7[%swap3A_1364, %swap3A_1365] {strides = array<i32>} : memref<2x8192xf32, #tpu.memory_space<vmem>>, vector<16xf32>,
        tpu.vector_store %arg7[%swap3A_1364, %swap3A_1365], %get3A_1358 {strides = array<i32>} : memref<2x8192xf32, #tpu.memory_space<vmem>>, vector<16xf32>,
        %get3A_1367 = arith.constant 1 : i32
        %get3A_1368 = arith.index_cast %get3A_1367 : i32 to index
        %get3A_1369 = arith.index_cast %add3A_1353 : i32 to index
        %get3A_1370 = arith.constant 16 : index
        %get3A_1371 = tpu.vector_load %arg6[%get3A_1368, %get3A_1369, %get3A_1370] {strides = array<i32>} : memref<2x128x64xf32, #tpu.memory_space<vmem>>, vector<16xf32>,
        %mul3A_1372 = arith.constant 64 : i32
        %mul3A_1373 = arith.muli %add3A_1353, %mul3A_1372 : i32
        %add3A_1374 = arith.constant 16 : i32
        %add3A_1375 = arith.addi %mul3A_1373, %add3A_1374 : i32
        %swap3A_1376 = arith.constant 1 : i32
        %swap3A_1377 = arith.index_cast %swap3A_1376 : i32 to index
        %swap3A_1378 = arith.index_cast %add3A_1375 : i32 to index
        %swap3A_1379 = tpu.vector_load %arg7[%swap3A_1377, %swap3A_1378] {strides = array<i32>} : memref<2x8192xf32, #tpu.memory_space<vmem>>, vector<16xf32>,
        tpu.vector_store %arg7[%swap3A_1377, %swap3A_1378], %get3A_1371 {strides = array<i32>} : memref<2x8192xf32, #tpu.memory_space<vmem>>, vector<16xf32>,
        %get3A_1380 = arith.constant 1 : i32
        %get3A_1381 = arith.index_cast %get3A_1380 : i32 to index
        %get3A_1382 = arith.index_cast %add3A_1353 : i32 to index
        %get3A_1383 = arith.constant 32 : index
        %get3A_1384 = tpu.vector_load %arg6[%get3A_1381, %get3A_1382, %get3A_1383] {strides = array<i32>} : memref<2x128x64xf32, #tpu.memory_space<vmem>>, vector<16xf32>,
        %mul3A_1385 = arith.constant 64 : i32
        %mul3A_1386 = arith.muli %add3A_1353, %mul3A_1385 : i32
        %add3A_1387 = arith.constant 32 : i32
        %add3A_1388 = arith.addi %mul3A_1386, %add3A_1387 : i32
        %swap3A_1389 = arith.constant 1 : i32
        %swap3A_1390 = arith.index_cast %swap3A_1389 : i32 to index
        %swap3A_1391 = arith.index_cast %add3A_1388 : i32 to index
        %swap3A_1392 = tpu.vector_load %arg7[%swap3A_1390, %swap3A_1391] {strides = array<i32>} : memref<2x8192xf32, #tpu.memory_space<vmem>>, vector<16xf32>,
        tpu.vector_store %arg7[%swap3A_1390, %swap3A_1391], %get3A_1384 {strides = array<i32>} : memref<2x8192xf32, #tpu.memory_space<vmem>>, vector<16xf32>,
        %get3A_1393 = arith.constant 1 : i32
        %get3A_1394 = arith.index_cast %get3A_1393 : i32 to index
        %get3A_1395 = arith.index_cast %add3A_1353 : i32 to index
        %get3A_1396 = arith.constant 48 : index
        %get3A_1397 = tpu.vector_load %arg6[%get3A_1394, %get3A_1395, %get3A_1396] {strides = array<i32>} : memref<2x128x64xf32, #tpu.memory_space<vmem>>, vector<16xf32>,
        %mul3A_1398 = arith.constant 64 : i32
        %mul3A_1399 = arith.muli %add3A_1353, %mul3A_1398 : i32
        %add3A_1400 = arith.constant 48 : i32
        %add3A_1401 = arith.addi %mul3A_1399, %add3A_1400 : i32
        %swap3A_1402 = arith.constant 1 : i32
        %swap3A_1403 = arith.index_cast %swap3A_1402 : i32 to index
        %swap3A_1404 = arith.index_cast %add3A_1401 : i32 to index
        %swap3A_1405 = tpu.vector_load %arg7[%swap3A_1403, %swap3A_1404] {strides = array<i32>} : memref<2x8192xf32, #tpu.memory_space<vmem>>, vector<16xf32>,
        tpu.vector_store %arg7[%swap3A_1403, %swap3A_1404], %get3A_1397 {strides = array<i32>} : memref<2x8192xf32, #tpu.memory_space<vmem>>, vector<16xf32>,
        %mul3A_1406 = arith.constant 16 : i32
        %mul3A_1407 = arith.muli %scan3A_611, %mul3A_1406 : i32
        %add3A_1408 = arith.constant 14 : i32
        %add3A_1409 = arith.addi %mul3A_1407, %add3A_1408 : i32
        %get3A_1410 = arith.constant 1 : i32
        %get3A_1411 = arith.index_cast %get3A_1410 : i32 to index
        %get3A_1412 = arith.index_cast %add3A_1409 : i32 to index
        %get3A_1413 = arith.constant 0 : index
        %get3A_1414 = tpu.vector_load %arg6[%get3A_1411, %get3A_1412, %get3A_1413] {strides = array<i32>} : memref<2x128x64xf32, #tpu.memory_space<vmem>>, vector<16xf32>,
        %mul3A_1415 = arith.constant 64 : i32
        %mul3A_1416 = arith.muli %add3A_1409, %mul3A_1415 : i32
        %add3A_1417 = arith.constant 0 : i32
        %add3A_1418 = arith.addi %mul3A_1416, %add3A_1417 : i32
        %swap3A_1419 = arith.constant 1 : i32
        %swap3A_1420 = arith.index_cast %swap3A_1419 : i32 to index
        %swap3A_1421 = arith.index_cast %add3A_1418 : i32 to index
        %swap3A_1422 = tpu.vector_load %arg7[%swap3A_1420, %swap3A_1421] {strides = array<i32>} : memref<2x8192xf32, #tpu.memory_space<vmem>>, vector<16xf32>,
        tpu.vector_store %arg7[%swap3A_1420, %swap3A_1421], %get3A_1414 {strides = array<i32>} : memref<2x8192xf32, #tpu.memory_space<vmem>>, vector<16xf32>,
        %get3A_1423 = arith.constant 1 : i32
        %get3A_1424 = arith.index_cast %get3A_1423 : i32 to index
        %get3A_1425 = arith.index_cast %add3A_1409 : i32 to index
        %get3A_1426 = arith.constant 16 : index
        %get3A_1427 = tpu.vector_load %arg6[%get3A_1424, %get3A_1425, %get3A_1426] {strides = array<i32>} : memref<2x128x64xf32, #tpu.memory_space<vmem>>, vector<16xf32>,
        %mul3A_1428 = arith.constant 64 : i32
        %mul3A_1429 = arith.muli %add3A_1409, %mul3A_1428 : i32
        %add3A_1430 = arith.constant 16 : i32
        %add3A_1431 = arith.addi %mul3A_1429, %add3A_1430 : i32
        %swap3A_1432 = arith.constant 1 : i32
        %swap3A_1433 = arith.index_cast %swap3A_1432 : i32 to index
        %swap3A_1434 = arith.index_cast %add3A_1431 : i32 to index
        %swap3A_1435 = tpu.vector_load %arg7[%swap3A_1433, %swap3A_1434] {strides = array<i32>} : memref<2x8192xf32, #tpu.memory_space<vmem>>, vector<16xf32>,
        tpu.vector_store %arg7[%swap3A_1433, %swap3A_1434], %get3A_1427 {strides = array<i32>} : memref<2x8192xf32, #tpu.memory_space<vmem>>, vector<16xf32>,
        %get3A_1436 = arith.constant 1 : i32
        %get3A_1437 = arith.index_cast %get3A_1436 : i32 to index
        %get3A_1438 = arith.index_cast %add3A_1409 : i32 to index
        %get3A_1439 = arith.constant 32 : index
        %get3A_1440 = tpu.vector_load %arg6[%get3A_1437, %get3A_1438, %get3A_1439] {strides = array<i32>} : memref<2x128x64xf32, #tpu.memory_space<vmem>>, vector<16xf32>,
        %mul3A_1441 = arith.constant 64 : i32
        %mul3A_1442 = arith.muli %add3A_1409, %mul3A_1441 : i32
        %add3A_1443 = arith.constant 32 : i32
        %add3A_1444 = arith.addi %mul3A_1442, %add3A_1443 : i32
        %swap3A_1445 = arith.constant 1 : i32
        %swap3A_1446 = arith.index_cast %swap3A_1445 : i32 to index
        %swap3A_1447 = arith.index_cast %add3A_1444 : i32 to index
        %swap3A_1448 = tpu.vector_load %arg7[%swap3A_1446, %swap3A_1447] {strides = array<i32>} : memref<2x8192xf32, #tpu.memory_space<vmem>>, vector<16xf32>,
        tpu.vector_store %arg7[%swap3A_1446, %swap3A_1447], %get3A_1440 {strides = array<i32>} : memref<2x8192xf32, #tpu.memory_space<vmem>>, vector<16xf32>,
        %get3A_1449 = arith.constant 1 : i32
        %get3A_1450 = arith.index_cast %get3A_1449 : i32 to index
        %get3A_1451 = arith.index_cast %add3A_1409 : i32 to index
        %get3A_1452 = arith.constant 48 : index
        %get3A_1453 = tpu.vector_load %arg6[%get3A_1450, %get3A_1451, %get3A_1452] {strides = array<i32>} : memref<2x128x64xf32, #tpu.memory_space<vmem>>, vector<16xf32>,
        %mul3A_1454 = arith.constant 64 : i32
        %mul3A_1455 = arith.muli %add3A_1409, %mul3A_1454 : i32
        %add3A_1456 = arith.constant 48 : i32
        %add3A_1457 = arith.addi %mul3A_1455, %add3A_1456 : i32
        %swap3A_1458 = arith.constant 1 : i32
        %swap3A_1459 = arith.index_cast %swap3A_1458 : i32 to index
        %swap3A_1460 = arith.index_cast %add3A_1457 : i32 to index
        %swap3A_1461 = tpu.vector_load %arg7[%swap3A_1459, %swap3A_1460] {strides = array<i32>} : memref<2x8192xf32, #tpu.memory_space<vmem>>, vector<16xf32>,
        tpu.vector_store %arg7[%swap3A_1459, %swap3A_1460], %get3A_1453 {strides = array<i32>} : memref<2x8192xf32, #tpu.memory_space<vmem>>, vector<16xf32>,
        %mul3A_1462 = arith.constant 16 : i32
        %mul3A_1463 = arith.muli %scan3A_611, %mul3A_1462 : i32
        %add3A_1464 = arith.constant 15 : i32
        %add3A_1465 = arith.addi %mul3A_1463, %add3A_1464 : i32
        %get3A_1466 = arith.constant 1 : i32
        %get3A_1467 = arith.index_cast %get3A_1466 : i32 to index
        %get3A_1468 = arith.index_cast %add3A_1465 : i32 to index
        %get3A_1469 = arith.constant 0 : index
        %get3A_1470 = tpu.vector_load %arg6[%get3A_1467, %get3A_1468, %get3A_1469] {strides = array<i32>} : memref<2x128x64xf32, #tpu.memory_space<vmem>>, vector<16xf32>,
        %mul3A_1471 = arith.constant 64 : i32
        %mul3A_1472 = arith.muli %add3A_1465, %mul3A_1471 : i32
        %add3A_1473 = arith.constant 0 : i32
        %add3A_1474 = arith.addi %mul3A_1472, %add3A_1473 : i32
        %swap3A_1475 = arith.constant 1 : i32
        %swap3A_1476 = arith.index_cast %swap3A_1475 : i32 to index
        %swap3A_1477 = arith.index_cast %add3A_1474 : i32 to index
        %swap3A_1478 = tpu.vector_load %arg7[%swap3A_1476, %swap3A_1477] {strides = array<i32>} : memref<2x8192xf32, #tpu.memory_space<vmem>>, vector<16xf32>,
        tpu.vector_store %arg7[%swap3A_1476, %swap3A_1477], %get3A_1470 {strides = array<i32>} : memref<2x8192xf32, #tpu.memory_space<vmem>>, vector<16xf32>,
        %get3A_1479 = arith.constant 1 : i32
        %get3A_1480 = arith.index_cast %get3A_1479 : i32 to index
        %get3A_1481 = arith.index_cast %add3A_1465 : i32 to index
        %get3A_1482 = arith.constant 16 : index
        %get3A_1483 = tpu.vector_load %arg6[%get3A_1480, %get3A_1481, %get3A_1482] {strides = array<i32>} : memref<2x128x64xf32, #tpu.memory_space<vmem>>, vector<16xf32>,
        %mul3A_1484 = arith.constant 64 : i32
        %mul3A_1485 = arith.muli %add3A_1465, %mul3A_1484 : i32
        %add3A_1486 = arith.constant 16 : i32
        %add3A_1487 = arith.addi %mul3A_1485, %add3A_1486 : i32
        %swap3A_1488 = arith.constant 1 : i32
        %swap3A_1489 = arith.index_cast %swap3A_1488 : i32 to index
        %swap3A_1490 = arith.index_cast %add3A_1487 : i32 to index
        %swap3A_1491 = tpu.vector_load %arg7[%swap3A_1489, %swap3A_1490] {strides = array<i32>} : memref<2x8192xf32, #tpu.memory_space<vmem>>, vector<16xf32>,
        tpu.vector_store %arg7[%swap3A_1489, %swap3A_1490], %get3A_1483 {strides = array<i32>} : memref<2x8192xf32, #tpu.memory_space<vmem>>, vector<16xf32>,
        %get3A_1492 = arith.constant 1 : i32
        %get3A_1493 = arith.index_cast %get3A_1492 : i32 to index
        %get3A_1494 = arith.index_cast %add3A_1465 : i32 to index
        %get3A_1495 = arith.constant 32 : index
        %get3A_1496 = tpu.vector_load %arg6[%get3A_1493, %get3A_1494, %get3A_1495] {strides = array<i32>} : memref<2x128x64xf32, #tpu.memory_space<vmem>>, vector<16xf32>,
        %mul3A_1497 = arith.constant 64 : i32
        %mul3A_1498 = arith.muli %add3A_1465, %mul3A_1497 : i32
        %add3A_1499 = arith.constant 32 : i32
        %add3A_1500 = arith.addi %mul3A_1498, %add3A_1499 : i32
        %swap3A_1501 = arith.constant 1 : i32
        %swap3A_1502 = arith.index_cast %swap3A_1501 : i32 to index
        %swap3A_1503 = arith.index_cast %add3A_1500 : i32 to index
        %swap3A_1504 = tpu.vector_load %arg7[%swap3A_1502, %swap3A_1503] {strides = array<i32>} : memref<2x8192xf32, #tpu.memory_space<vmem>>, vector<16xf32>,
        tpu.vector_store %arg7[%swap3A_1502, %swap3A_1503], %get3A_1496 {strides = array<i32>} : memref<2x8192xf32, #tpu.memory_space<vmem>>, vector<16xf32>,
        %get3A_1505 = arith.constant 1 : i32
        %get3A_1506 = arith.index_cast %get3A_1505 : i32 to index
        %get3A_1507 = arith.index_cast %add3A_1465 : i32 to index
        %get3A_1508 = arith.constant 48 : index
        %get3A_1509 = tpu.vector_load %arg6[%get3A_1506, %get3A_1507, %get3A_1508] {strides = array<i32>} : memref<2x128x64xf32, #tpu.memory_space<vmem>>, vector<16xf32>,
        %mul3A_1510 = arith.constant 64 : i32
        %mul3A_1511 = arith.muli %add3A_1465, %mul3A_1510 : i32
        %add3A_1512 = arith.constant 48 : i32
        %add3A_1513 = arith.addi %mul3A_1511, %add3A_1512 : i32
        %swap3A_1514 = arith.constant 1 : i32
        %swap3A_1515 = arith.index_cast %swap3A_1514 : i32 to index
        %swap3A_1516 = arith.index_cast %add3A_1513 : i32 to index
        %swap3A_1517 = tpu.vector_load %arg7[%swap3A_1515, %swap3A_1516] {strides = array<i32>} : memref<2x8192xf32, #tpu.memory_space<vmem>>, vector<16xf32>,
        tpu.vector_store %arg7[%swap3A_1515, %swap3A_1516], %get3A_1509 {strides = array<i32>} : memref<2x8192xf32, #tpu.memory_space<vmem>>, vector<16xf32>,
      }
      %scan3A_493 = arith.constant 8 : i32
      %lt3A_494 = arith.constant 99 : i32
      %lt3A_495 = arith.cmpi slt, %scan3A_268, %lt3A_494 : i32
      %convert_element_type3A_496 = arith.extui %lt3A_495 : i1 to i32
      %cond3A_497 = arith.constant 0 : i32
      %cond3A_498 = arith.cmpi ne, %convert_element_type3A_496, %cond3A_497 : i32
      scf.if %cond3A_498 {
        %add3A_611 = arith.constant 2 : i32
        %add3A_612 = arith.addi %add3A_440, %add3A_611 : i32
        %dma_start3A_613 = arith.constant 1 : i32
        %dma_start3A_614 = arith.constant 0 : i32
        %dma_start3A_615 = arith.constant 0 : i32
        %dma_start3A_616 = tpu.memref_slice %arg6[%dma_start3A_613, %dma_start3A_614, %dma_start3A_615] : memref<2x128x64xf32, #tpu.memory_space<vmem>> -> memref<1x128x64xf32, #tpu.memory_space<vmem>>
        %dma_start3A_617 = tpu.memref_squeeze %dma_start3A_616 : memref<1x128x64xf32, #tpu.memory_space<vmem>> -> memref<128x64xf32, #tpu.memory_space<vmem>>
        %dma_start3A_618 = arith.constant 0 : i32
        %dma_start3A_619 = tpu.memref_slice %arg5[%add3A_612, %dma_start3A_618] : memref<200x128xi32, #tpu.memory_space<vmem>> -> memref<1x128xi32, #tpu.memory_space<vmem>>
        %dma_start3A_620 = tpu.memref_squeeze %dma_start3A_619 : memref<1x128xi32, #tpu.memory_space<vmem>> -> memref<128xi32, #tpu.memory_space<vmem>>
        %dma_start3A_621 = arith.constant 0 : i32
        %dma_start3A_622 = arith.constant 0 : i32
        %dma_start3A_623 = tpu.memref_slice %arg3[%dma_start3A_621, %dma_start3A_622] : memref<1000000x64xf32, #tpu.memory_space<hbm>> -> memref<1000000x64xf32, #tpu.memory_space<hbm>>
        tpu.enqueue_indirect_dma source(%dma_start3A_623 : memref<1000000x64xf32, #tpu.memory_space<hbm>>) target(%dma_start3A_617 : memref<128x64xf32, #tpu.memory_space<vmem>>) offsets(%dma_start3A_620 : memref<128xi32, #tpu.memory_space<vmem>>) semaphore(%arg9 : memref<!tpu.dma_semaphore, #tpu.memory_space<semaphore_mem>>)
      } else {
      }
      %dma_start3A_499 = arith.constant 1 : i32
      %dma_start3A_500 = arith.constant 0 : i32
      %dma_start3A_501 = arith.constant 0 : i32
      %dma_start3A_502 = tpu.memref_slice %arg7[%dma_start3A_499, %dma_start3A_501] : memref<2x8192xf32, #tpu.memory_space<vmem>> -> memref<1x1024xf32, #tpu.memory_space<vmem>>
      %dma_start3A_503 = tpu.memref_squeeze %dma_start3A_502 : memref<1x1024xf32, #tpu.memory_space<vmem>> -> memref<1024xf32, #tpu.memory_space<vmem>>
      %dma_start3A_504 = arith.constant 0 : i32
      %dma_start3A_505 = tpu.memref_slice %arg4[%add3A_440, %dma_start3A_500, %add3A, %dma_start3A_504] : memref<200x8x32x1024xf32, #tpu.memory_space<hbm>> -> memref<1x1x1x1024xf32, #tpu.memory_space<hbm>>
      %dma_start3A_506 = tpu.memref_squeeze %dma_start3A_505 : memref<1x1x1x1024xf32, #tpu.memory_space<hbm>> -> memref<1024xf32, #tpu.memory_space<hbm>>
      %dma_start3A_507 = arith.constant 0 : i32
      %dma_start3A_508 = tpu.memref_slice %arg4[%add3A_440, %dma_start3A_500, %add3A, %dma_start3A_507] : memref<200x8x32x1024xf32, #tpu.memory_space<hbm>> -> memref<1x1x1x1024xf32, #tpu.memory_space<hbm>>
      %dma_start3A_509 = tpu.memref_squeeze %dma_start3A_508 : memref<1x1x1x1024xf32, #tpu.memory_space<hbm>> -> memref<1024xf32, #tpu.memory_space<hbm>>
      %dma_start3A_510 = arith.constant 0 : i32
      %dma_start3A_511 = tpu.memref_slice %arg7[%dma_start3A_499, %dma_start3A_510] : memref<2x8192xf32, #tpu.memory_space<vmem>> -> memref<1x1024xf32, #tpu.memory_space<vmem>>
      %dma_start3A_512 = tpu.memref_squeeze %dma_start3A_511 : memref<1x1024xf32, #tpu.memory_space<vmem>> -> memref<1024xf32, #tpu.memory_space<vmem>>
      tpu.enqueue_dma source(%dma_start3A_512 : memref<1024xf32, #tpu.memory_space<vmem>>) target(%dma_start3A_509 : memref<1024xf32, #tpu.memory_space<hbm>>) target_semaphore(%arg11 : memref<!tpu.dma_semaphore, #tpu.memory_space<semaphore_mem>>)
      %dma_start3A_513 = arith.constant 1 : i32
      %dma_start3A_514 = arith.constant 1 : i32
      %dma_start3A_515 = arith.constant 1024 : i32
      %dma_start3A_516 = tpu.memref_slice %arg7[%dma_start3A_513, %dma_start3A_515] : memref<2x8192xf32, #tpu.memory_space<vmem>> -> memref<1x1024xf32, #tpu.memory_space<vmem>>
      %dma_start3A_517 = tpu.memref_squeeze %dma_start3A_516 : memref<1x1024xf32, #tpu.memory_space<vmem>> -> memref<1024xf32, #tpu.memory_space<vmem>>
      %dma_start3A_518 = arith.constant 0 : i32
      %dma_start3A_519 = tpu.memref_slice %arg4[%add3A_440, %dma_start3A_514, %add3A, %dma_start3A_518] : memref<200x8x32x1024xf32, #tpu.memory_space<hbm>> -> memref<1x1x1x1024xf32, #tpu.memory_space<hbm>>
      %dma_start3A_520 = tpu.memref_squeeze %dma_start3A_519 : memref<1x1x1x1024xf32, #tpu.memory_space<hbm>> -> memref<1024xf32, #tpu.memory_space<hbm>>
      %dma_start3A_521 = arith.constant 0 : i32
      %dma_start3A_522 = tpu.memref_slice %arg4[%add3A_440, %dma_start3A_514, %add3A, %dma_start3A_521] : memref<200x8x32x1024xf32, #tpu.memory_space<hbm>> -> memref<1x1x1x1024xf32, #tpu.memory_space<hbm>>
      %dma_start3A_523 = tpu.memref_squeeze %dma_start3A_522 : memref<1x1x1x1024xf32, #tpu.memory_space<hbm>> -> memref<1024xf32, #tpu.memory_space<hbm>>
      %dma_start3A_524 = arith.constant 1024 : i32
      %dma_start3A_525 = tpu.memref_slice %arg7[%dma_start3A_513, %dma_start3A_524] : memref<2x8192xf32, #tpu.memory_space<vmem>> -> memref<1x1024xf32, #tpu.memory_space<vmem>>
      %dma_start3A_526 = tpu.memref_squeeze %dma_start3A_525 : memref<1x1024xf32, #tpu.memory_space<vmem>> -> memref<1024xf32, #tpu.memory_space<vmem>>
      tpu.enqueue_dma source(%dma_start3A_526 : memref<1024xf32, #tpu.memory_space<vmem>>) target(%dma_start3A_523 : memref<1024xf32, #tpu.memory_space<hbm>>) target_semaphore(%arg11 : memref<!tpu.dma_semaphore, #tpu.memory_space<semaphore_mem>>)
      %dma_start3A_527 = arith.constant 1 : i32
      %dma_start3A_528 = arith.constant 2 : i32
      %dma_start3A_529 = arith.constant 2048 : i32
      %dma_start3A_530 = tpu.memref_slice %arg7[%dma_start3A_527, %dma_start3A_529] : memref<2x8192xf32, #tpu.memory_space<vmem>> -> memref<1x1024xf32, #tpu.memory_space<vmem>>
      %dma_start3A_531 = tpu.memref_squeeze %dma_start3A_530 : memref<1x1024xf32, #tpu.memory_space<vmem>> -> memref<1024xf32, #tpu.memory_space<vmem>>
      %dma_start3A_532 = arith.constant 0 : i32
      %dma_start3A_533 = tpu.memref_slice %arg4[%add3A_440, %dma_start3A_528, %add3A, %dma_start3A_532] : memref<200x8x32x1024xf32, #tpu.memory_space<hbm>> -> memref<1x1x1x1024xf32, #tpu.memory_space<hbm>>
      %dma_start3A_534 = tpu.memref_squeeze %dma_start3A_533 : memref<1x1x1x1024xf32, #tpu.memory_space<hbm>> -> memref<1024xf32, #tpu.memory_space<hbm>>
      %dma_start3A_535 = arith.constant 0 : i32
      %dma_start3A_536 = tpu.memref_slice %arg4[%add3A_440, %dma_start3A_528, %add3A, %dma_start3A_535] : memref<200x8x32x1024xf32, #tpu.memory_space<hbm>> -> memref<1x1x1x1024xf32, #tpu.memory_space<hbm>>
      %dma_start3A_537 = tpu.memref_squeeze %dma_start3A_536 : memref<1x1x1x1024xf32, #tpu.memory_space<hbm>> -> memref<1024xf32, #tpu.memory_space<hbm>>
      %dma_start3A_538 = arith.constant 2048 : i32
      %dma_start3A_539 = tpu.memref_slice %arg7[%dma_start3A_527, %dma_start3A_538] : memref<2x8192xf32, #tpu.memory_space<vmem>> -> memref<1x1024xf32, #tpu.memory_space<vmem>>
      %dma_start3A_540 = tpu.memref_squeeze %dma_start3A_539 : memref<1x1024xf32, #tpu.memory_space<vmem>> -> memref<1024xf32, #tpu.memory_space<vmem>>
      tpu.enqueue_dma source(%dma_start3A_540 : memref<1024xf32, #tpu.memory_space<vmem>>) target(%dma_start3A_537 : memref<1024xf32, #tpu.memory_space<hbm>>) target_semaphore(%arg11 : memref<!tpu.dma_semaphore, #tpu.memory_space<semaphore_mem>>)
      %dma_start3A_541 = arith.constant 1 : i32
      %dma_start3A_542 = arith.constant 3 : i32
      %dma_start3A_543 = arith.constant 3072 : i32
      %dma_start3A_544 = tpu.memref_slice %arg7[%dma_start3A_541, %dma_start3A_543] : memref<2x8192xf32, #tpu.memory_space<vmem>> -> memref<1x1024xf32, #tpu.memory_space<vmem>>
      %dma_start3A_545 = tpu.memref_squeeze %dma_start3A_544 : memref<1x1024xf32, #tpu.memory_space<vmem>> -> memref<1024xf32, #tpu.memory_space<vmem>>
      %dma_start3A_546 = arith.constant 0 : i32
      %dma_start3A_547 = tpu.memref_slice %arg4[%add3A_440, %dma_start3A_542, %add3A, %dma_start3A_546] : memref<200x8x32x1024xf32, #tpu.memory_space<hbm>> -> memref<1x1x1x1024xf32, #tpu.memory_space<hbm>>
      %dma_start3A_548 = tpu.memref_squeeze %dma_start3A_547 : memref<1x1x1x1024xf32, #tpu.memory_space<hbm>> -> memref<1024xf32, #tpu.memory_space<hbm>>
      %dma_start3A_549 = arith.constant 0 : i32
      %dma_start3A_550 = tpu.memref_slice %arg4[%add3A_440, %dma_start3A_542, %add3A, %dma_start3A_549] : memref<200x8x32x1024xf32, #tpu.memory_space<hbm>> -> memref<1x1x1x1024xf32, #tpu.memory_space<hbm>>
      %dma_start3A_551 = tpu.memref_squeeze %dma_start3A_550 : memref<1x1x1x1024xf32, #tpu.memory_space<hbm>> -> memref<1024xf32, #tpu.memory_space<hbm>>
      %dma_start3A_552 = arith.constant 3072 : i32
      %dma_start3A_553 = tpu.memref_slice %arg7[%dma_start3A_541, %dma_start3A_552] : memref<2x8192xf32, #tpu.memory_space<vmem>> -> memref<1x1024xf32, #tpu.memory_space<vmem>>
      %dma_start3A_554 = tpu.memref_squeeze %dma_start3A_553 : memref<1x1024xf32, #tpu.memory_space<vmem>> -> memref<1024xf32, #tpu.memory_space<vmem>>
      tpu.enqueue_dma source(%dma_start3A_554 : memref<1024xf32, #tpu.memory_space<vmem>>) target(%dma_start3A_551 : memref<1024xf32, #tpu.memory_space<hbm>>) target_semaphore(%arg11 : memref<!tpu.dma_semaphore, #tpu.memory_space<semaphore_mem>>)
      %dma_start3A_555 = arith.constant 1 : i32
      %dma_start3A_556 = arith.constant 4 : i32
      %dma_start3A_557 = arith.constant 4096 : i32
      %dma_start3A_558 = tpu.memref_slice %arg7[%dma_start3A_555, %dma_start3A_557] : memref<2x8192xf32, #tpu.memory_space<vmem>> -> memref<1x1024xf32, #tpu.memory_space<vmem>>
      %dma_start3A_559 = tpu.memref_squeeze %dma_start3A_558 : memref<1x1024xf32, #tpu.memory_space<vmem>> -> memref<1024xf32, #tpu.memory_space<vmem>>
      %dma_start3A_560 = arith.constant 0 : i32
      %dma_start3A_561 = tpu.memref_slice %arg4[%add3A_440, %dma_start3A_556, %add3A, %dma_start3A_560] : memref<200x8x32x1024xf32, #tpu.memory_space<hbm>> -> memref<1x1x1x1024xf32, #tpu.memory_space<hbm>>
      %dma_start3A_562 = tpu.memref_squeeze %dma_start3A_561 : memref<1x1x1x1024xf32, #tpu.memory_space<hbm>> -> memref<1024xf32, #tpu.memory_space<hbm>>
      %dma_start3A_563 = arith.constant 0 : i32
      %dma_start3A_564 = tpu.memref_slice %arg4[%add3A_440, %dma_start3A_556, %add3A, %dma_start3A_563] : memref<200x8x32x1024xf32, #tpu.memory_space<hbm>> -> memref<1x1x1x1024xf32, #tpu.memory_space<hbm>>
      %dma_start3A_565 = tpu.memref_squeeze %dma_start3A_564 : memref<1x1x1x1024xf32, #tpu.memory_space<hbm>> -> memref<1024xf32, #tpu.memory_space<hbm>>
      %dma_start3A_566 = arith.constant 4096 : i32
      %dma_start3A_567 = tpu.memref_slice %arg7[%dma_start3A_555, %dma_start3A_566] : memref<2x8192xf32, #tpu.memory_space<vmem>> -> memref<1x1024xf32, #tpu.memory_space<vmem>>
      %dma_start3A_568 = tpu.memref_squeeze %dma_start3A_567 : memref<1x1024xf32, #tpu.memory_space<vmem>> -> memref<1024xf32, #tpu.memory_space<vmem>>
      tpu.enqueue_dma source(%dma_start3A_568 : memref<1024xf32, #tpu.memory_space<vmem>>) target(%dma_start3A_565 : memref<1024xf32, #tpu.memory_space<hbm>>) target_semaphore(%arg11 : memref<!tpu.dma_semaphore, #tpu.memory_space<semaphore_mem>>)
      %dma_start3A_569 = arith.constant 1 : i32
      %dma_start3A_570 = arith.constant 5 : i32
      %dma_start3A_571 = arith.constant 5120 : i32
      %dma_start3A_572 = tpu.memref_slice %arg7[%dma_start3A_569, %dma_start3A_571] : memref<2x8192xf32, #tpu.memory_space<vmem>> -> memref<1x1024xf32, #tpu.memory_space<vmem>>
      %dma_start3A_573 = tpu.memref_squeeze %dma_start3A_572 : memref<1x1024xf32, #tpu.memory_space<vmem>> -> memref<1024xf32, #tpu.memory_space<vmem>>
      %dma_start3A_574 = arith.constant 0 : i32
      %dma_start3A_575 = tpu.memref_slice %arg4[%add3A_440, %dma_start3A_570, %add3A, %dma_start3A_574] : memref<200x8x32x1024xf32, #tpu.memory_space<hbm>> -> memref<1x1x1x1024xf32, #tpu.memory_space<hbm>>
      %dma_start3A_576 = tpu.memref_squeeze %dma_start3A_575 : memref<1x1x1x1024xf32, #tpu.memory_space<hbm>> -> memref<1024xf32, #tpu.memory_space<hbm>>
      %dma_start3A_577 = arith.constant 0 : i32
      %dma_start3A_578 = tpu.memref_slice %arg4[%add3A_440, %dma_start3A_570, %add3A, %dma_start3A_577] : memref<200x8x32x1024xf32, #tpu.memory_space<hbm>> -> memref<1x1x1x1024xf32, #tpu.memory_space<hbm>>
      %dma_start3A_579 = tpu.memref_squeeze %dma_start3A_578 : memref<1x1x1x1024xf32, #tpu.memory_space<hbm>> -> memref<1024xf32, #tpu.memory_space<hbm>>
      %dma_start3A_580 = arith.constant 5120 : i32
      %dma_start3A_581 = tpu.memref_slice %arg7[%dma_start3A_569, %dma_start3A_580] : memref<2x8192xf32, #tpu.memory_space<vmem>> -> memref<1x1024xf32, #tpu.memory_space<vmem>>
      %dma_start3A_582 = tpu.memref_squeeze %dma_start3A_581 : memref<1x1024xf32, #tpu.memory_space<vmem>> -> memref<1024xf32, #tpu.memory_space<vmem>>
      tpu.enqueue_dma source(%dma_start3A_582 : memref<1024xf32, #tpu.memory_space<vmem>>) target(%dma_start3A_579 : memref<1024xf32, #tpu.memory_space<hbm>>) target_semaphore(%arg11 : memref<!tpu.dma_semaphore, #tpu.memory_space<semaphore_mem>>)
      %dma_start3A_583 = arith.constant 1 : i32
      %dma_start3A_584 = arith.constant 6 : i32
      %dma_start3A_585 = arith.constant 6144 : i32
      %dma_start3A_586 = tpu.memref_slice %arg7[%dma_start3A_583, %dma_start3A_585] : memref<2x8192xf32, #tpu.memory_space<vmem>> -> memref<1x1024xf32, #tpu.memory_space<vmem>>
      %dma_start3A_587 = tpu.memref_squeeze %dma_start3A_586 : memref<1x1024xf32, #tpu.memory_space<vmem>> -> memref<1024xf32, #tpu.memory_space<vmem>>
      %dma_start3A_588 = arith.constant 0 : i32
      %dma_start3A_589 = tpu.memref_slice %arg4[%add3A_440, %dma_start3A_584, %add3A, %dma_start3A_588] : memref<200x8x32x1024xf32, #tpu.memory_space<hbm>> -> memref<1x1x1x1024xf32, #tpu.memory_space<hbm>>
      %dma_start3A_590 = tpu.memref_squeeze %dma_start3A_589 : memref<1x1x1x1024xf32, #tpu.memory_space<hbm>> -> memref<1024xf32, #tpu.memory_space<hbm>>
      %dma_start3A_591 = arith.constant 0 : i32
      %dma_start3A_592 = tpu.memref_slice %arg4[%add3A_440, %dma_start3A_584, %add3A, %dma_start3A_591] : memref<200x8x32x1024xf32, #tpu.memory_space<hbm>> -> memref<1x1x1x1024xf32, #tpu.memory_space<hbm>>
      %dma_start3A_593 = tpu.memref_squeeze %dma_start3A_592 : memref<1x1x1x1024xf32, #tpu.memory_space<hbm>> -> memref<1024xf32, #tpu.memory_space<hbm>>
      %dma_start3A_594 = arith.constant 6144 : i32
      %dma_start3A_595 = tpu.memref_slice %arg7[%dma_start3A_583, %dma_start3A_594] : memref<2x8192xf32, #tpu.memory_space<vmem>> -> memref<1x1024xf32, #tpu.memory_space<vmem>>
      %dma_start3A_596 = tpu.memref_squeeze %dma_start3A_595 : memref<1x1024xf32, #tpu.memory_space<vmem>> -> memref<1024xf32, #tpu.memory_space<vmem>>
      tpu.enqueue_dma source(%dma_start3A_596 : memref<1024xf32, #tpu.memory_space<vmem>>) target(%dma_start3A_593 : memref<1024xf32, #tpu.memory_space<hbm>>) target_semaphore(%arg11 : memref<!tpu.dma_semaphore, #tpu.memory_space<semaphore_mem>>)
      %dma_start3A_597 = arith.constant 1 : i32
      %dma_start3A_598 = arith.constant 7 : i32
      %dma_start3A_599 = arith.constant 7168 : i32
      %dma_start3A_600 = tpu.memref_slice %arg7[%dma_start3A_597, %dma_start3A_599] : memref<2x8192xf32, #tpu.memory_space<vmem>> -> memref<1x1024xf32, #tpu.memory_space<vmem>>
      %dma_start3A_601 = tpu.memref_squeeze %dma_start3A_600 : memref<1x1024xf32, #tpu.memory_space<vmem>> -> memref<1024xf32, #tpu.memory_space<vmem>>
      %dma_start3A_602 = arith.constant 0 : i32
      %dma_start3A_603 = tpu.memref_slice %arg4[%add3A_440, %dma_start3A_598, %add3A, %dma_start3A_602] : memref<200x8x32x1024xf32, #tpu.memory_space<hbm>> -> memref<1x1x1x1024xf32, #tpu.memory_space<hbm>>
      %dma_start3A_604 = tpu.memref_squeeze %dma_start3A_603 : memref<1x1x1x1024xf32, #tpu.memory_space<hbm>> -> memref<1024xf32, #tpu.memory_space<hbm>>
      %dma_start3A_605 = arith.constant 0 : i32
      %dma_start3A_606 = tpu.memref_slice %arg4[%add3A_440, %dma_start3A_598, %add3A, %dma_start3A_605] : memref<200x8x32x1024xf32, #tpu.memory_space<hbm>> -> memref<1x1x1x1024xf32, #tpu.memory_space<hbm>>
      %dma_start3A_607 = tpu.memref_squeeze %dma_start3A_606 : memref<1x1x1x1024xf32, #tpu.memory_space<hbm>> -> memref<1024xf32, #tpu.memory_space<hbm>>
      %dma_start3A_608 = arith.constant 7168 : i32
      %dma_start3A_609 = tpu.memref_slice %arg7[%dma_start3A_597, %dma_start3A_608] : memref<2x8192xf32, #tpu.memory_space<vmem>> -> memref<1x1024xf32, #tpu.memory_space<vmem>>
      %dma_start3A_610 = tpu.memref_squeeze %dma_start3A_609 : memref<1x1024xf32, #tpu.memory_space<vmem>> -> memref<1024xf32, #tpu.memory_space<vmem>>
      tpu.enqueue_dma source(%dma_start3A_610 : memref<1024xf32, #tpu.memory_space<vmem>>) target(%dma_start3A_607 : memref<1024xf32, #tpu.memory_space<hbm>>) target_semaphore(%arg11 : memref<!tpu.dma_semaphore, #tpu.memory_space<semaphore_mem>>)
    }
    %scan3A_28 = arith.constant 100 : i32
    %dma_wait3A = arith.constant 0 : i32
    %dma_wait3A_29 = arith.constant 0 : i32
    %dma_wait3A_30 = arith.constant 0 : i32
    %dma_wait3A_31 = arith.constant 0 : i32
    %dma_wait3A_32 = tpu.memref_slice %arg7[%dma_wait3A_30, %dma_wait3A_31] : memref<2x8192xf32, #tpu.memory_space<vmem>> -> memref<1x1024xf32, #tpu.memory_space<vmem>>
    %dma_wait3A_33 = tpu.memref_squeeze %dma_wait3A_32 : memref<1x1024xf32, #tpu.memory_space<vmem>> -> memref<1024xf32, #tpu.memory_space<vmem>>
    %dma_wait3A_34 = arith.constant 0 : i32
    %dma_wait3A_35 = tpu.memref_slice %arg4[%dma_wait3A, %dma_wait3A_29, %add3A, %dma_wait3A_34] : memref<200x8x32x1024xf32, #tpu.memory_space<hbm>> -> memref<1x1x1x1024xf32, #tpu.memory_space<hbm>>
    %dma_wait3A_36 = tpu.memref_squeeze %dma_wait3A_35 : memref<1x1x1x1024xf32, #tpu.memory_space<hbm>> -> memref<1024xf32, #tpu.memory_space<hbm>>
    %dma_wait3A_37 = arith.constant 0 : i32
    %dma_wait3A_38 = tpu.memref_slice %arg7[%dma_wait3A_30, %dma_wait3A_37] : memref<2x8192xf32, #tpu.memory_space<vmem>> -> memref<1x1024xf32, #tpu.memory_space<vmem>>
    %dma_wait3A_39 = tpu.memref_squeeze %dma_wait3A_38 : memref<1x1024xf32, #tpu.memory_space<vmem>> -> memref<1024xf32, #tpu.memory_space<vmem>>
    %dma_wait3A_40 = arith.constant 0 : i32
    %dma_wait3A_41 = tpu.memref_slice %arg4[%dma_wait3A, %dma_wait3A_29, %add3A, %dma_wait3A_40] : memref<200x8x32x1024xf32, #tpu.memory_space<hbm>> -> memref<1x1x1x1024xf32, #tpu.memory_space<hbm>>
    %dma_wait3A_42 = tpu.memref_squeeze %dma_wait3A_41 : memref<1x1x1x1024xf32, #tpu.memory_space<hbm>> -> memref<1024xf32, #tpu.memory_space<hbm>>
    tpu.wait_dma2 semaphore(%arg10 : memref<!tpu.dma_semaphore, #tpu.memory_space<semaphore_mem>>) src(%dma_wait3A_42 : memref<1024xf32, #tpu.memory_space<hbm>>) dst(%dma_wait3A_39 : memref<1024xf32, #tpu.memory_space<vmem>>)
    %dma_wait3A_43 = arith.constant 0 : i32
    %dma_wait3A_44 = arith.constant 1 : i32
    %dma_wait3A_45 = arith.constant 0 : i32
    %dma_wait3A_46 = arith.constant 1024 : i32
    %dma_wait3A_47 = tpu.memref_slice %arg7[%dma_wait3A_45, %dma_wait3A_46] : memref<2x8192xf32, #tpu.memory_space<vmem>> -> memref<1x1024xf32, #tpu.memory_space<vmem>>
    %dma_wait3A_48 = tpu.memref_squeeze %dma_wait3A_47 : memref<1x1024xf32, #tpu.memory_space<vmem>> -> memref<1024xf32, #tpu.memory_space<vmem>>
    %dma_wait3A_49 = arith.constant 0 : i32
    %dma_wait3A_50 = tpu.memref_slice %arg4[%dma_wait3A_43, %dma_wait3A_44, %add3A, %dma_wait3A_49] : memref<200x8x32x1024xf32, #tpu.memory_space<hbm>> -> memref<1x1x1x1024xf32, #tpu.memory_space<hbm>>
    %dma_wait3A_51 = tpu.memref_squeeze %dma_wait3A_50 : memref<1x1x1x1024xf32, #tpu.memory_space<hbm>> -> memref<1024xf32, #tpu.memory_space<hbm>>
    %dma_wait3A_52 = arith.constant 1024 : i32
    %dma_wait3A_53 = tpu.memref_slice %arg7[%dma_wait3A_45, %dma_wait3A_52] : memref<2x8192xf32, #tpu.memory_space<vmem>> -> memref<1x1024xf32, #tpu.memory_space<vmem>>
    %dma_wait3A_54 = tpu.memref_squeeze %dma_wait3A_53 : memref<1x1024xf32, #tpu.memory_space<vmem>> -> memref<1024xf32, #tpu.memory_space<vmem>>
    %dma_wait3A_55 = arith.constant 0 : i32
    %dma_wait3A_56 = tpu.memref_slice %arg4[%dma_wait3A_43, %dma_wait3A_44, %add3A, %dma_wait3A_55] : memref<200x8x32x1024xf32, #tpu.memory_space<hbm>> -> memref<1x1x1x1024xf32, #tpu.memory_space<hbm>>
    %dma_wait3A_57 = tpu.memref_squeeze %dma_wait3A_56 : memref<1x1x1x1024xf32, #tpu.memory_space<hbm>> -> memref<1024xf32, #tpu.memory_space<hbm>>
    tpu.wait_dma2 semaphore(%arg10 : memref<!tpu.dma_semaphore, #tpu.memory_space<semaphore_mem>>) src(%dma_wait3A_57 : memref<1024xf32, #tpu.memory_space<hbm>>) dst(%dma_wait3A_54 : memref<1024xf32, #tpu.memory_space<vmem>>)
    %dma_wait3A_58 = arith.constant 0 : i32
    %dma_wait3A_59 = arith.constant 2 : i32
    %dma_wait3A_60 = arith.constant 0 : i32
    %dma_wait3A_61 = arith.constant 2048 : i32
    %dma_wait3A_62 = tpu.memref_slice %arg7[%dma_wait3A_60, %dma_wait3A_61] : memref<2x8192xf32, #tpu.memory_space<vmem>> -> memref<1x1024xf32, #tpu.memory_space<vmem>>
    %dma_wait3A_63 = tpu.memref_squeeze %dma_wait3A_62 : memref<1x1024xf32, #tpu.memory_space<vmem>> -> memref<1024xf32, #tpu.memory_space<vmem>>
    %dma_wait3A_64 = arith.constant 0 : i32
    %dma_wait3A_65 = tpu.memref_slice %arg4[%dma_wait3A_58, %dma_wait3A_59, %add3A, %dma_wait3A_64] : memref<200x8x32x1024xf32, #tpu.memory_space<hbm>> -> memref<1x1x1x1024xf32, #tpu.memory_space<hbm>>
    %dma_wait3A_66 = tpu.memref_squeeze %dma_wait3A_65 : memref<1x1x1x1024xf32, #tpu.memory_space<hbm>> -> memref<1024xf32, #tpu.memory_space<hbm>>
    %dma_wait3A_67 = arith.constant 2048 : i32
    %dma_wait3A_68 = tpu.memref_slice %arg7[%dma_wait3A_60, %dma_wait3A_67] : memref<2x8192xf32, #tpu.memory_space<vmem>> -> memref<1x1024xf32, #tpu.memory_space<vmem>>
    %dma_wait3A_69 = tpu.memref_squeeze %dma_wait3A_68 : memref<1x1024xf32, #tpu.memory_space<vmem>> -> memref<1024xf32, #tpu.memory_space<vmem>>
    %dma_wait3A_70 = arith.constant 0 : i32
    %dma_wait3A_71 = tpu.memref_slice %arg4[%dma_wait3A_58, %dma_wait3A_59, %add3A, %dma_wait3A_70] : memref<200x8x32x1024xf32, #tpu.memory_space<hbm>> -> memref<1x1x1x1024xf32, #tpu.memory_space<hbm>>
    %dma_wait3A_72 = tpu.memref_squeeze %dma_wait3A_71 : memref<1x1x1x1024xf32, #tpu.memory_space<hbm>> -> memref<1024xf32, #tpu.memory_space<hbm>>
    tpu.wait_dma2 semaphore(%arg10 : memref<!tpu.dma_semaphore, #tpu.memory_space<semaphore_mem>>) src(%dma_wait3A_72 : memref<1024xf32, #tpu.memory_space<hbm>>) dst(%dma_wait3A_69 : memref<1024xf32, #tpu.memory_space<vmem>>)
    %dma_wait3A_73 = arith.constant 0 : i32
    %dma_wait3A_74 = arith.constant 3 : i32
    %dma_wait3A_75 = arith.constant 0 : i32
    %dma_wait3A_76 = arith.constant 3072 : i32
    %dma_wait3A_77 = tpu.memref_slice %arg7[%dma_wait3A_75, %dma_wait3A_76] : memref<2x8192xf32, #tpu.memory_space<vmem>> -> memref<1x1024xf32, #tpu.memory_space<vmem>>
    %dma_wait3A_78 = tpu.memref_squeeze %dma_wait3A_77 : memref<1x1024xf32, #tpu.memory_space<vmem>> -> memref<1024xf32, #tpu.memory_space<vmem>>
    %dma_wait3A_79 = arith.constant 0 : i32
    %dma_wait3A_80 = tpu.memref_slice %arg4[%dma_wait3A_73, %dma_wait3A_74, %add3A, %dma_wait3A_79] : memref<200x8x32x1024xf32, #tpu.memory_space<hbm>> -> memref<1x1x1x1024xf32, #tpu.memory_space<hbm>>
    %dma_wait3A_81 = tpu.memref_squeeze %dma_wait3A_80 : memref<1x1x1x1024xf32, #tpu.memory_space<hbm>> -> memref<1024xf32, #tpu.memory_space<hbm>>
    %dma_wait3A_82 = arith.constant 3072 : i32
    %dma_wait3A_83 = tpu.memref_slice %arg7[%dma_wait3A_75, %dma_wait3A_82] : memref<2x8192xf32, #tpu.memory_space<vmem>> -> memref<1x1024xf32, #tpu.memory_space<vmem>>
    %dma_wait3A_84 = tpu.memref_squeeze %dma_wait3A_83 : memref<1x1024xf32, #tpu.memory_space<vmem>> -> memref<1024xf32, #tpu.memory_space<vmem>>
    %dma_wait3A_85 = arith.constant 0 : i32
    %dma_wait3A_86 = tpu.memref_slice %arg4[%dma_wait3A_73, %dma_wait3A_74, %add3A, %dma_wait3A_85] : memref<200x8x32x1024xf32, #tpu.memory_space<hbm>> -> memref<1x1x1x1024xf32, #tpu.memory_space<hbm>>
    %dma_wait3A_87 = tpu.memref_squeeze %dma_wait3A_86 : memref<1x1x1x1024xf32, #tpu.memory_space<hbm>> -> memref<1024xf32, #tpu.memory_space<hbm>>
    tpu.wait_dma2 semaphore(%arg10 : memref<!tpu.dma_semaphore, #tpu.memory_space<semaphore_mem>>) src(%dma_wait3A_87 : memref<1024xf32, #tpu.memory_space<hbm>>) dst(%dma_wait3A_84 : memref<1024xf32, #tpu.memory_space<vmem>>)
    %dma_wait3A_88 = arith.constant 0 : i32
    %dma_wait3A_89 = arith.constant 4 : i32
    %dma_wait3A_90 = arith.constant 0 : i32
    %dma_wait3A_91 = arith.constant 4096 : i32
    %dma_wait3A_92 = tpu.memref_slice %arg7[%dma_wait3A_90, %dma_wait3A_91] : memref<2x8192xf32, #tpu.memory_space<vmem>> -> memref<1x1024xf32, #tpu.memory_space<vmem>>
    %dma_wait3A_93 = tpu.memref_squeeze %dma_wait3A_92 : memref<1x1024xf32, #tpu.memory_space<vmem>> -> memref<1024xf32, #tpu.memory_space<vmem>>
    %dma_wait3A_94 = arith.constant 0 : i32
    %dma_wait3A_95 = tpu.memref_slice %arg4[%dma_wait3A_88, %dma_wait3A_89, %add3A, %dma_wait3A_94] : memref<200x8x32x1024xf32, #tpu.memory_space<hbm>> -> memref<1x1x1x1024xf32, #tpu.memory_space<hbm>>
    %dma_wait3A_96 = tpu.memref_squeeze %dma_wait3A_95 : memref<1x1x1x1024xf32, #tpu.memory_space<hbm>> -> memref<1024xf32, #tpu.memory_space<hbm>>
    %dma_wait3A_97 = arith.constant 4096 : i32
    %dma_wait3A_98 = tpu.memref_slice %arg7[%dma_wait3A_90, %dma_wait3A_97] : memref<2x8192xf32, #tpu.memory_space<vmem>> -> memref<1x1024xf32, #tpu.memory_space<vmem>>
    %dma_wait3A_99 = tpu.memref_squeeze %dma_wait3A_98 : memref<1x1024xf32, #tpu.memory_space<vmem>> -> memref<1024xf32, #tpu.memory_space<vmem>>
    %dma_wait3A_100 = arith.constant 0 : i32
    %dma_wait3A_101 = tpu.memref_slice %arg4[%dma_wait3A_88, %dma_wait3A_89, %add3A, %dma_wait3A_100] : memref<200x8x32x1024xf32, #tpu.memory_space<hbm>> -> memref<1x1x1x1024xf32, #tpu.memory_space<hbm>>
    %dma_wait3A_102 = tpu.memref_squeeze %dma_wait3A_101 : memref<1x1x1x1024xf32, #tpu.memory_space<hbm>> -> memref<1024xf32, #tpu.memory_space<hbm>>
    tpu.wait_dma2 semaphore(%arg10 : memref<!tpu.dma_semaphore, #tpu.memory_space<semaphore_mem>>) src(%dma_wait3A_102 : memref<1024xf32, #tpu.memory_space<hbm>>) dst(%dma_wait3A_99 : memref<1024xf32, #tpu.memory_space<vmem>>)
    %dma_wait3A_103 = arith.constant 0 : i32
    %dma_wait3A_104 = arith.constant 5 : i32
    %dma_wait3A_105 = arith.constant 0 : i32
    %dma_wait3A_106 = arith.constant 5120 : i32
    %dma_wait3A_107 = tpu.memref_slice %arg7[%dma_wait3A_105, %dma_wait3A_106] : memref<2x8192xf32, #tpu.memory_space<vmem>> -> memref<1x1024xf32, #tpu.memory_space<vmem>>
    %dma_wait3A_108 = tpu.memref_squeeze %dma_wait3A_107 : memref<1x1024xf32, #tpu.memory_space<vmem>> -> memref<1024xf32, #tpu.memory_space<vmem>>
    %dma_wait3A_109 = arith.constant 0 : i32
    %dma_wait3A_110 = tpu.memref_slice %arg4[%dma_wait3A_103, %dma_wait3A_104, %add3A, %dma_wait3A_109] : memref<200x8x32x1024xf32, #tpu.memory_space<hbm>> -> memref<1x1x1x1024xf32, #tpu.memory_space<hbm>>
    %dma_wait3A_111 = tpu.memref_squeeze %dma_wait3A_110 : memref<1x1x1x1024xf32, #tpu.memory_space<hbm>> -> memref<1024xf32, #tpu.memory_space<hbm>>
    %dma_wait3A_112 = arith.constant 5120 : i32
    %dma_wait3A_113 = tpu.memref_slice %arg7[%dma_wait3A_105, %dma_wait3A_112] : memref<2x8192xf32, #tpu.memory_space<vmem>> -> memref<1x1024xf32, #tpu.memory_space<vmem>>
    %dma_wait3A_114 = tpu.memref_squeeze %dma_wait3A_113 : memref<1x1024xf32, #tpu.memory_space<vmem>> -> memref<1024xf32, #tpu.memory_space<vmem>>
    %dma_wait3A_115 = arith.constant 0 : i32
    %dma_wait3A_116 = tpu.memref_slice %arg4[%dma_wait3A_103, %dma_wait3A_104, %add3A, %dma_wait3A_115] : memref<200x8x32x1024xf32, #tpu.memory_space<hbm>> -> memref<1x1x1x1024xf32, #tpu.memory_space<hbm>>
    %dma_wait3A_117 = tpu.memref_squeeze %dma_wait3A_116 : memref<1x1x1x1024xf32, #tpu.memory_space<hbm>> -> memref<1024xf32, #tpu.memory_space<hbm>>
    tpu.wait_dma2 semaphore(%arg10 : memref<!tpu.dma_semaphore, #tpu.memory_space<semaphore_mem>>) src(%dma_wait3A_117 : memref<1024xf32, #tpu.memory_space<hbm>>) dst(%dma_wait3A_114 : memref<1024xf32, #tpu.memory_space<vmem>>)
    %dma_wait3A_118 = arith.constant 0 : i32
    %dma_wait3A_119 = arith.constant 6 : i32
    %dma_wait3A_120 = arith.constant 0 : i32
    %dma_wait3A_121 = arith.constant 6144 : i32
    %dma_wait3A_122 = tpu.memref_slice %arg7[%dma_wait3A_120, %dma_wait3A_121] : memref<2x8192xf32, #tpu.memory_space<vmem>> -> memref<1x1024xf32, #tpu.memory_space<vmem>>
    %dma_wait3A_123 = tpu.memref_squeeze %dma_wait3A_122 : memref<1x1024xf32, #tpu.memory_space<vmem>> -> memref<1024xf32, #tpu.memory_space<vmem>>
    %dma_wait3A_124 = arith.constant 0 : i32
    %dma_wait3A_125 = tpu.memref_slice %arg4[%dma_wait3A_118, %dma_wait3A_119, %add3A, %dma_wait3A_124] : memref<200x8x32x1024xf32, #tpu.memory_space<hbm>> -> memref<1x1x1x1024xf32, #tpu.memory_space<hbm>>
    %dma_wait3A_126 = tpu.memref_squeeze %dma_wait3A_125 : memref<1x1x1x1024xf32, #tpu.memory_space<hbm>> -> memref<1024xf32, #tpu.memory_space<hbm>>
    %dma_wait3A_127 = arith.constant 6144 : i32
    %dma_wait3A_128 = tpu.memref_slice %arg7[%dma_wait3A_120, %dma_wait3A_127] : memref<2x8192xf32, #tpu.memory_space<vmem>> -> memref<1x1024xf32, #tpu.memory_space<vmem>>
    %dma_wait3A_129 = tpu.memref_squeeze %dma_wait3A_128 : memref<1x1024xf32, #tpu.memory_space<vmem>> -> memref<1024xf32, #tpu.memory_space<vmem>>
    %dma_wait3A_130 = arith.constant 0 : i32
    %dma_wait3A_131 = tpu.memref_slice %arg4[%dma_wait3A_118, %dma_wait3A_119, %add3A, %dma_wait3A_130] : memref<200x8x32x1024xf32, #tpu.memory_space<hbm>> -> memref<1x1x1x1024xf32, #tpu.memory_space<hbm>>
    %dma_wait3A_132 = tpu.memref_squeeze %dma_wait3A_131 : memref<1x1x1x1024xf32, #tpu.memory_space<hbm>> -> memref<1024xf32, #tpu.memory_space<hbm>>
    tpu.wait_dma2 semaphore(%arg10 : memref<!tpu.dma_semaphore, #tpu.memory_space<semaphore_mem>>) src(%dma_wait3A_132 : memref<1024xf32, #tpu.memory_space<hbm>>) dst(%dma_wait3A_129 : memref<1024xf32, #tpu.memory_space<vmem>>)
    %dma_wait3A_133 = arith.constant 0 : i32
    %dma_wait3A_134 = arith.constant 7 : i32
    %dma_wait3A_135 = arith.constant 0 : i32
    %dma_wait3A_136 = arith.constant 7168 : i32
    %dma_wait3A_137 = tpu.memref_slice %arg7[%dma_wait3A_135, %dma_wait3A_136] : memref<2x8192xf32, #tpu.memory_space<vmem>> -> memref<1x1024xf32, #tpu.memory_space<vmem>>
    %dma_wait3A_138 = tpu.memref_squeeze %dma_wait3A_137 : memref<1x1024xf32, #tpu.memory_space<vmem>> -> memref<1024xf32, #tpu.memory_space<vmem>>
    %dma_wait3A_139 = arith.constant 0 : i32
    %dma_wait3A_140 = tpu.memref_slice %arg4[%dma_wait3A_133, %dma_wait3A_134, %add3A, %dma_wait3A_139] : memref<200x8x32x1024xf32, #tpu.memory_space<hbm>> -> memref<1x1x1x1024xf32, #tpu.memory_space<hbm>>
    %dma_wait3A_141 = tpu.memref_squeeze %dma_wait3A_140 : memref<1x1x1x1024xf32, #tpu.memory_space<hbm>> -> memref<1024xf32, #tpu.memory_space<hbm>>
    %dma_wait3A_142 = arith.constant 7168 : i32
    %dma_wait3A_143 = tpu.memref_slice %arg7[%dma_wait3A_135, %dma_wait3A_142] : memref<2x8192xf32, #tpu.memory_space<vmem>> -> memref<1x1024xf32, #tpu.memory_space<vmem>>
    %dma_wait3A_144 = tpu.memref_squeeze %dma_wait3A_143 : memref<1x1024xf32, #tpu.memory_space<vmem>> -> memref<1024xf32, #tpu.memory_space<vmem>>
    %dma_wait3A_145 = arith.constant 0 : i32
    %dma_wait3A_146 = tpu.memref_slice %arg4[%dma_wait3A_133, %dma_wait3A_134, %add3A, %dma_wait3A_145] : memref<200x8x32x1024xf32, #tpu.memory_space<hbm>> -> memref<1x1x1x1024xf32, #tpu.memory_space<hbm>>
    %dma_wait3A_147 = tpu.memref_squeeze %dma_wait3A_146 : memref<1x1x1x1024xf32, #tpu.memory_space<hbm>> -> memref<1024xf32, #tpu.memory_space<hbm>>
    tpu.wait_dma2 semaphore(%arg10 : memref<!tpu.dma_semaphore, #tpu.memory_space<semaphore_mem>>) src(%dma_wait3A_147 : memref<1024xf32, #tpu.memory_space<hbm>>) dst(%dma_wait3A_144 : memref<1024xf32, #tpu.memory_space<vmem>>)
    %dma_wait3A_148 = arith.constant 0 : i32
    %dma_wait3A_149 = arith.constant 0 : i32
    %dma_wait3A_150 = arith.constant 1 : i32
    %dma_wait3A_151 = arith.constant 0 : i32
    %dma_wait3A_152 = tpu.memref_slice %arg7[%dma_wait3A_150, %dma_wait3A_151] : memref<2x8192xf32, #tpu.memory_space<vmem>> -> memref<1x1024xf32, #tpu.memory_space<vmem>>
    %dma_wait3A_153 = tpu.memref_squeeze %dma_wait3A_152 : memref<1x1024xf32, #tpu.memory_space<vmem>> -> memref<1024xf32, #tpu.memory_space<vmem>>
    %dma_wait3A_154 = arith.constant 0 : i32
    %dma_wait3A_155 = tpu.memref_slice %arg4[%dma_wait3A_148, %dma_wait3A_149, %add3A, %dma_wait3A_154] : memref<200x8x32x1024xf32, #tpu.memory_space<hbm>> -> memref<1x1x1x1024xf32, #tpu.memory_space<hbm>>
    %dma_wait3A_156 = tpu.memref_squeeze %dma_wait3A_155 : memref<1x1x1x1024xf32, #tpu.memory_space<hbm>> -> memref<1024xf32, #tpu.memory_space<hbm>>
    %dma_wait3A_157 = arith.constant 0 : i32
    %dma_wait3A_158 = tpu.memref_slice %arg7[%dma_wait3A_150, %dma_wait3A_157] : memref<2x8192xf32, #tpu.memory_space<vmem>> -> memref<1x1024xf32, #tpu.memory_space<vmem>>
    %dma_wait3A_159 = tpu.memref_squeeze %dma_wait3A_158 : memref<1x1024xf32, #tpu.memory_space<vmem>> -> memref<1024xf32, #tpu.memory_space<vmem>>
    %dma_wait3A_160 = arith.constant 0 : i32
    %dma_wait3A_161 = tpu.memref_slice %arg4[%dma_wait3A_148, %dma_wait3A_149, %add3A, %dma_wait3A_160] : memref<200x8x32x1024xf32, #tpu.memory_space<hbm>> -> memref<1x1x1x1024xf32, #tpu.memory_space<hbm>>
    %dma_wait3A_162 = tpu.memref_squeeze %dma_wait3A_161 : memref<1x1x1x1024xf32, #tpu.memory_space<hbm>> -> memref<1024xf32, #tpu.memory_space<hbm>>
    tpu.wait_dma2 semaphore(%arg11 : memref<!tpu.dma_semaphore, #tpu.memory_space<semaphore_mem>>) src(%dma_wait3A_162 : memref<1024xf32, #tpu.memory_space<hbm>>) dst(%dma_wait3A_159 : memref<1024xf32, #tpu.memory_space<vmem>>)
    %dma_wait3A_163 = arith.constant 0 : i32
    %dma_wait3A_164 = arith.constant 1 : i32
    %dma_wait3A_165 = arith.constant 1 : i32
    %dma_wait3A_166 = arith.constant 1024 : i32
    %dma_wait3A_167 = tpu.memref_slice %arg7[%dma_wait3A_165, %dma_wait3A_166] : memref<2x8192xf32, #tpu.memory_space<vmem>> -> memref<1x1024xf32, #tpu.memory_space<vmem>>
    %dma_wait3A_168 = tpu.memref_squeeze %dma_wait3A_167 : memref<1x1024xf32, #tpu.memory_space<vmem>> -> memref<1024xf32, #tpu.memory_space<vmem>>
    %dma_wait3A_169 = arith.constant 0 : i32
    %dma_wait3A_170 = tpu.memref_slice %arg4[%dma_wait3A_163, %dma_wait3A_164, %add3A, %dma_wait3A_169] : memref<200x8x32x1024xf32, #tpu.memory_space<hbm>> -> memref<1x1x1x1024xf32, #tpu.memory_space<hbm>>
    %dma_wait3A_171 = tpu.memref_squeeze %dma_wait3A_170 : memref<1x1x1x1024xf32, #tpu.memory_space<hbm>> -> memref<1024xf32, #tpu.memory_space<hbm>>
    %dma_wait3A_172 = arith.constant 1024 : i32
    %dma_wait3A_173 = tpu.memref_slice %arg7[%dma_wait3A_165, %dma_wait3A_172] : memref<2x8192xf32, #tpu.memory_space<vmem>> -> memref<1x1024xf32, #tpu.memory_space<vmem>>
    %dma_wait3A_174 = tpu.memref_squeeze %dma_wait3A_173 : memref<1x1024xf32, #tpu.memory_space<vmem>> -> memref<1024xf32, #tpu.memory_space<vmem>>
    %dma_wait3A_175 = arith.constant 0 : i32
    %dma_wait3A_176 = tpu.memref_slice %arg4[%dma_wait3A_163, %dma_wait3A_164, %add3A, %dma_wait3A_175] : memref<200x8x32x1024xf32, #tpu.memory_space<hbm>> -> memref<1x1x1x1024xf32, #tpu.memory_space<hbm>>
    %dma_wait3A_177 = tpu.memref_squeeze %dma_wait3A_176 : memref<1x1x1x1024xf32, #tpu.memory_space<hbm>> -> memref<1024xf32, #tpu.memory_space<hbm>>
    tpu.wait_dma2 semaphore(%arg11 : memref<!tpu.dma_semaphore, #tpu.memory_space<semaphore_mem>>) src(%dma_wait3A_177 : memref<1024xf32, #tpu.memory_space<hbm>>) dst(%dma_wait3A_174 : memref<1024xf32, #tpu.memory_space<vmem>>)
    %dma_wait3A_178 = arith.constant 0 : i32
    %dma_wait3A_179 = arith.constant 2 : i32
    %dma_wait3A_180 = arith.constant 1 : i32
    %dma_wait3A_181 = arith.constant 2048 : i32
    %dma_wait3A_182 = tpu.memref_slice %arg7[%dma_wait3A_180, %dma_wait3A_181] : memref<2x8192xf32, #tpu.memory_space<vmem>> -> memref<1x1024xf32, #tpu.memory_space<vmem>>
    %dma_wait3A_183 = tpu.memref_squeeze %dma_wait3A_182 : memref<1x1024xf32, #tpu.memory_space<vmem>> -> memref<1024xf32, #tpu.memory_space<vmem>>
    %dma_wait3A_184 = arith.constant 0 : i32
    %dma_wait3A_185 = tpu.memref_slice %arg4[%dma_wait3A_178, %dma_wait3A_179, %add3A, %dma_wait3A_184] : memref<200x8x32x1024xf32, #tpu.memory_space<hbm>> -> memref<1x1x1x1024xf32, #tpu.memory_space<hbm>>
    %dma_wait3A_186 = tpu.memref_squeeze %dma_wait3A_185 : memref<1x1x1x1024xf32, #tpu.memory_space<hbm>> -> memref<1024xf32, #tpu.memory_space<hbm>>
    %dma_wait3A_187 = arith.constant 2048 : i32
    %dma_wait3A_188 = tpu.memref_slice %arg7[%dma_wait3A_180, %dma_wait3A_187] : memref<2x8192xf32, #tpu.memory_space<vmem>> -> memref<1x1024xf32, #tpu.memory_space<vmem>>
    %dma_wait3A_189 = tpu.memref_squeeze %dma_wait3A_188 : memref<1x1024xf32, #tpu.memory_space<vmem>> -> memref<1024xf32, #tpu.memory_space<vmem>>
    %dma_wait3A_190 = arith.constant 0 : i32
    %dma_wait3A_191 = tpu.memref_slice %arg4[%dma_wait3A_178, %dma_wait3A_179, %add3A, %dma_wait3A_190] : memref<200x8x32x1024xf32, #tpu.memory_space<hbm>> -> memref<1x1x1x1024xf32, #tpu.memory_space<hbm>>
    %dma_wait3A_192 = tpu.memref_squeeze %dma_wait3A_191 : memref<1x1x1x1024xf32, #tpu.memory_space<hbm>> -> memref<1024xf32, #tpu.memory_space<hbm>>
    tpu.wait_dma2 semaphore(%arg11 : memref<!tpu.dma_semaphore, #tpu.memory_space<semaphore_mem>>) src(%dma_wait3A_192 : memref<1024xf32, #tpu.memory_space<hbm>>) dst(%dma_wait3A_189 : memref<1024xf32, #tpu.memory_space<vmem>>)
    %dma_wait3A_193 = arith.constant 0 : i32
    %dma_wait3A_194 = arith.constant 3 : i32
    %dma_wait3A_195 = arith.constant 1 : i32
    %dma_wait3A_196 = arith.constant 3072 : i32
    %dma_wait3A_197 = tpu.memref_slice %arg7[%dma_wait3A_195, %dma_wait3A_196] : memref<2x8192xf32, #tpu.memory_space<vmem>> -> memref<1x1024xf32, #tpu.memory_space<vmem>>
    %dma_wait3A_198 = tpu.memref_squeeze %dma_wait3A_197 : memref<1x1024xf32, #tpu.memory_space<vmem>> -> memref<1024xf32, #tpu.memory_space<vmem>>
    %dma_wait3A_199 = arith.constant 0 : i32
    %dma_wait3A_200 = tpu.memref_slice %arg4[%dma_wait3A_193, %dma_wait3A_194, %add3A, %dma_wait3A_199] : memref<200x8x32x1024xf32, #tpu.memory_space<hbm>> -> memref<1x1x1x1024xf32, #tpu.memory_space<hbm>>
    %dma_wait3A_201 = tpu.memref_squeeze %dma_wait3A_200 : memref<1x1x1x1024xf32, #tpu.memory_space<hbm>> -> memref<1024xf32, #tpu.memory_space<hbm>>
    %dma_wait3A_202 = arith.constant 3072 : i32
    %dma_wait3A_203 = tpu.memref_slice %arg7[%dma_wait3A_195, %dma_wait3A_202] : memref<2x8192xf32, #tpu.memory_space<vmem>> -> memref<1x1024xf32, #tpu.memory_space<vmem>>
    %dma_wait3A_204 = tpu.memref_squeeze %dma_wait3A_203 : memref<1x1024xf32, #tpu.memory_space<vmem>> -> memref<1024xf32, #tpu.memory_space<vmem>>
    %dma_wait3A_205 = arith.constant 0 : i32
    %dma_wait3A_206 = tpu.memref_slice %arg4[%dma_wait3A_193, %dma_wait3A_194, %add3A, %dma_wait3A_205] : memref<200x8x32x1024xf32, #tpu.memory_space<hbm>> -> memref<1x1x1x1024xf32, #tpu.memory_space<hbm>>
    %dma_wait3A_207 = tpu.memref_squeeze %dma_wait3A_206 : memref<1x1x1x1024xf32, #tpu.memory_space<hbm>> -> memref<1024xf32, #tpu.memory_space<hbm>>
    tpu.wait_dma2 semaphore(%arg11 : memref<!tpu.dma_semaphore, #tpu.memory_space<semaphore_mem>>) src(%dma_wait3A_207 : memref<1024xf32, #tpu.memory_space<hbm>>) dst(%dma_wait3A_204 : memref<1024xf32, #tpu.memory_space<vmem>>)
    %dma_wait3A_208 = arith.constant 0 : i32
    %dma_wait3A_209 = arith.constant 4 : i32
    %dma_wait3A_210 = arith.constant 1 : i32
    %dma_wait3A_211 = arith.constant 4096 : i32
    %dma_wait3A_212 = tpu.memref_slice %arg7[%dma_wait3A_210, %dma_wait3A_211] : memref<2x8192xf32, #tpu.memory_space<vmem>> -> memref<1x1024xf32, #tpu.memory_space<vmem>>
    %dma_wait3A_213 = tpu.memref_squeeze %dma_wait3A_212 : memref<1x1024xf32, #tpu.memory_space<vmem>> -> memref<1024xf32, #tpu.memory_space<vmem>>
    %dma_wait3A_214 = arith.constant 0 : i32
    %dma_wait3A_215 = tpu.memref_slice %arg4[%dma_wait3A_208, %dma_wait3A_209, %add3A, %dma_wait3A_214] : memref<200x8x32x1024xf32, #tpu.memory_space<hbm>> -> memref<1x1x1x1024xf32, #tpu.memory_space<hbm>>
    %dma_wait3A_216 = tpu.memref_squeeze %dma_wait3A_215 : memref<1x1x1x1024xf32, #tpu.memory_space<hbm>> -> memref<1024xf32, #tpu.memory_space<hbm>>
    %dma_wait3A_217 = arith.constant 4096 : i32
    %dma_wait3A_218 = tpu.memref_slice %arg7[%dma_wait3A_210, %dma_wait3A_217] : memref<2x8192xf32, #tpu.memory_space<vmem>> -> memref<1x1024xf32, #tpu.memory_space<vmem>>
    %dma_wait3A_219 = tpu.memref_squeeze %dma_wait3A_218 : memref<1x1024xf32, #tpu.memory_space<vmem>> -> memref<1024xf32, #tpu.memory_space<vmem>>
    %dma_wait3A_220 = arith.constant 0 : i32
    %dma_wait3A_221 = tpu.memref_slice %arg4[%dma_wait3A_208, %dma_wait3A_209, %add3A, %dma_wait3A_220] : memref<200x8x32x1024xf32, #tpu.memory_space<hbm>> -> memref<1x1x1x1024xf32, #tpu.memory_space<hbm>>
    %dma_wait3A_222 = tpu.memref_squeeze %dma_wait3A_221 : memref<1x1x1x1024xf32, #tpu.memory_space<hbm>> -> memref<1024xf32, #tpu.memory_space<hbm>>
    tpu.wait_dma2 semaphore(%arg11 : memref<!tpu.dma_semaphore, #tpu.memory_space<semaphore_mem>>) src(%dma_wait3A_222 : memref<1024xf32, #tpu.memory_space<hbm>>) dst(%dma_wait3A_219 : memref<1024xf32, #tpu.memory_space<vmem>>)
    %dma_wait3A_223 = arith.constant 0 : i32
    %dma_wait3A_224 = arith.constant 5 : i32
    %dma_wait3A_225 = arith.constant 1 : i32
    %dma_wait3A_226 = arith.constant 5120 : i32
    %dma_wait3A_227 = tpu.memref_slice %arg7[%dma_wait3A_225, %dma_wait3A_226] : memref<2x8192xf32, #tpu.memory_space<vmem>> -> memref<1x1024xf32, #tpu.memory_space<vmem>>
    %dma_wait3A_228 = tpu.memref_squeeze %dma_wait3A_227 : memref<1x1024xf32, #tpu.memory_space<vmem>> -> memref<1024xf32, #tpu.memory_space<vmem>>
    %dma_wait3A_229 = arith.constant 0 : i32
    %dma_wait3A_230 = tpu.memref_slice %arg4[%dma_wait3A_223, %dma_wait3A_224, %add3A, %dma_wait3A_229] : memref<200x8x32x1024xf32, #tpu.memory_space<hbm>> -> memref<1x1x1x1024xf32, #tpu.memory_space<hbm>>
    %dma_wait3A_231 = tpu.memref_squeeze %dma_wait3A_230 : memref<1x1x1x1024xf32, #tpu.memory_space<hbm>> -> memref<1024xf32, #tpu.memory_space<hbm>>
    %dma_wait3A_232 = arith.constant 5120 : i32
    %dma_wait3A_233 = tpu.memref_slice %arg7[%dma_wait3A_225, %dma_wait3A_232] : memref<2x8192xf32, #tpu.memory_space<vmem>> -> memref<1x1024xf32, #tpu.memory_space<vmem>>
    %dma_wait3A_234 = tpu.memref_squeeze %dma_wait3A_233 : memref<1x1024xf32, #tpu.memory_space<vmem>> -> memref<1024xf32, #tpu.memory_space<vmem>>
    %dma_wait3A_235 = arith.constant 0 : i32
    %dma_wait3A_236 = tpu.memref_slice %arg4[%dma_wait3A_223, %dma_wait3A_224, %add3A, %dma_wait3A_235] : memref<200x8x32x1024xf32, #tpu.memory_space<hbm>> -> memref<1x1x1x1024xf32, #tpu.memory_space<hbm>>
    %dma_wait3A_237 = tpu.memref_squeeze %dma_wait3A_236 : memref<1x1x1x1024xf32, #tpu.memory_space<hbm>> -> memref<1024xf32, #tpu.memory_space<hbm>>
    tpu.wait_dma2 semaphore(%arg11 : memref<!tpu.dma_semaphore, #tpu.memory_space<semaphore_mem>>) src(%dma_wait3A_237 : memref<1024xf32, #tpu.memory_space<hbm>>) dst(%dma_wait3A_234 : memref<1024xf32, #tpu.memory_space<vmem>>)
    %dma_wait3A_238 = arith.constant 0 : i32
    %dma_wait3A_239 = arith.constant 6 : i32
    %dma_wait3A_240 = arith.constant 1 : i32
    %dma_wait3A_241 = arith.constant 6144 : i32
    %dma_wait3A_242 = tpu.memref_slice %arg7[%dma_wait3A_240, %dma_wait3A_241] : memref<2x8192xf32, #tpu.memory_space<vmem>> -> memref<1x1024xf32, #tpu.memory_space<vmem>>
    %dma_wait3A_243 = tpu.memref_squeeze %dma_wait3A_242 : memref<1x1024xf32, #tpu.memory_space<vmem>> -> memref<1024xf32, #tpu.memory_space<vmem>>
    %dma_wait3A_244 = arith.constant 0 : i32
    %dma_wait3A_245 = tpu.memref_slice %arg4[%dma_wait3A_238, %dma_wait3A_239, %add3A, %dma_wait3A_244] : memref<200x8x32x1024xf32, #tpu.memory_space<hbm>> -> memref<1x1x1x1024xf32, #tpu.memory_space<hbm>>
    %dma_wait3A_246 = tpu.memref_squeeze %dma_wait3A_245 : memref<1x1x1x1024xf32, #tpu.memory_space<hbm>> -> memref<1024xf32, #tpu.memory_space<hbm>>
    %dma_wait3A_247 = arith.constant 6144 : i32
    %dma_wait3A_248 = tpu.memref_slice %arg7[%dma_wait3A_240, %dma_wait3A_247] : memref<2x8192xf32, #tpu.memory_space<vmem>> -> memref<1x1024xf32, #tpu.memory_space<vmem>>
    %dma_wait3A_249 = tpu.memref_squeeze %dma_wait3A_248 : memref<1x1024xf32, #tpu.memory_space<vmem>> -> memref<1024xf32, #tpu.memory_space<vmem>>
    %dma_wait3A_250 = arith.constant 0 : i32
    %dma_wait3A_251 = tpu.memref_slice %arg4[%dma_wait3A_238, %dma_wait3A_239, %add3A, %dma_wait3A_250] : memref<200x8x32x1024xf32, #tpu.memory_space<hbm>> -> memref<1x1x1x1024xf32, #tpu.memory_space<hbm>>
    %dma_wait3A_252 = tpu.memref_squeeze %dma_wait3A_251 : memref<1x1x1x1024xf32, #tpu.memory_space<hbm>> -> memref<1024xf32, #tpu.memory_space<hbm>>
    tpu.wait_dma2 semaphore(%arg11 : memref<!tpu.dma_semaphore, #tpu.memory_space<semaphore_mem>>) src(%dma_wait3A_252 : memref<1024xf32, #tpu.memory_space<hbm>>) dst(%dma_wait3A_249 : memref<1024xf32, #tpu.memory_space<vmem>>)
    %dma_wait3A_253 = arith.constant 0 : i32
    %dma_wait3A_254 = arith.constant 7 : i32
    %dma_wait3A_255 = arith.constant 1 : i32
    %dma_wait3A_256 = arith.constant 7168 : i32
    %dma_wait3A_257 = tpu.memref_slice %arg7[%dma_wait3A_255, %dma_wait3A_256] : memref<2x8192xf32, #tpu.memory_space<vmem>> -> memref<1x1024xf32, #tpu.memory_space<vmem>>
    %dma_wait3A_258 = tpu.memref_squeeze %dma_wait3A_257 : memref<1x1024xf32, #tpu.memory_space<vmem>> -> memref<1024xf32, #tpu.memory_space<vmem>>
    %dma_wait3A_259 = arith.constant 0 : i32
    %dma_wait3A_260 = tpu.memref_slice %arg4[%dma_wait3A_253, %dma_wait3A_254, %add3A, %dma_wait3A_259] : memref<200x8x32x1024xf32, #tpu.memory_space<hbm>> -> memref<1x1x1x1024xf32, #tpu.memory_space<hbm>>
    %dma_wait3A_261 = tpu.memref_squeeze %dma_wait3A_260 : memref<1x1x1x1024xf32, #tpu.memory_space<hbm>> -> memref<1024xf32, #tpu.memory_space<hbm>>
    %dma_wait3A_262 = arith.constant 7168 : i32
    %dma_wait3A_263 = tpu.memref_slice %arg7[%dma_wait3A_255, %dma_wait3A_262] : memref<2x8192xf32, #tpu.memory_space<vmem>> -> memref<1x1024xf32, #tpu.memory_space<vmem>>
    %dma_wait3A_264 = tpu.memref_squeeze %dma_wait3A_263 : memref<1x1024xf32, #tpu.memory_space<vmem>> -> memref<1024xf32, #tpu.memory_space<vmem>>
    %dma_wait3A_265 = arith.constant 0 : i32
    %dma_wait3A_266 = tpu.memref_slice %arg4[%dma_wait3A_253, %dma_wait3A_254, %add3A, %dma_wait3A_265] : memref<200x8x32x1024xf32, #tpu.memory_space<hbm>> -> memref<1x1x1x1024xf32, #tpu.memory_space<hbm>>
    %dma_wait3A_267 = tpu.memref_squeeze %dma_wait3A_266 : memref<1x1x1x1024xf32, #tpu.memory_space<hbm>> -> memref<1024xf32, #tpu.memory_space<hbm>>
    tpu.wait_dma2 semaphore(%arg11 : memref<!tpu.dma_semaphore, #tpu.memory_space<semaphore_mem>>) src(%dma_wait3A_267 : memref<1024xf32, #tpu.memory_space<hbm>>) dst(%dma_wait3A_264 : memref<1024xf32, #tpu.memory_space<vmem>>)
    return
  }
}

</mosaic_0001>

<sc_bundles>
// kernel: kernel.3.cloned.1.call-start
scs
__scs_entry_jumppad:
0x0: {  	(pc) =	sbr.rel $0x88, $3  }
0x1: {  	(tag) =	ssettag $0x0;
	lr =	simm.s32 $0x1  }
0x2: {  	[smem:$0x3F9F] =	sst lr;
	_ =	strace $0xD0000000  }
0x3: {  	_ = 	snop  }
0x4: {  	_ = 	snop  }
0x5: {  	_ = 	snop  }
0x6: {  	_ = 	snop  }
0x7: {  	_ = 	snop  }
__scs_overlays_trampoline_lowered:
0x8: {  	[smem:$0x3FAE] =	sst s0  }
0x9: {  	[smem:$0x3FAF] =	sst s1  }
0xa: {  	[smem:$0x3FB0] =	sst s2  }
0xb: {  	[smem:$0x3FB1] =	sst s3  }
0xc: {  	[smem:$0x3FB2] =	sst s4  }
0xd: {  	[smem:$0x3FB3] =	sst s5  }
0xe: {  	[smem:$0x3FB4] =	sst s6  }
0xf: {  	[smem:$0x3FB5] =	sst s7  }
0x10: {  	[smem:$0x3FB6] =	sst s8  }
0x11: {  	[smem:$0x3FB7] =	sst s9;
	s0 =	simm.s32 @!p0 $0x0  }
0x12: {  	s1 =	sld [smem:$0x3F9D];
	s0 =	simm.s32 @p0 $0x1  }
0x13: {  	[smem:$0x3FB8] =	sst s0;
	s0 =	simm.s32 @!p1 $0x0  }
0x14: {  	s2 =	sld [smem:$0x3F9C];
	s0 =	simm.s32 @p1 $0x1  }
0x15: {  	[smem:$0x3FB9] =	sst s0;
	s0 =	simm.s32 @!p2 $0x0  }
0x16: {  	s3 =	sld [smem:$0x3FDB];
	s0 =	simm.s32 @p2 $0x1  }
0x17: {  	s4 =	simm.s32 $0x1BF5;
	[smem:$0x3FBB] =	sst s0  }
0x18: {  	s0 =	sld [smem:$0x3F9E];
	_ =	swait.ge [sflag:s4], $0x0  }
0x19: {  	s7 =	sld [smem:$0x3F9F]  }
0x1a: {  	s8 =	sadd.s32 $0xFFFFE003, lr  }
0x1b: {  	s9 =	sadd.s32 $0xFFFFFEF7, lr;
	s5 =	simm.s32 $0xFFFFFFFF;
	p2 =	slt.u32 s8, $0xFFFFF086  }
0x1c: {  	p1 =	slt.u32 s9, $0xF7A;
	s5 =	simm.s32 @!p2 $0x0  }
0x1d: {  	s5 =	simm.s32 @p1 $0x1;
	p0 =	seq.s32 s7, s2  }
0x1e: {  	s7 =	smul.u32 @!p0 $0xF7A, s2;
	p2 =	seq.s32 @!p0 s5, $0x0  }
0x1f: {  	s9 =	smul.u32 $0xF7A, s1;
	s8 =	simm.s32 @!p0 $0x1BF5;
	p2 =	por !p2, p0  }
0x20: {  	[sflag:s8] =	ssyncset.s32 @!p0 $0xFFFFF086;
	s6 =	sadd.s32 @!p0 s3, s7;
	s7 =	simm.s32 @!p0 $0x108  }
0x21: {  	s3 =	sadd.s32 s3, s9;
	s6 =	sadd.s32 @!p0 $0x88, s6;
	s7 =	simm.s32 @p2 $0x1082  }
0x22: {  	[simem:s7], [sflag:s8] =	dma.local @!p0 [hbm:s6], $0xF7A  }
0x23: {  	s9 =	sor.u32 $0xD0000000, s2;
	s6 =	simm.s32 $0x108;
	_ =	swait.ge @!p0 [sflag:s8], $0x0  }
0x24: {  	s3 =	sadd.s32 $0x88, s3;
	s6 =	simm.s32 @!p1 $0x1082;
	[sflag:s4] =	ssyncset.s32 $0xFFFFF086  }
0x25: {  	[simem:s6], [sflag:s4] =	dma.local [hbm:s3], $0xF7A  }
0x26: {  	[smem:$0x3F9F] =	sst s1;
	(tag) =	ssettag s2;
	_ =	strace s9  }
0x27: {  	s1 =	sld [smem:$0x3FAF]  }
0x28: {  	s2 =	sld [smem:$0x3FB0]  }
0x29: {  	s4 =	sld [smem:$0x3FB2]  }
0x2a: {  	p0 =	seq.s32 s5, $0x0;
	s5 =	sld [smem:$0x3FB3]  }
0x2b: {  	s6 =	sld [smem:$0x3FB4]  }
0x2c: {  	s7 =	sld [smem:$0x3FB5]  }
0x2d: {  	s3 =	simm.s32 $0x108;
	s8 =	sld [smem:$0x3FB6]  }
0x2e: {  	s3 =	simm.s32 @!p0 $0x1082;
	s9 =	sld [smem:$0x3FB7]  }
0x2f: {  	lr =	sadd.s32 s0, s3;
	s0 =	sld [smem:$0x3FAE]  }
0x30: {  	s3 =	sld [smem:$0x3FB1]  }
0x31: {  	[smem:$0x3FBA] =	sst s10  }
0x32: {  	s10 =	sld [smem:$0x3FB8];
	_ =	sdelay $0x3  }
0x33: {  	p0 =	seq.s32 s10, $0x1;
	s10 =	sld [smem:$0x3FBA];
	_ =	sdelay $0x3  }
0x34: {  	[smem:$0x3FBA] =	sst s10  }
0x35: {  	s10 =	sld [smem:$0x3FB9];
	_ =	sdelay $0x3  }
0x36: {  	p1 =	seq.s32 s10, $0x1;
	s10 =	sld [smem:$0x3FBA];
	_ =	sdelay $0x3  }
0x37: {  	[smem:$0x3FBA] =	sst s10  }
0x38: {  	s10 =	sld [smem:$0x3FBB]  }
0x39: {  	_ = 	snop;
	(pc) =	sbr.ind lr, $3  }
0x3a: {  	_ = 	snop  }
0x3b: {  	_ = 	snop  }
0x3c: {  	p2 =	seq.s32 s10, $0x1;
	s10 =	sld [smem:$0x3FBA]  }
0x3d: {  	_ =	shalt  }
0x3e: {  	_ =	shalt  }
0x3f: {  	_ =	shalt  }
0x40: {  	_ =	shalt  }
0x41: {  	_ =	shalt  }
0x42: {  	_ =	shalt  }
0x43: {  	_ =	shalt  }
0x44: {  	_ =	shalt  }
0x45: {  	_ =	shalt  }
0x46: {  	_ =	shalt  }
0x47: {  	_ =	shalt  }
0x48: {  	_ =	shalt  }
0x49: {  	_ =	shalt  }
0x4a: {  	_ =	shalt  }
0x4b: {  	_ =	shalt  }
0x4c: {  	_ =	shalt  }
0x4d: {  	_ =	shalt  }
0x4e: {  	_ =	shalt  }
0x4f: {  	_ =	shalt  }
0x50: {  	_ =	shalt  }
0x51: {  	_ =	shalt  }
0x52: {  	_ =	shalt  }
0x53: {  	_ =	shalt  }
0x54: {  	_ =	shalt  }
0x55: {  	_ =	shalt  }
0x56: {  	_ =	shalt  }
0x57: {  	_ =	shalt  }
0x58: {  	_ =	shalt  }
0x59: {  	_ =	shalt  }
0x5a: {  	_ =	shalt  }
0x5b: {  	_ =	shalt  }
0x5c: {  	_ =	shalt  }
0x5d: {  	_ =	shalt  }
0x5e: {  	_ =	shalt  }
0x5f: {  	_ =	shalt  }
0x60: {  	_ =	shalt  }
0x61: {  	_ =	shalt  }
0x62: {  	_ =	shalt  }
0x63: {  	_ =	shalt  }
0x64: {  	_ =	shalt  }
0x65: {  	_ =	shalt  }
0x66: {  	_ =	shalt  }
0x67: {  	_ =	shalt  }
0x68: {  	_ =	shalt  }
0x69: {  	_ =	shalt  }
0x6a: {  	_ =	shalt  }
0x6b: {  	_ =	shalt  }
0x6c: {  	_ =	shalt  }
0x6d: {  	_ =	shalt  }
0x6e: {  	_ =	shalt  }
0x6f: {  	_ =	shalt  }
0x70: {  	_ =	shalt  }
0x71: {  	_ =	shalt  }
0x72: {  	_ =	shalt  }
0x73: {  	_ =	shalt  }
0x74: {  	_ =	shalt  }
0x75: {  	_ =	shalt  }
0x76: {  	_ =	shalt  }
0x77: {  	_ =	shalt  }
0x78: {  	_ =	shalt  }
0x79: {  	_ =	shalt  }
0x7a: {  	_ =	shalt  }
0x7b: {  	_ =	shalt  }
0x7c: {  	_ =	shalt  }
0x7d: {  	_ =	shalt  }
0x7e: {  	_ =	shalt  }
0x7f: {  	_ =	shalt  }
0x80: {  	_ =	shalt  }
0x81: {  	_ =	shalt  }
0x82: {  	_ =	shalt  }
0x83: {  	_ =	shalt  }
0x84: {  	_ =	shalt  }
0x85: {  	_ =	shalt  }
0x86: {  	_ =	shalt  }
0x87: {  	_ =	shalt  }
.Lfunc_end0:
.L_simem_size_0:
called_computation_lowered:
.L_overlay_start_0:
0x88: {  	s2 =	sld [smem:$0x3FD9]  }
0x89: {  	s3 =	sld [smem:$0x3FFE];
	_ =	sdelay $0x1  }
0x8a: {  	s1 =	srdreg.scid  }
0x8b: {  	s0 =	sand.u32 $0x1, s1  }
0x8c: {  	s17 =	sshll.u32 s0, $0xA;
	s2 =	sadd.s32 s3, s2  }
0x8d: {  	s2 =	sadd.s32 s2, s17  }
0x8e: {  	[smem:$0x3FC6] =	sst s2  }
0x8f: {  	_ = 	snop  }
0x90: {  	s2 =	sld [smem:$0x3FD0];
	(tm) =	ssettm $0x1  }
0x91: {  	s18 =	sld [smem:$0x3FFB];
	_ =	sdelay $0x3  }
0x92: {  	_ =	strace s18  }
0x93: {  	s3 =	sld [smem:$0x3FFC];
	_ =	sdelay $0x3  }
0x94: {  	_ =	strace s3  }
0x95: {  	s3 =	sld [smem:$0x3FFD];
	_ =	sdelay $0x3  }
0x96: {  	_ =	strace s3  }
0x97: {  	_ =	strace $0x8FFFFFFF  }
0x98: {  	s19 =	sld [smem:$0x3FDB];
	_ =	sdelay $0x1  }
0x99: {  	s4 =	simm.s32 $_scs_section_size  }
0x9a: {  	s5 =	simm.s32 $_size__tile_overlayer_lowered;
	s6 =	simm.s32 $_tile_overlayer_lowered  }
0x9b: {  	s22 =	simm.s32 $0x1BFF;
	s21 =	sshll.u32 s6, $0x1;
	s3 =	sadd.s32 s4, s19  }
0x9c: {  	s7 =	simm.s32 $0x0;
	s20 =	sshll.u32 s5, $0x1;
	s5 =	sadd.s32 s21, s3  }
0x9d: {  	[timem:s7], [sflag:s22] =	dma.local [hbm:s5], s20  }
0x9e: {  	_ =	swait.ge [sflag:s22], s20  }
0x9f: {  	s4 =	ssub.s32 $0x0, s20;
	[sflag:s22] =	ssyncset.done $0x0  }
0xa0: {  	[sflag:s22] =	ssyncadd.s32 s4;
	_ =	sdelay $0x1  }
0xa1: {  	s23 =	simm.s32 $0x1B8B  }
0xa2: {  	_ =	swait.ge [sflag:s23], $0x1  }
0xa3: {  	[sflag:s23] =	ssyncset.done $0x0  }
0xa4: {  	s25 =	simm.s32 $0x1B8E;
	s24 =	sld [smem:$0x3FFE];
	[sflag:s23] =	ssyncadd.s32 $0xFFFFFFFF  }
0xa5: {  	s26 =	simm.s32 $execute0_lowered;
	[smem:$0x3FD2] =	sst s25  }
0xa6: {  	s5 =	sshll.u32 s26, $0x1;
	_ =	strace $0x80000046;
	[dreg:$0x1] =	wrdreg $0xFFFFFFFF  }
0xa7: {  	s28 =	simm.s32 $_size_execute0_lowered;
	s3 =	sadd.s32 s3, s5;
	[dreg:$0x0] =	wrdreg $0x0  }
0xa8: {  	s5 =	sshll.u32 s28, $0x1;
	[dreg:$0x2] =	wrdreg s3  }
0xa9: {  	[dreg:$0x3] =	wrdreg s5  }
0xaa: {  	[dreg:$0x4] =	wrdreg $0xC0  }
0xab: {  	_ =	task [dreg:s7], $0x5FFFF  }
0xac: {  	[dreg:$0x1] =	wrdreg $0xFFFFFFFF  }
0xad: {  	[dreg:$0x0] =	wrdreg $0x60  }
0xae: {  	[dreg:$0x2] =	wrdreg s24  }
0xaf: {  	[dreg:$0x3] =	wrdreg s2  }
0xb0: {  	[dreg:$0x4] =	wrdreg $0x9  }
0xb1: {  	_ =	task.clear_ibuf [dreg:s7], $0x5FFFF;
	_ =	strace $0x90000046  }
0xb2: {  	s29 =	simm.s32 $0x9;
	_ =	strace $0x80000048  }
0xb3: {  	_ =	swait.ge [sflag:s29], $0x1  }
0xb4: {  	[sflag:s29] =	ssyncadd.s32 $0xFFFFFFFF  }
0xb5: {  	_ =	strace $0x90000048  }
0xb6: {  	_ =	sfence  }
0xb7: {  	s30 =	sld [smem:$0x0];
	_ =	sdelay $0x2  }
0xb8: {  	s31 =	sshll.u32 s1, $0xD;
	s1 =	sshrl.u32 s1, $0x2  }
0xb9: {  	s3 =	sand.u32 $0x4000, s31;
	s1 =	sadd.s32 s1, s30  }
0xba: {  	s0 =	sor.u32 s3, s0;
	s1 =	sshll.u32 s1, $0x11  }
0xbb: {  	s0 =	sor.u32 s1, s0  }
0xbc: {  	s0 =	sadd.s32 $0x8F2B, s0  }
0xbd: {  	[sflag:s0] =	ssyncadd.remote.s32 $0x1  }
0xbe: {  	_ =	sfence.sel $0xFFFF  }
0xbf: {  	[dreg:$0x0] =	wrdreg $0xFFFFFFFF;
	(pc) =	sbr.abs _section_cstart, $3  }
0xc0: {  	[dreg:$0x1] =	wrdreg $0xFFFFFFFF  }
0xc1: {  	_ =	task.clear_ibuf [dreg:s7], $0x2FFFF;
	_ =	strace $0x9FFFFFFF  }
0xc2: {  	(tm) =	ssettm $0x7FFFFFFF  }
0xc3: {  	_ =	shalt  }
tec
execute0_lowered:
.L_overlay_start_1:
0x0: {  	(tag) =	ssettag $0x1  }
0x1: {  	s0 =	srdreg.scid  }
0x2: {  	s2 =	stileid.u32;
	s1 =	rddreg [dreg:$0x0];
	s16 =	simm.s32 $0x6400  }
0x3: {  	s17 =	simm.s32 $0x8400;
	s18 =	simm.s32 $0x1;
	s28 =	simm.s32 $0x2  }
0x4: {  	s31 =	simm.s32 $0xCC00;
	s14 =	simm.s32 $0xDC00;
	s15 =	simm.s32 $0xE000  }
0x5: {  	s21 =	simm.s32 $0x0;
	s0 =	sand.u32 $0x1, s0;
	s3 =	sshll.u32 s2, $0x1  }
0x6: {  	s2 =	rddreg [dreg:$0x1];
	s5 =	sor.u32 s0, s3;
	s3 =	simm.s32 $0x0  }
0x7: {  	s0 =	ssub.s32 $0x2, s0;
	s8 =	sadd.s32 $0x2000, s2;
	s9 =	sadd.s32 $0x3000, s2  }
0x8: {  	s10 =	sadd.s32 $0x4000, s2;
	s11 =	sadd.s32 $0x5000, s2;
	s12 =	sadd.s32 $0x6000, s2  }
0x9: {  	s13 =	sadd.s32 $0x7000, s2;
	s4 =	smul.u32 $0xC80, s5;
	[smem:$0x7FF] =	sst s3  }
.Ltmp0:
0xa: {  	s7 =	sshrl.u32 s0, $0x1;
	_ =	strace $0x80000047;
	(pc) =	sbr.rel .LBB2_1-.Ltmp0, $4  }
0xb: {  	s0 =	ssub.s32 s0, s7;
	s7 =	sadd.s32 $0x1000, s2;
	s6 =	sadd.s32 s4, s1  }
0xc: {  	s4 =	sadd.s32 $0xF42A00, s1;
	s0 =	smax.u32 s0, $0x1;
	s1 =	simm.s32 $0xD000  }
0xd: {  	v0 =	vlaneseq.u32;
	s30 =	sadd.s32 $0x600, s6;
	s6 =	sshll.u32 s5, $0xA;
	[dreg:$0x4] =	wrdreg s0  }
0xe: {  	v1 =	vimm.f32 $0.0e+00;
	v0 =	vmul.u32 $0x40, v0;
	s0 =	simm.s32 $0xD400;
	s5 =	simm.s32 $0xD800;
	[dreg:$0x3] =	wrdreg s30  }
.LBB2_11:
0xf: {  	s19 =	simm.s32 $0x3  }
0x10: {  	_ =	swait.ge [sflag:s19], $0x400  }
0x11: {  	[sflag:s19] =	ssyncset.done $0x0  }
0x12: {  	[sflag:s19] =	ssyncadd.s32 $0xFFFFFC00  }
0x13: {  	_ =	swait.ge [sflag:s19], $0x400  }
0x14: {  	[sflag:s19] =	ssyncset.done $0x0  }
0x15: {  	[sflag:s19] =	ssyncadd.s32 $0xFFFFFC00  }
0x16: {  	_ =	swait.ge [sflag:s19], $0x400  }
0x17: {  	[sflag:s19] =	ssyncset.done $0x0  }
0x18: {  	[sflag:s19] =	ssyncadd.s32 $0xFFFFFC00  }
0x19: {  	_ =	swait.ge [sflag:s19], $0x400  }
0x1a: {  	[sflag:s19] =	ssyncset.done $0x0  }
0x1b: {  	[sflag:s19] =	ssyncadd.s32 $0xFFFFFC00  }
0x1c: {  	_ =	swait.ge [sflag:s19], $0x400  }
0x1d: {  	[sflag:s19] =	ssyncset.done $0x0  }
0x1e: {  	[sflag:s19] =	ssyncadd.s32 $0xFFFFFC00  }
0x1f: {  	_ =	swait.ge [sflag:s19], $0x400  }
0x20: {  	[sflag:s19] =	ssyncset.done $0x0  }
0x21: {  	[sflag:s19] =	ssyncadd.s32 $0xFFFFFC00  }
0x22: {  	_ =	swait.ge [sflag:s19], $0x400  }
0x23: {  	[sflag:s19] =	ssyncset.done $0x0  }
0x24: {  	[sflag:s19] =	ssyncadd.s32 $0xFFFFFC00  }
0x25: {  	_ =	swait.ge [sflag:s19], $0x400  }
0x26: {  	[sflag:s19] =	ssyncset.done $0x0  }
0x27: {  	s20 =	simm.s32 $0x4;
	[sflag:s19] =	ssyncadd.s32 $0xFFFFFC00  }
0x28: {  	_ =	swait.ge [sflag:s20], $0x400  }
0x29: {  	[sflag:s20] =	ssyncset.done $0x0  }
0x2a: {  	[sflag:s20] =	ssyncadd.s32 $0xFFFFFC00  }
0x2b: {  	_ =	swait.ge [sflag:s20], $0x400  }
0x2c: {  	[sflag:s20] =	ssyncset.done $0x0  }
0x2d: {  	[sflag:s20] =	ssyncadd.s32 $0xFFFFFC00  }
0x2e: {  	_ =	swait.ge [sflag:s20], $0x400  }
0x2f: {  	[sflag:s20] =	ssyncset.done $0x0  }
0x30: {  	[sflag:s20] =	ssyncadd.s32 $0xFFFFFC00  }
0x31: {  	_ =	swait.ge [sflag:s20], $0x400  }
0x32: {  	[sflag:s20] =	ssyncset.done $0x0  }
0x33: {  	[sflag:s20] =	ssyncadd.s32 $0xFFFFFC00  }
0x34: {  	_ =	swait.ge [sflag:s20], $0x400  }
0x35: {  	[sflag:s20] =	ssyncset.done $0x0  }
0x36: {  	[sflag:s20] =	ssyncadd.s32 $0xFFFFFC00  }
0x37: {  	_ =	swait.ge [sflag:s20], $0x400  }
0x38: {  	[sflag:s20] =	ssyncset.done $0x0  }
0x39: {  	[sflag:s20] =	ssyncadd.s32 $0xFFFFFC00  }
0x3a: {  	_ =	swait.ge [sflag:s20], $0x400  }
0x3b: {  	[sflag:s20] =	ssyncset.done $0x0  }
0x3c: {  	[sflag:s20] =	ssyncadd.s32 $0xFFFFFC00  }
0x3d: {  	_ =	swait.ge [sflag:s20], $0x400  }
0x3e: {  	s21 =	rddreg [dreg:$0x5]  }
0x3f: {  	s30 =	rddreg [dreg:$0x4];
	s21 =	sadd.s32 $0x1, s21  }
0x40: {  	p0 =	sne.s32 s21, s30  }
.Ltmp1:
0x41: {  	_ = 	snop;
	(pc) =	sbr.rel @!p0 .LBB2_12-.Ltmp1, $3  }
0x42: {  	_ =	sdelay $0x1  }
0x43: {  	[sflag:s20] =	ssyncset.done $0x0  }
0x44: {  	[sflag:s20] =	ssyncadd.s32 $0xFFFFFC00  }
.LBB2_1:
0x45: {  	[dreg:$0x5] =	wrdreg s21  }
0x46: {  	s19 =	rddreg [dreg:$0x3];
	s30 =	simm.s32 $0x5  }
0x47: {  	[tilespmem:s3], [sflag:$0x5] =	stream.linear.gather [hbm4b:s19+s3], $0x6400, $0x38;
	[tilespmem:$0xE400] =	vst v63  }
0x48: {  	_ =	swait.ge [sflag:s30], $0x6400  }
.Ltmp2:
0x49: {  	[sflag:s30] =	ssyncset.done $0x0;
	(pc) =	sbr.rel .LBB2_2-.Ltmp2, $4  }
0x4a: {  	s19 =	simm.s32 $0x80;
	[sflag:s30] =	ssyncadd.s32 $0xFFFF9C00  }
0x4b: {  	[tilespmem:s16], [sflag:$0x1] =	stream.indirect.gather [hbm4b:s4+s19], $0x40, s3, s19, $0xb8;
	[tilespmem:$0xE400] =	vst v63  }
0x4c: {  	s29 =	simm.s32 $0x0;
	s21 =	simm.s32 $0x0  }
0x4d: {  	[tilespmem:s17], [sflag:$0x2] =	stream.indirect.gather [hbm4b:s4+s19], $0x40, s19, s19, $0xb8;
	[tilespmem:$0xE400] =	vst v63  }
.LBB2_10:
0x4e: {  	s20 =	sadd.s32 @!p1 $0x180, s22  }
0x4f: {  	s22 =	simm.s32 @!p1 $0x80;
	s24 =	simm.s32 @!p1 $0x8400;
	s23 =	sshll.u32 s23, $0x12  }
0x50: {  	[tilespmem:s24], [sflag:$0x2] =	stream.indirect.gather @!p1 [hbm4b:s4+s22], $0x40, s20, s22, $0xb8;
	[tilespmem:$0xE400] =	vst v63  }
0x51: {  	s20 =	sor.u32 s6, s23  }
0x52: {  	s20 =	sshrl.u32 s20, $0x3  }
0x53: {  	s25 =	simm.s32 $0xC400;
	s24 =	sadd.s32 s2, s20  }
0x54: {  	[hbm4b:s24+s3] =	stream.linear.scatter [tilespmem:s25], [sflag:$0x4], $0x400, $0x38;
	[tilespmem:$0xE400] =	vst v63  }
0x55: {  	s30 =	simm.s32 $0xC800;
	s26 =	sadd.s32 s20, s7  }
0x56: {  	[hbm4b:s26+s3] =	stream.linear.scatter [tilespmem:s30], [sflag:$0x4], $0x400, $0x38;
	[tilespmem:$0xE400] =	vst v63  }
0x57: {  	s23 =	sadd.s32 s20, s8  }
0x58: {  	[hbm4b:s23+s3] =	stream.linear.scatter [tilespmem:s31], [sflag:$0x4], $0x400, $0x38;
	[tilespmem:$0xE400] =	vst v63  }
0x59: {  	s24 =	sadd.s32 s20, s9  }
0x5a: {  	[hbm4b:s24+s3] =	stream.linear.scatter [tilespmem:s1], [sflag:$0x4], $0x400, $0x38;
	[tilespmem:$0xE400] =	vst v63  }
0x5b: {  	s21 =	sadd.s32 $0x1, s21;
	s25 =	sadd.s32 s20, s10  }
0x5c: {  	[hbm4b:s25+s3] =	stream.linear.scatter [tilespmem:s0], [sflag:$0x4], $0x400, $0x38;
	[tilespmem:$0xE400] =	vst v63  }
0x5d: {  	p0 =	sne.s32 s21, $0x64;
	s26 =	sadd.s32 s20, s11  }
0x5e: {  	[hbm4b:s26+s3] =	stream.linear.scatter [tilespmem:s5], [sflag:$0x4], $0x400, $0x38;
	[tilespmem:$0xE400] =	vst v63  }
.Ltmp3:
0x5f: {  	_ = 	snop;
	(pc) =	sbr.rel @!p0 .LBB2_11-.Ltmp3, $4  }
0x60: {  	s30 =	sadd.s32 s20, s12  }
0x61: {  	[hbm4b:s30+s3] =	stream.linear.scatter [tilespmem:s14], [sflag:$0x4], $0x400, $0x38;
	[tilespmem:$0xE400] =	vst v63  }
0x62: {  	s29 =	sadd.s32 $0x100, s29;
	s19 =	sadd.s32 $0x100, s19;
	s20 =	sadd.s32 s20, s13  }
0x63: {  	[hbm4b:s20+s3] =	stream.linear.scatter [tilespmem:s15], [sflag:$0x4], $0x400, $0x38;
	[tilespmem:$0xE400] =	vst v63  }
.LBB2_2:
0x64: {  	_ =	swait.ge [sflag:s18], $0x2000  }
0x65: {  	p0 =	seq.s32 s21, $0x0;
	[sflag:s18] =	ssyncset.done $0x0  }
0x66: {  	s20 =	simm.s32 @!p0 $0x3;
	[sflag:s18] =	ssyncadd.s32 $0xFFFFE000  }
0x67: {  	_ =	swait.ge @!p0 [sflag:s20], $0x400  }
0x68: {  	[sflag:s20] =	ssyncset.done @!p0 $0x0  }
0x69: {  	[sflag:s20] =	ssyncadd.s32 @!p0 $0xFFFFFC00  }
0x6a: {  	_ =	swait.ge @!p0 [sflag:s20], $0x400  }
0x6b: {  	[sflag:s20] =	ssyncset.done @!p0 $0x0  }
0x6c: {  	[sflag:s20] =	ssyncadd.s32 @!p0 $0xFFFFFC00  }
0x6d: {  	_ =	swait.ge @!p0 [sflag:s20], $0x400  }
0x6e: {  	[sflag:s20] =	ssyncset.done @!p0 $0x0  }
0x6f: {  	[sflag:s20] =	ssyncadd.s32 @!p0 $0xFFFFFC00  }
0x70: {  	_ =	swait.ge @!p0 [sflag:s20], $0x400  }
0x71: {  	[sflag:s20] =	ssyncset.done @!p0 $0x0  }
0x72: {  	[sflag:s20] =	ssyncadd.s32 @!p0 $0xFFFFFC00  }
0x73: {  	_ =	swait.ge @!p0 [sflag:s20], $0x400  }
0x74: {  	[sflag:s20] =	ssyncset.done @!p0 $0x0  }
0x75: {  	[sflag:s20] =	ssyncadd.s32 @!p0 $0xFFFFFC00  }
0x76: {  	_ =	swait.ge @!p0 [sflag:s20], $0x400  }
0x77: {  	[sflag:s20] =	ssyncset.done @!p0 $0x0  }
0x78: {  	[sflag:s20] =	ssyncadd.s32 @!p0 $0xFFFFFC00  }
0x79: {  	_ =	swait.ge @!p0 [sflag:s20], $0x400  }
.Ltmp4:
0x7a: {  	[sflag:s20] =	ssyncset.done @!p0 $0x0;
	(pc) =	sbr.rel .LBB2_3-.Ltmp4, $4  }
0x7b: {  	s22 =	sshll.u32 s21, $0x8;
	[sflag:s20] =	ssyncadd.s32 @!p0 $0xFFFFFC00  }
0x7c: {  	s23 =	sshll.u32 s21, $0x1;
	s24 =	simm.s32 $0x0;
	_ =	swait.ge @!p0 [sflag:s20], $0x400  }
0x7d: {  	s25 =	simm.s32 $0x6600;
	s26 =	simm.s32 $0xA600;
	[sflag:s20] =	ssyncset.done @!p0 $0x0  }
0x7e: {  	s22 =	sand.u32 $0x3FFFFF00, s22;
	[sflag:s20] =	ssyncadd.s32 @!p0 $0xFFFFFC00;
	s20 =	smov.u32 s29  }
.LBB2_5:
0x7f: {  	v2 =	vld [tilespmem:s25+$0xFFFFFE00];
	_ =	sdelay $0x4  }
0x80: {  	[tilespmem:s26+$0xFFFFFE00] =	vst v2  }
0x81: {  	v2 =	vld [tilespmem:s25+$0xFFFFFE10];
	_ =	sdelay $0x4  }
0x82: {  	[tilespmem:s26+$0xFFFFFE10] =	vst v2  }
0x83: {  	v2 =	vld [tilespmem:s25+$0xFFFFFE20];
	_ =	sdelay $0x4  }
0x84: {  	[tilespmem:s26+$0xFFFFFE20] =	vst v2  }
0x85: {  	v2 =	vld [tilespmem:s25+$0xFFFFFE30];
	_ =	sdelay $0x4  }
0x86: {  	[tilespmem:s26+$0xFFFFFE30] =	vst v2  }
0x87: {  	v2 =	vld [tilespmem:s25+$0xFFFFFE40];
	_ =	sdelay $0x4  }
0x88: {  	[tilespmem:s26+$0xFFFFFE40] =	vst v2  }
0x89: {  	v2 =	vld [tilespmem:s25+$0xFFFFFE50];
	_ =	sdelay $0x4  }
0x8a: {  	[tilespmem:s26+$0xFFFFFE50] =	vst v2  }
0x8b: {  	v2 =	vld [tilespmem:s25+$0xFFFFFE60];
	_ =	sdelay $0x4  }
0x8c: {  	[tilespmem:s26+$0xFFFFFE60] =	vst v2  }
0x8d: {  	v2 =	vld [tilespmem:s25+$0xFFFFFE70];
	_ =	sdelay $0x4  }
0x8e: {  	[tilespmem:s26+$0xFFFFFE70] =	vst v2  }
0x8f: {  	v2 =	vld [tilespmem:s25+$0xFFFFFE80];
	_ =	sdelay $0x4  }
0x90: {  	[tilespmem:s26+$0xFFFFFE80] =	vst v2  }
0x91: {  	v2 =	vld [tilespmem:s25+$0xFFFFFE90];
	_ =	sdelay $0x4  }
0x92: {  	[tilespmem:s26+$0xFFFFFE90] =	vst v2  }
0x93: {  	v2 =	vld [tilespmem:s25+$0xFFFFFEA0];
	_ =	sdelay $0x4  }
0x94: {  	[tilespmem:s26+$0xFFFFFEA0] =	vst v2  }
0x95: {  	v2 =	vld [tilespmem:s25+$0xFFFFFEB0];
	_ =	sdelay $0x4  }
0x96: {  	[tilespmem:s26+$0xFFFFFEB0] =	vst v2  }
0x97: {  	v2 =	vld [tilespmem:s25+$0xFFFFFEC0];
	_ =	sdelay $0x4  }
0x98: {  	[tilespmem:s26+$0xFFFFFEC0] =	vst v2  }
0x99: {  	v2 =	vld [tilespmem:s25+$0xFFFFFED0];
	_ =	sdelay $0x4  }
0x9a: {  	[tilespmem:s26+$0xFFFFFED0] =	vst v2  }
0x9b: {  	v2 =	vld [tilespmem:s25+$0xFFFFFEE0];
	_ =	sdelay $0x4  }
0x9c: {  	[tilespmem:s26+$0xFFFFFEE0] =	vst v2  }
0x9d: {  	v2 =	vld [tilespmem:s25+$0xFFFFFEF0];
	_ =	sdelay $0x4  }
0x9e: {  	[tilespmem:s26+$0xFFFFFEF0] =	vst v2  }
0x9f: {  	v2 =	vld [tilespmem:s25+$0xFFFFFF00];
	_ =	sdelay $0x4  }
0xa0: {  	[tilespmem:s26+$0xFFFFFF00] =	vst v2  }
0xa1: {  	v2 =	vld [tilespmem:s25+$0xFFFFFF10];
	_ =	sdelay $0x4  }
0xa2: {  	[tilespmem:s26+$0xFFFFFF10] =	vst v2  }
0xa3: {  	v2 =	vld [tilespmem:s25+$0xFFFFFF20];
	_ =	sdelay $0x4  }
0xa4: {  	[tilespmem:s26+$0xFFFFFF20] =	vst v2  }
0xa5: {  	v2 =	vld [tilespmem:s25+$0xFFFFFF30];
	_ =	sdelay $0x4  }
0xa6: {  	[tilespmem:s26+$0xFFFFFF30] =	vst v2  }
0xa7: {  	v2 =	vld [tilespmem:s25+$0xFFFFFF40];
	_ =	sdelay $0x4  }
0xa8: {  	[tilespmem:s26+$0xFFFFFF40] =	vst v2  }
0xa9: {  	v2 =	vld [tilespmem:s25+$0xFFFFFF50];
	_ =	sdelay $0x4  }
0xaa: {  	[tilespmem:s26+$0xFFFFFF50] =	vst v2  }
0xab: {  	v2 =	vld [tilespmem:s25+$0xFFFFFF60];
	_ =	sdelay $0x4  }
0xac: {  	[tilespmem:s26+$0xFFFFFF60] =	vst v2  }
0xad: {  	v2 =	vld [tilespmem:s25+$0xFFFFFF70];
	_ =	sdelay $0x4  }
0xae: {  	[tilespmem:s26+$0xFFFFFF70] =	vst v2  }
0xaf: {  	v2 =	vld [tilespmem:s25+$0xFFFFFF80];
	_ =	sdelay $0x4  }
0xb0: {  	[tilespmem:s26+$0xFFFFFF80] =	vst v2  }
0xb1: {  	v2 =	vld [tilespmem:s25+$0xFFFFFF90];
	_ =	sdelay $0x4  }
0xb2: {  	[tilespmem:s26+$0xFFFFFF90] =	vst v2  }
0xb3: {  	v2 =	vld [tilespmem:s25+$0xFFFFFFA0];
	_ =	sdelay $0x4  }
0xb4: {  	[tilespmem:s26+$0xFFFFFFA0] =	vst v2  }
0xb5: {  	v2 =	vld [tilespmem:s25+$0xFFFFFFB0];
	_ =	sdelay $0x4  }
0xb6: {  	[tilespmem:s26+$0xFFFFFFB0] =	vst v2  }
0xb7: {  	v2 =	vld [tilespmem:s25+$0xFFFFFFC0];
	_ =	sdelay $0x4  }
0xb8: {  	[tilespmem:s26+$0xFFFFFFC0] =	vst v2  }
0xb9: {  	v2 =	vld [tilespmem:s25+$0xFFFFFFD0];
	_ =	sdelay $0x4  }
0xba: {  	[tilespmem:s26+$0xFFFFFFD0] =	vst v2  }
0xbb: {  	v2 =	vld [tilespmem:s25+$0xFFFFFFE0];
	_ =	sdelay $0x4  }
0xbc: {  	[tilespmem:s26+$0xFFFFFFE0] =	vst v2  }
0xbd: {  	v2 =	vld [tilespmem:s25+$0xFFFFFFF0];
	_ =	sdelay $0x4  }
0xbe: {  	[tilespmem:s26+$0xFFFFFFF0] =	vst v2  }
0xbf: {  	v2 =	vld [tilespmem:s25+$0x0];
	_ =	sdelay $0x4  }
0xc0: {  	[tilespmem:s26+$0x0] =	vst v2  }
0xc1: {  	v2 =	vld [tilespmem:s25+$0x10];
	_ =	sdelay $0x4  }
0xc2: {  	[tilespmem:s26+$0x10] =	vst v2  }
0xc3: {  	v2 =	vld [tilespmem:s25+$0x20];
	_ =	sdelay $0x4  }
0xc4: {  	[tilespmem:s26+$0x20] =	vst v2  }
0xc5: {  	v2 =	vld [tilespmem:s25+$0x30];
	_ =	sdelay $0x4  }
0xc6: {  	[tilespmem:s26+$0x30] =	vst v2  }
0xc7: {  	v2 =	vld [tilespmem:s25+$0x40];
	_ =	sdelay $0x4  }
0xc8: {  	[tilespmem:s26+$0x40] =	vst v2  }
0xc9: {  	v2 =	vld [tilespmem:s25+$0x50];
	_ =	sdelay $0x4  }
0xca: {  	[tilespmem:s26+$0x50] =	vst v2  }
0xcb: {  	v2 =	vld [tilespmem:s25+$0x60];
	_ =	sdelay $0x4  }
0xcc: {  	[tilespmem:s26+$0x60] =	vst v2  }
0xcd: {  	v2 =	vld [tilespmem:s25+$0x70];
	_ =	sdelay $0x4  }
0xce: {  	[tilespmem:s26+$0x70] =	vst v2  }
0xcf: {  	v2 =	vld [tilespmem:s25+$0x80];
	_ =	sdelay $0x4  }
0xd0: {  	[tilespmem:s26+$0x80] =	vst v2  }
0xd1: {  	v2 =	vld [tilespmem:s25+$0x90];
	_ =	sdelay $0x4  }
0xd2: {  	[tilespmem:s26+$0x90] =	vst v2  }
0xd3: {  	v2 =	vld [tilespmem:s25+$0xA0];
	_ =	sdelay $0x4  }
0xd4: {  	[tilespmem:s26+$0xA0] =	vst v2  }
0xd5: {  	v2 =	vld [tilespmem:s25+$0xB0];
	_ =	sdelay $0x4  }
0xd6: {  	[tilespmem:s26+$0xB0] =	vst v2  }
0xd7: {  	v2 =	vld [tilespmem:s25+$0xC0];
	_ =	sdelay $0x4  }
0xd8: {  	[tilespmem:s26+$0xC0] =	vst v2  }
0xd9: {  	v2 =	vld [tilespmem:s25+$0xD0];
	_ =	sdelay $0x4  }
0xda: {  	[tilespmem:s26+$0xD0] =	vst v2  }
0xdb: {  	v2 =	vld [tilespmem:s25+$0xE0];
	_ =	sdelay $0x4  }
0xdc: {  	[tilespmem:s26+$0xE0] =	vst v2  }
0xdd: {  	v2 =	vld [tilespmem:s25+$0xF0];
	_ =	sdelay $0x4  }
0xde: {  	[tilespmem:s26+$0xF0] =	vst v2  }
0xdf: {  	v2 =	vld [tilespmem:s25+$0x100];
	_ =	sdelay $0x4  }
0xe0: {  	[tilespmem:s26+$0x100] =	vst v2  }
0xe1: {  	v2 =	vld [tilespmem:s25+$0x110];
	_ =	sdelay $0x4  }
0xe2: {  	[tilespmem:s26+$0x110] =	vst v2  }
0xe3: {  	v2 =	vld [tilespmem:s25+$0x120];
	_ =	sdelay $0x4  }
0xe4: {  	[tilespmem:s26+$0x120] =	vst v2  }
0xe5: {  	v2 =	vld [tilespmem:s25+$0x130];
	_ =	sdelay $0x4  }
0xe6: {  	[tilespmem:s26+$0x130] =	vst v2  }
0xe7: {  	v2 =	vld [tilespmem:s25+$0x140];
	_ =	sdelay $0x4  }
0xe8: {  	[tilespmem:s26+$0x140] =	vst v2  }
0xe9: {  	v2 =	vld [tilespmem:s25+$0x150];
	_ =	sdelay $0x4  }
0xea: {  	[tilespmem:s26+$0x150] =	vst v2  }
0xeb: {  	v2 =	vld [tilespmem:s25+$0x160];
	_ =	sdelay $0x4  }
0xec: {  	[tilespmem:s26+$0x160] =	vst v2  }
0xed: {  	v2 =	vld [tilespmem:s25+$0x170];
	_ =	sdelay $0x4  }
0xee: {  	[tilespmem:s26+$0x170] =	vst v2  }
0xef: {  	v2 =	vld [tilespmem:s25+$0x180];
	_ =	sdelay $0x4  }
0xf0: {  	[tilespmem:s26+$0x180] =	vst v2  }
0xf1: {  	v2 =	vld [tilespmem:s25+$0x190];
	_ =	sdelay $0x4  }
0xf2: {  	[tilespmem:s26+$0x190] =	vst v2  }
0xf3: {  	v2 =	vld [tilespmem:s25+$0x1A0];
	_ =	sdelay $0x4  }
0xf4: {  	[tilespmem:s26+$0x1A0] =	vst v2  }
0xf5: {  	v2 =	vld [tilespmem:s25+$0x1B0];
	_ =	sdelay $0x4  }
0xf6: {  	[tilespmem:s26+$0x1B0] =	vst v2  }
0xf7: {  	v2 =	vld [tilespmem:s25+$0x1C0];
	_ =	sdelay $0x4  }
0xf8: {  	[tilespmem:s26+$0x1C0] =	vst v2  }
0xf9: {  	v2 =	vld [tilespmem:s25+$0x1D0];
	_ =	sdelay $0x4  }
0xfa: {  	[tilespmem:s26+$0x1D0] =	vst v2  }
0xfb: {  	v2 =	vld [tilespmem:s25+$0x1E0];
	_ =	sdelay $0x4  }
0xfc: {  	s24 =	sadd.s32 $0x10, s24;
	[tilespmem:s26+$0x1E0] =	vst v2  }
0xfd: {  	p1 =	sne.s32 s24, $0x80;
	v2 =	vld [tilespmem:s25+$0x1F0]  }
.Ltmp5:
0xfe: {  	_ = 	snop;
	(pc) =	sbr.rel @!p1 .LBB2_6-.Ltmp5, $2  }
0xff: {  	_ =	sdelay $0x2  }
0x100: {  	s20 =	sadd.s32 $0x10, s20;
	s25 =	sadd.s32 $0x400, s25;
	[tilespmem:s26+$0x1F0] =	vst v2;
	s26 =	sadd.s32 $0x400, s26  }
.LBB2_3:
0x101: {  	v2 =	vld [tilespmem:s20+$0x0];
	_ =	sdelay $0x4  }
0x102: {  	vm0 =	veq.s32 v2, $0x0  }
0x103: {  	v2 =	vmpcnt.ones.xlane vm0;
	_ =	sdelay $0x1  }
0x104: {  	(v2sf) =	vpush v2, $0x0;
	_ =	sdelay $0xe  }
0x105: {  	s30 =	spop (v2sf)  }
0x106: {  	p1 =	slt.s32 s30, $0x1  }
.Ltmp6:
0x107: {  	_ = 	snop;
	(pc) =	sbr.rel @p1 .LBB2_5-.Ltmp6, $1  }
0x108: {  	_ =	sdelay $0x3  }
0x109: {  	v2 =	vmov s24  }
0x10a: {  	v2 =	vshll.u32 v2, $0x6  }
0x10b: {  	v2 =	vor.u32 v0, v2  }
0x10c: {  	v3 =	vor.u32 $0x1, v2  }
0x10d: {  	v4 =	vor.u32 $0x2, v2  }
0x10e: {  	v5 =	vor.u32 $0x3, v2  }
0x10f: {  	v6 =	vor.u32 $0x4, v2  }
0x110: {  	v7 =	vor.u32 $0x5, v2;
	[tilespmem:v2+s16+$0x0] =	vst.idx.msk vm0, v1  }
0x111: {  	[tilespmem:v3+s16+$0x0] =	vst.idx.msk vm0, v1;
	v3 =	vor.u32 $0x6, v2  }
0x112: {  	v19 =	vor.u32 $0x7, v2;
	[tilespmem:v4+s16+$0x0] =	vst.idx.msk vm0, v1  }
0x113: {  	v20 =	vor.u32 $0x8, v2;
	[tilespmem:v5+s16+$0x0] =	vst.idx.msk vm0, v1  }
0x114: {  	v21 =	vor.u32 $0x9, v2;
	[tilespmem:v6+s16+$0x0] =	vst.idx.msk vm0, v1  }
0x115: {  	v22 =	vor.u32 $0xA, v2;
	[tilespmem:v7+s16+$0x0] =	vst.idx.msk vm0, v1  }
0x116: {  	[tilespmem:v3+s16+$0x0] =	vst.idx.msk vm0, v1;
	v3 =	vor.u32 $0xB, v2  }
0x117: {  	v23 =	vor.u32 $0xC, v2;
	[tilespmem:v19+s16+$0x0] =	vst.idx.msk vm0, v1  }
0x118: {  	v24 =	vor.u32 $0xD, v2;
	[tilespmem:v20+s16+$0x0] =	vst.idx.msk vm0, v1  }
0x119: {  	v25 =	vor.u32 $0xE, v2;
	[tilespmem:v21+s16+$0x0] =	vst.idx.msk vm0, v1  }
0x11a: {  	v26 =	vor.u32 $0xF, v2;
	[tilespmem:v22+s16+$0x0] =	vst.idx.msk vm0, v1  }
0x11b: {  	[tilespmem:v3+s16+$0x0] =	vst.idx.msk vm0, v1;
	v3 =	vor.u32 $0x10, v2  }
0x11c: {  	v27 =	vor.u32 $0x11, v2;
	[tilespmem:v23+s16+$0x0] =	vst.idx.msk vm0, v1  }
0x11d: {  	v28 =	vor.u32 $0x12, v2;
	[tilespmem:v24+s16+$0x0] =	vst.idx.msk vm0, v1  }
0x11e: {  	v29 =	vor.u32 $0x13, v2;
	[tilespmem:v25+s16+$0x0] =	vst.idx.msk vm0, v1  }
0x11f: {  	v30 =	vor.u32 $0x14, v2;
	[tilespmem:v26+s16+$0x0] =	vst.idx.msk vm0, v1  }
0x120: {  	[tilespmem:v3+s16+$0x0] =	vst.idx.msk vm0, v1;
	v3 =	vor.u32 $0x15, v2  }
0x121: {  	v31 =	vor.u32 $0x16, v2;
	[tilespmem:v27+s16+$0x0] =	vst.idx.msk vm0, v1  }
0x122: {  	v32 =	vor.u32 $0x17, v2;
	[tilespmem:v28+s16+$0x0] =	vst.idx.msk vm0, v1  }
0x123: {  	v33 =	vor.u32 $0x18, v2;
	[tilespmem:v29+s16+$0x0] =	vst.idx.msk vm0, v1  }
0x124: {  	v34 =	vor.u32 $0x19, v2;
	[tilespmem:v30+s16+$0x0] =	vst.idx.msk vm0, v1  }
0x125: {  	[tilespmem:v3+s16+$0x0] =	vst.idx.msk vm0, v1;
	v3 =	vor.u32 $0x1A, v2  }
0x126: {  	v35 =	vor.u32 $0x1B, v2;
	[tilespmem:v31+s16+$0x0] =	vst.idx.msk vm0, v1  }
0x127: {  	v36 =	vor.u32 $0x1C, v2;
	[tilespmem:v32+s16+$0x0] =	vst.idx.msk vm0, v1  }
0x128: {  	v37 =	vor.u32 $0x1D, v2;
	[tilespmem:v33+s16+$0x0] =	vst.idx.msk vm0, v1  }
0x129: {  	v38 =	vor.u32 $0x1E, v2;
	[tilespmem:v34+s16+$0x0] =	vst.idx.msk vm0, v1  }
0x12a: {  	[tilespmem:v3+s16+$0x0] =	vst.idx.msk vm0, v1;
	v3 =	vor.u32 $0x1F, v2  }
0x12b: {  	v39 =	vor.u32 $0x20, v2;
	[tilespmem:v35+s16+$0x0] =	vst.idx.msk vm0, v1  }
0x12c: {  	v40 =	vor.u32 $0x21, v2;
	[tilespmem:v36+s16+$0x0] =	vst.idx.msk vm0, v1  }
0x12d: {  	v41 =	vor.u32 $0x22, v2;
	[tilespmem:v37+s16+$0x0] =	vst.idx.msk vm0, v1  }
0x12e: {  	v42 =	vor.u32 $0x23, v2;
	[tilespmem:v38+s16+$0x0] =	vst.idx.msk vm0, v1  }
0x12f: {  	[tilespmem:v3+s16+$0x0] =	vst.idx.msk vm0, v1;
	v3 =	vor.u32 $0x24, v2  }
0x130: {  	v43 =	vor.u32 $0x25, v2;
	[tilespmem:v39+s16+$0x0] =	vst.idx.msk vm0, v1  }
0x131: {  	v44 =	vor.u32 $0x26, v2;
	[tilespmem:v40+s16+$0x0] =	vst.idx.msk vm0, v1  }
0x132: {  	v45 =	vor.u32 $0x27, v2;
	[tilespmem:v41+s16+$0x0] =	vst.idx.msk vm0, v1  }
0x133: {  	v46 =	vor.u32 $0x28, v2;
	[tilespmem:v42+s16+$0x0] =	vst.idx.msk vm0, v1  }
0x134: {  	[tilespmem:v3+s16+$0x0] =	vst.idx.msk vm0, v1;
	v3 =	vor.u32 $0x29, v2  }
0x135: {  	v47 =	vor.u32 $0x2A, v2;
	[tilespmem:v43+s16+$0x0] =	vst.idx.msk vm0, v1  }
0x136: {  	v48 =	vor.u32 $0x2B, v2;
	[tilespmem:v44+s16+$0x0] =	vst.idx.msk vm0, v1  }
0x137: {  	v49 =	vor.u32 $0x2C, v2;
	[tilespmem:v45+s16+$0x0] =	vst.idx.msk vm0, v1  }
0x138: {  	v50 =	vor.u32 $0x2D, v2;
	[tilespmem:v46+s16+$0x0] =	vst.idx.msk vm0, v1  }
0x139: {  	[tilespmem:v3+s16+$0x0] =	vst.idx.msk vm0, v1;
	v3 =	vor.u32 $0x2E, v2  }
0x13a: {  	v51 =	vor.u32 $0x2F, v2;
	[tilespmem:v47+s16+$0x0] =	vst.idx.msk vm0, v1  }
0x13b: {  	v52 =	vor.u32 $0x30, v2;
	[tilespmem:v48+s16+$0x0] =	vst.idx.msk vm0, v1  }
0x13c: {  	v53 =	vor.u32 $0x31, v2;
	[tilespmem:v49+s16+$0x0] =	vst.idx.msk vm0, v1  }
0x13d: {  	v54 =	vor.u32 $0x32, v2;
	[tilespmem:v50+s16+$0x0] =	vst.idx.msk vm0, v1  }
0x13e: {  	[tilespmem:v3+s16+$0x0] =	vst.idx.msk vm0, v1;
	v3 =	vor.u32 $0x33, v2  }
0x13f: {  	v55 =	vor.u32 $0x34, v2;
	[tilespmem:v51+s16+$0x0] =	vst.idx.msk vm0, v1  }
0x140: {  	v56 =	vor.u32 $0x35, v2;
	[tilespmem:v52+s16+$0x0] =	vst.idx.msk vm0, v1  }
0x141: {  	v57 =	vor.u32 $0x36, v2;
	[tilespmem:v53+s16+$0x0] =	vst.idx.msk vm0, v1  }
0x142: {  	v58 =	vor.u32 $0x37, v2;
	[tilespmem:v54+s16+$0x0] =	vst.idx.msk vm0, v1  }
0x143: {  	[tilespmem:v3+s16+$0x0] =	vst.idx.msk vm0, v1;
	v3 =	vor.u32 $0x38, v2  }
0x144: {  	v59 =	vor.u32 $0x39, v2;
	[tilespmem:v55+s16+$0x0] =	vst.idx.msk vm0, v1  }
0x145: {  	v60 =	vor.u32 $0x3A, v2;
	[tilespmem:v56+s16+$0x0] =	vst.idx.msk vm0, v1  }
0x146: {  	v61 =	vor.u32 $0x3B, v2;
	[tilespmem:v57+s16+$0x0] =	vst.idx.msk vm0, v1  }
0x147: {  	v62 =	vor.u32 $0x3C, v2;
	[tilespmem:v58+s16+$0x0] =	vst.idx.msk vm0, v1  }
0x148: {  	[tilespmem:v3+s16+$0x0] =	vst.idx.msk vm0, v1;
	v3 =	vor.u32 $0x3D, v2  }
0x149: {  	v63 =	vor.u32 $0x3E, v2;
	[tilespmem:v59+s16+$0x0] =	vst.idx.msk vm0, v1  }
0x14a: {  	v2 =	vor.u32 $0x3F, v2;
	[tilespmem:v60+s16+$0x0] =	vst.idx.msk vm0, v1  }
.Ltmp7:
0x14b: {  	[tilespmem:v61+s16+$0x0] =	vst.idx.msk vm0, v1;
	(pc) =	sbr.rel .LBB2_5-.Ltmp7, $4  }
0x14c: {  	[tilespmem:v62+s16+$0x0] =	vst.idx.msk vm0, v1  }
0x14d: {  	[tilespmem:v3+s16+$0x0] =	vst.idx.msk vm0, v1  }
0x14e: {  	[tilespmem:v63+s16+$0x0] =	vst.idx.msk vm0, v1  }
0x14f: {  	[tilespmem:v2+s16+$0x0] =	vst.idx.msk vm0, v1  }
.LBB2_6:
0x150: {  	p1 =	seq.s32 s21, $0x63  }
0x151: {  	s20 =	sadd.s32 @!p1 $0x100, s22;
	s24 =	simm.s32 @!p1 $0x80;
	s25 =	simm.s32 @!p1 $0x6400  }
0x152: {  	[tilespmem:s25], [sflag:$0x1] =	stream.indirect.gather @!p1 [hbm4b:s4+s24], $0x40, s20, s24, $0xb8;
	[tilespmem:$0xE400] =	vst v63  }
0x153: {  	s25 =	sshll.u32 s21, $0x13  }
0x154: {  	s20 =	sor.u32 s6, s25  }
0x155: {  	s20 =	sshrl.u32 s20, $0x3  }
0x156: {  	s30 =	simm.s32 $0xA400;
	s26 =	sadd.s32 s2, s20  }
0x157: {  	[hbm4b:s26+s3] =	stream.linear.scatter [tilespmem:s30], [sflag:$0x3], $0x400, $0x38;
	[tilespmem:$0xE400] =	vst v63  }
0x158: {  	s26 =	sadd.s32 s20, s7;
	s30 =	simm.s32 $0xA800  }
0x159: {  	[hbm4b:s26+s3] =	stream.linear.scatter [tilespmem:s30], [sflag:$0x3], $0x400, $0x38;
	[tilespmem:$0xE400] =	vst v63  }
0x15a: {  	s26 =	sadd.s32 s20, s8;
	s30 =	simm.s32 $0xAC00  }
0x15b: {  	[hbm4b:s26+s3] =	stream.linear.scatter [tilespmem:s30], [sflag:$0x3], $0x400, $0x38;
	[tilespmem:$0xE400] =	vst v63  }
0x15c: {  	s26 =	sadd.s32 s20, s9;
	s30 =	simm.s32 $0xB000  }
0x15d: {  	[hbm4b:s26+s3] =	stream.linear.scatter [tilespmem:s30], [sflag:$0x3], $0x400, $0x38;
	[tilespmem:$0xE400] =	vst v63  }
0x15e: {  	s26 =	sadd.s32 s20, s10;
	s30 =	simm.s32 $0xB400  }
0x15f: {  	[hbm4b:s26+s3] =	stream.linear.scatter [tilespmem:s30], [sflag:$0x3], $0x400, $0x38;
	[tilespmem:$0xE400] =	vst v63  }
0x160: {  	s26 =	sadd.s32 s20, s11;
	s30 =	simm.s32 $0xB800  }
0x161: {  	[hbm4b:s26+s3] =	stream.linear.scatter [tilespmem:s30], [sflag:$0x3], $0x400, $0x38;
	[tilespmem:$0xE400] =	vst v63  }
0x162: {  	s25 =	sadd.s32 s20, s12;
	s26 =	simm.s32 $0xBC00  }
0x163: {  	[hbm4b:s25+s3] =	stream.linear.scatter [tilespmem:s26], [sflag:$0x3], $0x400, $0x38;
	[tilespmem:$0xE400] =	vst v63  }
0x164: {  	s20 =	sadd.s32 s20, s13;
	s30 =	simm.s32 $0xC000  }
0x165: {  	[hbm4b:s20+s3] =	stream.linear.scatter [tilespmem:s30], [sflag:$0x3], $0x400, $0x38;
	[tilespmem:$0xE400] =	vst v63  }
0x166: {  	_ =	swait.ge [sflag:s28], $0x2000  }
0x167: {  	[sflag:s28] =	ssyncset.done $0x0  }
0x168: {  	s20 =	simm.s32 @!p0 $0x4;
	[sflag:s28] =	ssyncadd.s32 $0xFFFFE000  }
0x169: {  	_ =	swait.ge @!p0 [sflag:s20], $0x400  }
0x16a: {  	[sflag:s20] =	ssyncset.done @!p0 $0x0  }
0x16b: {  	[sflag:s20] =	ssyncadd.s32 @!p0 $0xFFFFFC00  }
0x16c: {  	_ =	swait.ge @!p0 [sflag:s20], $0x400  }
0x16d: {  	[sflag:s20] =	ssyncset.done @!p0 $0x0  }
0x16e: {  	[sflag:s20] =	ssyncadd.s32 @!p0 $0xFFFFFC00  }
0x16f: {  	_ =	swait.ge @!p0 [sflag:s20], $0x400  }
0x170: {  	[sflag:s20] =	ssyncset.done @!p0 $0x0  }
0x171: {  	[sflag:s20] =	ssyncadd.s32 @!p0 $0xFFFFFC00  }
0x172: {  	_ =	swait.ge @!p0 [sflag:s20], $0x400  }
0x173: {  	[sflag:s20] =	ssyncset.done @!p0 $0x0  }
0x174: {  	[sflag:s20] =	ssyncadd.s32 @!p0 $0xFFFFFC00  }
0x175: {  	_ =	swait.ge @!p0 [sflag:s20], $0x400  }
0x176: {  	[sflag:s20] =	ssyncset.done @!p0 $0x0  }
0x177: {  	[sflag:s20] =	ssyncadd.s32 @!p0 $0xFFFFFC00  }
0x178: {  	_ =	swait.ge @!p0 [sflag:s20], $0x400  }
0x179: {  	[sflag:s20] =	ssyncset.done @!p0 $0x0  }
0x17a: {  	[sflag:s20] =	ssyncadd.s32 @!p0 $0xFFFFFC00  }
0x17b: {  	_ =	swait.ge @!p0 [sflag:s20], $0x400  }
.Ltmp8:
0x17c: {  	[sflag:s20] =	ssyncset.done @!p0 $0x0;
	(pc) =	sbr.rel .LBB2_7-.Ltmp8, $4  }
0x17d: {  	[sflag:s20] =	ssyncadd.s32 @!p0 $0xFFFFFC00  }
0x17e: {  	s23 =	sor.u32 $0x1, s23;
	_ =	swait.ge @!p0 [sflag:s20], $0x400  }
0x17f: {  	s24 =	simm.s32 $0x0;
	s25 =	simm.s32 $0x87F0;
	[sflag:s20] =	ssyncset.done @!p0 $0x0  }
0x180: {  	s26 =	simm.s32 $0xC7F0;
	[sflag:s20] =	ssyncadd.s32 @!p0 $0xFFFFFC00;
	s20 =	smov.u32 s19  }
.LBB2_9:
0x181: {  	v2 =	vld [tilespmem:s25+$0xFFFFFC10];
	_ =	sdelay $0x4  }
0x182: {  	[tilespmem:s26+$0xFFFFFC10] =	vst v2  }
0x183: {  	v2 =	vld [tilespmem:s25+$0xFFFFFC20];
	_ =	sdelay $0x4  }
0x184: {  	[tilespmem:s26+$0xFFFFFC20] =	vst v2  }
0x185: {  	v2 =	vld [tilespmem:s25+$0xFFFFFC30];
	_ =	sdelay $0x4  }
0x186: {  	[tilespmem:s26+$0xFFFFFC30] =	vst v2  }
0x187: {  	v2 =	vld [tilespmem:s25+$0xFFFFFC40];
	_ =	sdelay $0x4  }
0x188: {  	[tilespmem:s26+$0xFFFFFC40] =	vst v2  }
0x189: {  	v2 =	vld [tilespmem:s25+$0xFFFFFC50];
	_ =	sdelay $0x4  }
0x18a: {  	[tilespmem:s26+$0xFFFFFC50] =	vst v2  }
0x18b: {  	v2 =	vld [tilespmem:s25+$0xFFFFFC60];
	_ =	sdelay $0x4  }
0x18c: {  	[tilespmem:s26+$0xFFFFFC60] =	vst v2  }
0x18d: {  	v2 =	vld [tilespmem:s25+$0xFFFFFC70];
	_ =	sdelay $0x4  }
0x18e: {  	[tilespmem:s26+$0xFFFFFC70] =	vst v2  }
0x18f: {  	v2 =	vld [tilespmem:s25+$0xFFFFFC80];
	_ =	sdelay $0x4  }
0x190: {  	[tilespmem:s26+$0xFFFFFC80] =	vst v2  }
0x191: {  	v2 =	vld [tilespmem:s25+$0xFFFFFC90];
	_ =	sdelay $0x4  }
0x192: {  	[tilespmem:s26+$0xFFFFFC90] =	vst v2  }
0x193: {  	v2 =	vld [tilespmem:s25+$0xFFFFFCA0];
	_ =	sdelay $0x4  }
0x194: {  	[tilespmem:s26+$0xFFFFFCA0] =	vst v2  }
0x195: {  	v2 =	vld [tilespmem:s25+$0xFFFFFCB0];
	_ =	sdelay $0x4  }
0x196: {  	[tilespmem:s26+$0xFFFFFCB0] =	vst v2  }
0x197: {  	v2 =	vld [tilespmem:s25+$0xFFFFFCC0];
	_ =	sdelay $0x4  }
0x198: {  	[tilespmem:s26+$0xFFFFFCC0] =	vst v2  }
0x199: {  	v2 =	vld [tilespmem:s25+$0xFFFFFCD0];
	_ =	sdelay $0x4  }
0x19a: {  	[tilespmem:s26+$0xFFFFFCD0] =	vst v2  }
0x19b: {  	v2 =	vld [tilespmem:s25+$0xFFFFFCE0];
	_ =	sdelay $0x4  }
0x19c: {  	[tilespmem:s26+$0xFFFFFCE0] =	vst v2  }
0x19d: {  	v2 =	vld [tilespmem:s25+$0xFFFFFCF0];
	_ =	sdelay $0x4  }
0x19e: {  	[tilespmem:s26+$0xFFFFFCF0] =	vst v2  }
0x19f: {  	v2 =	vld [tilespmem:s25+$0xFFFFFD00];
	_ =	sdelay $0x4  }
0x1a0: {  	[tilespmem:s26+$0xFFFFFD00] =	vst v2  }
0x1a1: {  	v2 =	vld [tilespmem:s25+$0xFFFFFD10];
	_ =	sdelay $0x4  }
0x1a2: {  	[tilespmem:s26+$0xFFFFFD10] =	vst v2  }
0x1a3: {  	v2 =	vld [tilespmem:s25+$0xFFFFFD20];
	_ =	sdelay $0x4  }
0x1a4: {  	[tilespmem:s26+$0xFFFFFD20] =	vst v2  }
0x1a5: {  	v2 =	vld [tilespmem:s25+$0xFFFFFD30];
	_ =	sdelay $0x4  }
0x1a6: {  	[tilespmem:s26+$0xFFFFFD30] =	vst v2  }
0x1a7: {  	v2 =	vld [tilespmem:s25+$0xFFFFFD40];
	_ =	sdelay $0x4  }
0x1a8: {  	[tilespmem:s26+$0xFFFFFD40] =	vst v2  }
0x1a9: {  	v2 =	vld [tilespmem:s25+$0xFFFFFD50];
	_ =	sdelay $0x4  }
0x1aa: {  	[tilespmem:s26+$0xFFFFFD50] =	vst v2  }
0x1ab: {  	v2 =	vld [tilespmem:s25+$0xFFFFFD60];
	_ =	sdelay $0x4  }
0x1ac: {  	[tilespmem:s26+$0xFFFFFD60] =	vst v2  }
0x1ad: {  	v2 =	vld [tilespmem:s25+$0xFFFFFD70];
	_ =	sdelay $0x4  }
0x1ae: {  	[tilespmem:s26+$0xFFFFFD70] =	vst v2  }
0x1af: {  	v2 =	vld [tilespmem:s25+$0xFFFFFD80];
	_ =	sdelay $0x4  }
0x1b0: {  	[tilespmem:s26+$0xFFFFFD80] =	vst v2  }
0x1b1: {  	v2 =	vld [tilespmem:s25+$0xFFFFFD90];
	_ =	sdelay $0x4  }
0x1b2: {  	[tilespmem:s26+$0xFFFFFD90] =	vst v2  }
0x1b3: {  	v2 =	vld [tilespmem:s25+$0xFFFFFDA0];
	_ =	sdelay $0x4  }
0x1b4: {  	[tilespmem:s26+$0xFFFFFDA0] =	vst v2  }
0x1b5: {  	v2 =	vld [tilespmem:s25+$0xFFFFFDB0];
	_ =	sdelay $0x4  }
0x1b6: {  	[tilespmem:s26+$0xFFFFFDB0] =	vst v2  }
0x1b7: {  	v2 =	vld [tilespmem:s25+$0xFFFFFDC0];
	_ =	sdelay $0x4  }
0x1b8: {  	[tilespmem:s26+$0xFFFFFDC0] =	vst v2  }
0x1b9: {  	v2 =	vld [tilespmem:s25+$0xFFFFFDD0];
	_ =	sdelay $0x4  }
0x1ba: {  	[tilespmem:s26+$0xFFFFFDD0] =	vst v2  }
0x1bb: {  	v2 =	vld [tilespmem:s25+$0xFFFFFDE0];
	_ =	sdelay $0x4  }
0x1bc: {  	[tilespmem:s26+$0xFFFFFDE0] =	vst v2  }
0x1bd: {  	v2 =	vld [tilespmem:s25+$0xFFFFFDF0];
	_ =	sdelay $0x4  }
0x1be: {  	[tilespmem:s26+$0xFFFFFDF0] =	vst v2  }
0x1bf: {  	v2 =	vld [tilespmem:s25+$0xFFFFFE00];
	_ =	sdelay $0x4  }
0x1c0: {  	[tilespmem:s26+$0xFFFFFE00] =	vst v2  }
0x1c1: {  	v2 =	vld [tilespmem:s25+$0xFFFFFE10];
	_ =	sdelay $0x4  }
0x1c2: {  	[tilespmem:s26+$0xFFFFFE10] =	vst v2  }
0x1c3: {  	v2 =	vld [tilespmem:s25+$0xFFFFFE20];
	_ =	sdelay $0x4  }
0x1c4: {  	[tilespmem:s26+$0xFFFFFE20] =	vst v2  }
0x1c5: {  	v2 =	vld [tilespmem:s25+$0xFFFFFE30];
	_ =	sdelay $0x4  }
0x1c6: {  	[tilespmem:s26+$0xFFFFFE30] =	vst v2  }
0x1c7: {  	v2 =	vld [tilespmem:s25+$0xFFFFFE40];
	_ =	sdelay $0x4  }
0x1c8: {  	[tilespmem:s26+$0xFFFFFE40] =	vst v2  }
0x1c9: {  	v2 =	vld [tilespmem:s25+$0xFFFFFE50];
	_ =	sdelay $0x4  }
0x1ca: {  	[tilespmem:s26+$0xFFFFFE50] =	vst v2  }
0x1cb: {  	v2 =	vld [tilespmem:s25+$0xFFFFFE60];
	_ =	sdelay $0x4  }
0x1cc: {  	[tilespmem:s26+$0xFFFFFE60] =	vst v2  }
0x1cd: {  	v2 =	vld [tilespmem:s25+$0xFFFFFE70];
	_ =	sdelay $0x4  }
0x1ce: {  	[tilespmem:s26+$0xFFFFFE70] =	vst v2  }
0x1cf: {  	v2 =	vld [tilespmem:s25+$0xFFFFFE80];
	_ =	sdelay $0x4  }
0x1d0: {  	[tilespmem:s26+$0xFFFFFE80] =	vst v2  }
0x1d1: {  	v2 =	vld [tilespmem:s25+$0xFFFFFE90];
	_ =	sdelay $0x4  }
0x1d2: {  	[tilespmem:s26+$0xFFFFFE90] =	vst v2  }
0x1d3: {  	v2 =	vld [tilespmem:s25+$0xFFFFFEA0];
	_ =	sdelay $0x4  }
0x1d4: {  	[tilespmem:s26+$0xFFFFFEA0] =	vst v2  }
0x1d5: {  	v2 =	vld [tilespmem:s25+$0xFFFFFEB0];
	_ =	sdelay $0x4  }
0x1d6: {  	[tilespmem:s26+$0xFFFFFEB0] =	vst v2  }
0x1d7: {  	v2 =	vld [tilespmem:s25+$0xFFFFFEC0];
	_ =	sdelay $0x4  }
0x1d8: {  	[tilespmem:s26+$0xFFFFFEC0] =	vst v2  }
0x1d9: {  	v2 =	vld [tilespmem:s25+$0xFFFFFED0];
	_ =	sdelay $0x4  }
0x1da: {  	[tilespmem:s26+$0xFFFFFED0] =	vst v2  }
0x1db: {  	v2 =	vld [tilespmem:s25+$0xFFFFFEE0];
	_ =	sdelay $0x4  }
0x1dc: {  	[tilespmem:s26+$0xFFFFFEE0] =	vst v2  }
0x1dd: {  	v2 =	vld [tilespmem:s25+$0xFFFFFEF0];
	_ =	sdelay $0x4  }
0x1de: {  	[tilespmem:s26+$0xFFFFFEF0] =	vst v2  }
0x1df: {  	v2 =	vld [tilespmem:s25+$0xFFFFFF00];
	_ =	sdelay $0x4  }
0x1e0: {  	[tilespmem:s26+$0xFFFFFF00] =	vst v2  }
0x1e1: {  	v2 =	vld [tilespmem:s25+$0xFFFFFF10];
	_ =	sdelay $0x4  }
0x1e2: {  	[tilespmem:s26+$0xFFFFFF10] =	vst v2  }
0x1e3: {  	v2 =	vld [tilespmem:s25+$0xFFFFFF20];
	_ =	sdelay $0x4  }
0x1e4: {  	[tilespmem:s26+$0xFFFFFF20] =	vst v2  }
0x1e5: {  	v2 =	vld [tilespmem:s25+$0xFFFFFF30];
	_ =	sdelay $0x4  }
0x1e6: {  	[tilespmem:s26+$0xFFFFFF30] =	vst v2  }
0x1e7: {  	v2 =	vld [tilespmem:s25+$0xFFFFFF40];
	_ =	sdelay $0x4  }
0x1e8: {  	[tilespmem:s26+$0xFFFFFF40] =	vst v2  }
0x1e9: {  	v2 =	vld [tilespmem:s25+$0xFFFFFF50];
	_ =	sdelay $0x4  }
0x1ea: {  	[tilespmem:s26+$0xFFFFFF50] =	vst v2  }
0x1eb: {  	v2 =	vld [tilespmem:s25+$0xFFFFFF60];
	_ =	sdelay $0x4  }
0x1ec: {  	[tilespmem:s26+$0xFFFFFF60] =	vst v2  }
0x1ed: {  	v2 =	vld [tilespmem:s25+$0xFFFFFF70];
	_ =	sdelay $0x4  }
0x1ee: {  	[tilespmem:s26+$0xFFFFFF70] =	vst v2  }
0x1ef: {  	v2 =	vld [tilespmem:s25+$0xFFFFFF80];
	_ =	sdelay $0x4  }
0x1f0: {  	[tilespmem:s26+$0xFFFFFF80] =	vst v2  }
0x1f1: {  	v2 =	vld [tilespmem:s25+$0xFFFFFF90];
	_ =	sdelay $0x4  }
0x1f2: {  	[tilespmem:s26+$0xFFFFFF90] =	vst v2  }
0x1f3: {  	v2 =	vld [tilespmem:s25+$0xFFFFFFA0];
	_ =	sdelay $0x4  }
0x1f4: {  	[tilespmem:s26+$0xFFFFFFA0] =	vst v2  }
0x1f5: {  	v2 =	vld [tilespmem:s25+$0xFFFFFFB0];
	_ =	sdelay $0x4  }
0x1f6: {  	[tilespmem:s26+$0xFFFFFFB0] =	vst v2  }
0x1f7: {  	v2 =	vld [tilespmem:s25+$0xFFFFFFC0];
	_ =	sdelay $0x4  }
0x1f8: {  	[tilespmem:s26+$0xFFFFFFC0] =	vst v2  }
0x1f9: {  	v2 =	vld [tilespmem:s25+$0xFFFFFFD0];
	_ =	sdelay $0x4  }
0x1fa: {  	[tilespmem:s26+$0xFFFFFFD0] =	vst v2  }
0x1fb: {  	v2 =	vld [tilespmem:s25+$0xFFFFFFE0];
	_ =	sdelay $0x4  }
0x1fc: {  	[tilespmem:s26+$0xFFFFFFE0] =	vst v2  }
0x1fd: {  	v2 =	vld [tilespmem:s25+$0xFFFFFFF0];
	_ =	sdelay $0x4  }
0x1fe: {  	s24 =	sadd.s32 $0x10, s24;
	[tilespmem:s26+$0xFFFFFFF0] =	vst v2  }
0x1ff: {  	p0 =	sne.s32 s24, $0x80;
	v2 =	vld [tilespmem:s25+$0x0]  }
.Ltmp9:
0x200: {  	_ = 	snop;
	(pc) =	sbr.rel @!p0 .LBB2_10-.Ltmp9, $2  }
0x201: {  	_ =	sdelay $0x2  }
0x202: {  	s20 =	sadd.s32 $0x10, s20;
	s25 =	sadd.s32 $0x400, s25;
	[tilespmem:s26+$0x0] =	vst v2;
	s26 =	sadd.s32 $0x400, s26  }
.LBB2_7:
0x203: {  	v2 =	vld [tilespmem:s20+$0x0];
	_ =	sdelay $0x4  }
0x204: {  	vm0 =	veq.s32 v2, $0x0  }
0x205: {  	v2 =	vmpcnt.ones.xlane vm0;
	_ =	sdelay $0x1  }
0x206: {  	(v2sf) =	vpush v2, $0x0;
	_ =	sdelay $0xe  }
0x207: {  	s30 =	spop (v2sf)  }
0x208: {  	p0 =	slt.s32 s30, $0x1  }
.Ltmp10:
0x209: {  	_ = 	snop;
	(pc) =	sbr.rel @p0 .LBB2_9-.Ltmp10, $1  }
0x20a: {  	_ =	sdelay $0x3  }
0x20b: {  	v2 =	vmov s24  }
0x20c: {  	v2 =	vshll.u32 v2, $0x6  }
0x20d: {  	v2 =	vor.u32 v0, v2  }
0x20e: {  	v3 =	vor.u32 $0x1, v2  }
0x20f: {  	v4 =	vor.u32 $0x2, v2  }
0x210: {  	v5 =	vor.u32 $0x3, v2  }
0x211: {  	v6 =	vor.u32 $0x4, v2  }
0x212: {  	v7 =	vor.u32 $0x5, v2;
	[tilespmem:v2+s17+$0x0] =	vst.idx.msk vm0, v1  }
0x213: {  	[tilespmem:v3+s17+$0x0] =	vst.idx.msk vm0, v1;
	v3 =	vor.u32 $0x6, v2  }
0x214: {  	v19 =	vor.u32 $0x7, v2;
	[tilespmem:v4+s17+$0x0] =	vst.idx.msk vm0, v1  }
0x215: {  	v20 =	vor.u32 $0x8, v2;
	[tilespmem:v5+s17+$0x0] =	vst.idx.msk vm0, v1  }
0x216: {  	v21 =	vor.u32 $0x9, v2;
	[tilespmem:v6+s17+$0x0] =	vst.idx.msk vm0, v1  }
0x217: {  	v22 =	vor.u32 $0xA, v2;
	[tilespmem:v7+s17+$0x0] =	vst.idx.msk vm0, v1  }
0x218: {  	[tilespmem:v3+s17+$0x0] =	vst.idx.msk vm0, v1;
	v3 =	vor.u32 $0xB, v2  }
0x219: {  	v23 =	vor.u32 $0xC, v2;
	[tilespmem:v19+s17+$0x0] =	vst.idx.msk vm0, v1  }
0x21a: {  	v24 =	vor.u32 $0xD, v2;
	[tilespmem:v20+s17+$0x0] =	vst.idx.msk vm0, v1  }
0x21b: {  	v25 =	vor.u32 $0xE, v2;
	[tilespmem:v21+s17+$0x0] =	vst.idx.msk vm0, v1  }
0x21c: {  	v26 =	vor.u32 $0xF, v2;
	[tilespmem:v22+s17+$0x0] =	vst.idx.msk vm0, v1  }
0x21d: {  	[tilespmem:v3+s17+$0x0] =	vst.idx.msk vm0, v1;
	v3 =	vor.u32 $0x10, v2  }
0x21e: {  	v27 =	vor.u32 $0x11, v2;
	[tilespmem:v23+s17+$0x0] =	vst.idx.msk vm0, v1  }
0x21f: {  	v28 =	vor.u32 $0x12, v2;
	[tilespmem:v24+s17+$0x0] =	vst.idx.msk vm0, v1  }
0x220: {  	v29 =	vor.u32 $0x13, v2;
	[tilespmem:v25+s17+$0x0] =	vst.idx.msk vm0, v1  }
0x221: {  	v30 =	vor.u32 $0x14, v2;
	[tilespmem:v26+s17+$0x0] =	vst.idx.msk vm0, v1  }
0x222: {  	[tilespmem:v3+s17+$0x0] =	vst.idx.msk vm0, v1;
	v3 =	vor.u32 $0x15, v2  }
0x223: {  	v31 =	vor.u32 $0x16, v2;
	[tilespmem:v27+s17+$0x0] =	vst.idx.msk vm0, v1  }
0x224: {  	v32 =	vor.u32 $0x17, v2;
	[tilespmem:v28+s17+$0x0] =	vst.idx.msk vm0, v1  }
0x225: {  	v33 =	vor.u32 $0x18, v2;
	[tilespmem:v29+s17+$0x0] =	vst.idx.msk vm0, v1  }
0x226: {  	v34 =	vor.u32 $0x19, v2;
	[tilespmem:v30+s17+$0x0] =	vst.idx.msk vm0, v1  }
0x227: {  	[tilespmem:v3+s17+$0x0] =	vst.idx.msk vm0, v1;
	v3 =	vor.u32 $0x1A, v2  }
0x228: {  	v35 =	vor.u32 $0x1B, v2;
	[tilespmem:v31+s17+$0x0] =	vst.idx.msk vm0, v1  }
0x229: {  	v36 =	vor.u32 $0x1C, v2;
	[tilespmem:v32+s17+$0x0] =	vst.idx.msk vm0, v1  }
0x22a: {  	v37 =	vor.u32 $0x1D, v2;
	[tilespmem:v33+s17+$0x0] =	vst.idx.msk vm0, v1  }
0x22b: {  	v38 =	vor.u32 $0x1E, v2;
	[tilespmem:v34+s17+$0x0] =	vst.idx.msk vm0, v1  }
0x22c: {  	[tilespmem:v3+s17+$0x0] =	vst.idx.msk vm0, v1;
	v3 =	vor.u32 $0x1F, v2  }
0x22d: {  	v39 =	vor.u32 $0x20, v2;
	[tilespmem:v35+s17+$0x0] =	vst.idx.msk vm0, v1  }
0x22e: {  	v40 =	vor.u32 $0x21, v2;
	[tilespmem:v36+s17+$0x0] =	vst.idx.msk vm0, v1  }
0x22f: {  	v41 =	vor.u32 $0x22, v2;
	[tilespmem:v37+s17+$0x0] =	vst.idx.msk vm0, v1  }
0x230: {  	v42 =	vor.u32 $0x23, v2;
	[tilespmem:v38+s17+$0x0] =	vst.idx.msk vm0, v1  }
0x231: {  	[tilespmem:v3+s17+$0x0] =	vst.idx.msk vm0, v1;
	v3 =	vor.u32 $0x24, v2  }
0x232: {  	v43 =	vor.u32 $0x25, v2;
	[tilespmem:v39+s17+$0x0] =	vst.idx.msk vm0, v1  }
0x233: {  	v44 =	vor.u32 $0x26, v2;
	[tilespmem:v40+s17+$0x0] =	vst.idx.msk vm0, v1  }
0x234: {  	v45 =	vor.u32 $0x27, v2;
	[tilespmem:v41+s17+$0x0] =	vst.idx.msk vm0, v1  }
0x235: {  	v46 =	vor.u32 $0x28, v2;
	[tilespmem:v42+s17+$0x0] =	vst.idx.msk vm0, v1  }
0x236: {  	[tilespmem:v3+s17+$0x0] =	vst.idx.msk vm0, v1;
	v3 =	vor.u32 $0x29, v2  }
0x237: {  	v47 =	vor.u32 $0x2A, v2;
	[tilespmem:v43+s17+$0x0] =	vst.idx.msk vm0, v1  }
0x238: {  	v48 =	vor.u32 $0x2B, v2;
	[tilespmem:v44+s17+$0x0] =	vst.idx.msk vm0, v1  }
0x239: {  	v49 =	vor.u32 $0x2C, v2;
	[tilespmem:v45+s17+$0x0] =	vst.idx.msk vm0, v1  }
0x23a: {  	v50 =	vor.u32 $0x2D, v2;
	[tilespmem:v46+s17+$0x0] =	vst.idx.msk vm0, v1  }
0x23b: {  	[tilespmem:v3+s17+$0x0] =	vst.idx.msk vm0, v1;
	v3 =	vor.u32 $0x2E, v2  }
0x23c: {  	v51 =	vor.u32 $0x2F, v2;
	[tilespmem:v47+s17+$0x0] =	vst.idx.msk vm0, v1  }
0x23d: {  	v52 =	vor.u32 $0x30, v2;
	[tilespmem:v48+s17+$0x0] =	vst.idx.msk vm0, v1  }
0x23e: {  	v53 =	vor.u32 $0x31, v2;
	[tilespmem:v49+s17+$0x0] =	vst.idx.msk vm0, v1  }
0x23f: {  	v54 =	vor.u32 $0x32, v2;
	[tilespmem:v50+s17+$0x0] =	vst.idx.msk vm0, v1  }
0x240: {  	[tilespmem:v3+s17+$0x0] =	vst.idx.msk vm0, v1;
	v3 =	vor.u32 $0x33, v2  }
0x241: {  	v55 =	vor.u32 $0x34, v2;
	[tilespmem:v51+s17+$0x0] =	vst.idx.msk vm0, v1  }
0x242: {  	v56 =	vor.u32 $0x35, v2;
	[tilespmem:v52+s17+$0x0] =	vst.idx.msk vm0, v1  }
0x243: {  	v57 =	vor.u32 $0x36, v2;
	[tilespmem:v53+s17+$0x0] =	vst.idx.msk vm0, v1  }
0x244: {  	v58 =	vor.u32 $0x37, v2;
	[tilespmem:v54+s17+$0x0] =	vst.idx.msk vm0, v1  }
0x245: {  	[tilespmem:v3+s17+$0x0] =	vst.idx.msk vm0, v1;
	v3 =	vor.u32 $0x38, v2  }
0x246: {  	v59 =	vor.u32 $0x39, v2;
	[tilespmem:v55+s17+$0x0] =	vst.idx.msk vm0, v1  }
0x247: {  	v60 =	vor.u32 $0x3A, v2;
	[tilespmem:v56+s17+$0x0] =	vst.idx.msk vm0, v1  }
0x248: {  	v61 =	vor.u32 $0x3B, v2;
	[tilespmem:v57+s17+$0x0] =	vst.idx.msk vm0, v1  }
0x249: {  	v62 =	vor.u32 $0x3C, v2;
	[tilespmem:v58+s17+$0x0] =	vst.idx.msk vm0, v1  }
0x24a: {  	[tilespmem:v3+s17+$0x0] =	vst.idx.msk vm0, v1;
	v3 =	vor.u32 $0x3D, v2  }
0x24b: {  	v63 =	vor.u32 $0x3E, v2;
	[tilespmem:v59+s17+$0x0] =	vst.idx.msk vm0, v1  }
0x24c: {  	v2 =	vor.u32 $0x3F, v2;
	[tilespmem:v60+s17+$0x0] =	vst.idx.msk vm0, v1  }
.Ltmp11:
0x24d: {  	[tilespmem:v61+s17+$0x0] =	vst.idx.msk vm0, v1;
	(pc) =	sbr.rel .LBB2_9-.Ltmp11, $4  }
0x24e: {  	[tilespmem:v62+s17+$0x0] =	vst.idx.msk vm0, v1  }
0x24f: {  	[tilespmem:v3+s17+$0x0] =	vst.idx.msk vm0, v1  }
0x250: {  	[tilespmem:v63+s17+$0x0] =	vst.idx.msk vm0, v1  }
0x251: {  	[tilespmem:v2+s17+$0x0] =	vst.idx.msk vm0, v1  }
.LBB2_12:
0x252: {  	_ =	sfence.sel $0x180000  }
0x253: {  	[bflag:$0x0] =	sbarrier.arrive $0xFFFF  }
0x254: {  	_ =	strace $0x90000047  }
0x255: {  	s0 =	stileid.u32;
	[bflag:$0x2] =	sbarrier.arrive $0xFFFF  }
0x256: {  	p0 =	sne.s32 s0, $0x0;
	s0 =	rddreg [dreg:$0x2]  }
0x257: {  	s0 =	sadd.s32 @!p0 $0x100000, s0  }
0x258: {  	[sflag:s0] =	ssyncadd.tile.s32 @!p0 $0x1;
	_ =	shalt  }
.Lfunc_end2:
_tile_overlayer_lowered:
.L_overlay_start_2:
0x259: {  	(tag) =	ssettag $0x2  }
0x25a: {  	s0 =	rddreg [dreg:$0x0];
	s2 =	stileid.u32  }
0x25b: {  	s1 =	rddreg [dreg:$0x1];
	p0 =	sne.s32 s2, $0x0  }
0x25c: {  	s3 =	rddreg [dreg:$0x2];
	[bflag:$0x3] =	sbarrier.arrive $0xFFFF;
	s2 =	simm.s32 @!p0 $0x1C05  }
0x25d: {  	[timem:s3], [sflag:s2] =	dma.local @!p0 [hbm:s0], s1  }
0x25e: {  	s0 =	simm.s32 @!p0 $0x5  }
0x25f: {  	_ =	swait.ge @!p0 [sflag:s0], s1  }
0x260: {  	s1 =	ssub.s32 @!p0 $0x0, s1;
	[sflag:s0] =	ssyncset.done @!p0 $0x0  }
0x261: {  	[sflag:s0] =	ssyncadd.s32 @!p0 s1  }
0x262: {  	[bflag:$0x3] =	sbarrier.arrive $0xFFFF  }
0x263: {  	_ =	shalt  }

</sc_bundles>
